<compile_context>
chip_gen: v7x
topology: tpu7x:2x2x1
jax: 0.10.2.dev20260603
libtpu: 0.0.44.dev20260713+nightly
codegen_flags: <defaults>
</compile_context>

<pallas_src>
import functools

import jax
import jax.numpy as jnp
from jax import lax
from jax.experimental import pallas as pl
from jax.experimental.pallas import tpu as pltpu
from jax.experimental.pallas import tpu_sc as plsc

NC = 2
NS = 16
L = 16
NW = NC * NS
B = 8960
WINW = 384
WPITCH = 385


def _spmv_grid(n, nnz):
    nslice = n // NS
    j_full = nnz // B
    nvec = B // L
    mesh = plsc.VectorSubcoreMesh(core_axis_name="c", subcore_axis_name="s")

    @functools.partial(
        pl.kernel,
        out_type=jax.ShapeDtypeStruct((NC, n), jnp.float32),
        mesh=mesh,
        compiler_params=pltpu.CompilerParams(needs_layout_passes=False),
        scratch_types=[
            pltpu.VMEM((n,), jnp.float32),
            pltpu.VMEM((B,), jnp.float32),
            pltpu.VMEM((B,), jnp.float32),
            pltpu.VMEM((B,), jnp.int32),
            pltpu.VMEM((B,), jnp.int32),
            pltpu.VMEM((B,), jnp.int32),
            pltpu.VMEM((B,), jnp.int32),
            pltpu.VMEM((L * WPITCH,), jnp.float32),
            pltpu.VMEM((WINW,), jnp.float32),
            pltpu.VMEM((WINW,), jnp.int32),
            pltpu.VMEM((WINW,), jnp.int32),
            pltpu.VMEM_SHARED((n,), jnp.float32),
            pltpu.SemaphoreType.DMA((2,)),
        ],
    )
    def k(vals_hbm, rows_hbm, cols_hbm, x_hbm, tval, trow, tcol, out,
          x_v, vals0, vals1, cols0, cols1, rows0, rows1,
          win, yrow, wiota, widx, y_sh, dsem):
        cid = lax.axis_index("c")
        sid = lax.axis_index("s")
        wid = sid * NC + cid
        vals_v = (vals0, vals1)
        cols_v = (cols0, cols1)
        rows_v = (rows0, rows1)
        zero16 = jnp.zeros((L,), jnp.float32)

        def issue_in(b, r):
            base = (r * NW + wid) * B
            pltpu.async_copy(vals_hbm.at[pl.ds(base, B)], vals_v[b],
                             dsem.at[b])
            pltpu.async_copy(cols_hbm.at[pl.ds(base, B)], cols_v[b],
                             dsem.at[b])
            pltpu.async_copy(rows_hbm.at[pl.ds(base, B)], rows_v[b],
                             dsem.at[b])

        def wait_in(b, r):
            base = (r * NW + wid) * B
            pltpu.make_async_copy(vals_hbm.at[pl.ds(base, B)], vals_v[b],
                                  dsem.at[b]).wait()
            pltpu.make_async_copy(cols_hbm.at[pl.ds(base, B)], cols_v[b],
                                  dsem.at[b]).wait()
            pltpu.make_async_copy(rows_hbm.at[pl.ds(base, B)], rows_v[b],
                                  dsem.at[b]).wait()

        def process(vals_b, cols_b, rows_b):
            lo = jnp.min(rows_b[pl.ds(0, L)])
            hi = jnp.max(rows_b[pl.ds((nvec - 1) * L, L)])
            lane_base = lax.iota(jnp.int32, L) * WPITCH

            @pl.when(hi - lo < WINW)
            def _():
                @plsc.parallel_loop(0, nvec, unroll=4)
                def gm(i):
                    c16 = cols_b[pl.ds(i * L, L)]
                    v16 = vals_b[pl.ds(i * L, L)]
                    r16 = rows_b[pl.ds(i * L, L)]
                    xv = plsc.load_gather(x_v, [c16])
                    plsc.addupdate_scatter(
                        win, [lane_base + (r16 - lo)], xv * v16)

                nred = (hi - lo + L) // L

                def red(jv, _):
                    jb = jv * L
                    acc = zero16
                    for l in range(L):
                        acc = acc + win[pl.ds(l * WPITCH + jb, L)]
                    for l in range(L):
                        win[pl.ds(l * WPITCH + jb, L)] = zero16
                    yrow[pl.ds(jb, L)] = acc
                    widx[pl.ds(jb, L)] = jnp.minimum(
                        wiota[pl.ds(jb, L)] + lo, n - 1)
                    return 0
                lax.fori_loop(0, nred, red, 0)

                pltpu.sync_copy(yrow, y_sh.at[widx], add=True)

                def zr(jv, _):
                    yrow[pl.ds(jv * L, L)] = zero16
                    return 0
                lax.fori_loop(0, nred, zr, 0)

            @pl.when(hi - lo >= WINW)
            def _():
                def gm(i, _):
                    c16 = cols_b[pl.ds(i * L, L)]
                    v16 = vals_b[pl.ds(i * L, L)]
                    xv = plsc.load_gather(x_v, [c16])
                    vals_b[pl.ds(i * L, L)] = xv * v16
                    return 0
                lax.fori_loop(0, nvec, gm, 0)
                pltpu.sync_copy(vals_b, y_sh.at[rows_b], add=True)

        def bi(i, _):
            iv = lax.iota(jnp.int32, L) + jnp.int32(i * L)
            wiota[pl.ds(i * L, L)] = iv
            widx[pl.ds(i * L, L)] = iv
            yrow[pl.ds(i * L, L)] = zero16
            return 0
        lax.fori_loop(0, WINW // L, bi, 0)

        def zw(i, _):
            win[pl.ds(i * L, L)] = zero16
            return 0
        lax.fori_loop(0, (L * WPITCH) // L, zw, 0)

        def z(i, _):
            vals0[pl.ds(i * L, L)] = zero16
            return 0
        lax.fori_loop(0, nslice // L, z, 0)
        pltpu.sync_copy(vals0.at[pl.ds(0, nslice)],
                        y_sh.at[pl.ds(sid * nslice, nslice)])
        pltpu.sync_copy(x_hbm, x_v)
        plsc.subcore_barrier()

        nsub = (j_full + NW - 1 - wid) // NW

        @pl.when(nsub > 0)
        def _():
            issue_in(0, 0)

        @pl.loop(0, nsub, step=2)
        def _(outer):
            for b in range(2):
                r = outer + b

                @pl.when(r < nsub)
                def _(r=r, b=b):
                    wait_in(b, r)

                    @pl.when(r + 1 < nsub)
                    def _(r=r, b=b):
                        issue_in(1 - b, r + 1)
                    process(vals_v[b], cols_v[b], rows_v[b])

        @pl.when(wid == NW - 1)
        def _():
            pltpu.sync_copy(tval, vals0)
            pltpu.sync_copy(tcol, cols0)
            pltpu.sync_copy(trow, rows0)
            process(vals0, cols0, rows0)

        plsc.subcore_barrier()
        pltpu.sync_copy(y_sh.at[pl.ds(sid * nslice, nslice)],
                        out.at[cid, pl.ds(sid * nslice, nslice)])

    return k


def _combine_body(p_ref, o_ref):
    o_ref[...] = p_ref[0, :] + p_ref[1, :]


def kernel(H_vals, H_rows, H_cols, x):
    n = x.shape[0]
    nnz = H_vals.shape[0]
    j_full = nnz // B
    tail = nnz - j_full * B
    rows = H_rows.astype(jnp.int32)
    cols = H_cols.astype(jnp.int32)
    tval = jnp.zeros((B,), jnp.float32).at[:tail].set(H_vals[j_full * B:])
    trow = jnp.full((B,), rows[-1], jnp.int32).at[:tail].set(rows[j_full * B:])
    tcol = jnp.zeros((B,), jnp.int32).at[:tail].set(cols[j_full * B:])
    partial = _spmv_grid(n, nnz)(H_vals, rows, cols, x, tval, trow, tcol)
    y = pl.pallas_call(
        _combine_body,
        out_shape=jax.ShapeDtypeStruct((n,), jnp.float32),
    )(partial)
    return y

# --- scband reference (transcript-rebuilt; emitter-appended) ---
"""Pipeline reference for scband-htorch-78091095375966 (READ-ONLY COPY).

The authoritative reference and input builder live on the scoring server;
editing this copy changes nothing except your own understanding.
"""

import jax, jax.numpy as jnp
import numpy as np

N = 65536
NNZ = 4294967

def setup_inputs(seed: int = 0) -> dict:
    key = jax.random.key(seed)
    k1, k2, k3, k4 = jax.random.split(key, 4)
    H_rows = jnp.sort(jax.random.randint(k1, (NNZ,), 0, N)).astype(jnp.int64)
    H_cols = jax.random.randint(k2, (NNZ,), 0, N).astype(jnp.int64)
    H_vals = jax.random.normal(k3, (NNZ,), dtype=jnp.float32)
    x = jax.random.normal(k4, (N,), dtype=jnp.float32)
    return {"H_vals": H_vals, "H_rows": H_rows, "H_cols": H_cols, "x": x}

def reference(H_vals, H_rows, H_cols, x):
    # Faithful translation of HTorch.forward(): y = H_sparse @ x
    # H is a sparse matrix stored in COO form (H_rows, H_cols, H_vals);
    # x is the learned parameter vector (initialized from H^T f in the original code).
    # Sparse matvec = gather x at column indices, multiply by values, scatter-add by row.
    gathered = H_vals * jnp.take(x, H_cols, axis=0)
    y = jax.ops.segment_sum(gathered, H_rows, num_segments=N)
    # original casts to double; keep float32 on default-x64-disabled jax (same math)
    return y

if __name__ == "__main__":
    import jax
    _d = setup_inputs()
    print(jax.jit(kernel)(*tuple(_d.values())))

</pallas_src>

<mosaic_0001>
#map = affine_map<(d0, d1) -> (0)>
#map1 = affine_map<(d0, d1) -> (0, 0)>
module attributes {stable_mosaic.version = 14 : i64} {
  func.func @k(%arg0: i32, %arg1: i32, %arg2: memref<4294967xf32, #tpu.memory_space<hbm>>, %arg3: memref<4294967xi32, #tpu.memory_space<hbm>>, %arg4: memref<4294967xi32, #tpu.memory_space<hbm>>, %arg5: memref<65536xf32, #tpu.memory_space<hbm>>, %arg6: memref<8960xf32, #tpu.memory_space<hbm>>, %arg7: memref<8960xi32, #tpu.memory_space<hbm>>, %arg8: memref<8960xi32, #tpu.memory_space<hbm>>, %arg9: memref<2x65536xf32, #tpu.memory_space<hbm>>, %arg10: memref<65536xf32, #tpu.memory_space<vmem>>, %arg11: memref<8960xf32, #tpu.memory_space<vmem>>, %arg12: memref<8960xf32, #tpu.memory_space<vmem>>, %arg13: memref<8960xi32, #tpu.memory_space<vmem>>, %arg14: memref<8960xi32, #tpu.memory_space<vmem>>, %arg15: memref<8960xi32, #tpu.memory_space<vmem>>, %arg16: memref<8960xi32, #tpu.memory_space<vmem>>, %arg17: memref<6160xf32, #tpu.memory_space<vmem>>, %arg18: memref<384xf32, #tpu.memory_space<vmem>>, %arg19: memref<384xi32, #tpu.memory_space<vmem>>, %arg20: memref<384xi32, #tpu.memory_space<vmem>>, %arg21: memref<65536xf32, #tpu.memory_space<vmem_shared>>, %arg22: memref<2x!tpu.dma_semaphore, #tpu.memory_space<semaphore_mem>>) attributes {dimension_semantics = [#tpu.dimension_semantics<core_parallel>, #tpu.dimension_semantics<subcore_parallel>], iteration_bounds = array<i64: 2, 16>, scalar_prefetch = 0 : i64, scratch_operands = 13 : i64, tpu.core_type = #tpu.core_type<sc_vector_subcore>, window_params = [{transform_indices = #map}, {transform_indices = #map}, {transform_indices = #map}, {transform_indices = #map}, {transform_indices = #map}, {transform_indices = #map}, {transform_indices = #map}, {transform_indices = #map1}]} {
    %mul3A = arith.constant 2 : i32
    %mul3A_0 = arith.muli %arg1, %mul3A : i32
    %add3A = arith.addi %mul3A_0, %arg0 : i32
    %broadcast_in_dim3A = arith.constant 0.000000e+00 : f32
    %broadcast_in_dim3A_1 = vector.broadcast %broadcast_in_dim3A : f32 to vector<16xf32>
    %scan3A = arith.constant 0 : i32
    %scan3A_2 = arith.constant 0 : i32
    %scan3A_3 = arith.constant 24 : i32
    %scan3A_4 = arith.addi %scan3A_2, %scan3A_3 : i32
    %scan3A_5 = arith.constant 1 : i32
    %scan3A_6 = scf.for %scan3A_71 = %scan3A_2 to %scan3A_4 step %scan3A_5 iter_args(%scan3A_72 = %scan3A) -> (i32)  : i32 {
      %iota3A = tpu.iota {dimensions = array<i32: 0>} : vector<16xi32>
      %mul3A_73 = arith.constant 16 : i32
      %mul3A_74 = arith.muli %scan3A_71, %mul3A_73 : i32
      %add3A_75 = vector.broadcast %mul3A_74 : i32 to vector<16xi32>
      %add3A_76 = arith.addi %iota3A, %add3A_75 : vector<16xi32>
      %mul3A_77 = arith.constant 16 : i32
      %mul3A_78 = arith.muli %scan3A_71, %mul3A_77 : i32
      %swap3A = arith.index_cast %mul3A_78 : i32 to index
      %swap3A_79 = tpu.vector_load %arg19[%swap3A] {strides = array<i32>} : memref<384xi32, #tpu.memory_space<vmem>>, vector<16xi32>,
      tpu.vector_store %arg19[%swap3A], %add3A_76 {strides = array<i32>} : memref<384xi32, #tpu.memory_space<vmem>>, vector<16xi32>,
      %mul3A_80 = arith.constant 16 : i32
      %mul3A_81 = arith.muli %scan3A_71, %mul3A_80 : i32
      %swap3A_82 = arith.index_cast %mul3A_81 : i32 to index
      %swap3A_83 = tpu.vector_load %arg20[%swap3A_82] {strides = array<i32>} : memref<384xi32, #tpu.memory_space<vmem>>, vector<16xi32>,
      tpu.vector_store %arg20[%swap3A_82], %add3A_76 {strides = array<i32>} : memref<384xi32, #tpu.memory_space<vmem>>, vector<16xi32>,
      %mul3A_84 = arith.constant 16 : i32
      %mul3A_85 = arith.muli %scan3A_71, %mul3A_84 : i32
      %swap3A_86 = arith.index_cast %mul3A_85 : i32 to index
      %swap3A_87 = tpu.vector_load %arg18[%swap3A_86] {strides = array<i32>} : memref<384xf32, #tpu.memory_space<vmem>>, vector<16xf32>,
      tpu.vector_store %arg18[%swap3A_86], %broadcast_in_dim3A_1 {strides = array<i32>} : memref<384xf32, #tpu.memory_space<vmem>>, vector<16xf32>,
      %scan3A_88 = arith.constant 0 : i32
      scf.yield %scan3A_88 : i32
    }
    %scan3A_7 = arith.constant 24 : i32
    %scan3A_8 = arith.constant 0 : i32
    %scan3A_9 = arith.constant 0 : i32
    %scan3A_10 = arith.constant 385 : i32
    %scan3A_11 = arith.addi %scan3A_9, %scan3A_10 : i32
    %scan3A_12 = arith.constant 1 : i32
    %scan3A_13 = scf.for %scan3A_71 = %scan3A_9 to %scan3A_11 step %scan3A_12 iter_args(%scan3A_72 = %scan3A_8) -> (i32)  : i32 {
      %mul3A_73 = arith.constant 16 : i32
      %mul3A_74 = arith.muli %scan3A_71, %mul3A_73 : i32
      %swap3A = arith.index_cast %mul3A_74 : i32 to index
      %swap3A_75 = tpu.vector_load %arg17[%swap3A] {strides = array<i32>} : memref<6160xf32, #tpu.memory_space<vmem>>, vector<16xf32>,
      tpu.vector_store %arg17[%swap3A], %broadcast_in_dim3A_1 {strides = array<i32>} : memref<6160xf32, #tpu.memory_space<vmem>>, vector<16xf32>,
      %scan3A_76 = arith.constant 0 : i32
      scf.yield %scan3A_76 : i32
    }
    %scan3A_14 = arith.constant 385 : i32
    %scan3A_15 = arith.constant 0 : i32
    %scan3A_16 = arith.constant 0 : i32
    %scan3A_17 = arith.constant 256 : i32
    %scan3A_18 = arith.addi %scan3A_16, %scan3A_17 : i32
    %scan3A_19 = arith.constant 1 : i32
    %scan3A_20 = scf.for %scan3A_71 = %scan3A_16 to %scan3A_18 step %scan3A_19 iter_args(%scan3A_72 = %scan3A_15) -> (i32)  : i32 {
      %mul3A_73 = arith.constant 16 : i32
      %mul3A_74 = arith.muli %scan3A_71, %mul3A_73 : i32
      %swap3A = arith.index_cast %mul3A_74 : i32 to index
      %swap3A_75 = tpu.vector_load %arg11[%swap3A] {strides = array<i32>} : memref<8960xf32, #tpu.memory_space<vmem>>, vector<16xf32>,
      tpu.vector_store %arg11[%swap3A], %broadcast_in_dim3A_1 {strides = array<i32>} : memref<8960xf32, #tpu.memory_space<vmem>>, vector<16xf32>,
      %scan3A_76 = arith.constant 0 : i32
      scf.yield %scan3A_76 : i32
    }
    %scan3A_21 = arith.constant 256 : i32
    %mul3A_22 = arith.constant 4096 : i32
    %mul3A_23 = arith.muli %arg1, %mul3A_22 : i32
    "tpu.region"() ({
      %run_scoped3A = tpu.sem_alloc : memref<!tpu.dma_semaphore, #tpu.memory_space<semaphore_mem>>
      %dma_start3A = arith.constant 0 : i32
      %dma_start3A_71 = tpu.memref_slice %arg11[%dma_start3A] : memref<8960xf32, #tpu.memory_space<vmem>> -> memref<4096xf32, #tpu.memory_space<vmem>>
      %dma_start3A_72 = tpu.memref_slice %arg21[%mul3A_23] : memref<65536xf32, #tpu.memory_space<vmem_shared>> -> memref<4096xf32, #tpu.memory_space<vmem_shared>>
      %dma_start3A_73 = tpu.memref_slice %arg21[%mul3A_23] : memref<65536xf32, #tpu.memory_space<vmem_shared>> -> memref<4096xf32, #tpu.memory_space<vmem_shared>>
      %dma_start3A_74 = arith.constant 0 : i32
      %dma_start3A_75 = tpu.memref_slice %arg11[%dma_start3A_74] : memref<8960xf32, #tpu.memory_space<vmem>> -> memref<4096xf32, #tpu.memory_space<vmem>>
      tpu.enqueue_dma source(%dma_start3A_75 : memref<4096xf32, #tpu.memory_space<vmem>>) target(%dma_start3A_73 : memref<4096xf32, #tpu.memory_space<vmem_shared>>) target_semaphore(%run_scoped3A : memref<!tpu.dma_semaphore, #tpu.memory_space<semaphore_mem>>)
      %dma_wait3A = arith.constant 0 : i32
      %dma_wait3A_76 = tpu.memref_slice %arg11[%dma_wait3A] : memref<8960xf32, #tpu.memory_space<vmem>> -> memref<4096xf32, #tpu.memory_space<vmem>>
      %dma_wait3A_77 = tpu.memref_slice %arg21[%mul3A_23] : memref<65536xf32, #tpu.memory_space<vmem_shared>> -> memref<4096xf32, #tpu.memory_space<vmem_shared>>
      %dma_wait3A_78 = tpu.memref_slice %arg21[%mul3A_23] : memref<65536xf32, #tpu.memory_space<vmem_shared>> -> memref<4096xf32, #tpu.memory_space<vmem_shared>>
      %dma_wait3A_79 = arith.constant 0 : i32
      %dma_wait3A_80 = tpu.memref_slice %arg11[%dma_wait3A_79] : memref<8960xf32, #tpu.memory_space<vmem>> -> memref<4096xf32, #tpu.memory_space<vmem>>
      tpu.wait_dma2 semaphore(%run_scoped3A : memref<!tpu.dma_semaphore, #tpu.memory_space<semaphore_mem>>) src(%dma_wait3A_80 : memref<4096xf32, #tpu.memory_space<vmem>>) dst(%dma_wait3A_78 : memref<4096xf32, #tpu.memory_space<vmem_shared>>)
      tpu.yield
    }) : () -> ()
    "tpu.region"() ({
      %run_scoped3A = tpu.sem_alloc : memref<!tpu.dma_semaphore, #tpu.memory_space<semaphore_mem>>
      tpu.enqueue_dma source(%arg5 : memref<65536xf32, #tpu.memory_space<hbm>>) target(%arg10 : memref<65536xf32, #tpu.memory_space<vmem>>) target_semaphore(%run_scoped3A : memref<!tpu.dma_semaphore, #tpu.memory_space<semaphore_mem>>)
      tpu.wait_dma2 semaphore(%run_scoped3A : memref<!tpu.dma_semaphore, #tpu.memory_space<semaphore_mem>>) src(%arg5 : memref<65536xf32, #tpu.memory_space<hbm>>) dst(%arg10 : memref<65536xf32, #tpu.memory_space<vmem>>)
      tpu.yield
    }) : () -> ()
    %barrier3A = arith.constant 0 : index
    tpu.barrier barrier_id(%barrier3A)
    %sub3A = arith.constant 510 : i32
    %sub3A_24 = arith.subi %sub3A, %add3A : i32
    %jit3A = arith.constant 32 : i32
    %div3A = arith.divsi %sub3A_24, %jit3A : i32
    %sign3A = arith.constant 0 : i32
    %sign3A_25 = arith.cmpi sgt, %sub3A_24, %sign3A : i32
    %sign3A_26 = arith.extui %sign3A_25 : i1 to i32
    %sign3A_27 = arith.constant 0 : i32
    %sign3A_28 = arith.cmpi slt, %sub3A_24, %sign3A_27 : i32
    %sign3A_29 = arith.extui %sign3A_28 : i1 to i32
    %sign3A_30 = arith.subi %sign3A_26, %sign3A_29 : i32
    %sign3A_31 = arith.constant 0 : i32
    %sign3A_32 = arith.cmpi sgt, %jit3A, %sign3A_31 : i32
    %sign3A_33 = arith.extui %sign3A_32 : i1 to i32
    %sign3A_34 = arith.constant 0 : i32
    %sign3A_35 = arith.cmpi slt, %jit3A, %sign3A_34 : i32
    %sign3A_36 = arith.extui %sign3A_35 : i1 to i32
    %sign3A_37 = arith.subi %sign3A_33, %sign3A_36 : i32
    %ne3A = arith.cmpi ne, %sign3A_30, %sign3A_37 : i32
    %rem3A = arith.remsi %sub3A_24, %jit3A : i32
    %ne3A_38 = arith.constant 0 : i32
    %ne3A_39 = arith.cmpi ne, %rem3A, %ne3A_38 : i32
    %and3A = arith.andi %ne3A, %ne3A_39 : i1
    %sub3A_40 = arith.constant 1 : i32
    %sub3A_41 = arith.subi %div3A, %sub3A_40 : i32
    %select_n3A = arith.select %and3A, %sub3A_41, %div3A : i32
    %gt3A = arith.constant 0 : i32
    %gt3A_42 = arith.cmpi sgt, %select_n3A, %gt3A : i32
    %convert_element_type3A = arith.extui %gt3A_42 : i1 to i32
    %cond3A = arith.constant 0 : i32
    %cond3A_43 = arith.cmpi ne, %convert_element_type3A, %cond3A : i32
    scf.if %cond3A_43 {
      %add3A_71 = arith.constant 0 : i32
      %add3A_72 = arith.addi %add3A_71, %add3A : i32
      %mul3A_73 = arith.constant 8960 : i32
      %mul3A_74 = arith.muli %add3A_72, %mul3A_73 : i32
      %dma_start3A = arith.constant 0 : i32
      %dma_start3A_75 = tpu.memref_slice %arg2[%mul3A_74] : memref<4294967xf32, #tpu.memory_space<hbm>> -> memref<8960xf32, #tpu.memory_space<hbm>>
      %dma_start3A_76 = tpu.memref_slice %arg22[%dma_start3A] : memref<2x!tpu.dma_semaphore, #tpu.memory_space<semaphore_mem>> -> memref<1x!tpu.dma_semaphore, #tpu.memory_space<semaphore_mem>>
      %dma_start3A_77 = tpu.memref_squeeze %dma_start3A_76 : memref<1x!tpu.dma_semaphore, #tpu.memory_space<semaphore_mem>> -> memref<!tpu.dma_semaphore, #tpu.memory_space<semaphore_mem>>
      %dma_start3A_78 = tpu.memref_slice %arg2[%mul3A_74] : memref<4294967xf32, #tpu.memory_space<hbm>> -> memref<8960xf32, #tpu.memory_space<hbm>>
      tpu.enqueue_dma source(%dma_start3A_78 : memref<8960xf32, #tpu.memory_space<hbm>>) target(%arg11 : memref<8960xf32, #tpu.memory_space<vmem>>) target_semaphore(%dma_start3A_77 : memref<!tpu.dma_semaphore, #tpu.memory_space<semaphore_mem>>)
      %dma_start3A_79 = arith.constant 0 : i32
      %dma_start3A_80 = tpu.memref_slice %arg4[%mul3A_74] : memref<4294967xi32, #tpu.memory_space<hbm>> -> memref<8960xi32, #tpu.memory_space<hbm>>
      %dma_start3A_81 = tpu.memref_slice %arg22[%dma_start3A_79] : memref<2x!tpu.dma_semaphore, #tpu.memory_space<semaphore_mem>> -> memref<1x!tpu.dma_semaphore, #tpu.memory_space<semaphore_mem>>
      %dma_start3A_82 = tpu.memref_squeeze %dma_start3A_81 : memref<1x!tpu.dma_semaphore, #tpu.memory_space<semaphore_mem>> -> memref<!tpu.dma_semaphore, #tpu.memory_space<semaphore_mem>>
      %dma_start3A_83 = tpu.memref_slice %arg4[%mul3A_74] : memref<4294967xi32, #tpu.memory_space<hbm>> -> memref<8960xi32, #tpu.memory_space<hbm>>
      tpu.enqueue_dma source(%dma_start3A_83 : memref<8960xi32, #tpu.memory_space<hbm>>) target(%arg13 : memref<8960xi32, #tpu.memory_space<vmem>>) target_semaphore(%dma_start3A_82 : memref<!tpu.dma_semaphore, #tpu.memory_space<semaphore_mem>>)
      %dma_start3A_84 = arith.constant 0 : i32
      %dma_start3A_85 = tpu.memref_slice %arg3[%mul3A_74] : memref<4294967xi32, #tpu.memory_space<hbm>> -> memref<8960xi32, #tpu.memory_space<hbm>>
      %dma_start3A_86 = tpu.memref_slice %arg22[%dma_start3A_84] : memref<2x!tpu.dma_semaphore, #tpu.memory_space<semaphore_mem>> -> memref<1x!tpu.dma_semaphore, #tpu.memory_space<semaphore_mem>>
      %dma_start3A_87 = tpu.memref_squeeze %dma_start3A_86 : memref<1x!tpu.dma_semaphore, #tpu.memory_space<semaphore_mem>> -> memref<!tpu.dma_semaphore, #tpu.memory_space<semaphore_mem>>
      %dma_start3A_88 = tpu.memref_slice %arg3[%mul3A_74] : memref<4294967xi32, #tpu.memory_space<hbm>> -> memref<8960xi32, #tpu.memory_space<hbm>>
      tpu.enqueue_dma source(%dma_start3A_88 : memref<8960xi32, #tpu.memory_space<hbm>>) target(%arg15 : memref<8960xi32, #tpu.memory_space<vmem>>) target_semaphore(%dma_start3A_87 : memref<!tpu.dma_semaphore, #tpu.memory_space<semaphore_mem>>)
    } else {
    }
    %sub3A_44 = arith.constant 0 : i32
    %sub3A_45 = arith.subi %select_n3A, %sub3A_44 : i32
    %sub3A_46 = arith.constant 2 : i32
    %sub3A_47 = arith.constant 1 : i32
    %sub3A_48 = arith.subi %sub3A_46, %sub3A_47 : i32
    %add3A_49 = arith.addi %sub3A_45, %sub3A_48 : i32
    %div3A_50 = arith.constant 2 : i32
    %div3A_51 = arith.divsi %add3A_49, %div3A_50 : i32
    %while3A = arith.constant 2 : i32
    %while3A_52 = arith.constant 0 : i32
    %while3A_53 = arith.constant 0 : i32
    %while3A_54 = arith.subi %div3A_51, %while3A_53 : i32
    %while3A_55 = arith.addi %while3A_53, %while3A_54 : i32
    %while3A_56 = arith.constant 1 : i32
    %while3A_57 = arith.divsi %while3A_54, %while3A_56 : i32
    %while3A_58 = arith.muli %while3A_57, %while3A_56 : i32
    %while3A_59 = arith.addi %while3A_53, %while3A_58 : i32
    %while3A_60 = arith.constant 1 : i32
    scf.for %while3A_71 = %while3A_53 to %while3A_59 step %while3A_60  : i32 {
      %mul3A_72 = arith.muli %while3A_71, %while3A : i32
      %add3A_73 = arith.addi %while3A_52, %mul3A_72 : i32
      %add3A_74 = arith.constant 0 : i32
      %add3A_75 = arith.addi %add3A_73, %add3A_74 : i32
      %lt3A = arith.cmpi slt, %add3A_75, %select_n3A : i32
      %convert_element_type3A_76 = arith.extui %lt3A : i1 to i32
      %cond3A_77 = arith.constant 0 : i32
      %cond3A_78 = arith.cmpi ne, %convert_element_type3A_76, %cond3A_77 : i32
      scf.if %cond3A_78 {
        %mul3A_85 = arith.constant 32 : i32
        %mul3A_86 = arith.muli %add3A_75, %mul3A_85 : i32
        %add3A_87 = arith.addi %mul3A_86, %add3A : i32
        %mul3A_88 = arith.constant 8960 : i32
        %mul3A_89 = arith.muli %add3A_87, %mul3A_88 : i32
        %dma_wait3A = arith.constant 0 : i32
        %dma_wait3A_90 = tpu.memref_slice %arg2[%mul3A_89] : memref<4294967xf32, #tpu.memory_space<hbm>> -> memref<8960xf32, #tpu.memory_space<hbm>>
        %dma_wait3A_91 = tpu.memref_slice %arg22[%dma_wait3A] : memref<2x!tpu.dma_semaphore, #tpu.memory_space<semaphore_mem>> -> memref<1x!tpu.dma_semaphore, #tpu.memory_space<semaphore_mem>>
        %dma_wait3A_92 = tpu.memref_squeeze %dma_wait3A_91 : memref<1x!tpu.dma_semaphore, #tpu.memory_space<semaphore_mem>> -> memref<!tpu.dma_semaphore, #tpu.memory_space<semaphore_mem>>
        %dma_wait3A_93 = tpu.memref_slice %arg2[%mul3A_89] : memref<4294967xf32, #tpu.memory_space<hbm>> -> memref<8960xf32, #tpu.memory_space<hbm>>
        tpu.wait_dma2 semaphore(%dma_wait3A_92 : memref<!tpu.dma_semaphore, #tpu.memory_space<semaphore_mem>>) src(%dma_wait3A_93 : memref<8960xf32, #tpu.memory_space<hbm>>) dst(%arg11 : memref<8960xf32, #tpu.memory_space<vmem>>)
        %dma_wait3A_94 = arith.constant 0 : i32
        %dma_wait3A_95 = tpu.memref_slice %arg4[%mul3A_89] : memref<4294967xi32, #tpu.memory_space<hbm>> -> memref<8960xi32, #tpu.memory_space<hbm>>
        %dma_wait3A_96 = tpu.memref_slice %arg22[%dma_wait3A_94] : memref<2x!tpu.dma_semaphore, #tpu.memory_space<semaphore_mem>> -> memref<1x!tpu.dma_semaphore, #tpu.memory_space<semaphore_mem>>
        %dma_wait3A_97 = tpu.memref_squeeze %dma_wait3A_96 : memref<1x!tpu.dma_semaphore, #tpu.memory_space<semaphore_mem>> -> memref<!tpu.dma_semaphore, #tpu.memory_space<semaphore_mem>>
        %dma_wait3A_98 = tpu.memref_slice %arg4[%mul3A_89] : memref<4294967xi32, #tpu.memory_space<hbm>> -> memref<8960xi32, #tpu.memory_space<hbm>>
        tpu.wait_dma2 semaphore(%dma_wait3A_97 : memref<!tpu.dma_semaphore, #tpu.memory_space<semaphore_mem>>) src(%dma_wait3A_98 : memref<8960xi32, #tpu.memory_space<hbm>>) dst(%arg13 : memref<8960xi32, #tpu.memory_space<vmem>>)
        %dma_wait3A_99 = arith.constant 0 : i32
        %dma_wait3A_100 = tpu.memref_slice %arg3[%mul3A_89] : memref<4294967xi32, #tpu.memory_space<hbm>> -> memref<8960xi32, #tpu.memory_space<hbm>>
        %dma_wait3A_101 = tpu.memref_slice %arg22[%dma_wait3A_99] : memref<2x!tpu.dma_semaphore, #tpu.memory_space<semaphore_mem>> -> memref<1x!tpu.dma_semaphore, #tpu.memory_space<semaphore_mem>>
        %dma_wait3A_102 = tpu.memref_squeeze %dma_wait3A_101 : memref<1x!tpu.dma_semaphore, #tpu.memory_space<semaphore_mem>> -> memref<!tpu.dma_semaphore, #tpu.memory_space<semaphore_mem>>
        %dma_wait3A_103 = tpu.memref_slice %arg3[%mul3A_89] : memref<4294967xi32, #tpu.memory_space<hbm>> -> memref<8960xi32, #tpu.memory_space<hbm>>
        tpu.wait_dma2 semaphore(%dma_wait3A_102 : memref<!tpu.dma_semaphore, #tpu.memory_space<semaphore_mem>>) src(%dma_wait3A_103 : memref<8960xi32, #tpu.memory_space<hbm>>) dst(%arg15 : memref<8960xi32, #tpu.memory_space<vmem>>)
        %add3A_104 = arith.constant 1 : i32
        %add3A_105 = arith.addi %add3A_75, %add3A_104 : i32
        %lt3A_106 = arith.cmpi slt, %add3A_105, %select_n3A : i32
        %convert_element_type3A_107 = arith.extui %lt3A_106 : i1 to i32
        %cond3A_108 = arith.constant 0 : i32
        %cond3A_109 = arith.cmpi ne, %convert_element_type3A_107, %cond3A_108 : i32
        scf.if %cond3A_109 {
          %add3A_141 = arith.constant 1 : i32
          %add3A_142 = arith.addi %add3A_75, %add3A_141 : i32
          %mul3A_143 = arith.constant 32 : i32
          %mul3A_144 = arith.muli %add3A_142, %mul3A_143 : i32
          %add3A_145 = arith.addi %mul3A_144, %add3A : i32
          %mul3A_146 = arith.constant 8960 : i32
          %mul3A_147 = arith.muli %add3A_145, %mul3A_146 : i32
          %dma_start3A = arith.constant 1 : i32
          %dma_start3A_148 = tpu.memref_slice %arg2[%mul3A_147] : memref<4294967xf32, #tpu.memory_space<hbm>> -> memref<8960xf32, #tpu.memory_space<hbm>>
          %dma_start3A_149 = tpu.memref_slice %arg22[%dma_start3A] : memref<2x!tpu.dma_semaphore, #tpu.memory_space<semaphore_mem>> -> memref<1x!tpu.dma_semaphore, #tpu.memory_space<semaphore_mem>>
          %dma_start3A_150 = tpu.memref_squeeze %dma_start3A_149 : memref<1x!tpu.dma_semaphore, #tpu.memory_space<semaphore_mem>> -> memref<!tpu.dma_semaphore, #tpu.memory_space<semaphore_mem>>
          %dma_start3A_151 = tpu.memref_slice %arg2[%mul3A_147] : memref<4294967xf32, #tpu.memory_space<hbm>> -> memref<8960xf32, #tpu.memory_space<hbm>>
          tpu.enqueue_dma source(%dma_start3A_151 : memref<8960xf32, #tpu.memory_space<hbm>>) target(%arg12 : memref<8960xf32, #tpu.memory_space<vmem>>) target_semaphore(%dma_start3A_150 : memref<!tpu.dma_semaphore, #tpu.memory_space<semaphore_mem>>)
          %dma_start3A_152 = arith.constant 1 : i32
          %dma_start3A_153 = tpu.memref_slice %arg4[%mul3A_147] : memref<4294967xi32, #tpu.memory_space<hbm>> -> memref<8960xi32, #tpu.memory_space<hbm>>
          %dma_start3A_154 = tpu.memref_slice %arg22[%dma_start3A_152] : memref<2x!tpu.dma_semaphore, #tpu.memory_space<semaphore_mem>> -> memref<1x!tpu.dma_semaphore, #tpu.memory_space<semaphore_mem>>
          %dma_start3A_155 = tpu.memref_squeeze %dma_start3A_154 : memref<1x!tpu.dma_semaphore, #tpu.memory_space<semaphore_mem>> -> memref<!tpu.dma_semaphore, #tpu.memory_space<semaphore_mem>>
          %dma_start3A_156 = tpu.memref_slice %arg4[%mul3A_147] : memref<4294967xi32, #tpu.memory_space<hbm>> -> memref<8960xi32, #tpu.memory_space<hbm>>
          tpu.enqueue_dma source(%dma_start3A_156 : memref<8960xi32, #tpu.memory_space<hbm>>) target(%arg14 : memref<8960xi32, #tpu.memory_space<vmem>>) target_semaphore(%dma_start3A_155 : memref<!tpu.dma_semaphore, #tpu.memory_space<semaphore_mem>>)
          %dma_start3A_157 = arith.constant 1 : i32
          %dma_start3A_158 = tpu.memref_slice %arg3[%mul3A_147] : memref<4294967xi32, #tpu.memory_space<hbm>> -> memref<8960xi32, #tpu.memory_space<hbm>>
          %dma_start3A_159 = tpu.memref_slice %arg22[%dma_start3A_157] : memref<2x!tpu.dma_semaphore, #tpu.memory_space<semaphore_mem>> -> memref<1x!tpu.dma_semaphore, #tpu.memory_space<semaphore_mem>>
          %dma_start3A_160 = tpu.memref_squeeze %dma_start3A_159 : memref<1x!tpu.dma_semaphore, #tpu.memory_space<semaphore_mem>> -> memref<!tpu.dma_semaphore, #tpu.memory_space<semaphore_mem>>
          %dma_start3A_161 = tpu.memref_slice %arg3[%mul3A_147] : memref<4294967xi32, #tpu.memory_space<hbm>> -> memref<8960xi32, #tpu.memory_space<hbm>>
          tpu.enqueue_dma source(%dma_start3A_161 : memref<8960xi32, #tpu.memory_space<hbm>>) target(%arg16 : memref<8960xi32, #tpu.memory_space<vmem>>) target_semaphore(%dma_start3A_160 : memref<!tpu.dma_semaphore, #tpu.memory_space<semaphore_mem>>)
        } else {
        }
        %get3A = arith.constant 0 : index
        %get3A_110 = tpu.vector_load %arg15[%get3A] {strides = array<i32>} : memref<8960xi32, #tpu.memory_space<vmem>>, vector<16xi32>,
        %reduce_min3A = arith.constant true
        %reduce_min3A_111 = vector.broadcast %reduce_min3A : i1 to vector<16xi1>
        %reduce_min3A_112 = arith.constant -2147483648 : i32
        %reduce_min3A_113 = vector.broadcast %reduce_min3A_112 : i32 to vector<16xi32>
        %reduce_min3A_114 = arith.xori %get3A_110, %reduce_min3A_113 : vector<16xi32>
        %reduce_min3A_115 = tpu.scan <min>, %reduce_min3A_114 masked %reduce_min3A_111 : vector<16xi32>, vector<16xi1> -> vector<16xi32>
        %reduce_min3A_116 = arith.xori %reduce_min3A_115, %reduce_min3A_113 : vector<16xi32>
        %reduce_min3A_117 = vector.extract %reduce_min3A_116[15] : i32 from vector<16xi32>
        %get3A_118 = arith.constant 8944 : index
        %get3A_119 = tpu.vector_load %arg15[%get3A_118] {strides = array<i32>} : memref<8960xi32, #tpu.memory_space<vmem>>, vector<16xi32>,
        %reduce_max3A = arith.constant true
        %reduce_max3A_120 = vector.broadcast %reduce_max3A : i1 to vector<16xi1>
        %reduce_max3A_121 = arith.constant -2147483648 : i32
        %reduce_max3A_122 = vector.broadcast %reduce_max3A_121 : i32 to vector<16xi32>
        %reduce_max3A_123 = arith.xori %get3A_119, %reduce_max3A_122 : vector<16xi32>
        %reduce_max3A_124 = tpu.scan <max>, %reduce_max3A_123 masked %reduce_max3A_120 : vector<16xi32>, vector<16xi1> -> vector<16xi32>
        %reduce_max3A_125 = arith.xori %reduce_max3A_124, %reduce_max3A_122 : vector<16xi32>
        %reduce_max3A_126 = vector.extract %reduce_max3A_125[15] : i32 from vector<16xi32>
        %iota3A = tpu.iota {dimensions = array<i32: 0>} : vector<16xi32>
        %mul3A_127 = arith.constant 385 : i32
        %mul3A_128 = vector.broadcast %mul3A_127 : i32 to vector<16xi32>
        %mul3A_129 = arith.muli %iota3A, %mul3A_128 : vector<16xi32>
        %sub3A_130 = arith.subi %reduce_max3A_126, %reduce_min3A_117 : i32
        %lt3A_131 = arith.constant 384 : i32
        %lt3A_132 = arith.cmpi slt, %sub3A_130, %lt3A_131 : i32
        %convert_element_type3A_133 = arith.extui %lt3A_132 : i1 to i32
        %cond3A_134 = arith.constant 0 : i32
        %cond3A_135 = arith.cmpi ne, %convert_element_type3A_133, %cond3A_134 : i32
        scf.if %cond3A_135 {
          %parallel_loop3A = arith.constant 0 : i32
          %parallel_loop3A_141 = arith.constant 560 : i32
          %parallel_loop3A_142 = arith.constant 1 : i32
          scf.for %parallel_loop3A_194 = %parallel_loop3A to %parallel_loop3A_141 step %parallel_loop3A_142  : i32 {
            %parallel_loop3A_195 = arith.constant 16 : i32
            %parallel_loop3A_196 = arith.muli %parallel_loop3A_194, %parallel_loop3A_195 : i32
            %parallel_loop3A_197 = arith.index_cast %parallel_loop3A_196 : i32 to index
            %parallel_loop3A_198 = tpu.vector_load %arg13[%parallel_loop3A_197] {strides = array<i32>} : memref<8960xi32, #tpu.memory_space<vmem>>, vector<16xi32>,
            %parallel_loop3A_199 = arith.constant 16 : i32
            %parallel_loop3A_200 = arith.muli %parallel_loop3A_194, %parallel_loop3A_199 : i32
            %parallel_loop3A_201 = arith.index_cast %parallel_loop3A_200 : i32 to index
            %parallel_loop3A_202 = tpu.vector_load %arg11[%parallel_loop3A_201] {strides = array<i32>} : memref<8960xf32, #tpu.memory_space<vmem>>, vector<16xf32>,
            %parallel_loop3A_203 = arith.constant 16 : i32
            %parallel_loop3A_204 = arith.muli %parallel_loop3A_194, %parallel_loop3A_203 : i32
            %parallel_loop3A_205 = arith.index_cast %parallel_loop3A_204 : i32 to index
            %parallel_loop3A_206 = tpu.vector_load %arg15[%parallel_loop3A_205] {strides = array<i32>} : memref<8960xi32, #tpu.memory_space<vmem>>, vector<16xi32>,
            %parallel_loop3A_207 = tpu.vector_load_idx %arg10[%parallel_loop3A_198] : memref<65536xf32, #tpu.memory_space<vmem>>[vector<16xi32>], vector<16xf32>,
            %parallel_loop3A_208 = vector.broadcast %reduce_min3A_117 : i32 to vector<16xi32>
            %parallel_loop3A_209 = arith.subi %parallel_loop3A_206, %parallel_loop3A_208 : vector<16xi32>
            %parallel_loop3A_210 = arith.addi %mul3A_129, %parallel_loop3A_209 : vector<16xi32>
            %parallel_loop3A_211 = arith.mulf %parallel_loop3A_207, %parallel_loop3A_202 : vector<16xf32>
            tpu.vector_store_idx %arg17[%parallel_loop3A_210], %parallel_loop3A_211 {add = true} : memref<6160xf32, #tpu.memory_space<vmem>>[vector<16xi32>], vector<16xf32>,
          } {sc.loop_unroll_factor = 4 : i64, sc.parallel_access}
          %sub3A_143 = arith.subi %reduce_max3A_126, %reduce_min3A_117 : i32
          %add3A_144 = arith.constant 16 : i32
          %add3A_145 = arith.addi %sub3A_143, %add3A_144 : i32
          %jit3A_146 = arith.constant 16 : i32
          %div3A_147 = arith.divsi %add3A_145, %jit3A_146 : i32
          %sign3A_148 = arith.constant 0 : i32
          %sign3A_149 = arith.cmpi sgt, %add3A_145, %sign3A_148 : i32
          %sign3A_150 = arith.extui %sign3A_149 : i1 to i32
          %sign3A_151 = arith.constant 0 : i32
          %sign3A_152 = arith.cmpi slt, %add3A_145, %sign3A_151 : i32
          %sign3A_153 = arith.extui %sign3A_152 : i1 to i32
          %sign3A_154 = arith.subi %sign3A_150, %sign3A_153 : i32
          %sign3A_155 = arith.constant 0 : i32
          %sign3A_156 = arith.cmpi sgt, %jit3A_146, %sign3A_155 : i32
          %sign3A_157 = arith.extui %sign3A_156 : i1 to i32
          %sign3A_158 = arith.constant 0 : i32
          %sign3A_159 = arith.cmpi slt, %jit3A_146, %sign3A_158 : i32
          %sign3A_160 = arith.extui %sign3A_159 : i1 to i32
          %sign3A_161 = arith.subi %sign3A_157, %sign3A_160 : i32
          %ne3A_162 = arith.cmpi ne, %sign3A_154, %sign3A_161 : i32
          %rem3A_163 = arith.remsi %add3A_145, %jit3A_146 : i32
          %ne3A_164 = arith.constant 0 : i32
          %ne3A_165 = arith.cmpi ne, %rem3A_163, %ne3A_164 : i32
          %and3A_166 = arith.andi %ne3A_162, %ne3A_165 : i1
          %sub3A_167 = arith.constant 1 : i32
          %sub3A_168 = arith.subi %div3A_147, %sub3A_167 : i32
          %select_n3A_169 = arith.select %and3A_166, %sub3A_168, %div3A_147 : i32
          %while3A_170 = arith.constant 0 : i32
          %while3A_171 = arith.constant 0 : i32
          %while3A_172 = arith.subi %select_n3A_169, %while3A_170 : i32
          %while3A_173 = arith.addi %while3A_170, %while3A_172 : i32
          %while3A_174 = arith.constant 1 : i32
          %while3A_175 = arith.divsi %while3A_172, %while3A_174 : i32
          %while3A_176 = arith.muli %while3A_175, %while3A_174 : i32
          %while3A_177 = arith.addi %while3A_170, %while3A_176 : i32
          %while3A_178 = arith.constant 1 : i32
          %while3A_179 = scf.for %while3A_194 = %while3A_170 to %while3A_177 step %while3A_178 iter_args(%while3A_195 = %while3A_171) -> (i32)  : i32 {
            %mul3A_196 = arith.constant 16 : i32
            %mul3A_197 = arith.muli %while3A_194, %mul3A_196 : i32
            %add3A_198 = arith.constant 0 : i32
            %add3A_199 = arith.addi %add3A_198, %mul3A_197 : i32
            %get3A_200 = arith.index_cast %add3A_199 : i32 to index
            %get3A_201 = tpu.vector_load %arg17[%get3A_200] {strides = array<i32>} : memref<6160xf32, #tpu.memory_space<vmem>>, vector<16xf32>,
            %add3A_202 = arith.addf %broadcast_in_dim3A_1, %get3A_201 : vector<16xf32>
            %add3A_203 = arith.constant 385 : i32
            %add3A_204 = arith.addi %add3A_203, %mul3A_197 : i32
            %get3A_205 = arith.index_cast %add3A_204 : i32 to index
            %get3A_206 = tpu.vector_load %arg17[%get3A_205] {strides = array<i32>} : memref<6160xf32, #tpu.memory_space<vmem>>, vector<16xf32>,
            %add3A_207 = arith.addf %add3A_202, %get3A_206 : vector<16xf32>
            %add3A_208 = arith.constant 770 : i32
            %add3A_209 = arith.addi %add3A_208, %mul3A_197 : i32
            %get3A_210 = arith.index_cast %add3A_209 : i32 to index
            %get3A_211 = tpu.vector_load %arg17[%get3A_210] {strides = array<i32>} : memref<6160xf32, #tpu.memory_space<vmem>>, vector<16xf32>,
            %add3A_212 = arith.addf %add3A_207, %get3A_211 : vector<16xf32>
            %add3A_213 = arith.constant 1155 : i32
            %add3A_214 = arith.addi %add3A_213, %mul3A_197 : i32
            %get3A_215 = arith.index_cast %add3A_214 : i32 to index
            %get3A_216 = tpu.vector_load %arg17[%get3A_215] {strides = array<i32>} : memref<6160xf32, #tpu.memory_space<vmem>>, vector<16xf32>,
            %add3A_217 = arith.addf %add3A_212, %get3A_216 : vector<16xf32>
            %add3A_218 = arith.constant 1540 : i32
            %add3A_219 = arith.addi %add3A_218, %mul3A_197 : i32
            %get3A_220 = arith.index_cast %add3A_219 : i32 to index
            %get3A_221 = tpu.vector_load %arg17[%get3A_220] {strides = array<i32>} : memref<6160xf32, #tpu.memory_space<vmem>>, vector<16xf32>,
            %add3A_222 = arith.addf %add3A_217, %get3A_221 : vector<16xf32>
            %add3A_223 = arith.constant 1925 : i32
            %add3A_224 = arith.addi %add3A_223, %mul3A_197 : i32
            %get3A_225 = arith.index_cast %add3A_224 : i32 to index
            %get3A_226 = tpu.vector_load %arg17[%get3A_225] {strides = array<i32>} : memref<6160xf32, #tpu.memory_space<vmem>>, vector<16xf32>,
            %add3A_227 = arith.addf %add3A_222, %get3A_226 : vector<16xf32>
            %add3A_228 = arith.constant 2310 : i32
            %add3A_229 = arith.addi %add3A_228, %mul3A_197 : i32
            %get3A_230 = arith.index_cast %add3A_229 : i32 to index
            %get3A_231 = tpu.vector_load %arg17[%get3A_230] {strides = array<i32>} : memref<6160xf32, #tpu.memory_space<vmem>>, vector<16xf32>,
            %add3A_232 = arith.addf %add3A_227, %get3A_231 : vector<16xf32>
            %add3A_233 = arith.constant 2695 : i32
            %add3A_234 = arith.addi %add3A_233, %mul3A_197 : i32
            %get3A_235 = arith.index_cast %add3A_234 : i32 to index
            %get3A_236 = tpu.vector_load %arg17[%get3A_235] {strides = array<i32>} : memref<6160xf32, #tpu.memory_space<vmem>>, vector<16xf32>,
            %add3A_237 = arith.addf %add3A_232, %get3A_236 : vector<16xf32>
            %add3A_238 = arith.constant 3080 : i32
            %add3A_239 = arith.addi %add3A_238, %mul3A_197 : i32
            %get3A_240 = arith.index_cast %add3A_239 : i32 to index
            %get3A_241 = tpu.vector_load %arg17[%get3A_240] {strides = array<i32>} : memref<6160xf32, #tpu.memory_space<vmem>>, vector<16xf32>,
            %add3A_242 = arith.addf %add3A_237, %get3A_241 : vector<16xf32>
            %add3A_243 = arith.constant 3465 : i32
            %add3A_244 = arith.addi %add3A_243, %mul3A_197 : i32
            %get3A_245 = arith.index_cast %add3A_244 : i32 to index
            %get3A_246 = tpu.vector_load %arg17[%get3A_245] {strides = array<i32>} : memref<6160xf32, #tpu.memory_space<vmem>>, vector<16xf32>,
            %add3A_247 = arith.addf %add3A_242, %get3A_246 : vector<16xf32>
            %add3A_248 = arith.constant 3850 : i32
            %add3A_249 = arith.addi %add3A_248, %mul3A_197 : i32
            %get3A_250 = arith.index_cast %add3A_249 : i32 to index
            %get3A_251 = tpu.vector_load %arg17[%get3A_250] {strides = array<i32>} : memref<6160xf32, #tpu.memory_space<vmem>>, vector<16xf32>,
            %add3A_252 = arith.addf %add3A_247, %get3A_251 : vector<16xf32>
            %add3A_253 = arith.constant 4235 : i32
            %add3A_254 = arith.addi %add3A_253, %mul3A_197 : i32
            %get3A_255 = arith.index_cast %add3A_254 : i32 to index
            %get3A_256 = tpu.vector_load %arg17[%get3A_255] {strides = array<i32>} : memref<6160xf32, #tpu.memory_space<vmem>>, vector<16xf32>,
            %add3A_257 = arith.addf %add3A_252, %get3A_256 : vector<16xf32>
            %add3A_258 = arith.constant 4620 : i32
            %add3A_259 = arith.addi %add3A_258, %mul3A_197 : i32
            %get3A_260 = arith.index_cast %add3A_259 : i32 to index
            %get3A_261 = tpu.vector_load %arg17[%get3A_260] {strides = array<i32>} : memref<6160xf32, #tpu.memory_space<vmem>>, vector<16xf32>,
            %add3A_262 = arith.addf %add3A_257, %get3A_261 : vector<16xf32>
            %add3A_263 = arith.constant 5005 : i32
            %add3A_264 = arith.addi %add3A_263, %mul3A_197 : i32
            %get3A_265 = arith.index_cast %add3A_264 : i32 to index
            %get3A_266 = tpu.vector_load %arg17[%get3A_265] {strides = array<i32>} : memref<6160xf32, #tpu.memory_space<vmem>>, vector<16xf32>,
            %add3A_267 = arith.addf %add3A_262, %get3A_266 : vector<16xf32>
            %add3A_268 = arith.constant 5390 : i32
            %add3A_269 = arith.addi %add3A_268, %mul3A_197 : i32
            %get3A_270 = arith.index_cast %add3A_269 : i32 to index
            %get3A_271 = tpu.vector_load %arg17[%get3A_270] {strides = array<i32>} : memref<6160xf32, #tpu.memory_space<vmem>>, vector<16xf32>,
            %add3A_272 = arith.addf %add3A_267, %get3A_271 : vector<16xf32>
            %add3A_273 = arith.constant 5775 : i32
            %add3A_274 = arith.addi %add3A_273, %mul3A_197 : i32
            %get3A_275 = arith.index_cast %add3A_274 : i32 to index
            %get3A_276 = tpu.vector_load %arg17[%get3A_275] {strides = array<i32>} : memref<6160xf32, #tpu.memory_space<vmem>>, vector<16xf32>,
            %add3A_277 = arith.addf %add3A_272, %get3A_276 : vector<16xf32>
            %add3A_278 = arith.constant 0 : i32
            %add3A_279 = arith.addi %add3A_278, %mul3A_197 : i32
            %swap3A = arith.index_cast %add3A_279 : i32 to index
            %swap3A_280 = tpu.vector_load %arg17[%swap3A] {strides = array<i32>} : memref<6160xf32, #tpu.memory_space<vmem>>, vector<16xf32>,
            tpu.vector_store %arg17[%swap3A], %broadcast_in_dim3A_1 {strides = array<i32>} : memref<6160xf32, #tpu.memory_space<vmem>>, vector<16xf32>,
            %add3A_281 = arith.constant 385 : i32
            %add3A_282 = arith.addi %add3A_281, %mul3A_197 : i32
            %swap3A_283 = arith.index_cast %add3A_282 : i32 to index
            %swap3A_284 = tpu.vector_load %arg17[%swap3A_283] {strides = array<i32>} : memref<6160xf32, #tpu.memory_space<vmem>>, vector<16xf32>,
            tpu.vector_store %arg17[%swap3A_283], %broadcast_in_dim3A_1 {strides = array<i32>} : memref<6160xf32, #tpu.memory_space<vmem>>, vector<16xf32>,
            %add3A_285 = arith.constant 770 : i32
            %add3A_286 = arith.addi %add3A_285, %mul3A_197 : i32
            %swap3A_287 = arith.index_cast %add3A_286 : i32 to index
            %swap3A_288 = tpu.vector_load %arg17[%swap3A_287] {strides = array<i32>} : memref<6160xf32, #tpu.memory_space<vmem>>, vector<16xf32>,
            tpu.vector_store %arg17[%swap3A_287], %broadcast_in_dim3A_1 {strides = array<i32>} : memref<6160xf32, #tpu.memory_space<vmem>>, vector<16xf32>,
            %add3A_289 = arith.constant 1155 : i32
            %add3A_290 = arith.addi %add3A_289, %mul3A_197 : i32
            %swap3A_291 = arith.index_cast %add3A_290 : i32 to index
            %swap3A_292 = tpu.vector_load %arg17[%swap3A_291] {strides = array<i32>} : memref<6160xf32, #tpu.memory_space<vmem>>, vector<16xf32>,
            tpu.vector_store %arg17[%swap3A_291], %broadcast_in_dim3A_1 {strides = array<i32>} : memref<6160xf32, #tpu.memory_space<vmem>>, vector<16xf32>,
            %add3A_293 = arith.constant 1540 : i32
            %add3A_294 = arith.addi %add3A_293, %mul3A_197 : i32
            %swap3A_295 = arith.index_cast %add3A_294 : i32 to index
            %swap3A_296 = tpu.vector_load %arg17[%swap3A_295] {strides = array<i32>} : memref<6160xf32, #tpu.memory_space<vmem>>, vector<16xf32>,
            tpu.vector_store %arg17[%swap3A_295], %broadcast_in_dim3A_1 {strides = array<i32>} : memref<6160xf32, #tpu.memory_space<vmem>>, vector<16xf32>,
            %add3A_297 = arith.constant 1925 : i32
            %add3A_298 = arith.addi %add3A_297, %mul3A_197 : i32
            %swap3A_299 = arith.index_cast %add3A_298 : i32 to index
            %swap3A_300 = tpu.vector_load %arg17[%swap3A_299] {strides = array<i32>} : memref<6160xf32, #tpu.memory_space<vmem>>, vector<16xf32>,
            tpu.vector_store %arg17[%swap3A_299], %broadcast_in_dim3A_1 {strides = array<i32>} : memref<6160xf32, #tpu.memory_space<vmem>>, vector<16xf32>,
            %add3A_301 = arith.constant 2310 : i32
            %add3A_302 = arith.addi %add3A_301, %mul3A_197 : i32
            %swap3A_303 = arith.index_cast %add3A_302 : i32 to index
            %swap3A_304 = tpu.vector_load %arg17[%swap3A_303] {strides = array<i32>} : memref<6160xf32, #tpu.memory_space<vmem>>, vector<16xf32>,
            tpu.vector_store %arg17[%swap3A_303], %broadcast_in_dim3A_1 {strides = array<i32>} : memref<6160xf32, #tpu.memory_space<vmem>>, vector<16xf32>,
            %add3A_305 = arith.constant 2695 : i32
            %add3A_306 = arith.addi %add3A_305, %mul3A_197 : i32
            %swap3A_307 = arith.index_cast %add3A_306 : i32 to index
            %swap3A_308 = tpu.vector_load %arg17[%swap3A_307] {strides = array<i32>} : memref<6160xf32, #tpu.memory_space<vmem>>, vector<16xf32>,
            tpu.vector_store %arg17[%swap3A_307], %broadcast_in_dim3A_1 {strides = array<i32>} : memref<6160xf32, #tpu.memory_space<vmem>>, vector<16xf32>,
            %add3A_309 = arith.constant 3080 : i32
            %add3A_310 = arith.addi %add3A_309, %mul3A_197 : i32
            %swap3A_311 = arith.index_cast %add3A_310 : i32 to index
            %swap3A_312 = tpu.vector_load %arg17[%swap3A_311] {strides = array<i32>} : memref<6160xf32, #tpu.memory_space<vmem>>, vector<16xf32>,
            tpu.vector_store %arg17[%swap3A_311], %broadcast_in_dim3A_1 {strides = array<i32>} : memref<6160xf32, #tpu.memory_space<vmem>>, vector<16xf32>,
            %add3A_313 = arith.constant 3465 : i32
            %add3A_314 = arith.addi %add3A_313, %mul3A_197 : i32
            %swap3A_315 = arith.index_cast %add3A_314 : i32 to index
            %swap3A_316 = tpu.vector_load %arg17[%swap3A_315] {strides = array<i32>} : memref<6160xf32, #tpu.memory_space<vmem>>, vector<16xf32>,
            tpu.vector_store %arg17[%swap3A_315], %broadcast_in_dim3A_1 {strides = array<i32>} : memref<6160xf32, #tpu.memory_space<vmem>>, vector<16xf32>,
            %add3A_317 = arith.constant 3850 : i32
            %add3A_318 = arith.addi %add3A_317, %mul3A_197 : i32
            %swap3A_319 = arith.index_cast %add3A_318 : i32 to index
            %swap3A_320 = tpu.vector_load %arg17[%swap3A_319] {strides = array<i32>} : memref<6160xf32, #tpu.memory_space<vmem>>, vector<16xf32>,
            tpu.vector_store %arg17[%swap3A_319], %broadcast_in_dim3A_1 {strides = array<i32>} : memref<6160xf32, #tpu.memory_space<vmem>>, vector<16xf32>,
            %add3A_321 = arith.constant 4235 : i32
            %add3A_322 = arith.addi %add3A_321, %mul3A_197 : i32
            %swap3A_323 = arith.index_cast %add3A_322 : i32 to index
            %swap3A_324 = tpu.vector_load %arg17[%swap3A_323] {strides = array<i32>} : memref<6160xf32, #tpu.memory_space<vmem>>, vector<16xf32>,
            tpu.vector_store %arg17[%swap3A_323], %broadcast_in_dim3A_1 {strides = array<i32>} : memref<6160xf32, #tpu.memory_space<vmem>>, vector<16xf32>,
            %add3A_325 = arith.constant 4620 : i32
            %add3A_326 = arith.addi %add3A_325, %mul3A_197 : i32
            %swap3A_327 = arith.index_cast %add3A_326 : i32 to index
            %swap3A_328 = tpu.vector_load %arg17[%swap3A_327] {strides = array<i32>} : memref<6160xf32, #tpu.memory_space<vmem>>, vector<16xf32>,
            tpu.vector_store %arg17[%swap3A_327], %broadcast_in_dim3A_1 {strides = array<i32>} : memref<6160xf32, #tpu.memory_space<vmem>>, vector<16xf32>,
            %add3A_329 = arith.constant 5005 : i32
            %add3A_330 = arith.addi %add3A_329, %mul3A_197 : i32
            %swap3A_331 = arith.index_cast %add3A_330 : i32 to index
            %swap3A_332 = tpu.vector_load %arg17[%swap3A_331] {strides = array<i32>} : memref<6160xf32, #tpu.memory_space<vmem>>, vector<16xf32>,
            tpu.vector_store %arg17[%swap3A_331], %broadcast_in_dim3A_1 {strides = array<i32>} : memref<6160xf32, #tpu.memory_space<vmem>>, vector<16xf32>,
            %add3A_333 = arith.constant 5390 : i32
            %add3A_334 = arith.addi %add3A_333, %mul3A_197 : i32
            %swap3A_335 = arith.index_cast %add3A_334 : i32 to index
            %swap3A_336 = tpu.vector_load %arg17[%swap3A_335] {strides = array<i32>} : memref<6160xf32, #tpu.memory_space<vmem>>, vector<16xf32>,
            tpu.vector_store %arg17[%swap3A_335], %broadcast_in_dim3A_1 {strides = array<i32>} : memref<6160xf32, #tpu.memory_space<vmem>>, vector<16xf32>,
            %add3A_337 = arith.constant 5775 : i32
            %add3A_338 = arith.addi %add3A_337, %mul3A_197 : i32
            %swap3A_339 = arith.index_cast %add3A_338 : i32 to index
            %swap3A_340 = tpu.vector_load %arg17[%swap3A_339] {strides = array<i32>} : memref<6160xf32, #tpu.memory_space<vmem>>, vector<16xf32>,
            tpu.vector_store %arg17[%swap3A_339], %broadcast_in_dim3A_1 {strides = array<i32>} : memref<6160xf32, #tpu.memory_space<vmem>>, vector<16xf32>,
            %swap3A_341 = arith.index_cast %mul3A_197 : i32 to index
            %swap3A_342 = tpu.vector_load %arg18[%swap3A_341] {strides = array<i32>} : memref<384xf32, #tpu.memory_space<vmem>>, vector<16xf32>,
            tpu.vector_store %arg18[%swap3A_341], %add3A_277 {strides = array<i32>} : memref<384xf32, #tpu.memory_space<vmem>>, vector<16xf32>,
            %get3A_343 = arith.index_cast %mul3A_197 : i32 to index
            %get3A_344 = tpu.vector_load %arg19[%get3A_343] {strides = array<i32>} : memref<384xi32, #tpu.memory_space<vmem>>, vector<16xi32>,
            %add3A_345 = vector.broadcast %reduce_min3A_117 : i32 to vector<16xi32>
            %add3A_346 = arith.addi %get3A_344, %add3A_345 : vector<16xi32>
            %min3A = arith.constant 65535 : i32
            %min3A_347 = vector.broadcast %min3A : i32 to vector<16xi32>
            %min3A_348 = arith.minsi %add3A_346, %min3A_347 : vector<16xi32>
            %swap3A_349 = arith.index_cast %mul3A_197 : i32 to index
            %swap3A_350 = tpu.vector_load %arg20[%swap3A_349] {strides = array<i32>} : memref<384xi32, #tpu.memory_space<vmem>>, vector<16xi32>,
            tpu.vector_store %arg20[%swap3A_349], %min3A_348 {strides = array<i32>} : memref<384xi32, #tpu.memory_space<vmem>>, vector<16xi32>,
            %while3A_351 = arith.constant 0 : i32
            scf.yield %while3A_351 : i32
          }
          %while3A_180 = arith.constant 1 : i32
          %while3A_181 = scf.for %while3A_194 = %while3A_177 to %while3A_173 step %while3A_180 iter_args(%while3A_195 = %while3A_179) -> (i32)  : i32 {
            %mul3A_196 = arith.constant 16 : i32
            %mul3A_197 = arith.muli %while3A_194, %mul3A_196 : i32
            %add3A_198 = arith.constant 0 : i32
            %add3A_199 = arith.addi %add3A_198, %mul3A_197 : i32
            %get3A_200 = arith.index_cast %add3A_199 : i32 to index
            %get3A_201 = tpu.vector_load %arg17[%get3A_200] {strides = array<i32>} : memref<6160xf32, #tpu.memory_space<vmem>>, vector<16xf32>,
            %add3A_202 = arith.addf %broadcast_in_dim3A_1, %get3A_201 : vector<16xf32>
            %add3A_203 = arith.constant 385 : i32
            %add3A_204 = arith.addi %add3A_203, %mul3A_197 : i32
            %get3A_205 = arith.index_cast %add3A_204 : i32 to index
            %get3A_206 = tpu.vector_load %arg17[%get3A_205] {strides = array<i32>} : memref<6160xf32, #tpu.memory_space<vmem>>, vector<16xf32>,
            %add3A_207 = arith.addf %add3A_202, %get3A_206 : vector<16xf32>
            %add3A_208 = arith.constant 770 : i32
            %add3A_209 = arith.addi %add3A_208, %mul3A_197 : i32
            %get3A_210 = arith.index_cast %add3A_209 : i32 to index
            %get3A_211 = tpu.vector_load %arg17[%get3A_210] {strides = array<i32>} : memref<6160xf32, #tpu.memory_space<vmem>>, vector<16xf32>,
            %add3A_212 = arith.addf %add3A_207, %get3A_211 : vector<16xf32>
            %add3A_213 = arith.constant 1155 : i32
            %add3A_214 = arith.addi %add3A_213, %mul3A_197 : i32
            %get3A_215 = arith.index_cast %add3A_214 : i32 to index
            %get3A_216 = tpu.vector_load %arg17[%get3A_215] {strides = array<i32>} : memref<6160xf32, #tpu.memory_space<vmem>>, vector<16xf32>,
            %add3A_217 = arith.addf %add3A_212, %get3A_216 : vector<16xf32>
            %add3A_218 = arith.constant 1540 : i32
            %add3A_219 = arith.addi %add3A_218, %mul3A_197 : i32
            %get3A_220 = arith.index_cast %add3A_219 : i32 to index
            %get3A_221 = tpu.vector_load %arg17[%get3A_220] {strides = array<i32>} : memref<6160xf32, #tpu.memory_space<vmem>>, vector<16xf32>,
            %add3A_222 = arith.addf %add3A_217, %get3A_221 : vector<16xf32>
            %add3A_223 = arith.constant 1925 : i32
            %add3A_224 = arith.addi %add3A_223, %mul3A_197 : i32
            %get3A_225 = arith.index_cast %add3A_224 : i32 to index
            %get3A_226 = tpu.vector_load %arg17[%get3A_225] {strides = array<i32>} : memref<6160xf32, #tpu.memory_space<vmem>>, vector<16xf32>,
            %add3A_227 = arith.addf %add3A_222, %get3A_226 : vector<16xf32>
            %add3A_228 = arith.constant 2310 : i32
            %add3A_229 = arith.addi %add3A_228, %mul3A_197 : i32
            %get3A_230 = arith.index_cast %add3A_229 : i32 to index
            %get3A_231 = tpu.vector_load %arg17[%get3A_230] {strides = array<i32>} : memref<6160xf32, #tpu.memory_space<vmem>>, vector<16xf32>,
            %add3A_232 = arith.addf %add3A_227, %get3A_231 : vector<16xf32>
            %add3A_233 = arith.constant 2695 : i32
            %add3A_234 = arith.addi %add3A_233, %mul3A_197 : i32
            %get3A_235 = arith.index_cast %add3A_234 : i32 to index
            %get3A_236 = tpu.vector_load %arg17[%get3A_235] {strides = array<i32>} : memref<6160xf32, #tpu.memory_space<vmem>>, vector<16xf32>,
            %add3A_237 = arith.addf %add3A_232, %get3A_236 : vector<16xf32>
            %add3A_238 = arith.constant 3080 : i32
            %add3A_239 = arith.addi %add3A_238, %mul3A_197 : i32
            %get3A_240 = arith.index_cast %add3A_239 : i32 to index
            %get3A_241 = tpu.vector_load %arg17[%get3A_240] {strides = array<i32>} : memref<6160xf32, #tpu.memory_space<vmem>>, vector<16xf32>,
            %add3A_242 = arith.addf %add3A_237, %get3A_241 : vector<16xf32>
            %add3A_243 = arith.constant 3465 : i32
            %add3A_244 = arith.addi %add3A_243, %mul3A_197 : i32
            %get3A_245 = arith.index_cast %add3A_244 : i32 to index
            %get3A_246 = tpu.vector_load %arg17[%get3A_245] {strides = array<i32>} : memref<6160xf32, #tpu.memory_space<vmem>>, vector<16xf32>,
            %add3A_247 = arith.addf %add3A_242, %get3A_246 : vector<16xf32>
            %add3A_248 = arith.constant 3850 : i32
            %add3A_249 = arith.addi %add3A_248, %mul3A_197 : i32
            %get3A_250 = arith.index_cast %add3A_249 : i32 to index
            %get3A_251 = tpu.vector_load %arg17[%get3A_250] {strides = array<i32>} : memref<6160xf32, #tpu.memory_space<vmem>>, vector<16xf32>,
            %add3A_252 = arith.addf %add3A_247, %get3A_251 : vector<16xf32>
            %add3A_253 = arith.constant 4235 : i32
            %add3A_254 = arith.addi %add3A_253, %mul3A_197 : i32
            %get3A_255 = arith.index_cast %add3A_254 : i32 to index
            %get3A_256 = tpu.vector_load %arg17[%get3A_255] {strides = array<i32>} : memref<6160xf32, #tpu.memory_space<vmem>>, vector<16xf32>,
            %add3A_257 = arith.addf %add3A_252, %get3A_256 : vector<16xf32>
            %add3A_258 = arith.constant 4620 : i32
            %add3A_259 = arith.addi %add3A_258, %mul3A_197 : i32
            %get3A_260 = arith.index_cast %add3A_259 : i32 to index
            %get3A_261 = tpu.vector_load %arg17[%get3A_260] {strides = array<i32>} : memref<6160xf32, #tpu.memory_space<vmem>>, vector<16xf32>,
            %add3A_262 = arith.addf %add3A_257, %get3A_261 : vector<16xf32>
            %add3A_263 = arith.constant 5005 : i32
            %add3A_264 = arith.addi %add3A_263, %mul3A_197 : i32
            %get3A_265 = arith.index_cast %add3A_264 : i32 to index
            %get3A_266 = tpu.vector_load %arg17[%get3A_265] {strides = array<i32>} : memref<6160xf32, #tpu.memory_space<vmem>>, vector<16xf32>,
            %add3A_267 = arith.addf %add3A_262, %get3A_266 : vector<16xf32>
            %add3A_268 = arith.constant 5390 : i32
            %add3A_269 = arith.addi %add3A_268, %mul3A_197 : i32
            %get3A_270 = arith.index_cast %add3A_269 : i32 to index
            %get3A_271 = tpu.vector_load %arg17[%get3A_270] {strides = array<i32>} : memref<6160xf32, #tpu.memory_space<vmem>>, vector<16xf32>,
            %add3A_272 = arith.addf %add3A_267, %get3A_271 : vector<16xf32>
            %add3A_273 = arith.constant 5775 : i32
            %add3A_274 = arith.addi %add3A_273, %mul3A_197 : i32
            %get3A_275 = arith.index_cast %add3A_274 : i32 to index
            %get3A_276 = tpu.vector_load %arg17[%get3A_275] {strides = array<i32>} : memref<6160xf32, #tpu.memory_space<vmem>>, vector<16xf32>,
            %add3A_277 = arith.addf %add3A_272, %get3A_276 : vector<16xf32>
            %add3A_278 = arith.constant 0 : i32
            %add3A_279 = arith.addi %add3A_278, %mul3A_197 : i32
            %swap3A = arith.index_cast %add3A_279 : i32 to index
            %swap3A_280 = tpu.vector_load %arg17[%swap3A] {strides = array<i32>} : memref<6160xf32, #tpu.memory_space<vmem>>, vector<16xf32>,
            tpu.vector_store %arg17[%swap3A], %broadcast_in_dim3A_1 {strides = array<i32>} : memref<6160xf32, #tpu.memory_space<vmem>>, vector<16xf32>,
            %add3A_281 = arith.constant 385 : i32
            %add3A_282 = arith.addi %add3A_281, %mul3A_197 : i32
            %swap3A_283 = arith.index_cast %add3A_282 : i32 to index
            %swap3A_284 = tpu.vector_load %arg17[%swap3A_283] {strides = array<i32>} : memref<6160xf32, #tpu.memory_space<vmem>>, vector<16xf32>,
            tpu.vector_store %arg17[%swap3A_283], %broadcast_in_dim3A_1 {strides = array<i32>} : memref<6160xf32, #tpu.memory_space<vmem>>, vector<16xf32>,
            %add3A_285 = arith.constant 770 : i32
            %add3A_286 = arith.addi %add3A_285, %mul3A_197 : i32
            %swap3A_287 = arith.index_cast %add3A_286 : i32 to index
            %swap3A_288 = tpu.vector_load %arg17[%swap3A_287] {strides = array<i32>} : memref<6160xf32, #tpu.memory_space<vmem>>, vector<16xf32>,
            tpu.vector_store %arg17[%swap3A_287], %broadcast_in_dim3A_1 {strides = array<i32>} : memref<6160xf32, #tpu.memory_space<vmem>>, vector<16xf32>,
            %add3A_289 = arith.constant 1155 : i32
            %add3A_290 = arith.addi %add3A_289, %mul3A_197 : i32
            %swap3A_291 = arith.index_cast %add3A_290 : i32 to index
            %swap3A_292 = tpu.vector_load %arg17[%swap3A_291] {strides = array<i32>} : memref<6160xf32, #tpu.memory_space<vmem>>, vector<16xf32>,
            tpu.vector_store %arg17[%swap3A_291], %broadcast_in_dim3A_1 {strides = array<i32>} : memref<6160xf32, #tpu.memory_space<vmem>>, vector<16xf32>,
            %add3A_293 = arith.constant 1540 : i32
            %add3A_294 = arith.addi %add3A_293, %mul3A_197 : i32
            %swap3A_295 = arith.index_cast %add3A_294 : i32 to index
            %swap3A_296 = tpu.vector_load %arg17[%swap3A_295] {strides = array<i32>} : memref<6160xf32, #tpu.memory_space<vmem>>, vector<16xf32>,
            tpu.vector_store %arg17[%swap3A_295], %broadcast_in_dim3A_1 {strides = array<i32>} : memref<6160xf32, #tpu.memory_space<vmem>>, vector<16xf32>,
            %add3A_297 = arith.constant 1925 : i32
            %add3A_298 = arith.addi %add3A_297, %mul3A_197 : i32
            %swap3A_299 = arith.index_cast %add3A_298 : i32 to index
            %swap3A_300 = tpu.vector_load %arg17[%swap3A_299] {strides = array<i32>} : memref<6160xf32, #tpu.memory_space<vmem>>, vector<16xf32>,
            tpu.vector_store %arg17[%swap3A_299], %broadcast_in_dim3A_1 {strides = array<i32>} : memref<6160xf32, #tpu.memory_space<vmem>>, vector<16xf32>,
            %add3A_301 = arith.constant 2310 : i32
            %add3A_302 = arith.addi %add3A_301, %mul3A_197 : i32
            %swap3A_303 = arith.index_cast %add3A_302 : i32 to index
            %swap3A_304 = tpu.vector_load %arg17[%swap3A_303] {strides = array<i32>} : memref<6160xf32, #tpu.memory_space<vmem>>, vector<16xf32>,
            tpu.vector_store %arg17[%swap3A_303], %broadcast_in_dim3A_1 {strides = array<i32>} : memref<6160xf32, #tpu.memory_space<vmem>>, vector<16xf32>,
            %add3A_305 = arith.constant 2695 : i32
            %add3A_306 = arith.addi %add3A_305, %mul3A_197 : i32
            %swap3A_307 = arith.index_cast %add3A_306 : i32 to index
            %swap3A_308 = tpu.vector_load %arg17[%swap3A_307] {strides = array<i32>} : memref<6160xf32, #tpu.memory_space<vmem>>, vector<16xf32>,
            tpu.vector_store %arg17[%swap3A_307], %broadcast_in_dim3A_1 {strides = array<i32>} : memref<6160xf32, #tpu.memory_space<vmem>>, vector<16xf32>,
            %add3A_309 = arith.constant 3080 : i32
            %add3A_310 = arith.addi %add3A_309, %mul3A_197 : i32
            %swap3A_311 = arith.index_cast %add3A_310 : i32 to index
            %swap3A_312 = tpu.vector_load %arg17[%swap3A_311] {strides = array<i32>} : memref<6160xf32, #tpu.memory_space<vmem>>, vector<16xf32>,
            tpu.vector_store %arg17[%swap3A_311], %broadcast_in_dim3A_1 {strides = array<i32>} : memref<6160xf32, #tpu.memory_space<vmem>>, vector<16xf32>,
            %add3A_313 = arith.constant 3465 : i32
            %add3A_314 = arith.addi %add3A_313, %mul3A_197 : i32
            %swap3A_315 = arith.index_cast %add3A_314 : i32 to index
            %swap3A_316 = tpu.vector_load %arg17[%swap3A_315] {strides = array<i32>} : memref<6160xf32, #tpu.memory_space<vmem>>, vector<16xf32>,
            tpu.vector_store %arg17[%swap3A_315], %broadcast_in_dim3A_1 {strides = array<i32>} : memref<6160xf32, #tpu.memory_space<vmem>>, vector<16xf32>,
            %add3A_317 = arith.constant 3850 : i32
            %add3A_318 = arith.addi %add3A_317, %mul3A_197 : i32
            %swap3A_319 = arith.index_cast %add3A_318 : i32 to index
            %swap3A_320 = tpu.vector_load %arg17[%swap3A_319] {strides = array<i32>} : memref<6160xf32, #tpu.memory_space<vmem>>, vector<16xf32>,
            tpu.vector_store %arg17[%swap3A_319], %broadcast_in_dim3A_1 {strides = array<i32>} : memref<6160xf32, #tpu.memory_space<vmem>>, vector<16xf32>,
            %add3A_321 = arith.constant 4235 : i32
            %add3A_322 = arith.addi %add3A_321, %mul3A_197 : i32
            %swap3A_323 = arith.index_cast %add3A_322 : i32 to index
            %swap3A_324 = tpu.vector_load %arg17[%swap3A_323] {strides = array<i32>} : memref<6160xf32, #tpu.memory_space<vmem>>, vector<16xf32>,
            tpu.vector_store %arg17[%swap3A_323], %broadcast_in_dim3A_1 {strides = array<i32>} : memref<6160xf32, #tpu.memory_space<vmem>>, vector<16xf32>,
            %add3A_325 = arith.constant 4620 : i32
            %add3A_326 = arith.addi %add3A_325, %mul3A_197 : i32
            %swap3A_327 = arith.index_cast %add3A_326 : i32 to index
            %swap3A_328 = tpu.vector_load %arg17[%swap3A_327] {strides = array<i32>} : memref<6160xf32, #tpu.memory_space<vmem>>, vector<16xf32>,
            tpu.vector_store %arg17[%swap3A_327], %broadcast_in_dim3A_1 {strides = array<i32>} : memref<6160xf32, #tpu.memory_space<vmem>>, vector<16xf32>,
            %add3A_329 = arith.constant 5005 : i32
            %add3A_330 = arith.addi %add3A_329, %mul3A_197 : i32
            %swap3A_331 = arith.index_cast %add3A_330 : i32 to index
            %swap3A_332 = tpu.vector_load %arg17[%swap3A_331] {strides = array<i32>} : memref<6160xf32, #tpu.memory_space<vmem>>, vector<16xf32>,
            tpu.vector_store %arg17[%swap3A_331], %broadcast_in_dim3A_1 {strides = array<i32>} : memref<6160xf32, #tpu.memory_space<vmem>>, vector<16xf32>,
            %add3A_333 = arith.constant 5390 : i32
            %add3A_334 = arith.addi %add3A_333, %mul3A_197 : i32
            %swap3A_335 = arith.index_cast %add3A_334 : i32 to index
            %swap3A_336 = tpu.vector_load %arg17[%swap3A_335] {strides = array<i32>} : memref<6160xf32, #tpu.memory_space<vmem>>, vector<16xf32>,
            tpu.vector_store %arg17[%swap3A_335], %broadcast_in_dim3A_1 {strides = array<i32>} : memref<6160xf32, #tpu.memory_space<vmem>>, vector<16xf32>,
            %add3A_337 = arith.constant 5775 : i32
            %add3A_338 = arith.addi %add3A_337, %mul3A_197 : i32
            %swap3A_339 = arith.index_cast %add3A_338 : i32 to index
            %swap3A_340 = tpu.vector_load %arg17[%swap3A_339] {strides = array<i32>} : memref<6160xf32, #tpu.memory_space<vmem>>, vector<16xf32>,
            tpu.vector_store %arg17[%swap3A_339], %broadcast_in_dim3A_1 {strides = array<i32>} : memref<6160xf32, #tpu.memory_space<vmem>>, vector<16xf32>,
            %swap3A_341 = arith.index_cast %mul3A_197 : i32 to index
            %swap3A_342 = tpu.vector_load %arg18[%swap3A_341] {strides = array<i32>} : memref<384xf32, #tpu.memory_space<vmem>>, vector<16xf32>,
            tpu.vector_store %arg18[%swap3A_341], %add3A_277 {strides = array<i32>} : memref<384xf32, #tpu.memory_space<vmem>>, vector<16xf32>,
            %get3A_343 = arith.index_cast %mul3A_197 : i32 to index
            %get3A_344 = tpu.vector_load %arg19[%get3A_343] {strides = array<i32>} : memref<384xi32, #tpu.memory_space<vmem>>, vector<16xi32>,
            %add3A_345 = vector.broadcast %reduce_min3A_117 : i32 to vector<16xi32>
            %add3A_346 = arith.addi %get3A_344, %add3A_345 : vector<16xi32>
            %min3A = arith.constant 65535 : i32
            %min3A_347 = vector.broadcast %min3A : i32 to vector<16xi32>
            %min3A_348 = arith.minsi %add3A_346, %min3A_347 : vector<16xi32>
            %swap3A_349 = arith.index_cast %mul3A_197 : i32 to index
            %swap3A_350 = tpu.vector_load %arg20[%swap3A_349] {strides = array<i32>} : memref<384xi32, #tpu.memory_space<vmem>>, vector<16xi32>,
            tpu.vector_store %arg20[%swap3A_349], %min3A_348 {strides = array<i32>} : memref<384xi32, #tpu.memory_space<vmem>>, vector<16xi32>,
            %while3A_351 = arith.constant 0 : i32
            scf.yield %while3A_351 : i32
          }
          "tpu.region"() ({
            %run_scoped3A = tpu.sem_alloc : memref<!tpu.dma_semaphore, #tpu.memory_space<semaphore_mem>>
            %dma_start3A = arith.constant 0 : i32
            %dma_start3A_194 = tpu.memref_slice %arg21[%dma_start3A] : memref<65536xf32, #tpu.memory_space<vmem_shared>> -> memref<65536xf32, #tpu.memory_space<vmem_shared>>
            tpu.enqueue_indirect_dma source(%arg18 : memref<384xf32, #tpu.memory_space<vmem>>) target(%dma_start3A_194 : memref<65536xf32, #tpu.memory_space<vmem_shared>>) offsets(%arg20 : memref<384xi32, #tpu.memory_space<vmem>>) semaphore(%run_scoped3A : memref<!tpu.dma_semaphore, #tpu.memory_space<semaphore_mem>>) {add = true}
            %dma_wait3A_195 = arith.constant 0 : i32
            %dma_wait3A_196 = tpu.memref_slice %arg21[%dma_wait3A_195] : memref<65536xf32, #tpu.memory_space<vmem_shared>> -> memref<65536xf32, #tpu.memory_space<vmem_shared>>
            tpu.wait_indirect_dma semaphore(%run_scoped3A : memref<!tpu.dma_semaphore, #tpu.memory_space<semaphore_mem>>) src(%arg18 : memref<384xf32, #tpu.memory_space<vmem>>) dst(%dma_wait3A_196 : memref<65536xf32, #tpu.memory_space<vmem_shared>>)
            tpu.yield
          }) : () -> ()
          %while3A_182 = arith.constant 0 : i32
          %while3A_183 = arith.constant 0 : i32
          %while3A_184 = arith.subi %select_n3A_169, %while3A_182 : i32
          %while3A_185 = arith.addi %while3A_182, %while3A_184 : i32
          %while3A_186 = arith.constant 1 : i32
          %while3A_187 = arith.divsi %while3A_184, %while3A_186 : i32
          %while3A_188 = arith.muli %while3A_187, %while3A_186 : i32
          %while3A_189 = arith.addi %while3A_182, %while3A_188 : i32
          %while3A_190 = arith.constant 1 : i32
          %while3A_191 = scf.for %while3A_194 = %while3A_182 to %while3A_189 step %while3A_190 iter_args(%while3A_195 = %while3A_183) -> (i32)  : i32 {
            %mul3A_196 = arith.constant 16 : i32
            %mul3A_197 = arith.muli %while3A_194, %mul3A_196 : i32
            %swap3A = arith.index_cast %mul3A_197 : i32 to index
            %swap3A_198 = tpu.vector_load %arg18[%swap3A] {strides = array<i32>} : memref<384xf32, #tpu.memory_space<vmem>>, vector<16xf32>,
            tpu.vector_store %arg18[%swap3A], %broadcast_in_dim3A_1 {strides = array<i32>} : memref<384xf32, #tpu.memory_space<vmem>>, vector<16xf32>,
            %while3A_199 = arith.constant 0 : i32
            scf.yield %while3A_199 : i32
          }
          %while3A_192 = arith.constant 1 : i32
          %while3A_193 = scf.for %while3A_194 = %while3A_189 to %while3A_185 step %while3A_192 iter_args(%while3A_195 = %while3A_191) -> (i32)  : i32 {
            %mul3A_196 = arith.constant 16 : i32
            %mul3A_197 = arith.muli %while3A_194, %mul3A_196 : i32
            %swap3A = arith.index_cast %mul3A_197 : i32 to index
            %swap3A_198 = tpu.vector_load %arg18[%swap3A] {strides = array<i32>} : memref<384xf32, #tpu.memory_space<vmem>>, vector<16xf32>,
            tpu.vector_store %arg18[%swap3A], %broadcast_in_dim3A_1 {strides = array<i32>} : memref<384xf32, #tpu.memory_space<vmem>>, vector<16xf32>,
            %while3A_199 = arith.constant 0 : i32
            scf.yield %while3A_199 : i32
          }
        } else {
        }
        %sub3A_136 = arith.subi %reduce_max3A_126, %reduce_min3A_117 : i32
        %ge3A = arith.constant 384 : i32
        %ge3A_137 = arith.cmpi sge, %sub3A_136, %ge3A : i32
        %convert_element_type3A_138 = arith.extui %ge3A_137 : i1 to i32
        %cond3A_139 = arith.constant 0 : i32
        %cond3A_140 = arith.cmpi ne, %convert_element_type3A_138, %cond3A_139 : i32
        scf.if %cond3A_140 {
          %scan3A_141 = arith.constant 0 : i32
          %scan3A_142 = arith.constant 0 : i32
          %scan3A_143 = arith.constant 560 : i32
          %scan3A_144 = arith.addi %scan3A_142, %scan3A_143 : i32
          %scan3A_145 = arith.constant 1 : i32
          %scan3A_146 = scf.for %scan3A_148 = %scan3A_142 to %scan3A_144 step %scan3A_145 iter_args(%scan3A_149 = %scan3A_141) -> (i32)  : i32 {
            %mul3A_150 = arith.constant 16 : i32
            %mul3A_151 = arith.muli %scan3A_148, %mul3A_150 : i32
            %get3A_152 = arith.index_cast %mul3A_151 : i32 to index
            %get3A_153 = tpu.vector_load %arg13[%get3A_152] {strides = array<i32>} : memref<8960xi32, #tpu.memory_space<vmem>>, vector<16xi32>,
            %mul3A_154 = arith.constant 16 : i32
            %mul3A_155 = arith.muli %scan3A_148, %mul3A_154 : i32
            %get3A_156 = arith.index_cast %mul3A_155 : i32 to index
            %get3A_157 = tpu.vector_load %arg11[%get3A_156] {strides = array<i32>} : memref<8960xf32, #tpu.memory_space<vmem>>, vector<16xf32>,
            %gather3A = tpu.vector_load_idx %arg10[%get3A_153] : memref<65536xf32, #tpu.memory_space<vmem>>[vector<16xi32>], vector<16xf32>,
            %mul3A_158 = arith.mulf %gather3A, %get3A_157 : vector<16xf32>
            %mul3A_159 = arith.constant 16 : i32
            %mul3A_160 = arith.muli %scan3A_148, %mul3A_159 : i32
            %swap3A = arith.index_cast %mul3A_160 : i32 to index
            %swap3A_161 = tpu.vector_load %arg11[%swap3A] {strides = array<i32>} : memref<8960xf32, #tpu.memory_space<vmem>>, vector<16xf32>,
            tpu.vector_store %arg11[%swap3A], %mul3A_158 {strides = array<i32>} : memref<8960xf32, #tpu.memory_space<vmem>>, vector<16xf32>,
            %scan3A_162 = arith.constant 0 : i32
            scf.yield %scan3A_162 : i32
          }
          %scan3A_147 = arith.constant 560 : i32
          "tpu.region"() ({
            %run_scoped3A = tpu.sem_alloc : memref<!tpu.dma_semaphore, #tpu.memory_space<semaphore_mem>>
            %dma_start3A = arith.constant 0 : i32
            %dma_start3A_148 = tpu.memref_slice %arg21[%dma_start3A] : memref<65536xf32, #tpu.memory_space<vmem_shared>> -> memref<65536xf32, #tpu.memory_space<vmem_shared>>
            tpu.enqueue_indirect_dma source(%arg11 : memref<8960xf32, #tpu.memory_space<vmem>>) target(%dma_start3A_148 : memref<65536xf32, #tpu.memory_space<vmem_shared>>) offsets(%arg15 : memref<8960xi32, #tpu.memory_space<vmem>>) semaphore(%run_scoped3A : memref<!tpu.dma_semaphore, #tpu.memory_space<semaphore_mem>>) {add = true}
            %dma_wait3A_149 = arith.constant 0 : i32
            %dma_wait3A_150 = tpu.memref_slice %arg21[%dma_wait3A_149] : memref<65536xf32, #tpu.memory_space<vmem_shared>> -> memref<65536xf32, #tpu.memory_space<vmem_shared>>
            tpu.wait_indirect_dma semaphore(%run_scoped3A : memref<!tpu.dma_semaphore, #tpu.memory_space<semaphore_mem>>) src(%arg11 : memref<8960xf32, #tpu.memory_space<vmem>>) dst(%dma_wait3A_150 : memref<65536xf32, #tpu.memory_space<vmem_shared>>)
            tpu.yield
          }) : () -> ()
        } else {
        }
      } else {
      }
      %add3A_79 = arith.constant 1 : i32
      %add3A_80 = arith.addi %add3A_73, %add3A_79 : i32
      %lt3A_81 = arith.cmpi slt, %add3A_80, %select_n3A : i32
      %convert_element_type3A_82 = arith.extui %lt3A_81 : i1 to i32
      %cond3A_83 = arith.constant 0 : i32
      %cond3A_84 = arith.cmpi ne, %convert_element_type3A_82, %cond3A_83 : i32
      scf.if %cond3A_84 {
        %mul3A_85 = arith.constant 32 : i32
        %mul3A_86 = arith.muli %add3A_80, %mul3A_85 : i32
        %add3A_87 = arith.addi %mul3A_86, %add3A : i32
        %mul3A_88 = arith.constant 8960 : i32
        %mul3A_89 = arith.muli %add3A_87, %mul3A_88 : i32
        %dma_wait3A = arith.constant 1 : i32
        %dma_wait3A_90 = tpu.memref_slice %arg2[%mul3A_89] : memref<4294967xf32, #tpu.memory_space<hbm>> -> memref<8960xf32, #tpu.memory_space<hbm>>
        %dma_wait3A_91 = tpu.memref_slice %arg22[%dma_wait3A] : memref<2x!tpu.dma_semaphore, #tpu.memory_space<semaphore_mem>> -> memref<1x!tpu.dma_semaphore, #tpu.memory_space<semaphore_mem>>
        %dma_wait3A_92 = tpu.memref_squeeze %dma_wait3A_91 : memref<1x!tpu.dma_semaphore, #tpu.memory_space<semaphore_mem>> -> memref<!tpu.dma_semaphore, #tpu.memory_space<semaphore_mem>>
        %dma_wait3A_93 = tpu.memref_slice %arg2[%mul3A_89] : memref<4294967xf32, #tpu.memory_space<hbm>> -> memref<8960xf32, #tpu.memory_space<hbm>>
        tpu.wait_dma2 semaphore(%dma_wait3A_92 : memref<!tpu.dma_semaphore, #tpu.memory_space<semaphore_mem>>) src(%dma_wait3A_93 : memref<8960xf32, #tpu.memory_space<hbm>>) dst(%arg12 : memref<8960xf32, #tpu.memory_space<vmem>>)
        %dma_wait3A_94 = arith.constant 1 : i32
        %dma_wait3A_95 = tpu.memref_slice %arg4[%mul3A_89] : memref<4294967xi32, #tpu.memory_space<hbm>> -> memref<8960xi32, #tpu.memory_space<hbm>>
        %dma_wait3A_96 = tpu.memref_slice %arg22[%dma_wait3A_94] : memref<2x!tpu.dma_semaphore, #tpu.memory_space<semaphore_mem>> -> memref<1x!tpu.dma_semaphore, #tpu.memory_space<semaphore_mem>>
        %dma_wait3A_97 = tpu.memref_squeeze %dma_wait3A_96 : memref<1x!tpu.dma_semaphore, #tpu.memory_space<semaphore_mem>> -> memref<!tpu.dma_semaphore, #tpu.memory_space<semaphore_mem>>
        %dma_wait3A_98 = tpu.memref_slice %arg4[%mul3A_89] : memref<4294967xi32, #tpu.memory_space<hbm>> -> memref<8960xi32, #tpu.memory_space<hbm>>
        tpu.wait_dma2 semaphore(%dma_wait3A_97 : memref<!tpu.dma_semaphore, #tpu.memory_space<semaphore_mem>>) src(%dma_wait3A_98 : memref<8960xi32, #tpu.memory_space<hbm>>) dst(%arg14 : memref<8960xi32, #tpu.memory_space<vmem>>)
        %dma_wait3A_99 = arith.constant 1 : i32
        %dma_wait3A_100 = tpu.memref_slice %arg3[%mul3A_89] : memref<4294967xi32, #tpu.memory_space<hbm>> -> memref<8960xi32, #tpu.memory_space<hbm>>
        %dma_wait3A_101 = tpu.memref_slice %arg22[%dma_wait3A_99] : memref<2x!tpu.dma_semaphore, #tpu.memory_space<semaphore_mem>> -> memref<1x!tpu.dma_semaphore, #tpu.memory_space<semaphore_mem>>
        %dma_wait3A_102 = tpu.memref_squeeze %dma_wait3A_101 : memref<1x!tpu.dma_semaphore, #tpu.memory_space<semaphore_mem>> -> memref<!tpu.dma_semaphore, #tpu.memory_space<semaphore_mem>>
        %dma_wait3A_103 = tpu.memref_slice %arg3[%mul3A_89] : memref<4294967xi32, #tpu.memory_space<hbm>> -> memref<8960xi32, #tpu.memory_space<hbm>>
        tpu.wait_dma2 semaphore(%dma_wait3A_102 : memref<!tpu.dma_semaphore, #tpu.memory_space<semaphore_mem>>) src(%dma_wait3A_103 : memref<8960xi32, #tpu.memory_space<hbm>>) dst(%arg16 : memref<8960xi32, #tpu.memory_space<vmem>>)
        %add3A_104 = arith.constant 1 : i32
        %add3A_105 = arith.addi %add3A_80, %add3A_104 : i32
        %lt3A_106 = arith.cmpi slt, %add3A_105, %select_n3A : i32
        %convert_element_type3A_107 = arith.extui %lt3A_106 : i1 to i32
        %cond3A_108 = arith.constant 0 : i32
        %cond3A_109 = arith.cmpi ne, %convert_element_type3A_107, %cond3A_108 : i32
        scf.if %cond3A_109 {
          %add3A_141 = arith.constant 1 : i32
          %add3A_142 = arith.addi %add3A_80, %add3A_141 : i32
          %mul3A_143 = arith.constant 32 : i32
          %mul3A_144 = arith.muli %add3A_142, %mul3A_143 : i32
          %add3A_145 = arith.addi %mul3A_144, %add3A : i32
          %mul3A_146 = arith.constant 8960 : i32
          %mul3A_147 = arith.muli %add3A_145, %mul3A_146 : i32
          %dma_start3A = arith.constant 0 : i32
          %dma_start3A_148 = tpu.memref_slice %arg2[%mul3A_147] : memref<4294967xf32, #tpu.memory_space<hbm>> -> memref<8960xf32, #tpu.memory_space<hbm>>
          %dma_start3A_149 = tpu.memref_slice %arg22[%dma_start3A] : memref<2x!tpu.dma_semaphore, #tpu.memory_space<semaphore_mem>> -> memref<1x!tpu.dma_semaphore, #tpu.memory_space<semaphore_mem>>
          %dma_start3A_150 = tpu.memref_squeeze %dma_start3A_149 : memref<1x!tpu.dma_semaphore, #tpu.memory_space<semaphore_mem>> -> memref<!tpu.dma_semaphore, #tpu.memory_space<semaphore_mem>>
          %dma_start3A_151 = tpu.memref_slice %arg2[%mul3A_147] : memref<4294967xf32, #tpu.memory_space<hbm>> -> memref<8960xf32, #tpu.memory_space<hbm>>
          tpu.enqueue_dma source(%dma_start3A_151 : memref<8960xf32, #tpu.memory_space<hbm>>) target(%arg11 : memref<8960xf32, #tpu.memory_space<vmem>>) target_semaphore(%dma_start3A_150 : memref<!tpu.dma_semaphore, #tpu.memory_space<semaphore_mem>>)
          %dma_start3A_152 = arith.constant 0 : i32
          %dma_start3A_153 = tpu.memref_slice %arg4[%mul3A_147] : memref<4294967xi32, #tpu.memory_space<hbm>> -> memref<8960xi32, #tpu.memory_space<hbm>>
          %dma_start3A_154 = tpu.memref_slice %arg22[%dma_start3A_152] : memref<2x!tpu.dma_semaphore, #tpu.memory_space<semaphore_mem>> -> memref<1x!tpu.dma_semaphore, #tpu.memory_space<semaphore_mem>>
          %dma_start3A_155 = tpu.memref_squeeze %dma_start3A_154 : memref<1x!tpu.dma_semaphore, #tpu.memory_space<semaphore_mem>> -> memref<!tpu.dma_semaphore, #tpu.memory_space<semaphore_mem>>
          %dma_start3A_156 = tpu.memref_slice %arg4[%mul3A_147] : memref<4294967xi32, #tpu.memory_space<hbm>> -> memref<8960xi32, #tpu.memory_space<hbm>>
          tpu.enqueue_dma source(%dma_start3A_156 : memref<8960xi32, #tpu.memory_space<hbm>>) target(%arg13 : memref<8960xi32, #tpu.memory_space<vmem>>) target_semaphore(%dma_start3A_155 : memref<!tpu.dma_semaphore, #tpu.memory_space<semaphore_mem>>)
          %dma_start3A_157 = arith.constant 0 : i32
          %dma_start3A_158 = tpu.memref_slice %arg3[%mul3A_147] : memref<4294967xi32, #tpu.memory_space<hbm>> -> memref<8960xi32, #tpu.memory_space<hbm>>
          %dma_start3A_159 = tpu.memref_slice %arg22[%dma_start3A_157] : memref<2x!tpu.dma_semaphore, #tpu.memory_space<semaphore_mem>> -> memref<1x!tpu.dma_semaphore, #tpu.memory_space<semaphore_mem>>
          %dma_start3A_160 = tpu.memref_squeeze %dma_start3A_159 : memref<1x!tpu.dma_semaphore, #tpu.memory_space<semaphore_mem>> -> memref<!tpu.dma_semaphore, #tpu.memory_space<semaphore_mem>>
          %dma_start3A_161 = tpu.memref_slice %arg3[%mul3A_147] : memref<4294967xi32, #tpu.memory_space<hbm>> -> memref<8960xi32, #tpu.memory_space<hbm>>
          tpu.enqueue_dma source(%dma_start3A_161 : memref<8960xi32, #tpu.memory_space<hbm>>) target(%arg15 : memref<8960xi32, #tpu.memory_space<vmem>>) target_semaphore(%dma_start3A_160 : memref<!tpu.dma_semaphore, #tpu.memory_space<semaphore_mem>>)
        } else {
        }
        %get3A = arith.constant 0 : index
        %get3A_110 = tpu.vector_load %arg16[%get3A] {strides = array<i32>} : memref<8960xi32, #tpu.memory_space<vmem>>, vector<16xi32>,
        %reduce_min3A = arith.constant true
        %reduce_min3A_111 = vector.broadcast %reduce_min3A : i1 to vector<16xi1>
        %reduce_min3A_112 = arith.constant -2147483648 : i32
        %reduce_min3A_113 = vector.broadcast %reduce_min3A_112 : i32 to vector<16xi32>
        %reduce_min3A_114 = arith.xori %get3A_110, %reduce_min3A_113 : vector<16xi32>
        %reduce_min3A_115 = tpu.scan <min>, %reduce_min3A_114 masked %reduce_min3A_111 : vector<16xi32>, vector<16xi1> -> vector<16xi32>
        %reduce_min3A_116 = arith.xori %reduce_min3A_115, %reduce_min3A_113 : vector<16xi32>
        %reduce_min3A_117 = vector.extract %reduce_min3A_116[15] : i32 from vector<16xi32>
        %get3A_118 = arith.constant 8944 : index
        %get3A_119 = tpu.vector_load %arg16[%get3A_118] {strides = array<i32>} : memref<8960xi32, #tpu.memory_space<vmem>>, vector<16xi32>,
        %reduce_max3A = arith.constant true
        %reduce_max3A_120 = vector.broadcast %reduce_max3A : i1 to vector<16xi1>
        %reduce_max3A_121 = arith.constant -2147483648 : i32
        %reduce_max3A_122 = vector.broadcast %reduce_max3A_121 : i32 to vector<16xi32>
        %reduce_max3A_123 = arith.xori %get3A_119, %reduce_max3A_122 : vector<16xi32>
        %reduce_max3A_124 = tpu.scan <max>, %reduce_max3A_123 masked %reduce_max3A_120 : vector<16xi32>, vector<16xi1> -> vector<16xi32>
        %reduce_max3A_125 = arith.xori %reduce_max3A_124, %reduce_max3A_122 : vector<16xi32>
        %reduce_max3A_126 = vector.extract %reduce_max3A_125[15] : i32 from vector<16xi32>
        %iota3A = tpu.iota {dimensions = array<i32: 0>} : vector<16xi32>
        %mul3A_127 = arith.constant 385 : i32
        %mul3A_128 = vector.broadcast %mul3A_127 : i32 to vector<16xi32>
        %mul3A_129 = arith.muli %iota3A, %mul3A_128 : vector<16xi32>
        %sub3A_130 = arith.subi %reduce_max3A_126, %reduce_min3A_117 : i32
        %lt3A_131 = arith.constant 384 : i32
        %lt3A_132 = arith.cmpi slt, %sub3A_130, %lt3A_131 : i32
        %convert_element_type3A_133 = arith.extui %lt3A_132 : i1 to i32
        %cond3A_134 = arith.constant 0 : i32
        %cond3A_135 = arith.cmpi ne, %convert_element_type3A_133, %cond3A_134 : i32
        scf.if %cond3A_135 {
          %parallel_loop3A = arith.constant 0 : i32
          %parallel_loop3A_141 = arith.constant 560 : i32
          %parallel_loop3A_142 = arith.constant 1 : i32
          scf.for %parallel_loop3A_194 = %parallel_loop3A to %parallel_loop3A_141 step %parallel_loop3A_142  : i32 {
            %parallel_loop3A_195 = arith.constant 16 : i32
            %parallel_loop3A_196 = arith.muli %parallel_loop3A_194, %parallel_loop3A_195 : i32
            %parallel_loop3A_197 = arith.index_cast %parallel_loop3A_196 : i32 to index
            %parallel_loop3A_198 = tpu.vector_load %arg14[%parallel_loop3A_197] {strides = array<i32>} : memref<8960xi32, #tpu.memory_space<vmem>>, vector<16xi32>,
            %parallel_loop3A_199 = arith.constant 16 : i32
            %parallel_loop3A_200 = arith.muli %parallel_loop3A_194, %parallel_loop3A_199 : i32
            %parallel_loop3A_201 = arith.index_cast %parallel_loop3A_200 : i32 to index
            %parallel_loop3A_202 = tpu.vector_load %arg12[%parallel_loop3A_201] {strides = array<i32>} : memref<8960xf32, #tpu.memory_space<vmem>>, vector<16xf32>,
            %parallel_loop3A_203 = arith.constant 16 : i32
            %parallel_loop3A_204 = arith.muli %parallel_loop3A_194, %parallel_loop3A_203 : i32
            %parallel_loop3A_205 = arith.index_cast %parallel_loop3A_204 : i32 to index
            %parallel_loop3A_206 = tpu.vector_load %arg16[%parallel_loop3A_205] {strides = array<i32>} : memref<8960xi32, #tpu.memory_space<vmem>>, vector<16xi32>,
            %parallel_loop3A_207 = tpu.vector_load_idx %arg10[%parallel_loop3A_198] : memref<65536xf32, #tpu.memory_space<vmem>>[vector<16xi32>], vector<16xf32>,
            %parallel_loop3A_208 = vector.broadcast %reduce_min3A_117 : i32 to vector<16xi32>
            %parallel_loop3A_209 = arith.subi %parallel_loop3A_206, %parallel_loop3A_208 : vector<16xi32>
            %parallel_loop3A_210 = arith.addi %mul3A_129, %parallel_loop3A_209 : vector<16xi32>
            %parallel_loop3A_211 = arith.mulf %parallel_loop3A_207, %parallel_loop3A_202 : vector<16xf32>
            tpu.vector_store_idx %arg17[%parallel_loop3A_210], %parallel_loop3A_211 {add = true} : memref<6160xf32, #tpu.memory_space<vmem>>[vector<16xi32>], vector<16xf32>,
          } {sc.loop_unroll_factor = 4 : i64, sc.parallel_access}
          %sub3A_143 = arith.subi %reduce_max3A_126, %reduce_min3A_117 : i32
          %add3A_144 = arith.constant 16 : i32
          %add3A_145 = arith.addi %sub3A_143, %add3A_144 : i32
          %jit3A_146 = arith.constant 16 : i32
          %div3A_147 = arith.divsi %add3A_145, %jit3A_146 : i32
          %sign3A_148 = arith.constant 0 : i32
          %sign3A_149 = arith.cmpi sgt, %add3A_145, %sign3A_148 : i32
          %sign3A_150 = arith.extui %sign3A_149 : i1 to i32
          %sign3A_151 = arith.constant 0 : i32
          %sign3A_152 = arith.cmpi slt, %add3A_145, %sign3A_151 : i32
          %sign3A_153 = arith.extui %sign3A_152 : i1 to i32
          %sign3A_154 = arith.subi %sign3A_150, %sign3A_153 : i32
          %sign3A_155 = arith.constant 0 : i32
          %sign3A_156 = arith.cmpi sgt, %jit3A_146, %sign3A_155 : i32
          %sign3A_157 = arith.extui %sign3A_156 : i1 to i32
          %sign3A_158 = arith.constant 0 : i32
          %sign3A_159 = arith.cmpi slt, %jit3A_146, %sign3A_158 : i32
          %sign3A_160 = arith.extui %sign3A_159 : i1 to i32
          %sign3A_161 = arith.subi %sign3A_157, %sign3A_160 : i32
          %ne3A_162 = arith.cmpi ne, %sign3A_154, %sign3A_161 : i32
          %rem3A_163 = arith.remsi %add3A_145, %jit3A_146 : i32
          %ne3A_164 = arith.constant 0 : i32
          %ne3A_165 = arith.cmpi ne, %rem3A_163, %ne3A_164 : i32
          %and3A_166 = arith.andi %ne3A_162, %ne3A_165 : i1
          %sub3A_167 = arith.constant 1 : i32
          %sub3A_168 = arith.subi %div3A_147, %sub3A_167 : i32
          %select_n3A_169 = arith.select %and3A_166, %sub3A_168, %div3A_147 : i32
          %while3A_170 = arith.constant 0 : i32
          %while3A_171 = arith.constant 0 : i32
          %while3A_172 = arith.subi %select_n3A_169, %while3A_170 : i32
          %while3A_173 = arith.addi %while3A_170, %while3A_172 : i32
          %while3A_174 = arith.constant 1 : i32
          %while3A_175 = arith.divsi %while3A_172, %while3A_174 : i32
          %while3A_176 = arith.muli %while3A_175, %while3A_174 : i32
          %while3A_177 = arith.addi %while3A_170, %while3A_176 : i32
          %while3A_178 = arith.constant 1 : i32
          %while3A_179 = scf.for %while3A_194 = %while3A_170 to %while3A_177 step %while3A_178 iter_args(%while3A_195 = %while3A_171) -> (i32)  : i32 {
            %mul3A_196 = arith.constant 16 : i32
            %mul3A_197 = arith.muli %while3A_194, %mul3A_196 : i32
            %add3A_198 = arith.constant 0 : i32
            %add3A_199 = arith.addi %add3A_198, %mul3A_197 : i32
            %get3A_200 = arith.index_cast %add3A_199 : i32 to index
            %get3A_201 = tpu.vector_load %arg17[%get3A_200] {strides = array<i32>} : memref<6160xf32, #tpu.memory_space<vmem>>, vector<16xf32>,
            %add3A_202 = arith.addf %broadcast_in_dim3A_1, %get3A_201 : vector<16xf32>
            %add3A_203 = arith.constant 385 : i32
            %add3A_204 = arith.addi %add3A_203, %mul3A_197 : i32
            %get3A_205 = arith.index_cast %add3A_204 : i32 to index
            %get3A_206 = tpu.vector_load %arg17[%get3A_205] {strides = array<i32>} : memref<6160xf32, #tpu.memory_space<vmem>>, vector<16xf32>,
            %add3A_207 = arith.addf %add3A_202, %get3A_206 : vector<16xf32>
            %add3A_208 = arith.constant 770 : i32
            %add3A_209 = arith.addi %add3A_208, %mul3A_197 : i32
            %get3A_210 = arith.index_cast %add3A_209 : i32 to index
            %get3A_211 = tpu.vector_load %arg17[%get3A_210] {strides = array<i32>} : memref<6160xf32, #tpu.memory_space<vmem>>, vector<16xf32>,
            %add3A_212 = arith.addf %add3A_207, %get3A_211 : vector<16xf32>
            %add3A_213 = arith.constant 1155 : i32
            %add3A_214 = arith.addi %add3A_213, %mul3A_197 : i32
            %get3A_215 = arith.index_cast %add3A_214 : i32 to index
            %get3A_216 = tpu.vector_load %arg17[%get3A_215] {strides = array<i32>} : memref<6160xf32, #tpu.memory_space<vmem>>, vector<16xf32>,
            %add3A_217 = arith.addf %add3A_212, %get3A_216 : vector<16xf32>
            %add3A_218 = arith.constant 1540 : i32
            %add3A_219 = arith.addi %add3A_218, %mul3A_197 : i32
            %get3A_220 = arith.index_cast %add3A_219 : i32 to index
            %get3A_221 = tpu.vector_load %arg17[%get3A_220] {strides = array<i32>} : memref<6160xf32, #tpu.memory_space<vmem>>, vector<16xf32>,
            %add3A_222 = arith.addf %add3A_217, %get3A_221 : vector<16xf32>
            %add3A_223 = arith.constant 1925 : i32
            %add3A_224 = arith.addi %add3A_223, %mul3A_197 : i32
            %get3A_225 = arith.index_cast %add3A_224 : i32 to index
            %get3A_226 = tpu.vector_load %arg17[%get3A_225] {strides = array<i32>} : memref<6160xf32, #tpu.memory_space<vmem>>, vector<16xf32>,
            %add3A_227 = arith.addf %add3A_222, %get3A_226 : vector<16xf32>
            %add3A_228 = arith.constant 2310 : i32
            %add3A_229 = arith.addi %add3A_228, %mul3A_197 : i32
            %get3A_230 = arith.index_cast %add3A_229 : i32 to index
            %get3A_231 = tpu.vector_load %arg17[%get3A_230] {strides = array<i32>} : memref<6160xf32, #tpu.memory_space<vmem>>, vector<16xf32>,
            %add3A_232 = arith.addf %add3A_227, %get3A_231 : vector<16xf32>
            %add3A_233 = arith.constant 2695 : i32
            %add3A_234 = arith.addi %add3A_233, %mul3A_197 : i32
            %get3A_235 = arith.index_cast %add3A_234 : i32 to index
            %get3A_236 = tpu.vector_load %arg17[%get3A_235] {strides = array<i32>} : memref<6160xf32, #tpu.memory_space<vmem>>, vector<16xf32>,
            %add3A_237 = arith.addf %add3A_232, %get3A_236 : vector<16xf32>
            %add3A_238 = arith.constant 3080 : i32
            %add3A_239 = arith.addi %add3A_238, %mul3A_197 : i32
            %get3A_240 = arith.index_cast %add3A_239 : i32 to index
            %get3A_241 = tpu.vector_load %arg17[%get3A_240] {strides = array<i32>} : memref<6160xf32, #tpu.memory_space<vmem>>, vector<16xf32>,
            %add3A_242 = arith.addf %add3A_237, %get3A_241 : vector<16xf32>
            %add3A_243 = arith.constant 3465 : i32
            %add3A_244 = arith.addi %add3A_243, %mul3A_197 : i32
            %get3A_245 = arith.index_cast %add3A_244 : i32 to index
            %get3A_246 = tpu.vector_load %arg17[%get3A_245] {strides = array<i32>} : memref<6160xf32, #tpu.memory_space<vmem>>, vector<16xf32>,
            %add3A_247 = arith.addf %add3A_242, %get3A_246 : vector<16xf32>
            %add3A_248 = arith.constant 3850 : i32
            %add3A_249 = arith.addi %add3A_248, %mul3A_197 : i32
            %get3A_250 = arith.index_cast %add3A_249 : i32 to index
            %get3A_251 = tpu.vector_load %arg17[%get3A_250] {strides = array<i32>} : memref<6160xf32, #tpu.memory_space<vmem>>, vector<16xf32>,
            %add3A_252 = arith.addf %add3A_247, %get3A_251 : vector<16xf32>
            %add3A_253 = arith.constant 4235 : i32
            %add3A_254 = arith.addi %add3A_253, %mul3A_197 : i32
            %get3A_255 = arith.index_cast %add3A_254 : i32 to index
            %get3A_256 = tpu.vector_load %arg17[%get3A_255] {strides = array<i32>} : memref<6160xf32, #tpu.memory_space<vmem>>, vector<16xf32>,
            %add3A_257 = arith.addf %add3A_252, %get3A_256 : vector<16xf32>
            %add3A_258 = arith.constant 4620 : i32
            %add3A_259 = arith.addi %add3A_258, %mul3A_197 : i32
            %get3A_260 = arith.index_cast %add3A_259 : i32 to index
            %get3A_261 = tpu.vector_load %arg17[%get3A_260] {strides = array<i32>} : memref<6160xf32, #tpu.memory_space<vmem>>, vector<16xf32>,
            %add3A_262 = arith.addf %add3A_257, %get3A_261 : vector<16xf32>
            %add3A_263 = arith.constant 5005 : i32
            %add3A_264 = arith.addi %add3A_263, %mul3A_197 : i32
            %get3A_265 = arith.index_cast %add3A_264 : i32 to index
            %get3A_266 = tpu.vector_load %arg17[%get3A_265] {strides = array<i32>} : memref<6160xf32, #tpu.memory_space<vmem>>, vector<16xf32>,
            %add3A_267 = arith.addf %add3A_262, %get3A_266 : vector<16xf32>
            %add3A_268 = arith.constant 5390 : i32
            %add3A_269 = arith.addi %add3A_268, %mul3A_197 : i32
            %get3A_270 = arith.index_cast %add3A_269 : i32 to index
            %get3A_271 = tpu.vector_load %arg17[%get3A_270] {strides = array<i32>} : memref<6160xf32, #tpu.memory_space<vmem>>, vector<16xf32>,
            %add3A_272 = arith.addf %add3A_267, %get3A_271 : vector<16xf32>
            %add3A_273 = arith.constant 5775 : i32
            %add3A_274 = arith.addi %add3A_273, %mul3A_197 : i32
            %get3A_275 = arith.index_cast %add3A_274 : i32 to index
            %get3A_276 = tpu.vector_load %arg17[%get3A_275] {strides = array<i32>} : memref<6160xf32, #tpu.memory_space<vmem>>, vector<16xf32>,
            %add3A_277 = arith.addf %add3A_272, %get3A_276 : vector<16xf32>
            %add3A_278 = arith.constant 0 : i32
            %add3A_279 = arith.addi %add3A_278, %mul3A_197 : i32
            %swap3A = arith.index_cast %add3A_279 : i32 to index
            %swap3A_280 = tpu.vector_load %arg17[%swap3A] {strides = array<i32>} : memref<6160xf32, #tpu.memory_space<vmem>>, vector<16xf32>,
            tpu.vector_store %arg17[%swap3A], %broadcast_in_dim3A_1 {strides = array<i32>} : memref<6160xf32, #tpu.memory_space<vmem>>, vector<16xf32>,
            %add3A_281 = arith.constant 385 : i32
            %add3A_282 = arith.addi %add3A_281, %mul3A_197 : i32
            %swap3A_283 = arith.index_cast %add3A_282 : i32 to index
            %swap3A_284 = tpu.vector_load %arg17[%swap3A_283] {strides = array<i32>} : memref<6160xf32, #tpu.memory_space<vmem>>, vector<16xf32>,
            tpu.vector_store %arg17[%swap3A_283], %broadcast_in_dim3A_1 {strides = array<i32>} : memref<6160xf32, #tpu.memory_space<vmem>>, vector<16xf32>,
            %add3A_285 = arith.constant 770 : i32
            %add3A_286 = arith.addi %add3A_285, %mul3A_197 : i32
            %swap3A_287 = arith.index_cast %add3A_286 : i32 to index
            %swap3A_288 = tpu.vector_load %arg17[%swap3A_287] {strides = array<i32>} : memref<6160xf32, #tpu.memory_space<vmem>>, vector<16xf32>,
            tpu.vector_store %arg17[%swap3A_287], %broadcast_in_dim3A_1 {strides = array<i32>} : memref<6160xf32, #tpu.memory_space<vmem>>, vector<16xf32>,
            %add3A_289 = arith.constant 1155 : i32
            %add3A_290 = arith.addi %add3A_289, %mul3A_197 : i32
            %swap3A_291 = arith.index_cast %add3A_290 : i32 to index
            %swap3A_292 = tpu.vector_load %arg17[%swap3A_291] {strides = array<i32>} : memref<6160xf32, #tpu.memory_space<vmem>>, vector<16xf32>,
            tpu.vector_store %arg17[%swap3A_291], %broadcast_in_dim3A_1 {strides = array<i32>} : memref<6160xf32, #tpu.memory_space<vmem>>, vector<16xf32>,
            %add3A_293 = arith.constant 1540 : i32
            %add3A_294 = arith.addi %add3A_293, %mul3A_197 : i32
            %swap3A_295 = arith.index_cast %add3A_294 : i32 to index
            %swap3A_296 = tpu.vector_load %arg17[%swap3A_295] {strides = array<i32>} : memref<6160xf32, #tpu.memory_space<vmem>>, vector<16xf32>,
            tpu.vector_store %arg17[%swap3A_295], %broadcast_in_dim3A_1 {strides = array<i32>} : memref<6160xf32, #tpu.memory_space<vmem>>, vector<16xf32>,
            %add3A_297 = arith.constant 1925 : i32
            %add3A_298 = arith.addi %add3A_297, %mul3A_197 : i32
            %swap3A_299 = arith.index_cast %add3A_298 : i32 to index
            %swap3A_300 = tpu.vector_load %arg17[%swap3A_299] {strides = array<i32>} : memref<6160xf32, #tpu.memory_space<vmem>>, vector<16xf32>,
            tpu.vector_store %arg17[%swap3A_299], %broadcast_in_dim3A_1 {strides = array<i32>} : memref<6160xf32, #tpu.memory_space<vmem>>, vector<16xf32>,
            %add3A_301 = arith.constant 2310 : i32
            %add3A_302 = arith.addi %add3A_301, %mul3A_197 : i32
            %swap3A_303 = arith.index_cast %add3A_302 : i32 to index
            %swap3A_304 = tpu.vector_load %arg17[%swap3A_303] {strides = array<i32>} : memref<6160xf32, #tpu.memory_space<vmem>>, vector<16xf32>,
            tpu.vector_store %arg17[%swap3A_303], %broadcast_in_dim3A_1 {strides = array<i32>} : memref<6160xf32, #tpu.memory_space<vmem>>, vector<16xf32>,
            %add3A_305 = arith.constant 2695 : i32
            %add3A_306 = arith.addi %add3A_305, %mul3A_197 : i32
            %swap3A_307 = arith.index_cast %add3A_306 : i32 to index
            %swap3A_308 = tpu.vector_load %arg17[%swap3A_307] {strides = array<i32>} : memref<6160xf32, #tpu.memory_space<vmem>>, vector<16xf32>,
            tpu.vector_store %arg17[%swap3A_307], %broadcast_in_dim3A_1 {strides = array<i32>} : memref<6160xf32, #tpu.memory_space<vmem>>, vector<16xf32>,
            %add3A_309 = arith.constant 3080 : i32
            %add3A_310 = arith.addi %add3A_309, %mul3A_197 : i32
            %swap3A_311 = arith.index_cast %add3A_310 : i32 to index
            %swap3A_312 = tpu.vector_load %arg17[%swap3A_311] {strides = array<i32>} : memref<6160xf32, #tpu.memory_space<vmem>>, vector<16xf32>,
            tpu.vector_store %arg17[%swap3A_311], %broadcast_in_dim3A_1 {strides = array<i32>} : memref<6160xf32, #tpu.memory_space<vmem>>, vector<16xf32>,
            %add3A_313 = arith.constant 3465 : i32
            %add3A_314 = arith.addi %add3A_313, %mul3A_197 : i32
            %swap3A_315 = arith.index_cast %add3A_314 : i32 to index
            %swap3A_316 = tpu.vector_load %arg17[%swap3A_315] {strides = array<i32>} : memref<6160xf32, #tpu.memory_space<vmem>>, vector<16xf32>,
            tpu.vector_store %arg17[%swap3A_315], %broadcast_in_dim3A_1 {strides = array<i32>} : memref<6160xf32, #tpu.memory_space<vmem>>, vector<16xf32>,
            %add3A_317 = arith.constant 3850 : i32
            %add3A_318 = arith.addi %add3A_317, %mul3A_197 : i32
            %swap3A_319 = arith.index_cast %add3A_318 : i32 to index
            %swap3A_320 = tpu.vector_load %arg17[%swap3A_319] {strides = array<i32>} : memref<6160xf32, #tpu.memory_space<vmem>>, vector<16xf32>,
            tpu.vector_store %arg17[%swap3A_319], %broadcast_in_dim3A_1 {strides = array<i32>} : memref<6160xf32, #tpu.memory_space<vmem>>, vector<16xf32>,
            %add3A_321 = arith.constant 4235 : i32
            %add3A_322 = arith.addi %add3A_321, %mul3A_197 : i32
            %swap3A_323 = arith.index_cast %add3A_322 : i32 to index
            %swap3A_324 = tpu.vector_load %arg17[%swap3A_323] {strides = array<i32>} : memref<6160xf32, #tpu.memory_space<vmem>>, vector<16xf32>,
            tpu.vector_store %arg17[%swap3A_323], %broadcast_in_dim3A_1 {strides = array<i32>} : memref<6160xf32, #tpu.memory_space<vmem>>, vector<16xf32>,
            %add3A_325 = arith.constant 4620 : i32
            %add3A_326 = arith.addi %add3A_325, %mul3A_197 : i32
            %swap3A_327 = arith.index_cast %add3A_326 : i32 to index
            %swap3A_328 = tpu.vector_load %arg17[%swap3A_327] {strides = array<i32>} : memref<6160xf32, #tpu.memory_space<vmem>>, vector<16xf32>,
            tpu.vector_store %arg17[%swap3A_327], %broadcast_in_dim3A_1 {strides = array<i32>} : memref<6160xf32, #tpu.memory_space<vmem>>, vector<16xf32>,
            %add3A_329 = arith.constant 5005 : i32
            %add3A_330 = arith.addi %add3A_329, %mul3A_197 : i32
            %swap3A_331 = arith.index_cast %add3A_330 : i32 to index
            %swap3A_332 = tpu.vector_load %arg17[%swap3A_331] {strides = array<i32>} : memref<6160xf32, #tpu.memory_space<vmem>>, vector<16xf32>,
            tpu.vector_store %arg17[%swap3A_331], %broadcast_in_dim3A_1 {strides = array<i32>} : memref<6160xf32, #tpu.memory_space<vmem>>, vector<16xf32>,
            %add3A_333 = arith.constant 5390 : i32
            %add3A_334 = arith.addi %add3A_333, %mul3A_197 : i32
            %swap3A_335 = arith.index_cast %add3A_334 : i32 to index
            %swap3A_336 = tpu.vector_load %arg17[%swap3A_335] {strides = array<i32>} : memref<6160xf32, #tpu.memory_space<vmem>>, vector<16xf32>,
            tpu.vector_store %arg17[%swap3A_335], %broadcast_in_dim3A_1 {strides = array<i32>} : memref<6160xf32, #tpu.memory_space<vmem>>, vector<16xf32>,
            %add3A_337 = arith.constant 5775 : i32
            %add3A_338 = arith.addi %add3A_337, %mul3A_197 : i32
            %swap3A_339 = arith.index_cast %add3A_338 : i32 to index
            %swap3A_340 = tpu.vector_load %arg17[%swap3A_339] {strides = array<i32>} : memref<6160xf32, #tpu.memory_space<vmem>>, vector<16xf32>,
            tpu.vector_store %arg17[%swap3A_339], %broadcast_in_dim3A_1 {strides = array<i32>} : memref<6160xf32, #tpu.memory_space<vmem>>, vector<16xf32>,
            %swap3A_341 = arith.index_cast %mul3A_197 : i32 to index
            %swap3A_342 = tpu.vector_load %arg18[%swap3A_341] {strides = array<i32>} : memref<384xf32, #tpu.memory_space<vmem>>, vector<16xf32>,
            tpu.vector_store %arg18[%swap3A_341], %add3A_277 {strides = array<i32>} : memref<384xf32, #tpu.memory_space<vmem>>, vector<16xf32>,
            %get3A_343 = arith.index_cast %mul3A_197 : i32 to index
            %get3A_344 = tpu.vector_load %arg19[%get3A_343] {strides = array<i32>} : memref<384xi32, #tpu.memory_space<vmem>>, vector<16xi32>,
            %add3A_345 = vector.broadcast %reduce_min3A_117 : i32 to vector<16xi32>
            %add3A_346 = arith.addi %get3A_344, %add3A_345 : vector<16xi32>
            %min3A = arith.constant 65535 : i32
            %min3A_347 = vector.broadcast %min3A : i32 to vector<16xi32>
            %min3A_348 = arith.minsi %add3A_346, %min3A_347 : vector<16xi32>
            %swap3A_349 = arith.index_cast %mul3A_197 : i32 to index
            %swap3A_350 = tpu.vector_load %arg20[%swap3A_349] {strides = array<i32>} : memref<384xi32, #tpu.memory_space<vmem>>, vector<16xi32>,
            tpu.vector_store %arg20[%swap3A_349], %min3A_348 {strides = array<i32>} : memref<384xi32, #tpu.memory_space<vmem>>, vector<16xi32>,
            %while3A_351 = arith.constant 0 : i32
            scf.yield %while3A_351 : i32
          }
          %while3A_180 = arith.constant 1 : i32
          %while3A_181 = scf.for %while3A_194 = %while3A_177 to %while3A_173 step %while3A_180 iter_args(%while3A_195 = %while3A_179) -> (i32)  : i32 {
            %mul3A_196 = arith.constant 16 : i32
            %mul3A_197 = arith.muli %while3A_194, %mul3A_196 : i32
            %add3A_198 = arith.constant 0 : i32
            %add3A_199 = arith.addi %add3A_198, %mul3A_197 : i32
            %get3A_200 = arith.index_cast %add3A_199 : i32 to index
            %get3A_201 = tpu.vector_load %arg17[%get3A_200] {strides = array<i32>} : memref<6160xf32, #tpu.memory_space<vmem>>, vector<16xf32>,
            %add3A_202 = arith.addf %broadcast_in_dim3A_1, %get3A_201 : vector<16xf32>
            %add3A_203 = arith.constant 385 : i32
            %add3A_204 = arith.addi %add3A_203, %mul3A_197 : i32
            %get3A_205 = arith.index_cast %add3A_204 : i32 to index
            %get3A_206 = tpu.vector_load %arg17[%get3A_205] {strides = array<i32>} : memref<6160xf32, #tpu.memory_space<vmem>>, vector<16xf32>,
            %add3A_207 = arith.addf %add3A_202, %get3A_206 : vector<16xf32>
            %add3A_208 = arith.constant 770 : i32
            %add3A_209 = arith.addi %add3A_208, %mul3A_197 : i32
            %get3A_210 = arith.index_cast %add3A_209 : i32 to index
            %get3A_211 = tpu.vector_load %arg17[%get3A_210] {strides = array<i32>} : memref<6160xf32, #tpu.memory_space<vmem>>, vector<16xf32>,
            %add3A_212 = arith.addf %add3A_207, %get3A_211 : vector<16xf32>
            %add3A_213 = arith.constant 1155 : i32
            %add3A_214 = arith.addi %add3A_213, %mul3A_197 : i32
            %get3A_215 = arith.index_cast %add3A_214 : i32 to index
            %get3A_216 = tpu.vector_load %arg17[%get3A_215] {strides = array<i32>} : memref<6160xf32, #tpu.memory_space<vmem>>, vector<16xf32>,
            %add3A_217 = arith.addf %add3A_212, %get3A_216 : vector<16xf32>
            %add3A_218 = arith.constant 1540 : i32
            %add3A_219 = arith.addi %add3A_218, %mul3A_197 : i32
            %get3A_220 = arith.index_cast %add3A_219 : i32 to index
            %get3A_221 = tpu.vector_load %arg17[%get3A_220] {strides = array<i32>} : memref<6160xf32, #tpu.memory_space<vmem>>, vector<16xf32>,
            %add3A_222 = arith.addf %add3A_217, %get3A_221 : vector<16xf32>
            %add3A_223 = arith.constant 1925 : i32
            %add3A_224 = arith.addi %add3A_223, %mul3A_197 : i32
            %get3A_225 = arith.index_cast %add3A_224 : i32 to index
            %get3A_226 = tpu.vector_load %arg17[%get3A_225] {strides = array<i32>} : memref<6160xf32, #tpu.memory_space<vmem>>, vector<16xf32>,
            %add3A_227 = arith.addf %add3A_222, %get3A_226 : vector<16xf32>
            %add3A_228 = arith.constant 2310 : i32
            %add3A_229 = arith.addi %add3A_228, %mul3A_197 : i32
            %get3A_230 = arith.index_cast %add3A_229 : i32 to index
            %get3A_231 = tpu.vector_load %arg17[%get3A_230] {strides = array<i32>} : memref<6160xf32, #tpu.memory_space<vmem>>, vector<16xf32>,
            %add3A_232 = arith.addf %add3A_227, %get3A_231 : vector<16xf32>
            %add3A_233 = arith.constant 2695 : i32
            %add3A_234 = arith.addi %add3A_233, %mul3A_197 : i32
            %get3A_235 = arith.index_cast %add3A_234 : i32 to index
            %get3A_236 = tpu.vector_load %arg17[%get3A_235] {strides = array<i32>} : memref<6160xf32, #tpu.memory_space<vmem>>, vector<16xf32>,
            %add3A_237 = arith.addf %add3A_232, %get3A_236 : vector<16xf32>
            %add3A_238 = arith.constant 3080 : i32
            %add3A_239 = arith.addi %add3A_238, %mul3A_197 : i32
            %get3A_240 = arith.index_cast %add3A_239 : i32 to index
            %get3A_241 = tpu.vector_load %arg17[%get3A_240] {strides = array<i32>} : memref<6160xf32, #tpu.memory_space<vmem>>, vector<16xf32>,
            %add3A_242 = arith.addf %add3A_237, %get3A_241 : vector<16xf32>
            %add3A_243 = arith.constant 3465 : i32
            %add3A_244 = arith.addi %add3A_243, %mul3A_197 : i32
            %get3A_245 = arith.index_cast %add3A_244 : i32 to index
            %get3A_246 = tpu.vector_load %arg17[%get3A_245] {strides = array<i32>} : memref<6160xf32, #tpu.memory_space<vmem>>, vector<16xf32>,
            %add3A_247 = arith.addf %add3A_242, %get3A_246 : vector<16xf32>
            %add3A_248 = arith.constant 3850 : i32
            %add3A_249 = arith.addi %add3A_248, %mul3A_197 : i32
            %get3A_250 = arith.index_cast %add3A_249 : i32 to index
            %get3A_251 = tpu.vector_load %arg17[%get3A_250] {strides = array<i32>} : memref<6160xf32, #tpu.memory_space<vmem>>, vector<16xf32>,
            %add3A_252 = arith.addf %add3A_247, %get3A_251 : vector<16xf32>
            %add3A_253 = arith.constant 4235 : i32
            %add3A_254 = arith.addi %add3A_253, %mul3A_197 : i32
            %get3A_255 = arith.index_cast %add3A_254 : i32 to index
            %get3A_256 = tpu.vector_load %arg17[%get3A_255] {strides = array<i32>} : memref<6160xf32, #tpu.memory_space<vmem>>, vector<16xf32>,
            %add3A_257 = arith.addf %add3A_252, %get3A_256 : vector<16xf32>
            %add3A_258 = arith.constant 4620 : i32
            %add3A_259 = arith.addi %add3A_258, %mul3A_197 : i32
            %get3A_260 = arith.index_cast %add3A_259 : i32 to index
            %get3A_261 = tpu.vector_load %arg17[%get3A_260] {strides = array<i32>} : memref<6160xf32, #tpu.memory_space<vmem>>, vector<16xf32>,
            %add3A_262 = arith.addf %add3A_257, %get3A_261 : vector<16xf32>
            %add3A_263 = arith.constant 5005 : i32
            %add3A_264 = arith.addi %add3A_263, %mul3A_197 : i32
            %get3A_265 = arith.index_cast %add3A_264 : i32 to index
            %get3A_266 = tpu.vector_load %arg17[%get3A_265] {strides = array<i32>} : memref<6160xf32, #tpu.memory_space<vmem>>, vector<16xf32>,
            %add3A_267 = arith.addf %add3A_262, %get3A_266 : vector<16xf32>
            %add3A_268 = arith.constant 5390 : i32
            %add3A_269 = arith.addi %add3A_268, %mul3A_197 : i32
            %get3A_270 = arith.index_cast %add3A_269 : i32 to index
            %get3A_271 = tpu.vector_load %arg17[%get3A_270] {strides = array<i32>} : memref<6160xf32, #tpu.memory_space<vmem>>, vector<16xf32>,
            %add3A_272 = arith.addf %add3A_267, %get3A_271 : vector<16xf32>
            %add3A_273 = arith.constant 5775 : i32
            %add3A_274 = arith.addi %add3A_273, %mul3A_197 : i32
            %get3A_275 = arith.index_cast %add3A_274 : i32 to index
            %get3A_276 = tpu.vector_load %arg17[%get3A_275] {strides = array<i32>} : memref<6160xf32, #tpu.memory_space<vmem>>, vector<16xf32>,
            %add3A_277 = arith.addf %add3A_272, %get3A_276 : vector<16xf32>
            %add3A_278 = arith.constant 0 : i32
            %add3A_279 = arith.addi %add3A_278, %mul3A_197 : i32
            %swap3A = arith.index_cast %add3A_279 : i32 to index
            %swap3A_280 = tpu.vector_load %arg17[%swap3A] {strides = array<i32>} : memref<6160xf32, #tpu.memory_space<vmem>>, vector<16xf32>,
            tpu.vector_store %arg17[%swap3A], %broadcast_in_dim3A_1 {strides = array<i32>} : memref<6160xf32, #tpu.memory_space<vmem>>, vector<16xf32>,
            %add3A_281 = arith.constant 385 : i32
            %add3A_282 = arith.addi %add3A_281, %mul3A_197 : i32
            %swap3A_283 = arith.index_cast %add3A_282 : i32 to index
            %swap3A_284 = tpu.vector_load %arg17[%swap3A_283] {strides = array<i32>} : memref<6160xf32, #tpu.memory_space<vmem>>, vector<16xf32>,
            tpu.vector_store %arg17[%swap3A_283], %broadcast_in_dim3A_1 {strides = array<i32>} : memref<6160xf32, #tpu.memory_space<vmem>>, vector<16xf32>,
            %add3A_285 = arith.constant 770 : i32
            %add3A_286 = arith.addi %add3A_285, %mul3A_197 : i32
            %swap3A_287 = arith.index_cast %add3A_286 : i32 to index
            %swap3A_288 = tpu.vector_load %arg17[%swap3A_287] {strides = array<i32>} : memref<6160xf32, #tpu.memory_space<vmem>>, vector<16xf32>,
            tpu.vector_store %arg17[%swap3A_287], %broadcast_in_dim3A_1 {strides = array<i32>} : memref<6160xf32, #tpu.memory_space<vmem>>, vector<16xf32>,
            %add3A_289 = arith.constant 1155 : i32
            %add3A_290 = arith.addi %add3A_289, %mul3A_197 : i32
            %swap3A_291 = arith.index_cast %add3A_290 : i32 to index
            %swap3A_292 = tpu.vector_load %arg17[%swap3A_291] {strides = array<i32>} : memref<6160xf32, #tpu.memory_space<vmem>>, vector<16xf32>,
            tpu.vector_store %arg17[%swap3A_291], %broadcast_in_dim3A_1 {strides = array<i32>} : memref<6160xf32, #tpu.memory_space<vmem>>, vector<16xf32>,
            %add3A_293 = arith.constant 1540 : i32
            %add3A_294 = arith.addi %add3A_293, %mul3A_197 : i32
            %swap3A_295 = arith.index_cast %add3A_294 : i32 to index
            %swap3A_296 = tpu.vector_load %arg17[%swap3A_295] {strides = array<i32>} : memref<6160xf32, #tpu.memory_space<vmem>>, vector<16xf32>,
            tpu.vector_store %arg17[%swap3A_295], %broadcast_in_dim3A_1 {strides = array<i32>} : memref<6160xf32, #tpu.memory_space<vmem>>, vector<16xf32>,
            %add3A_297 = arith.constant 1925 : i32
            %add3A_298 = arith.addi %add3A_297, %mul3A_197 : i32
            %swap3A_299 = arith.index_cast %add3A_298 : i32 to index
            %swap3A_300 = tpu.vector_load %arg17[%swap3A_299] {strides = array<i32>} : memref<6160xf32, #tpu.memory_space<vmem>>, vector<16xf32>,
            tpu.vector_store %arg17[%swap3A_299], %broadcast_in_dim3A_1 {strides = array<i32>} : memref<6160xf32, #tpu.memory_space<vmem>>, vector<16xf32>,
            %add3A_301 = arith.constant 2310 : i32
            %add3A_302 = arith.addi %add3A_301, %mul3A_197 : i32
            %swap3A_303 = arith.index_cast %add3A_302 : i32 to index
            %swap3A_304 = tpu.vector_load %arg17[%swap3A_303] {strides = array<i32>} : memref<6160xf32, #tpu.memory_space<vmem>>, vector<16xf32>,
            tpu.vector_store %arg17[%swap3A_303], %broadcast_in_dim3A_1 {strides = array<i32>} : memref<6160xf32, #tpu.memory_space<vmem>>, vector<16xf32>,
            %add3A_305 = arith.constant 2695 : i32
            %add3A_306 = arith.addi %add3A_305, %mul3A_197 : i32
            %swap3A_307 = arith.index_cast %add3A_306 : i32 to index
            %swap3A_308 = tpu.vector_load %arg17[%swap3A_307] {strides = array<i32>} : memref<6160xf32, #tpu.memory_space<vmem>>, vector<16xf32>,
            tpu.vector_store %arg17[%swap3A_307], %broadcast_in_dim3A_1 {strides = array<i32>} : memref<6160xf32, #tpu.memory_space<vmem>>, vector<16xf32>,
            %add3A_309 = arith.constant 3080 : i32
            %add3A_310 = arith.addi %add3A_309, %mul3A_197 : i32
            %swap3A_311 = arith.index_cast %add3A_310 : i32 to index
            %swap3A_312 = tpu.vector_load %arg17[%swap3A_311] {strides = array<i32>} : memref<6160xf32, #tpu.memory_space<vmem>>, vector<16xf32>,
            tpu.vector_store %arg17[%swap3A_311], %broadcast_in_dim3A_1 {strides = array<i32>} : memref<6160xf32, #tpu.memory_space<vmem>>, vector<16xf32>,
            %add3A_313 = arith.constant 3465 : i32
            %add3A_314 = arith.addi %add3A_313, %mul3A_197 : i32
            %swap3A_315 = arith.index_cast %add3A_314 : i32 to index
            %swap3A_316 = tpu.vector_load %arg17[%swap3A_315] {strides = array<i32>} : memref<6160xf32, #tpu.memory_space<vmem>>, vector<16xf32>,
            tpu.vector_store %arg17[%swap3A_315], %broadcast_in_dim3A_1 {strides = array<i32>} : memref<6160xf32, #tpu.memory_space<vmem>>, vector<16xf32>,
            %add3A_317 = arith.constant 3850 : i32
            %add3A_318 = arith.addi %add3A_317, %mul3A_197 : i32
            %swap3A_319 = arith.index_cast %add3A_318 : i32 to index
            %swap3A_320 = tpu.vector_load %arg17[%swap3A_319] {strides = array<i32>} : memref<6160xf32, #tpu.memory_space<vmem>>, vector<16xf32>,
            tpu.vector_store %arg17[%swap3A_319], %broadcast_in_dim3A_1 {strides = array<i32>} : memref<6160xf32, #tpu.memory_space<vmem>>, vector<16xf32>,
            %add3A_321 = arith.constant 4235 : i32
            %add3A_322 = arith.addi %add3A_321, %mul3A_197 : i32
            %swap3A_323 = arith.index_cast %add3A_322 : i32 to index
            %swap3A_324 = tpu.vector_load %arg17[%swap3A_323] {strides = array<i32>} : memref<6160xf32, #tpu.memory_space<vmem>>, vector<16xf32>,
            tpu.vector_store %arg17[%swap3A_323], %broadcast_in_dim3A_1 {strides = array<i32>} : memref<6160xf32, #tpu.memory_space<vmem>>, vector<16xf32>,
            %add3A_325 = arith.constant 4620 : i32
            %add3A_326 = arith.addi %add3A_325, %mul3A_197 : i32
            %swap3A_327 = arith.index_cast %add3A_326 : i32 to index
            %swap3A_328 = tpu.vector_load %arg17[%swap3A_327] {strides = array<i32>} : memref<6160xf32, #tpu.memory_space<vmem>>, vector<16xf32>,
            tpu.vector_store %arg17[%swap3A_327], %broadcast_in_dim3A_1 {strides = array<i32>} : memref<6160xf32, #tpu.memory_space<vmem>>, vector<16xf32>,
            %add3A_329 = arith.constant 5005 : i32
            %add3A_330 = arith.addi %add3A_329, %mul3A_197 : i32
            %swap3A_331 = arith.index_cast %add3A_330 : i32 to index
            %swap3A_332 = tpu.vector_load %arg17[%swap3A_331] {strides = array<i32>} : memref<6160xf32, #tpu.memory_space<vmem>>, vector<16xf32>,
            tpu.vector_store %arg17[%swap3A_331], %broadcast_in_dim3A_1 {strides = array<i32>} : memref<6160xf32, #tpu.memory_space<vmem>>, vector<16xf32>,
            %add3A_333 = arith.constant 5390 : i32
            %add3A_334 = arith.addi %add3A_333, %mul3A_197 : i32
            %swap3A_335 = arith.index_cast %add3A_334 : i32 to index
            %swap3A_336 = tpu.vector_load %arg17[%swap3A_335] {strides = array<i32>} : memref<6160xf32, #tpu.memory_space<vmem>>, vector<16xf32>,
            tpu.vector_store %arg17[%swap3A_335], %broadcast_in_dim3A_1 {strides = array<i32>} : memref<6160xf32, #tpu.memory_space<vmem>>, vector<16xf32>,
            %add3A_337 = arith.constant 5775 : i32
            %add3A_338 = arith.addi %add3A_337, %mul3A_197 : i32
            %swap3A_339 = arith.index_cast %add3A_338 : i32 to index
            %swap3A_340 = tpu.vector_load %arg17[%swap3A_339] {strides = array<i32>} : memref<6160xf32, #tpu.memory_space<vmem>>, vector<16xf32>,
            tpu.vector_store %arg17[%swap3A_339], %broadcast_in_dim3A_1 {strides = array<i32>} : memref<6160xf32, #tpu.memory_space<vmem>>, vector<16xf32>,
            %swap3A_341 = arith.index_cast %mul3A_197 : i32 to index
            %swap3A_342 = tpu.vector_load %arg18[%swap3A_341] {strides = array<i32>} : memref<384xf32, #tpu.memory_space<vmem>>, vector<16xf32>,
            tpu.vector_store %arg18[%swap3A_341], %add3A_277 {strides = array<i32>} : memref<384xf32, #tpu.memory_space<vmem>>, vector<16xf32>,
            %get3A_343 = arith.index_cast %mul3A_197 : i32 to index
            %get3A_344 = tpu.vector_load %arg19[%get3A_343] {strides = array<i32>} : memref<384xi32, #tpu.memory_space<vmem>>, vector<16xi32>,
            %add3A_345 = vector.broadcast %reduce_min3A_117 : i32 to vector<16xi32>
            %add3A_346 = arith.addi %get3A_344, %add3A_345 : vector<16xi32>
            %min3A = arith.constant 65535 : i32
            %min3A_347 = vector.broadcast %min3A : i32 to vector<16xi32>
            %min3A_348 = arith.minsi %add3A_346, %min3A_347 : vector<16xi32>
            %swap3A_349 = arith.index_cast %mul3A_197 : i32 to index
            %swap3A_350 = tpu.vector_load %arg20[%swap3A_349] {strides = array<i32>} : memref<384xi32, #tpu.memory_space<vmem>>, vector<16xi32>,
            tpu.vector_store %arg20[%swap3A_349], %min3A_348 {strides = array<i32>} : memref<384xi32, #tpu.memory_space<vmem>>, vector<16xi32>,
            %while3A_351 = arith.constant 0 : i32
            scf.yield %while3A_351 : i32
          }
          "tpu.region"() ({
            %run_scoped3A = tpu.sem_alloc : memref<!tpu.dma_semaphore, #tpu.memory_space<semaphore_mem>>
            %dma_start3A = arith.constant 0 : i32
            %dma_start3A_194 = tpu.memref_slice %arg21[%dma_start3A] : memref<65536xf32, #tpu.memory_space<vmem_shared>> -> memref<65536xf32, #tpu.memory_space<vmem_shared>>
            tpu.enqueue_indirect_dma source(%arg18 : memref<384xf32, #tpu.memory_space<vmem>>) target(%dma_start3A_194 : memref<65536xf32, #tpu.memory_space<vmem_shared>>) offsets(%arg20 : memref<384xi32, #tpu.memory_space<vmem>>) semaphore(%run_scoped3A : memref<!tpu.dma_semaphore, #tpu.memory_space<semaphore_mem>>) {add = true}
            %dma_wait3A_195 = arith.constant 0 : i32
            %dma_wait3A_196 = tpu.memref_slice %arg21[%dma_wait3A_195] : memref<65536xf32, #tpu.memory_space<vmem_shared>> -> memref<65536xf32, #tpu.memory_space<vmem_shared>>
            tpu.wait_indirect_dma semaphore(%run_scoped3A : memref<!tpu.dma_semaphore, #tpu.memory_space<semaphore_mem>>) src(%arg18 : memref<384xf32, #tpu.memory_space<vmem>>) dst(%dma_wait3A_196 : memref<65536xf32, #tpu.memory_space<vmem_shared>>)
            tpu.yield
          }) : () -> ()
          %while3A_182 = arith.constant 0 : i32
          %while3A_183 = arith.constant 0 : i32
          %while3A_184 = arith.subi %select_n3A_169, %while3A_182 : i32
          %while3A_185 = arith.addi %while3A_182, %while3A_184 : i32
          %while3A_186 = arith.constant 1 : i32
          %while3A_187 = arith.divsi %while3A_184, %while3A_186 : i32
          %while3A_188 = arith.muli %while3A_187, %while3A_186 : i32
          %while3A_189 = arith.addi %while3A_182, %while3A_188 : i32
          %while3A_190 = arith.constant 1 : i32
          %while3A_191 = scf.for %while3A_194 = %while3A_182 to %while3A_189 step %while3A_190 iter_args(%while3A_195 = %while3A_183) -> (i32)  : i32 {
            %mul3A_196 = arith.constant 16 : i32
            %mul3A_197 = arith.muli %while3A_194, %mul3A_196 : i32
            %swap3A = arith.index_cast %mul3A_197 : i32 to index
            %swap3A_198 = tpu.vector_load %arg18[%swap3A] {strides = array<i32>} : memref<384xf32, #tpu.memory_space<vmem>>, vector<16xf32>,
            tpu.vector_store %arg18[%swap3A], %broadcast_in_dim3A_1 {strides = array<i32>} : memref<384xf32, #tpu.memory_space<vmem>>, vector<16xf32>,
            %while3A_199 = arith.constant 0 : i32
            scf.yield %while3A_199 : i32
          }
          %while3A_192 = arith.constant 1 : i32
          %while3A_193 = scf.for %while3A_194 = %while3A_189 to %while3A_185 step %while3A_192 iter_args(%while3A_195 = %while3A_191) -> (i32)  : i32 {
            %mul3A_196 = arith.constant 16 : i32
            %mul3A_197 = arith.muli %while3A_194, %mul3A_196 : i32
            %swap3A = arith.index_cast %mul3A_197 : i32 to index
            %swap3A_198 = tpu.vector_load %arg18[%swap3A] {strides = array<i32>} : memref<384xf32, #tpu.memory_space<vmem>>, vector<16xf32>,
            tpu.vector_store %arg18[%swap3A], %broadcast_in_dim3A_1 {strides = array<i32>} : memref<384xf32, #tpu.memory_space<vmem>>, vector<16xf32>,
            %while3A_199 = arith.constant 0 : i32
            scf.yield %while3A_199 : i32
          }
        } else {
        }
        %sub3A_136 = arith.subi %reduce_max3A_126, %reduce_min3A_117 : i32
        %ge3A = arith.constant 384 : i32
        %ge3A_137 = arith.cmpi sge, %sub3A_136, %ge3A : i32
        %convert_element_type3A_138 = arith.extui %ge3A_137 : i1 to i32
        %cond3A_139 = arith.constant 0 : i32
        %cond3A_140 = arith.cmpi ne, %convert_element_type3A_138, %cond3A_139 : i32
        scf.if %cond3A_140 {
          %scan3A_141 = arith.constant 0 : i32
          %scan3A_142 = arith.constant 0 : i32
          %scan3A_143 = arith.constant 560 : i32
          %scan3A_144 = arith.addi %scan3A_142, %scan3A_143 : i32
          %scan3A_145 = arith.constant 1 : i32
          %scan3A_146 = scf.for %scan3A_148 = %scan3A_142 to %scan3A_144 step %scan3A_145 iter_args(%scan3A_149 = %scan3A_141) -> (i32)  : i32 {
            %mul3A_150 = arith.constant 16 : i32
            %mul3A_151 = arith.muli %scan3A_148, %mul3A_150 : i32
            %get3A_152 = arith.index_cast %mul3A_151 : i32 to index
            %get3A_153 = tpu.vector_load %arg14[%get3A_152] {strides = array<i32>} : memref<8960xi32, #tpu.memory_space<vmem>>, vector<16xi32>,
            %mul3A_154 = arith.constant 16 : i32
            %mul3A_155 = arith.muli %scan3A_148, %mul3A_154 : i32
            %get3A_156 = arith.index_cast %mul3A_155 : i32 to index
            %get3A_157 = tpu.vector_load %arg12[%get3A_156] {strides = array<i32>} : memref<8960xf32, #tpu.memory_space<vmem>>, vector<16xf32>,
            %gather3A = tpu.vector_load_idx %arg10[%get3A_153] : memref<65536xf32, #tpu.memory_space<vmem>>[vector<16xi32>], vector<16xf32>,
            %mul3A_158 = arith.mulf %gather3A, %get3A_157 : vector<16xf32>
            %mul3A_159 = arith.constant 16 : i32
            %mul3A_160 = arith.muli %scan3A_148, %mul3A_159 : i32
            %swap3A = arith.index_cast %mul3A_160 : i32 to index
            %swap3A_161 = tpu.vector_load %arg12[%swap3A] {strides = array<i32>} : memref<8960xf32, #tpu.memory_space<vmem>>, vector<16xf32>,
            tpu.vector_store %arg12[%swap3A], %mul3A_158 {strides = array<i32>} : memref<8960xf32, #tpu.memory_space<vmem>>, vector<16xf32>,
            %scan3A_162 = arith.constant 0 : i32
            scf.yield %scan3A_162 : i32
          }
          %scan3A_147 = arith.constant 560 : i32
          "tpu.region"() ({
            %run_scoped3A = tpu.sem_alloc : memref<!tpu.dma_semaphore, #tpu.memory_space<semaphore_mem>>
            %dma_start3A = arith.constant 0 : i32
            %dma_start3A_148 = tpu.memref_slice %arg21[%dma_start3A] : memref<65536xf32, #tpu.memory_space<vmem_shared>> -> memref<65536xf32, #tpu.memory_space<vmem_shared>>
            tpu.enqueue_indirect_dma source(%arg12 : memref<8960xf32, #tpu.memory_space<vmem>>) target(%dma_start3A_148 : memref<65536xf32, #tpu.memory_space<vmem_shared>>) offsets(%arg16 : memref<8960xi32, #tpu.memory_space<vmem>>) semaphore(%run_scoped3A : memref<!tpu.dma_semaphore, #tpu.memory_space<semaphore_mem>>) {add = true}
            %dma_wait3A_149 = arith.constant 0 : i32
            %dma_wait3A_150 = tpu.memref_slice %arg21[%dma_wait3A_149] : memref<65536xf32, #tpu.memory_space<vmem_shared>> -> memref<65536xf32, #tpu.memory_space<vmem_shared>>
            tpu.wait_indirect_dma semaphore(%run_scoped3A : memref<!tpu.dma_semaphore, #tpu.memory_space<semaphore_mem>>) src(%arg12 : memref<8960xf32, #tpu.memory_space<vmem>>) dst(%dma_wait3A_150 : memref<65536xf32, #tpu.memory_space<vmem_shared>>)
            tpu.yield
          }) : () -> ()
        } else {
        }
      } else {
      }
    }
    %while3A_61 = arith.constant 1 : i32
    scf.for %while3A_71 = %while3A_59 to %while3A_55 step %while3A_61  : i32 {
      %mul3A_72 = arith.muli %while3A_71, %while3A : i32
      %add3A_73 = arith.addi %while3A_52, %mul3A_72 : i32
      %add3A_74 = arith.constant 0 : i32
      %add3A_75 = arith.addi %add3A_73, %add3A_74 : i32
      %lt3A = arith.cmpi slt, %add3A_75, %select_n3A : i32
      %convert_element_type3A_76 = arith.extui %lt3A : i1 to i32
      %cond3A_77 = arith.constant 0 : i32
      %cond3A_78 = arith.cmpi ne, %convert_element_type3A_76, %cond3A_77 : i32
      scf.if %cond3A_78 {
        %mul3A_85 = arith.constant 32 : i32
        %mul3A_86 = arith.muli %add3A_75, %mul3A_85 : i32
        %add3A_87 = arith.addi %mul3A_86, %add3A : i32
        %mul3A_88 = arith.constant 8960 : i32
        %mul3A_89 = arith.muli %add3A_87, %mul3A_88 : i32
        %dma_wait3A = arith.constant 0 : i32
        %dma_wait3A_90 = tpu.memref_slice %arg2[%mul3A_89] : memref<4294967xf32, #tpu.memory_space<hbm>> -> memref<8960xf32, #tpu.memory_space<hbm>>
        %dma_wait3A_91 = tpu.memref_slice %arg22[%dma_wait3A] : memref<2x!tpu.dma_semaphore, #tpu.memory_space<semaphore_mem>> -> memref<1x!tpu.dma_semaphore, #tpu.memory_space<semaphore_mem>>
        %dma_wait3A_92 = tpu.memref_squeeze %dma_wait3A_91 : memref<1x!tpu.dma_semaphore, #tpu.memory_space<semaphore_mem>> -> memref<!tpu.dma_semaphore, #tpu.memory_space<semaphore_mem>>
        %dma_wait3A_93 = tpu.memref_slice %arg2[%mul3A_89] : memref<4294967xf32, #tpu.memory_space<hbm>> -> memref<8960xf32, #tpu.memory_space<hbm>>
        tpu.wait_dma2 semaphore(%dma_wait3A_92 : memref<!tpu.dma_semaphore, #tpu.memory_space<semaphore_mem>>) src(%dma_wait3A_93 : memref<8960xf32, #tpu.memory_space<hbm>>) dst(%arg11 : memref<8960xf32, #tpu.memory_space<vmem>>)
        %dma_wait3A_94 = arith.constant 0 : i32
        %dma_wait3A_95 = tpu.memref_slice %arg4[%mul3A_89] : memref<4294967xi32, #tpu.memory_space<hbm>> -> memref<8960xi32, #tpu.memory_space<hbm>>
        %dma_wait3A_96 = tpu.memref_slice %arg22[%dma_wait3A_94] : memref<2x!tpu.dma_semaphore, #tpu.memory_space<semaphore_mem>> -> memref<1x!tpu.dma_semaphore, #tpu.memory_space<semaphore_mem>>
        %dma_wait3A_97 = tpu.memref_squeeze %dma_wait3A_96 : memref<1x!tpu.dma_semaphore, #tpu.memory_space<semaphore_mem>> -> memref<!tpu.dma_semaphore, #tpu.memory_space<semaphore_mem>>
        %dma_wait3A_98 = tpu.memref_slice %arg4[%mul3A_89] : memref<4294967xi32, #tpu.memory_space<hbm>> -> memref<8960xi32, #tpu.memory_space<hbm>>
        tpu.wait_dma2 semaphore(%dma_wait3A_97 : memref<!tpu.dma_semaphore, #tpu.memory_space<semaphore_mem>>) src(%dma_wait3A_98 : memref<8960xi32, #tpu.memory_space<hbm>>) dst(%arg13 : memref<8960xi32, #tpu.memory_space<vmem>>)
        %dma_wait3A_99 = arith.constant 0 : i32
        %dma_wait3A_100 = tpu.memref_slice %arg3[%mul3A_89] : memref<4294967xi32, #tpu.memory_space<hbm>> -> memref<8960xi32, #tpu.memory_space<hbm>>
        %dma_wait3A_101 = tpu.memref_slice %arg22[%dma_wait3A_99] : memref<2x!tpu.dma_semaphore, #tpu.memory_space<semaphore_mem>> -> memref<1x!tpu.dma_semaphore, #tpu.memory_space<semaphore_mem>>
        %dma_wait3A_102 = tpu.memref_squeeze %dma_wait3A_101 : memref<1x!tpu.dma_semaphore, #tpu.memory_space<semaphore_mem>> -> memref<!tpu.dma_semaphore, #tpu.memory_space<semaphore_mem>>
        %dma_wait3A_103 = tpu.memref_slice %arg3[%mul3A_89] : memref<4294967xi32, #tpu.memory_space<hbm>> -> memref<8960xi32, #tpu.memory_space<hbm>>
        tpu.wait_dma2 semaphore(%dma_wait3A_102 : memref<!tpu.dma_semaphore, #tpu.memory_space<semaphore_mem>>) src(%dma_wait3A_103 : memref<8960xi32, #tpu.memory_space<hbm>>) dst(%arg15 : memref<8960xi32, #tpu.memory_space<vmem>>)
        %add3A_104 = arith.constant 1 : i32
        %add3A_105 = arith.addi %add3A_75, %add3A_104 : i32
        %lt3A_106 = arith.cmpi slt, %add3A_105, %select_n3A : i32
        %convert_element_type3A_107 = arith.extui %lt3A_106 : i1 to i32
        %cond3A_108 = arith.constant 0 : i32
        %cond3A_109 = arith.cmpi ne, %convert_element_type3A_107, %cond3A_108 : i32
        scf.if %cond3A_109 {
          %add3A_141 = arith.constant 1 : i32
          %add3A_142 = arith.addi %add3A_75, %add3A_141 : i32
          %mul3A_143 = arith.constant 32 : i32
          %mul3A_144 = arith.muli %add3A_142, %mul3A_143 : i32
          %add3A_145 = arith.addi %mul3A_144, %add3A : i32
          %mul3A_146 = arith.constant 8960 : i32
          %mul3A_147 = arith.muli %add3A_145, %mul3A_146 : i32
          %dma_start3A = arith.constant 1 : i32
          %dma_start3A_148 = tpu.memref_slice %arg2[%mul3A_147] : memref<4294967xf32, #tpu.memory_space<hbm>> -> memref<8960xf32, #tpu.memory_space<hbm>>
          %dma_start3A_149 = tpu.memref_slice %arg22[%dma_start3A] : memref<2x!tpu.dma_semaphore, #tpu.memory_space<semaphore_mem>> -> memref<1x!tpu.dma_semaphore, #tpu.memory_space<semaphore_mem>>
          %dma_start3A_150 = tpu.memref_squeeze %dma_start3A_149 : memref<1x!tpu.dma_semaphore, #tpu.memory_space<semaphore_mem>> -> memref<!tpu.dma_semaphore, #tpu.memory_space<semaphore_mem>>
          %dma_start3A_151 = tpu.memref_slice %arg2[%mul3A_147] : memref<4294967xf32, #tpu.memory_space<hbm>> -> memref<8960xf32, #tpu.memory_space<hbm>>
          tpu.enqueue_dma source(%dma_start3A_151 : memref<8960xf32, #tpu.memory_space<hbm>>) target(%arg12 : memref<8960xf32, #tpu.memory_space<vmem>>) target_semaphore(%dma_start3A_150 : memref<!tpu.dma_semaphore, #tpu.memory_space<semaphore_mem>>)
          %dma_start3A_152 = arith.constant 1 : i32
          %dma_start3A_153 = tpu.memref_slice %arg4[%mul3A_147] : memref<4294967xi32, #tpu.memory_space<hbm>> -> memref<8960xi32, #tpu.memory_space<hbm>>
          %dma_start3A_154 = tpu.memref_slice %arg22[%dma_start3A_152] : memref<2x!tpu.dma_semaphore, #tpu.memory_space<semaphore_mem>> -> memref<1x!tpu.dma_semaphore, #tpu.memory_space<semaphore_mem>>
          %dma_start3A_155 = tpu.memref_squeeze %dma_start3A_154 : memref<1x!tpu.dma_semaphore, #tpu.memory_space<semaphore_mem>> -> memref<!tpu.dma_semaphore, #tpu.memory_space<semaphore_mem>>
          %dma_start3A_156 = tpu.memref_slice %arg4[%mul3A_147] : memref<4294967xi32, #tpu.memory_space<hbm>> -> memref<8960xi32, #tpu.memory_space<hbm>>
          tpu.enqueue_dma source(%dma_start3A_156 : memref<8960xi32, #tpu.memory_space<hbm>>) target(%arg14 : memref<8960xi32, #tpu.memory_space<vmem>>) target_semaphore(%dma_start3A_155 : memref<!tpu.dma_semaphore, #tpu.memory_space<semaphore_mem>>)
          %dma_start3A_157 = arith.constant 1 : i32
          %dma_start3A_158 = tpu.memref_slice %arg3[%mul3A_147] : memref<4294967xi32, #tpu.memory_space<hbm>> -> memref<8960xi32, #tpu.memory_space<hbm>>
          %dma_start3A_159 = tpu.memref_slice %arg22[%dma_start3A_157] : memref<2x!tpu.dma_semaphore, #tpu.memory_space<semaphore_mem>> -> memref<1x!tpu.dma_semaphore, #tpu.memory_space<semaphore_mem>>
          %dma_start3A_160 = tpu.memref_squeeze %dma_start3A_159 : memref<1x!tpu.dma_semaphore, #tpu.memory_space<semaphore_mem>> -> memref<!tpu.dma_semaphore, #tpu.memory_space<semaphore_mem>>
          %dma_start3A_161 = tpu.memref_slice %arg3[%mul3A_147] : memref<4294967xi32, #tpu.memory_space<hbm>> -> memref<8960xi32, #tpu.memory_space<hbm>>
          tpu.enqueue_dma source(%dma_start3A_161 : memref<8960xi32, #tpu.memory_space<hbm>>) target(%arg16 : memref<8960xi32, #tpu.memory_space<vmem>>) target_semaphore(%dma_start3A_160 : memref<!tpu.dma_semaphore, #tpu.memory_space<semaphore_mem>>)
        } else {
        }
        %get3A = arith.constant 0 : index
        %get3A_110 = tpu.vector_load %arg15[%get3A] {strides = array<i32>} : memref<8960xi32, #tpu.memory_space<vmem>>, vector<16xi32>,
        %reduce_min3A = arith.constant true
        %reduce_min3A_111 = vector.broadcast %reduce_min3A : i1 to vector<16xi1>
        %reduce_min3A_112 = arith.constant -2147483648 : i32
        %reduce_min3A_113 = vector.broadcast %reduce_min3A_112 : i32 to vector<16xi32>
        %reduce_min3A_114 = arith.xori %get3A_110, %reduce_min3A_113 : vector<16xi32>
        %reduce_min3A_115 = tpu.scan <min>, %reduce_min3A_114 masked %reduce_min3A_111 : vector<16xi32>, vector<16xi1> -> vector<16xi32>
        %reduce_min3A_116 = arith.xori %reduce_min3A_115, %reduce_min3A_113 : vector<16xi32>
        %reduce_min3A_117 = vector.extract %reduce_min3A_116[15] : i32 from vector<16xi32>
        %get3A_118 = arith.constant 8944 : index
        %get3A_119 = tpu.vector_load %arg15[%get3A_118] {strides = array<i32>} : memref<8960xi32, #tpu.memory_space<vmem>>, vector<16xi32>,
        %reduce_max3A = arith.constant true
        %reduce_max3A_120 = vector.broadcast %reduce_max3A : i1 to vector<16xi1>
        %reduce_max3A_121 = arith.constant -2147483648 : i32
        %reduce_max3A_122 = vector.broadcast %reduce_max3A_121 : i32 to vector<16xi32>
        %reduce_max3A_123 = arith.xori %get3A_119, %reduce_max3A_122 : vector<16xi32>
        %reduce_max3A_124 = tpu.scan <max>, %reduce_max3A_123 masked %reduce_max3A_120 : vector<16xi32>, vector<16xi1> -> vector<16xi32>
        %reduce_max3A_125 = arith.xori %reduce_max3A_124, %reduce_max3A_122 : vector<16xi32>
        %reduce_max3A_126 = vector.extract %reduce_max3A_125[15] : i32 from vector<16xi32>
        %iota3A = tpu.iota {dimensions = array<i32: 0>} : vector<16xi32>
        %mul3A_127 = arith.constant 385 : i32
        %mul3A_128 = vector.broadcast %mul3A_127 : i32 to vector<16xi32>
        %mul3A_129 = arith.muli %iota3A, %mul3A_128 : vector<16xi32>
        %sub3A_130 = arith.subi %reduce_max3A_126, %reduce_min3A_117 : i32
        %lt3A_131 = arith.constant 384 : i32
        %lt3A_132 = arith.cmpi slt, %sub3A_130, %lt3A_131 : i32
        %convert_element_type3A_133 = arith.extui %lt3A_132 : i1 to i32
        %cond3A_134 = arith.constant 0 : i32
        %cond3A_135 = arith.cmpi ne, %convert_element_type3A_133, %cond3A_134 : i32
        scf.if %cond3A_135 {
          %parallel_loop3A = arith.constant 0 : i32
          %parallel_loop3A_141 = arith.constant 560 : i32
          %parallel_loop3A_142 = arith.constant 1 : i32
          scf.for %parallel_loop3A_194 = %parallel_loop3A to %parallel_loop3A_141 step %parallel_loop3A_142  : i32 {
            %parallel_loop3A_195 = arith.constant 16 : i32
            %parallel_loop3A_196 = arith.muli %parallel_loop3A_194, %parallel_loop3A_195 : i32
            %parallel_loop3A_197 = arith.index_cast %parallel_loop3A_196 : i32 to index
            %parallel_loop3A_198 = tpu.vector_load %arg13[%parallel_loop3A_197] {strides = array<i32>} : memref<8960xi32, #tpu.memory_space<vmem>>, vector<16xi32>,
            %parallel_loop3A_199 = arith.constant 16 : i32
            %parallel_loop3A_200 = arith.muli %parallel_loop3A_194, %parallel_loop3A_199 : i32
            %parallel_loop3A_201 = arith.index_cast %parallel_loop3A_200 : i32 to index
            %parallel_loop3A_202 = tpu.vector_load %arg11[%parallel_loop3A_201] {strides = array<i32>} : memref<8960xf32, #tpu.memory_space<vmem>>, vector<16xf32>,
            %parallel_loop3A_203 = arith.constant 16 : i32
            %parallel_loop3A_204 = arith.muli %parallel_loop3A_194, %parallel_loop3A_203 : i32
            %parallel_loop3A_205 = arith.index_cast %parallel_loop3A_204 : i32 to index
            %parallel_loop3A_206 = tpu.vector_load %arg15[%parallel_loop3A_205] {strides = array<i32>} : memref<8960xi32, #tpu.memory_space<vmem>>, vector<16xi32>,
            %parallel_loop3A_207 = tpu.vector_load_idx %arg10[%parallel_loop3A_198] : memref<65536xf32, #tpu.memory_space<vmem>>[vector<16xi32>], vector<16xf32>,
            %parallel_loop3A_208 = vector.broadcast %reduce_min3A_117 : i32 to vector<16xi32>
            %parallel_loop3A_209 = arith.subi %parallel_loop3A_206, %parallel_loop3A_208 : vector<16xi32>
            %parallel_loop3A_210 = arith.addi %mul3A_129, %parallel_loop3A_209 : vector<16xi32>
            %parallel_loop3A_211 = arith.mulf %parallel_loop3A_207, %parallel_loop3A_202 : vector<16xf32>
            tpu.vector_store_idx %arg17[%parallel_loop3A_210], %parallel_loop3A_211 {add = true} : memref<6160xf32, #tpu.memory_space<vmem>>[vector<16xi32>], vector<16xf32>,
          } {sc.loop_unroll_factor = 4 : i64, sc.parallel_access}
          %sub3A_143 = arith.subi %reduce_max3A_126, %reduce_min3A_117 : i32
          %add3A_144 = arith.constant 16 : i32
          %add3A_145 = arith.addi %sub3A_143, %add3A_144 : i32
          %jit3A_146 = arith.constant 16 : i32
          %div3A_147 = arith.divsi %add3A_145, %jit3A_146 : i32
          %sign3A_148 = arith.constant 0 : i32
          %sign3A_149 = arith.cmpi sgt, %add3A_145, %sign3A_148 : i32
          %sign3A_150 = arith.extui %sign3A_149 : i1 to i32
          %sign3A_151 = arith.constant 0 : i32
          %sign3A_152 = arith.cmpi slt, %add3A_145, %sign3A_151 : i32
          %sign3A_153 = arith.extui %sign3A_152 : i1 to i32
          %sign3A_154 = arith.subi %sign3A_150, %sign3A_153 : i32
          %sign3A_155 = arith.constant 0 : i32
          %sign3A_156 = arith.cmpi sgt, %jit3A_146, %sign3A_155 : i32
          %sign3A_157 = arith.extui %sign3A_156 : i1 to i32
          %sign3A_158 = arith.constant 0 : i32
          %sign3A_159 = arith.cmpi slt, %jit3A_146, %sign3A_158 : i32
          %sign3A_160 = arith.extui %sign3A_159 : i1 to i32
          %sign3A_161 = arith.subi %sign3A_157, %sign3A_160 : i32
          %ne3A_162 = arith.cmpi ne, %sign3A_154, %sign3A_161 : i32
          %rem3A_163 = arith.remsi %add3A_145, %jit3A_146 : i32
          %ne3A_164 = arith.constant 0 : i32
          %ne3A_165 = arith.cmpi ne, %rem3A_163, %ne3A_164 : i32
          %and3A_166 = arith.andi %ne3A_162, %ne3A_165 : i1
          %sub3A_167 = arith.constant 1 : i32
          %sub3A_168 = arith.subi %div3A_147, %sub3A_167 : i32
          %select_n3A_169 = arith.select %and3A_166, %sub3A_168, %div3A_147 : i32
          %while3A_170 = arith.constant 0 : i32
          %while3A_171 = arith.constant 0 : i32
          %while3A_172 = arith.subi %select_n3A_169, %while3A_170 : i32
          %while3A_173 = arith.addi %while3A_170, %while3A_172 : i32
          %while3A_174 = arith.constant 1 : i32
          %while3A_175 = arith.divsi %while3A_172, %while3A_174 : i32
          %while3A_176 = arith.muli %while3A_175, %while3A_174 : i32
          %while3A_177 = arith.addi %while3A_170, %while3A_176 : i32
          %while3A_178 = arith.constant 1 : i32
          %while3A_179 = scf.for %while3A_194 = %while3A_170 to %while3A_177 step %while3A_178 iter_args(%while3A_195 = %while3A_171) -> (i32)  : i32 {
            %mul3A_196 = arith.constant 16 : i32
            %mul3A_197 = arith.muli %while3A_194, %mul3A_196 : i32
            %add3A_198 = arith.constant 0 : i32
            %add3A_199 = arith.addi %add3A_198, %mul3A_197 : i32
            %get3A_200 = arith.index_cast %add3A_199 : i32 to index
            %get3A_201 = tpu.vector_load %arg17[%get3A_200] {strides = array<i32>} : memref<6160xf32, #tpu.memory_space<vmem>>, vector<16xf32>,
            %add3A_202 = arith.addf %broadcast_in_dim3A_1, %get3A_201 : vector<16xf32>
            %add3A_203 = arith.constant 385 : i32
            %add3A_204 = arith.addi %add3A_203, %mul3A_197 : i32
            %get3A_205 = arith.index_cast %add3A_204 : i32 to index
            %get3A_206 = tpu.vector_load %arg17[%get3A_205] {strides = array<i32>} : memref<6160xf32, #tpu.memory_space<vmem>>, vector<16xf32>,
            %add3A_207 = arith.addf %add3A_202, %get3A_206 : vector<16xf32>
            %add3A_208 = arith.constant 770 : i32
            %add3A_209 = arith.addi %add3A_208, %mul3A_197 : i32
            %get3A_210 = arith.index_cast %add3A_209 : i32 to index
            %get3A_211 = tpu.vector_load %arg17[%get3A_210] {strides = array<i32>} : memref<6160xf32, #tpu.memory_space<vmem>>, vector<16xf32>,
            %add3A_212 = arith.addf %add3A_207, %get3A_211 : vector<16xf32>
            %add3A_213 = arith.constant 1155 : i32
            %add3A_214 = arith.addi %add3A_213, %mul3A_197 : i32
            %get3A_215 = arith.index_cast %add3A_214 : i32 to index
            %get3A_216 = tpu.vector_load %arg17[%get3A_215] {strides = array<i32>} : memref<6160xf32, #tpu.memory_space<vmem>>, vector<16xf32>,
            %add3A_217 = arith.addf %add3A_212, %get3A_216 : vector<16xf32>
            %add3A_218 = arith.constant 1540 : i32
            %add3A_219 = arith.addi %add3A_218, %mul3A_197 : i32
            %get3A_220 = arith.index_cast %add3A_219 : i32 to index
            %get3A_221 = tpu.vector_load %arg17[%get3A_220] {strides = array<i32>} : memref<6160xf32, #tpu.memory_space<vmem>>, vector<16xf32>,
            %add3A_222 = arith.addf %add3A_217, %get3A_221 : vector<16xf32>
            %add3A_223 = arith.constant 1925 : i32
            %add3A_224 = arith.addi %add3A_223, %mul3A_197 : i32
            %get3A_225 = arith.index_cast %add3A_224 : i32 to index
            %get3A_226 = tpu.vector_load %arg17[%get3A_225] {strides = array<i32>} : memref<6160xf32, #tpu.memory_space<vmem>>, vector<16xf32>,
            %add3A_227 = arith.addf %add3A_222, %get3A_226 : vector<16xf32>
            %add3A_228 = arith.constant 2310 : i32
            %add3A_229 = arith.addi %add3A_228, %mul3A_197 : i32
            %get3A_230 = arith.index_cast %add3A_229 : i32 to index
            %get3A_231 = tpu.vector_load %arg17[%get3A_230] {strides = array<i32>} : memref<6160xf32, #tpu.memory_space<vmem>>, vector<16xf32>,
            %add3A_232 = arith.addf %add3A_227, %get3A_231 : vector<16xf32>
            %add3A_233 = arith.constant 2695 : i32
            %add3A_234 = arith.addi %add3A_233, %mul3A_197 : i32
            %get3A_235 = arith.index_cast %add3A_234 : i32 to index
            %get3A_236 = tpu.vector_load %arg17[%get3A_235] {strides = array<i32>} : memref<6160xf32, #tpu.memory_space<vmem>>, vector<16xf32>,
            %add3A_237 = arith.addf %add3A_232, %get3A_236 : vector<16xf32>
            %add3A_238 = arith.constant 3080 : i32
            %add3A_239 = arith.addi %add3A_238, %mul3A_197 : i32
            %get3A_240 = arith.index_cast %add3A_239 : i32 to index
            %get3A_241 = tpu.vector_load %arg17[%get3A_240] {strides = array<i32>} : memref<6160xf32, #tpu.memory_space<vmem>>, vector<16xf32>,
            %add3A_242 = arith.addf %add3A_237, %get3A_241 : vector<16xf32>
            %add3A_243 = arith.constant 3465 : i32
            %add3A_244 = arith.addi %add3A_243, %mul3A_197 : i32
            %get3A_245 = arith.index_cast %add3A_244 : i32 to index
            %get3A_246 = tpu.vector_load %arg17[%get3A_245] {strides = array<i32>} : memref<6160xf32, #tpu.memory_space<vmem>>, vector<16xf32>,
            %add3A_247 = arith.addf %add3A_242, %get3A_246 : vector<16xf32>
            %add3A_248 = arith.constant 3850 : i32
            %add3A_249 = arith.addi %add3A_248, %mul3A_197 : i32
            %get3A_250 = arith.index_cast %add3A_249 : i32 to index
            %get3A_251 = tpu.vector_load %arg17[%get3A_250] {strides = array<i32>} : memref<6160xf32, #tpu.memory_space<vmem>>, vector<16xf32>,
            %add3A_252 = arith.addf %add3A_247, %get3A_251 : vector<16xf32>
            %add3A_253 = arith.constant 4235 : i32
            %add3A_254 = arith.addi %add3A_253, %mul3A_197 : i32
            %get3A_255 = arith.index_cast %add3A_254 : i32 to index
            %get3A_256 = tpu.vector_load %arg17[%get3A_255] {strides = array<i32>} : memref<6160xf32, #tpu.memory_space<vmem>>, vector<16xf32>,
            %add3A_257 = arith.addf %add3A_252, %get3A_256 : vector<16xf32>
            %add3A_258 = arith.constant 4620 : i32
            %add3A_259 = arith.addi %add3A_258, %mul3A_197 : i32
            %get3A_260 = arith.index_cast %add3A_259 : i32 to index
            %get3A_261 = tpu.vector_load %arg17[%get3A_260] {strides = array<i32>} : memref<6160xf32, #tpu.memory_space<vmem>>, vector<16xf32>,
            %add3A_262 = arith.addf %add3A_257, %get3A_261 : vector<16xf32>
            %add3A_263 = arith.constant 5005 : i32
            %add3A_264 = arith.addi %add3A_263, %mul3A_197 : i32
            %get3A_265 = arith.index_cast %add3A_264 : i32 to index
            %get3A_266 = tpu.vector_load %arg17[%get3A_265] {strides = array<i32>} : memref<6160xf32, #tpu.memory_space<vmem>>, vector<16xf32>,
            %add3A_267 = arith.addf %add3A_262, %get3A_266 : vector<16xf32>
            %add3A_268 = arith.constant 5390 : i32
            %add3A_269 = arith.addi %add3A_268, %mul3A_197 : i32
            %get3A_270 = arith.index_cast %add3A_269 : i32 to index
            %get3A_271 = tpu.vector_load %arg17[%get3A_270] {strides = array<i32>} : memref<6160xf32, #tpu.memory_space<vmem>>, vector<16xf32>,
            %add3A_272 = arith.addf %add3A_267, %get3A_271 : vector<16xf32>
            %add3A_273 = arith.constant 5775 : i32
            %add3A_274 = arith.addi %add3A_273, %mul3A_197 : i32
            %get3A_275 = arith.index_cast %add3A_274 : i32 to index
            %get3A_276 = tpu.vector_load %arg17[%get3A_275] {strides = array<i32>} : memref<6160xf32, #tpu.memory_space<vmem>>, vector<16xf32>,
            %add3A_277 = arith.addf %add3A_272, %get3A_276 : vector<16xf32>
            %add3A_278 = arith.constant 0 : i32
            %add3A_279 = arith.addi %add3A_278, %mul3A_197 : i32
            %swap3A = arith.index_cast %add3A_279 : i32 to index
            %swap3A_280 = tpu.vector_load %arg17[%swap3A] {strides = array<i32>} : memref<6160xf32, #tpu.memory_space<vmem>>, vector<16xf32>,
            tpu.vector_store %arg17[%swap3A], %broadcast_in_dim3A_1 {strides = array<i32>} : memref<6160xf32, #tpu.memory_space<vmem>>, vector<16xf32>,
            %add3A_281 = arith.constant 385 : i32
            %add3A_282 = arith.addi %add3A_281, %mul3A_197 : i32
            %swap3A_283 = arith.index_cast %add3A_282 : i32 to index
            %swap3A_284 = tpu.vector_load %arg17[%swap3A_283] {strides = array<i32>} : memref<6160xf32, #tpu.memory_space<vmem>>, vector<16xf32>,
            tpu.vector_store %arg17[%swap3A_283], %broadcast_in_dim3A_1 {strides = array<i32>} : memref<6160xf32, #tpu.memory_space<vmem>>, vector<16xf32>,
            %add3A_285 = arith.constant 770 : i32
            %add3A_286 = arith.addi %add3A_285, %mul3A_197 : i32
            %swap3A_287 = arith.index_cast %add3A_286 : i32 to index
            %swap3A_288 = tpu.vector_load %arg17[%swap3A_287] {strides = array<i32>} : memref<6160xf32, #tpu.memory_space<vmem>>, vector<16xf32>,
            tpu.vector_store %arg17[%swap3A_287], %broadcast_in_dim3A_1 {strides = array<i32>} : memref<6160xf32, #tpu.memory_space<vmem>>, vector<16xf32>,
            %add3A_289 = arith.constant 1155 : i32
            %add3A_290 = arith.addi %add3A_289, %mul3A_197 : i32
            %swap3A_291 = arith.index_cast %add3A_290 : i32 to index
            %swap3A_292 = tpu.vector_load %arg17[%swap3A_291] {strides = array<i32>} : memref<6160xf32, #tpu.memory_space<vmem>>, vector<16xf32>,
            tpu.vector_store %arg17[%swap3A_291], %broadcast_in_dim3A_1 {strides = array<i32>} : memref<6160xf32, #tpu.memory_space<vmem>>, vector<16xf32>,
            %add3A_293 = arith.constant 1540 : i32
            %add3A_294 = arith.addi %add3A_293, %mul3A_197 : i32
            %swap3A_295 = arith.index_cast %add3A_294 : i32 to index
            %swap3A_296 = tpu.vector_load %arg17[%swap3A_295] {strides = array<i32>} : memref<6160xf32, #tpu.memory_space<vmem>>, vector<16xf32>,
            tpu.vector_store %arg17[%swap3A_295], %broadcast_in_dim3A_1 {strides = array<i32>} : memref<6160xf32, #tpu.memory_space<vmem>>, vector<16xf32>,
            %add3A_297 = arith.constant 1925 : i32
            %add3A_298 = arith.addi %add3A_297, %mul3A_197 : i32
            %swap3A_299 = arith.index_cast %add3A_298 : i32 to index
            %swap3A_300 = tpu.vector_load %arg17[%swap3A_299] {strides = array<i32>} : memref<6160xf32, #tpu.memory_space<vmem>>, vector<16xf32>,
            tpu.vector_store %arg17[%swap3A_299], %broadcast_in_dim3A_1 {strides = array<i32>} : memref<6160xf32, #tpu.memory_space<vmem>>, vector<16xf32>,
            %add3A_301 = arith.constant 2310 : i32
            %add3A_302 = arith.addi %add3A_301, %mul3A_197 : i32
            %swap3A_303 = arith.index_cast %add3A_302 : i32 to index
            %swap3A_304 = tpu.vector_load %arg17[%swap3A_303] {strides = array<i32>} : memref<6160xf32, #tpu.memory_space<vmem>>, vector<16xf32>,
            tpu.vector_store %arg17[%swap3A_303], %broadcast_in_dim3A_1 {strides = array<i32>} : memref<6160xf32, #tpu.memory_space<vmem>>, vector<16xf32>,
            %add3A_305 = arith.constant 2695 : i32
            %add3A_306 = arith.addi %add3A_305, %mul3A_197 : i32
            %swap3A_307 = arith.index_cast %add3A_306 : i32 to index
            %swap3A_308 = tpu.vector_load %arg17[%swap3A_307] {strides = array<i32>} : memref<6160xf32, #tpu.memory_space<vmem>>, vector<16xf32>,
            tpu.vector_store %arg17[%swap3A_307], %broadcast_in_dim3A_1 {strides = array<i32>} : memref<6160xf32, #tpu.memory_space<vmem>>, vector<16xf32>,
            %add3A_309 = arith.constant 3080 : i32
            %add3A_310 = arith.addi %add3A_309, %mul3A_197 : i32
            %swap3A_311 = arith.index_cast %add3A_310 : i32 to index
            %swap3A_312 = tpu.vector_load %arg17[%swap3A_311] {strides = array<i32>} : memref<6160xf32, #tpu.memory_space<vmem>>, vector<16xf32>,
            tpu.vector_store %arg17[%swap3A_311], %broadcast_in_dim3A_1 {strides = array<i32>} : memref<6160xf32, #tpu.memory_space<vmem>>, vector<16xf32>,
            %add3A_313 = arith.constant 3465 : i32
            %add3A_314 = arith.addi %add3A_313, %mul3A_197 : i32
            %swap3A_315 = arith.index_cast %add3A_314 : i32 to index
            %swap3A_316 = tpu.vector_load %arg17[%swap3A_315] {strides = array<i32>} : memref<6160xf32, #tpu.memory_space<vmem>>, vector<16xf32>,
            tpu.vector_store %arg17[%swap3A_315], %broadcast_in_dim3A_1 {strides = array<i32>} : memref<6160xf32, #tpu.memory_space<vmem>>, vector<16xf32>,
            %add3A_317 = arith.constant 3850 : i32
            %add3A_318 = arith.addi %add3A_317, %mul3A_197 : i32
            %swap3A_319 = arith.index_cast %add3A_318 : i32 to index
            %swap3A_320 = tpu.vector_load %arg17[%swap3A_319] {strides = array<i32>} : memref<6160xf32, #tpu.memory_space<vmem>>, vector<16xf32>,
            tpu.vector_store %arg17[%swap3A_319], %broadcast_in_dim3A_1 {strides = array<i32>} : memref<6160xf32, #tpu.memory_space<vmem>>, vector<16xf32>,
            %add3A_321 = arith.constant 4235 : i32
            %add3A_322 = arith.addi %add3A_321, %mul3A_197 : i32
            %swap3A_323 = arith.index_cast %add3A_322 : i32 to index
            %swap3A_324 = tpu.vector_load %arg17[%swap3A_323] {strides = array<i32>} : memref<6160xf32, #tpu.memory_space<vmem>>, vector<16xf32>,
            tpu.vector_store %arg17[%swap3A_323], %broadcast_in_dim3A_1 {strides = array<i32>} : memref<6160xf32, #tpu.memory_space<vmem>>, vector<16xf32>,
            %add3A_325 = arith.constant 4620 : i32
            %add3A_326 = arith.addi %add3A_325, %mul3A_197 : i32
            %swap3A_327 = arith.index_cast %add3A_326 : i32 to index
            %swap3A_328 = tpu.vector_load %arg17[%swap3A_327] {strides = array<i32>} : memref<6160xf32, #tpu.memory_space<vmem>>, vector<16xf32>,
            tpu.vector_store %arg17[%swap3A_327], %broadcast_in_dim3A_1 {strides = array<i32>} : memref<6160xf32, #tpu.memory_space<vmem>>, vector<16xf32>,
            %add3A_329 = arith.constant 5005 : i32
            %add3A_330 = arith.addi %add3A_329, %mul3A_197 : i32
            %swap3A_331 = arith.index_cast %add3A_330 : i32 to index
            %swap3A_332 = tpu.vector_load %arg17[%swap3A_331] {strides = array<i32>} : memref<6160xf32, #tpu.memory_space<vmem>>, vector<16xf32>,
            tpu.vector_store %arg17[%swap3A_331], %broadcast_in_dim3A_1 {strides = array<i32>} : memref<6160xf32, #tpu.memory_space<vmem>>, vector<16xf32>,
            %add3A_333 = arith.constant 5390 : i32
            %add3A_334 = arith.addi %add3A_333, %mul3A_197 : i32
            %swap3A_335 = arith.index_cast %add3A_334 : i32 to index
            %swap3A_336 = tpu.vector_load %arg17[%swap3A_335] {strides = array<i32>} : memref<6160xf32, #tpu.memory_space<vmem>>, vector<16xf32>,
            tpu.vector_store %arg17[%swap3A_335], %broadcast_in_dim3A_1 {strides = array<i32>} : memref<6160xf32, #tpu.memory_space<vmem>>, vector<16xf32>,
            %add3A_337 = arith.constant 5775 : i32
            %add3A_338 = arith.addi %add3A_337, %mul3A_197 : i32
            %swap3A_339 = arith.index_cast %add3A_338 : i32 to index
            %swap3A_340 = tpu.vector_load %arg17[%swap3A_339] {strides = array<i32>} : memref<6160xf32, #tpu.memory_space<vmem>>, vector<16xf32>,
            tpu.vector_store %arg17[%swap3A_339], %broadcast_in_dim3A_1 {strides = array<i32>} : memref<6160xf32, #tpu.memory_space<vmem>>, vector<16xf32>,
            %swap3A_341 = arith.index_cast %mul3A_197 : i32 to index
            %swap3A_342 = tpu.vector_load %arg18[%swap3A_341] {strides = array<i32>} : memref<384xf32, #tpu.memory_space<vmem>>, vector<16xf32>,
            tpu.vector_store %arg18[%swap3A_341], %add3A_277 {strides = array<i32>} : memref<384xf32, #tpu.memory_space<vmem>>, vector<16xf32>,
            %get3A_343 = arith.index_cast %mul3A_197 : i32 to index
            %get3A_344 = tpu.vector_load %arg19[%get3A_343] {strides = array<i32>} : memref<384xi32, #tpu.memory_space<vmem>>, vector<16xi32>,
            %add3A_345 = vector.broadcast %reduce_min3A_117 : i32 to vector<16xi32>
            %add3A_346 = arith.addi %get3A_344, %add3A_345 : vector<16xi32>
            %min3A = arith.constant 65535 : i32
            %min3A_347 = vector.broadcast %min3A : i32 to vector<16xi32>
            %min3A_348 = arith.minsi %add3A_346, %min3A_347 : vector<16xi32>
            %swap3A_349 = arith.index_cast %mul3A_197 : i32 to index
            %swap3A_350 = tpu.vector_load %arg20[%swap3A_349] {strides = array<i32>} : memref<384xi32, #tpu.memory_space<vmem>>, vector<16xi32>,
            tpu.vector_store %arg20[%swap3A_349], %min3A_348 {strides = array<i32>} : memref<384xi32, #tpu.memory_space<vmem>>, vector<16xi32>,
            %while3A_351 = arith.constant 0 : i32
            scf.yield %while3A_351 : i32
          }
          %while3A_180 = arith.constant 1 : i32
          %while3A_181 = scf.for %while3A_194 = %while3A_177 to %while3A_173 step %while3A_180 iter_args(%while3A_195 = %while3A_179) -> (i32)  : i32 {
            %mul3A_196 = arith.constant 16 : i32
            %mul3A_197 = arith.muli %while3A_194, %mul3A_196 : i32
            %add3A_198 = arith.constant 0 : i32
            %add3A_199 = arith.addi %add3A_198, %mul3A_197 : i32
            %get3A_200 = arith.index_cast %add3A_199 : i32 to index
            %get3A_201 = tpu.vector_load %arg17[%get3A_200] {strides = array<i32>} : memref<6160xf32, #tpu.memory_space<vmem>>, vector<16xf32>,
            %add3A_202 = arith.addf %broadcast_in_dim3A_1, %get3A_201 : vector<16xf32>
            %add3A_203 = arith.constant 385 : i32
            %add3A_204 = arith.addi %add3A_203, %mul3A_197 : i32
            %get3A_205 = arith.index_cast %add3A_204 : i32 to index
            %get3A_206 = tpu.vector_load %arg17[%get3A_205] {strides = array<i32>} : memref<6160xf32, #tpu.memory_space<vmem>>, vector<16xf32>,
            %add3A_207 = arith.addf %add3A_202, %get3A_206 : vector<16xf32>
            %add3A_208 = arith.constant 770 : i32
            %add3A_209 = arith.addi %add3A_208, %mul3A_197 : i32
            %get3A_210 = arith.index_cast %add3A_209 : i32 to index
            %get3A_211 = tpu.vector_load %arg17[%get3A_210] {strides = array<i32>} : memref<6160xf32, #tpu.memory_space<vmem>>, vector<16xf32>,
            %add3A_212 = arith.addf %add3A_207, %get3A_211 : vector<16xf32>
            %add3A_213 = arith.constant 1155 : i32
            %add3A_214 = arith.addi %add3A_213, %mul3A_197 : i32
            %get3A_215 = arith.index_cast %add3A_214 : i32 to index
            %get3A_216 = tpu.vector_load %arg17[%get3A_215] {strides = array<i32>} : memref<6160xf32, #tpu.memory_space<vmem>>, vector<16xf32>,
            %add3A_217 = arith.addf %add3A_212, %get3A_216 : vector<16xf32>
            %add3A_218 = arith.constant 1540 : i32
            %add3A_219 = arith.addi %add3A_218, %mul3A_197 : i32
            %get3A_220 = arith.index_cast %add3A_219 : i32 to index
            %get3A_221 = tpu.vector_load %arg17[%get3A_220] {strides = array<i32>} : memref<6160xf32, #tpu.memory_space<vmem>>, vector<16xf32>,
            %add3A_222 = arith.addf %add3A_217, %get3A_221 : vector<16xf32>
            %add3A_223 = arith.constant 1925 : i32
            %add3A_224 = arith.addi %add3A_223, %mul3A_197 : i32
            %get3A_225 = arith.index_cast %add3A_224 : i32 to index
            %get3A_226 = tpu.vector_load %arg17[%get3A_225] {strides = array<i32>} : memref<6160xf32, #tpu.memory_space<vmem>>, vector<16xf32>,
            %add3A_227 = arith.addf %add3A_222, %get3A_226 : vector<16xf32>
            %add3A_228 = arith.constant 2310 : i32
            %add3A_229 = arith.addi %add3A_228, %mul3A_197 : i32
            %get3A_230 = arith.index_cast %add3A_229 : i32 to index
            %get3A_231 = tpu.vector_load %arg17[%get3A_230] {strides = array<i32>} : memref<6160xf32, #tpu.memory_space<vmem>>, vector<16xf32>,
            %add3A_232 = arith.addf %add3A_227, %get3A_231 : vector<16xf32>
            %add3A_233 = arith.constant 2695 : i32
            %add3A_234 = arith.addi %add3A_233, %mul3A_197 : i32
            %get3A_235 = arith.index_cast %add3A_234 : i32 to index
            %get3A_236 = tpu.vector_load %arg17[%get3A_235] {strides = array<i32>} : memref<6160xf32, #tpu.memory_space<vmem>>, vector<16xf32>,
            %add3A_237 = arith.addf %add3A_232, %get3A_236 : vector<16xf32>
            %add3A_238 = arith.constant 3080 : i32
            %add3A_239 = arith.addi %add3A_238, %mul3A_197 : i32
            %get3A_240 = arith.index_cast %add3A_239 : i32 to index
            %get3A_241 = tpu.vector_load %arg17[%get3A_240] {strides = array<i32>} : memref<6160xf32, #tpu.memory_space<vmem>>, vector<16xf32>,
            %add3A_242 = arith.addf %add3A_237, %get3A_241 : vector<16xf32>
            %add3A_243 = arith.constant 3465 : i32
            %add3A_244 = arith.addi %add3A_243, %mul3A_197 : i32
            %get3A_245 = arith.index_cast %add3A_244 : i32 to index
            %get3A_246 = tpu.vector_load %arg17[%get3A_245] {strides = array<i32>} : memref<6160xf32, #tpu.memory_space<vmem>>, vector<16xf32>,
            %add3A_247 = arith.addf %add3A_242, %get3A_246 : vector<16xf32>
            %add3A_248 = arith.constant 3850 : i32
            %add3A_249 = arith.addi %add3A_248, %mul3A_197 : i32
            %get3A_250 = arith.index_cast %add3A_249 : i32 to index
            %get3A_251 = tpu.vector_load %arg17[%get3A_250] {strides = array<i32>} : memref<6160xf32, #tpu.memory_space<vmem>>, vector<16xf32>,
            %add3A_252 = arith.addf %add3A_247, %get3A_251 : vector<16xf32>
            %add3A_253 = arith.constant 4235 : i32
            %add3A_254 = arith.addi %add3A_253, %mul3A_197 : i32
            %get3A_255 = arith.index_cast %add3A_254 : i32 to index
            %get3A_256 = tpu.vector_load %arg17[%get3A_255] {strides = array<i32>} : memref<6160xf32, #tpu.memory_space<vmem>>, vector<16xf32>,
            %add3A_257 = arith.addf %add3A_252, %get3A_256 : vector<16xf32>
            %add3A_258 = arith.constant 4620 : i32
            %add3A_259 = arith.addi %add3A_258, %mul3A_197 : i32
            %get3A_260 = arith.index_cast %add3A_259 : i32 to index
            %get3A_261 = tpu.vector_load %arg17[%get3A_260] {strides = array<i32>} : memref<6160xf32, #tpu.memory_space<vmem>>, vector<16xf32>,
            %add3A_262 = arith.addf %add3A_257, %get3A_261 : vector<16xf32>
            %add3A_263 = arith.constant 5005 : i32
            %add3A_264 = arith.addi %add3A_263, %mul3A_197 : i32
            %get3A_265 = arith.index_cast %add3A_264 : i32 to index
            %get3A_266 = tpu.vector_load %arg17[%get3A_265] {strides = array<i32>} : memref<6160xf32, #tpu.memory_space<vmem>>, vector<16xf32>,
            %add3A_267 = arith.addf %add3A_262, %get3A_266 : vector<16xf32>
            %add3A_268 = arith.constant 5390 : i32
            %add3A_269 = arith.addi %add3A_268, %mul3A_197 : i32
            %get3A_270 = arith.index_cast %add3A_269 : i32 to index
            %get3A_271 = tpu.vector_load %arg17[%get3A_270] {strides = array<i32>} : memref<6160xf32, #tpu.memory_space<vmem>>, vector<16xf32>,
            %add3A_272 = arith.addf %add3A_267, %get3A_271 : vector<16xf32>
            %add3A_273 = arith.constant 5775 : i32
            %add3A_274 = arith.addi %add3A_273, %mul3A_197 : i32
            %get3A_275 = arith.index_cast %add3A_274 : i32 to index
            %get3A_276 = tpu.vector_load %arg17[%get3A_275] {strides = array<i32>} : memref<6160xf32, #tpu.memory_space<vmem>>, vector<16xf32>,
            %add3A_277 = arith.addf %add3A_272, %get3A_276 : vector<16xf32>
            %add3A_278 = arith.constant 0 : i32
            %add3A_279 = arith.addi %add3A_278, %mul3A_197 : i32
            %swap3A = arith.index_cast %add3A_279 : i32 to index
            %swap3A_280 = tpu.vector_load %arg17[%swap3A] {strides = array<i32>} : memref<6160xf32, #tpu.memory_space<vmem>>, vector<16xf32>,
            tpu.vector_store %arg17[%swap3A], %broadcast_in_dim3A_1 {strides = array<i32>} : memref<6160xf32, #tpu.memory_space<vmem>>, vector<16xf32>,
            %add3A_281 = arith.constant 385 : i32
            %add3A_282 = arith.addi %add3A_281, %mul3A_197 : i32
            %swap3A_283 = arith.index_cast %add3A_282 : i32 to index
            %swap3A_284 = tpu.vector_load %arg17[%swap3A_283] {strides = array<i32>} : memref<6160xf32, #tpu.memory_space<vmem>>, vector<16xf32>,
            tpu.vector_store %arg17[%swap3A_283], %broadcast_in_dim3A_1 {strides = array<i32>} : memref<6160xf32, #tpu.memory_space<vmem>>, vector<16xf32>,
            %add3A_285 = arith.constant 770 : i32
            %add3A_286 = arith.addi %add3A_285, %mul3A_197 : i32
            %swap3A_287 = arith.index_cast %add3A_286 : i32 to index
            %swap3A_288 = tpu.vector_load %arg17[%swap3A_287] {strides = array<i32>} : memref<6160xf32, #tpu.memory_space<vmem>>, vector<16xf32>,
            tpu.vector_store %arg17[%swap3A_287], %broadcast_in_dim3A_1 {strides = array<i32>} : memref<6160xf32, #tpu.memory_space<vmem>>, vector<16xf32>,
            %add3A_289 = arith.constant 1155 : i32
            %add3A_290 = arith.addi %add3A_289, %mul3A_197 : i32
            %swap3A_291 = arith.index_cast %add3A_290 : i32 to index
            %swap3A_292 = tpu.vector_load %arg17[%swap3A_291] {strides = array<i32>} : memref<6160xf32, #tpu.memory_space<vmem>>, vector<16xf32>,
            tpu.vector_store %arg17[%swap3A_291], %broadcast_in_dim3A_1 {strides = array<i32>} : memref<6160xf32, #tpu.memory_space<vmem>>, vector<16xf32>,
            %add3A_293 = arith.constant 1540 : i32
            %add3A_294 = arith.addi %add3A_293, %mul3A_197 : i32
            %swap3A_295 = arith.index_cast %add3A_294 : i32 to index
            %swap3A_296 = tpu.vector_load %arg17[%swap3A_295] {strides = array<i32>} : memref<6160xf32, #tpu.memory_space<vmem>>, vector<16xf32>,
            tpu.vector_store %arg17[%swap3A_295], %broadcast_in_dim3A_1 {strides = array<i32>} : memref<6160xf32, #tpu.memory_space<vmem>>, vector<16xf32>,
            %add3A_297 = arith.constant 1925 : i32
            %add3A_298 = arith.addi %add3A_297, %mul3A_197 : i32
            %swap3A_299 = arith.index_cast %add3A_298 : i32 to index
            %swap3A_300 = tpu.vector_load %arg17[%swap3A_299] {strides = array<i32>} : memref<6160xf32, #tpu.memory_space<vmem>>, vector<16xf32>,
            tpu.vector_store %arg17[%swap3A_299], %broadcast_in_dim3A_1 {strides = array<i32>} : memref<6160xf32, #tpu.memory_space<vmem>>, vector<16xf32>,
            %add3A_301 = arith.constant 2310 : i32
            %add3A_302 = arith.addi %add3A_301, %mul3A_197 : i32
            %swap3A_303 = arith.index_cast %add3A_302 : i32 to index
            %swap3A_304 = tpu.vector_load %arg17[%swap3A_303] {strides = array<i32>} : memref<6160xf32, #tpu.memory_space<vmem>>, vector<16xf32>,
            tpu.vector_store %arg17[%swap3A_303], %broadcast_in_dim3A_1 {strides = array<i32>} : memref<6160xf32, #tpu.memory_space<vmem>>, vector<16xf32>,
            %add3A_305 = arith.constant 2695 : i32
            %add3A_306 = arith.addi %add3A_305, %mul3A_197 : i32
            %swap3A_307 = arith.index_cast %add3A_306 : i32 to index
            %swap3A_308 = tpu.vector_load %arg17[%swap3A_307] {strides = array<i32>} : memref<6160xf32, #tpu.memory_space<vmem>>, vector<16xf32>,
            tpu.vector_store %arg17[%swap3A_307], %broadcast_in_dim3A_1 {strides = array<i32>} : memref<6160xf32, #tpu.memory_space<vmem>>, vector<16xf32>,
            %add3A_309 = arith.constant 3080 : i32
            %add3A_310 = arith.addi %add3A_309, %mul3A_197 : i32
            %swap3A_311 = arith.index_cast %add3A_310 : i32 to index
            %swap3A_312 = tpu.vector_load %arg17[%swap3A_311] {strides = array<i32>} : memref<6160xf32, #tpu.memory_space<vmem>>, vector<16xf32>,
            tpu.vector_store %arg17[%swap3A_311], %broadcast_in_dim3A_1 {strides = array<i32>} : memref<6160xf32, #tpu.memory_space<vmem>>, vector<16xf32>,
            %add3A_313 = arith.constant 3465 : i32
            %add3A_314 = arith.addi %add3A_313, %mul3A_197 : i32
            %swap3A_315 = arith.index_cast %add3A_314 : i32 to index
            %swap3A_316 = tpu.vector_load %arg17[%swap3A_315] {strides = array<i32>} : memref<6160xf32, #tpu.memory_space<vmem>>, vector<16xf32>,
            tpu.vector_store %arg17[%swap3A_315], %broadcast_in_dim3A_1 {strides = array<i32>} : memref<6160xf32, #tpu.memory_space<vmem>>, vector<16xf32>,
            %add3A_317 = arith.constant 3850 : i32
            %add3A_318 = arith.addi %add3A_317, %mul3A_197 : i32
            %swap3A_319 = arith.index_cast %add3A_318 : i32 to index
            %swap3A_320 = tpu.vector_load %arg17[%swap3A_319] {strides = array<i32>} : memref<6160xf32, #tpu.memory_space<vmem>>, vector<16xf32>,
            tpu.vector_store %arg17[%swap3A_319], %broadcast_in_dim3A_1 {strides = array<i32>} : memref<6160xf32, #tpu.memory_space<vmem>>, vector<16xf32>,
            %add3A_321 = arith.constant 4235 : i32
            %add3A_322 = arith.addi %add3A_321, %mul3A_197 : i32
            %swap3A_323 = arith.index_cast %add3A_322 : i32 to index
            %swap3A_324 = tpu.vector_load %arg17[%swap3A_323] {strides = array<i32>} : memref<6160xf32, #tpu.memory_space<vmem>>, vector<16xf32>,
            tpu.vector_store %arg17[%swap3A_323], %broadcast_in_dim3A_1 {strides = array<i32>} : memref<6160xf32, #tpu.memory_space<vmem>>, vector<16xf32>,
            %add3A_325 = arith.constant 4620 : i32
            %add3A_326 = arith.addi %add3A_325, %mul3A_197 : i32
            %swap3A_327 = arith.index_cast %add3A_326 : i32 to index
            %swap3A_328 = tpu.vector_load %arg17[%swap3A_327] {strides = array<i32>} : memref<6160xf32, #tpu.memory_space<vmem>>, vector<16xf32>,
            tpu.vector_store %arg17[%swap3A_327], %broadcast_in_dim3A_1 {strides = array<i32>} : memref<6160xf32, #tpu.memory_space<vmem>>, vector<16xf32>,
            %add3A_329 = arith.constant 5005 : i32
            %add3A_330 = arith.addi %add3A_329, %mul3A_197 : i32
            %swap3A_331 = arith.index_cast %add3A_330 : i32 to index
            %swap3A_332 = tpu.vector_load %arg17[%swap3A_331] {strides = array<i32>} : memref<6160xf32, #tpu.memory_space<vmem>>, vector<16xf32>,
            tpu.vector_store %arg17[%swap3A_331], %broadcast_in_dim3A_1 {strides = array<i32>} : memref<6160xf32, #tpu.memory_space<vmem>>, vector<16xf32>,
            %add3A_333 = arith.constant 5390 : i32
            %add3A_334 = arith.addi %add3A_333, %mul3A_197 : i32
            %swap3A_335 = arith.index_cast %add3A_334 : i32 to index
            %swap3A_336 = tpu.vector_load %arg17[%swap3A_335] {strides = array<i32>} : memref<6160xf32, #tpu.memory_space<vmem>>, vector<16xf32>,
            tpu.vector_store %arg17[%swap3A_335], %broadcast_in_dim3A_1 {strides = array<i32>} : memref<6160xf32, #tpu.memory_space<vmem>>, vector<16xf32>,
            %add3A_337 = arith.constant 5775 : i32
            %add3A_338 = arith.addi %add3A_337, %mul3A_197 : i32
            %swap3A_339 = arith.index_cast %add3A_338 : i32 to index
            %swap3A_340 = tpu.vector_load %arg17[%swap3A_339] {strides = array<i32>} : memref<6160xf32, #tpu.memory_space<vmem>>, vector<16xf32>,
            tpu.vector_store %arg17[%swap3A_339], %broadcast_in_dim3A_1 {strides = array<i32>} : memref<6160xf32, #tpu.memory_space<vmem>>, vector<16xf32>,
            %swap3A_341 = arith.index_cast %mul3A_197 : i32 to index
            %swap3A_342 = tpu.vector_load %arg18[%swap3A_341] {strides = array<i32>} : memref<384xf32, #tpu.memory_space<vmem>>, vector<16xf32>,
            tpu.vector_store %arg18[%swap3A_341], %add3A_277 {strides = array<i32>} : memref<384xf32, #tpu.memory_space<vmem>>, vector<16xf32>,
            %get3A_343 = arith.index_cast %mul3A_197 : i32 to index
            %get3A_344 = tpu.vector_load %arg19[%get3A_343] {strides = array<i32>} : memref<384xi32, #tpu.memory_space<vmem>>, vector<16xi32>,
            %add3A_345 = vector.broadcast %reduce_min3A_117 : i32 to vector<16xi32>
            %add3A_346 = arith.addi %get3A_344, %add3A_345 : vector<16xi32>
            %min3A = arith.constant 65535 : i32
            %min3A_347 = vector.broadcast %min3A : i32 to vector<16xi32>
            %min3A_348 = arith.minsi %add3A_346, %min3A_347 : vector<16xi32>
            %swap3A_349 = arith.index_cast %mul3A_197 : i32 to index
            %swap3A_350 = tpu.vector_load %arg20[%swap3A_349] {strides = array<i32>} : memref<384xi32, #tpu.memory_space<vmem>>, vector<16xi32>,
            tpu.vector_store %arg20[%swap3A_349], %min3A_348 {strides = array<i32>} : memref<384xi32, #tpu.memory_space<vmem>>, vector<16xi32>,
            %while3A_351 = arith.constant 0 : i32
            scf.yield %while3A_351 : i32
          }
          "tpu.region"() ({
            %run_scoped3A = tpu.sem_alloc : memref<!tpu.dma_semaphore, #tpu.memory_space<semaphore_mem>>
            %dma_start3A = arith.constant 0 : i32
            %dma_start3A_194 = tpu.memref_slice %arg21[%dma_start3A] : memref<65536xf32, #tpu.memory_space<vmem_shared>> -> memref<65536xf32, #tpu.memory_space<vmem_shared>>
            tpu.enqueue_indirect_dma source(%arg18 : memref<384xf32, #tpu.memory_space<vmem>>) target(%dma_start3A_194 : memref<65536xf32, #tpu.memory_space<vmem_shared>>) offsets(%arg20 : memref<384xi32, #tpu.memory_space<vmem>>) semaphore(%run_scoped3A : memref<!tpu.dma_semaphore, #tpu.memory_space<semaphore_mem>>) {add = true}
            %dma_wait3A_195 = arith.constant 0 : i32
            %dma_wait3A_196 = tpu.memref_slice %arg21[%dma_wait3A_195] : memref<65536xf32, #tpu.memory_space<vmem_shared>> -> memref<65536xf32, #tpu.memory_space<vmem_shared>>
            tpu.wait_indirect_dma semaphore(%run_scoped3A : memref<!tpu.dma_semaphore, #tpu.memory_space<semaphore_mem>>) src(%arg18 : memref<384xf32, #tpu.memory_space<vmem>>) dst(%dma_wait3A_196 : memref<65536xf32, #tpu.memory_space<vmem_shared>>)
            tpu.yield
          }) : () -> ()
          %while3A_182 = arith.constant 0 : i32
          %while3A_183 = arith.constant 0 : i32
          %while3A_184 = arith.subi %select_n3A_169, %while3A_182 : i32
          %while3A_185 = arith.addi %while3A_182, %while3A_184 : i32
          %while3A_186 = arith.constant 1 : i32
          %while3A_187 = arith.divsi %while3A_184, %while3A_186 : i32
          %while3A_188 = arith.muli %while3A_187, %while3A_186 : i32
          %while3A_189 = arith.addi %while3A_182, %while3A_188 : i32
          %while3A_190 = arith.constant 1 : i32
          %while3A_191 = scf.for %while3A_194 = %while3A_182 to %while3A_189 step %while3A_190 iter_args(%while3A_195 = %while3A_183) -> (i32)  : i32 {
            %mul3A_196 = arith.constant 16 : i32
            %mul3A_197 = arith.muli %while3A_194, %mul3A_196 : i32
            %swap3A = arith.index_cast %mul3A_197 : i32 to index
            %swap3A_198 = tpu.vector_load %arg18[%swap3A] {strides = array<i32>} : memref<384xf32, #tpu.memory_space<vmem>>, vector<16xf32>,
            tpu.vector_store %arg18[%swap3A], %broadcast_in_dim3A_1 {strides = array<i32>} : memref<384xf32, #tpu.memory_space<vmem>>, vector<16xf32>,
            %while3A_199 = arith.constant 0 : i32
            scf.yield %while3A_199 : i32
          }
          %while3A_192 = arith.constant 1 : i32
          %while3A_193 = scf.for %while3A_194 = %while3A_189 to %while3A_185 step %while3A_192 iter_args(%while3A_195 = %while3A_191) -> (i32)  : i32 {
            %mul3A_196 = arith.constant 16 : i32
            %mul3A_197 = arith.muli %while3A_194, %mul3A_196 : i32
            %swap3A = arith.index_cast %mul3A_197 : i32 to index
            %swap3A_198 = tpu.vector_load %arg18[%swap3A] {strides = array<i32>} : memref<384xf32, #tpu.memory_space<vmem>>, vector<16xf32>,
            tpu.vector_store %arg18[%swap3A], %broadcast_in_dim3A_1 {strides = array<i32>} : memref<384xf32, #tpu.memory_space<vmem>>, vector<16xf32>,
            %while3A_199 = arith.constant 0 : i32
            scf.yield %while3A_199 : i32
          }
        } else {
        }
        %sub3A_136 = arith.subi %reduce_max3A_126, %reduce_min3A_117 : i32
        %ge3A = arith.constant 384 : i32
        %ge3A_137 = arith.cmpi sge, %sub3A_136, %ge3A : i32
        %convert_element_type3A_138 = arith.extui %ge3A_137 : i1 to i32
        %cond3A_139 = arith.constant 0 : i32
        %cond3A_140 = arith.cmpi ne, %convert_element_type3A_138, %cond3A_139 : i32
        scf.if %cond3A_140 {
          %scan3A_141 = arith.constant 0 : i32
          %scan3A_142 = arith.constant 0 : i32
          %scan3A_143 = arith.constant 560 : i32
          %scan3A_144 = arith.addi %scan3A_142, %scan3A_143 : i32
          %scan3A_145 = arith.constant 1 : i32
          %scan3A_146 = scf.for %scan3A_148 = %scan3A_142 to %scan3A_144 step %scan3A_145 iter_args(%scan3A_149 = %scan3A_141) -> (i32)  : i32 {
            %mul3A_150 = arith.constant 16 : i32
            %mul3A_151 = arith.muli %scan3A_148, %mul3A_150 : i32
            %get3A_152 = arith.index_cast %mul3A_151 : i32 to index
            %get3A_153 = tpu.vector_load %arg13[%get3A_152] {strides = array<i32>} : memref<8960xi32, #tpu.memory_space<vmem>>, vector<16xi32>,
            %mul3A_154 = arith.constant 16 : i32
            %mul3A_155 = arith.muli %scan3A_148, %mul3A_154 : i32
            %get3A_156 = arith.index_cast %mul3A_155 : i32 to index
            %get3A_157 = tpu.vector_load %arg11[%get3A_156] {strides = array<i32>} : memref<8960xf32, #tpu.memory_space<vmem>>, vector<16xf32>,
            %gather3A = tpu.vector_load_idx %arg10[%get3A_153] : memref<65536xf32, #tpu.memory_space<vmem>>[vector<16xi32>], vector<16xf32>,
            %mul3A_158 = arith.mulf %gather3A, %get3A_157 : vector<16xf32>
            %mul3A_159 = arith.constant 16 : i32
            %mul3A_160 = arith.muli %scan3A_148, %mul3A_159 : i32
            %swap3A = arith.index_cast %mul3A_160 : i32 to index
            %swap3A_161 = tpu.vector_load %arg11[%swap3A] {strides = array<i32>} : memref<8960xf32, #tpu.memory_space<vmem>>, vector<16xf32>,
            tpu.vector_store %arg11[%swap3A], %mul3A_158 {strides = array<i32>} : memref<8960xf32, #tpu.memory_space<vmem>>, vector<16xf32>,
            %scan3A_162 = arith.constant 0 : i32
            scf.yield %scan3A_162 : i32
          }
          %scan3A_147 = arith.constant 560 : i32
          "tpu.region"() ({
            %run_scoped3A = tpu.sem_alloc : memref<!tpu.dma_semaphore, #tpu.memory_space<semaphore_mem>>
            %dma_start3A = arith.constant 0 : i32
            %dma_start3A_148 = tpu.memref_slice %arg21[%dma_start3A] : memref<65536xf32, #tpu.memory_space<vmem_shared>> -> memref<65536xf32, #tpu.memory_space<vmem_shared>>
            tpu.enqueue_indirect_dma source(%arg11 : memref<8960xf32, #tpu.memory_space<vmem>>) target(%dma_start3A_148 : memref<65536xf32, #tpu.memory_space<vmem_shared>>) offsets(%arg15 : memref<8960xi32, #tpu.memory_space<vmem>>) semaphore(%run_scoped3A : memref<!tpu.dma_semaphore, #tpu.memory_space<semaphore_mem>>) {add = true}
            %dma_wait3A_149 = arith.constant 0 : i32
            %dma_wait3A_150 = tpu.memref_slice %arg21[%dma_wait3A_149] : memref<65536xf32, #tpu.memory_space<vmem_shared>> -> memref<65536xf32, #tpu.memory_space<vmem_shared>>
            tpu.wait_indirect_dma semaphore(%run_scoped3A : memref<!tpu.dma_semaphore, #tpu.memory_space<semaphore_mem>>) src(%arg11 : memref<8960xf32, #tpu.memory_space<vmem>>) dst(%dma_wait3A_150 : memref<65536xf32, #tpu.memory_space<vmem_shared>>)
            tpu.yield
          }) : () -> ()
        } else {
        }
      } else {
      }
      %add3A_79 = arith.constant 1 : i32
      %add3A_80 = arith.addi %add3A_73, %add3A_79 : i32
      %lt3A_81 = arith.cmpi slt, %add3A_80, %select_n3A : i32
      %convert_element_type3A_82 = arith.extui %lt3A_81 : i1 to i32
      %cond3A_83 = arith.constant 0 : i32
      %cond3A_84 = arith.cmpi ne, %convert_element_type3A_82, %cond3A_83 : i32
      scf.if %cond3A_84 {
        %mul3A_85 = arith.constant 32 : i32
        %mul3A_86 = arith.muli %add3A_80, %mul3A_85 : i32
        %add3A_87 = arith.addi %mul3A_86, %add3A : i32
        %mul3A_88 = arith.constant 8960 : i32
        %mul3A_89 = arith.muli %add3A_87, %mul3A_88 : i32
        %dma_wait3A = arith.constant 1 : i32
        %dma_wait3A_90 = tpu.memref_slice %arg2[%mul3A_89] : memref<4294967xf32, #tpu.memory_space<hbm>> -> memref<8960xf32, #tpu.memory_space<hbm>>
        %dma_wait3A_91 = tpu.memref_slice %arg22[%dma_wait3A] : memref<2x!tpu.dma_semaphore, #tpu.memory_space<semaphore_mem>> -> memref<1x!tpu.dma_semaphore, #tpu.memory_space<semaphore_mem>>
        %dma_wait3A_92 = tpu.memref_squeeze %dma_wait3A_91 : memref<1x!tpu.dma_semaphore, #tpu.memory_space<semaphore_mem>> -> memref<!tpu.dma_semaphore, #tpu.memory_space<semaphore_mem>>
        %dma_wait3A_93 = tpu.memref_slice %arg2[%mul3A_89] : memref<4294967xf32, #tpu.memory_space<hbm>> -> memref<8960xf32, #tpu.memory_space<hbm>>
        tpu.wait_dma2 semaphore(%dma_wait3A_92 : memref<!tpu.dma_semaphore, #tpu.memory_space<semaphore_mem>>) src(%dma_wait3A_93 : memref<8960xf32, #tpu.memory_space<hbm>>) dst(%arg12 : memref<8960xf32, #tpu.memory_space<vmem>>)
        %dma_wait3A_94 = arith.constant 1 : i32
        %dma_wait3A_95 = tpu.memref_slice %arg4[%mul3A_89] : memref<4294967xi32, #tpu.memory_space<hbm>> -> memref<8960xi32, #tpu.memory_space<hbm>>
        %dma_wait3A_96 = tpu.memref_slice %arg22[%dma_wait3A_94] : memref<2x!tpu.dma_semaphore, #tpu.memory_space<semaphore_mem>> -> memref<1x!tpu.dma_semaphore, #tpu.memory_space<semaphore_mem>>
        %dma_wait3A_97 = tpu.memref_squeeze %dma_wait3A_96 : memref<1x!tpu.dma_semaphore, #tpu.memory_space<semaphore_mem>> -> memref<!tpu.dma_semaphore, #tpu.memory_space<semaphore_mem>>
        %dma_wait3A_98 = tpu.memref_slice %arg4[%mul3A_89] : memref<4294967xi32, #tpu.memory_space<hbm>> -> memref<8960xi32, #tpu.memory_space<hbm>>
        tpu.wait_dma2 semaphore(%dma_wait3A_97 : memref<!tpu.dma_semaphore, #tpu.memory_space<semaphore_mem>>) src(%dma_wait3A_98 : memref<8960xi32, #tpu.memory_space<hbm>>) dst(%arg14 : memref<8960xi32, #tpu.memory_space<vmem>>)
        %dma_wait3A_99 = arith.constant 1 : i32
        %dma_wait3A_100 = tpu.memref_slice %arg3[%mul3A_89] : memref<4294967xi32, #tpu.memory_space<hbm>> -> memref<8960xi32, #tpu.memory_space<hbm>>
        %dma_wait3A_101 = tpu.memref_slice %arg22[%dma_wait3A_99] : memref<2x!tpu.dma_semaphore, #tpu.memory_space<semaphore_mem>> -> memref<1x!tpu.dma_semaphore, #tpu.memory_space<semaphore_mem>>
        %dma_wait3A_102 = tpu.memref_squeeze %dma_wait3A_101 : memref<1x!tpu.dma_semaphore, #tpu.memory_space<semaphore_mem>> -> memref<!tpu.dma_semaphore, #tpu.memory_space<semaphore_mem>>
        %dma_wait3A_103 = tpu.memref_slice %arg3[%mul3A_89] : memref<4294967xi32, #tpu.memory_space<hbm>> -> memref<8960xi32, #tpu.memory_space<hbm>>
        tpu.wait_dma2 semaphore(%dma_wait3A_102 : memref<!tpu.dma_semaphore, #tpu.memory_space<semaphore_mem>>) src(%dma_wait3A_103 : memref<8960xi32, #tpu.memory_space<hbm>>) dst(%arg16 : memref<8960xi32, #tpu.memory_space<vmem>>)
        %add3A_104 = arith.constant 1 : i32
        %add3A_105 = arith.addi %add3A_80, %add3A_104 : i32
        %lt3A_106 = arith.cmpi slt, %add3A_105, %select_n3A : i32
        %convert_element_type3A_107 = arith.extui %lt3A_106 : i1 to i32
        %cond3A_108 = arith.constant 0 : i32
        %cond3A_109 = arith.cmpi ne, %convert_element_type3A_107, %cond3A_108 : i32
        scf.if %cond3A_109 {
          %add3A_141 = arith.constant 1 : i32
          %add3A_142 = arith.addi %add3A_80, %add3A_141 : i32
          %mul3A_143 = arith.constant 32 : i32
          %mul3A_144 = arith.muli %add3A_142, %mul3A_143 : i32
          %add3A_145 = arith.addi %mul3A_144, %add3A : i32
          %mul3A_146 = arith.constant 8960 : i32
          %mul3A_147 = arith.muli %add3A_145, %mul3A_146 : i32
          %dma_start3A = arith.constant 0 : i32
          %dma_start3A_148 = tpu.memref_slice %arg2[%mul3A_147] : memref<4294967xf32, #tpu.memory_space<hbm>> -> memref<8960xf32, #tpu.memory_space<hbm>>
          %dma_start3A_149 = tpu.memref_slice %arg22[%dma_start3A] : memref<2x!tpu.dma_semaphore, #tpu.memory_space<semaphore_mem>> -> memref<1x!tpu.dma_semaphore, #tpu.memory_space<semaphore_mem>>
          %dma_start3A_150 = tpu.memref_squeeze %dma_start3A_149 : memref<1x!tpu.dma_semaphore, #tpu.memory_space<semaphore_mem>> -> memref<!tpu.dma_semaphore, #tpu.memory_space<semaphore_mem>>
          %dma_start3A_151 = tpu.memref_slice %arg2[%mul3A_147] : memref<4294967xf32, #tpu.memory_space<hbm>> -> memref<8960xf32, #tpu.memory_space<hbm>>
          tpu.enqueue_dma source(%dma_start3A_151 : memref<8960xf32, #tpu.memory_space<hbm>>) target(%arg11 : memref<8960xf32, #tpu.memory_space<vmem>>) target_semaphore(%dma_start3A_150 : memref<!tpu.dma_semaphore, #tpu.memory_space<semaphore_mem>>)
          %dma_start3A_152 = arith.constant 0 : i32
          %dma_start3A_153 = tpu.memref_slice %arg4[%mul3A_147] : memref<4294967xi32, #tpu.memory_space<hbm>> -> memref<8960xi32, #tpu.memory_space<hbm>>
          %dma_start3A_154 = tpu.memref_slice %arg22[%dma_start3A_152] : memref<2x!tpu.dma_semaphore, #tpu.memory_space<semaphore_mem>> -> memref<1x!tpu.dma_semaphore, #tpu.memory_space<semaphore_mem>>
          %dma_start3A_155 = tpu.memref_squeeze %dma_start3A_154 : memref<1x!tpu.dma_semaphore, #tpu.memory_space<semaphore_mem>> -> memref<!tpu.dma_semaphore, #tpu.memory_space<semaphore_mem>>
          %dma_start3A_156 = tpu.memref_slice %arg4[%mul3A_147] : memref<4294967xi32, #tpu.memory_space<hbm>> -> memref<8960xi32, #tpu.memory_space<hbm>>
          tpu.enqueue_dma source(%dma_start3A_156 : memref<8960xi32, #tpu.memory_space<hbm>>) target(%arg13 : memref<8960xi32, #tpu.memory_space<vmem>>) target_semaphore(%dma_start3A_155 : memref<!tpu.dma_semaphore, #tpu.memory_space<semaphore_mem>>)
          %dma_start3A_157 = arith.constant 0 : i32
          %dma_start3A_158 = tpu.memref_slice %arg3[%mul3A_147] : memref<4294967xi32, #tpu.memory_space<hbm>> -> memref<8960xi32, #tpu.memory_space<hbm>>
          %dma_start3A_159 = tpu.memref_slice %arg22[%dma_start3A_157] : memref<2x!tpu.dma_semaphore, #tpu.memory_space<semaphore_mem>> -> memref<1x!tpu.dma_semaphore, #tpu.memory_space<semaphore_mem>>
          %dma_start3A_160 = tpu.memref_squeeze %dma_start3A_159 : memref<1x!tpu.dma_semaphore, #tpu.memory_space<semaphore_mem>> -> memref<!tpu.dma_semaphore, #tpu.memory_space<semaphore_mem>>
          %dma_start3A_161 = tpu.memref_slice %arg3[%mul3A_147] : memref<4294967xi32, #tpu.memory_space<hbm>> -> memref<8960xi32, #tpu.memory_space<hbm>>
          tpu.enqueue_dma source(%dma_start3A_161 : memref<8960xi32, #tpu.memory_space<hbm>>) target(%arg15 : memref<8960xi32, #tpu.memory_space<vmem>>) target_semaphore(%dma_start3A_160 : memref<!tpu.dma_semaphore, #tpu.memory_space<semaphore_mem>>)
        } else {
        }
        %get3A = arith.constant 0 : index
        %get3A_110 = tpu.vector_load %arg16[%get3A] {strides = array<i32>} : memref<8960xi32, #tpu.memory_space<vmem>>, vector<16xi32>,
        %reduce_min3A = arith.constant true
        %reduce_min3A_111 = vector.broadcast %reduce_min3A : i1 to vector<16xi1>
        %reduce_min3A_112 = arith.constant -2147483648 : i32
        %reduce_min3A_113 = vector.broadcast %reduce_min3A_112 : i32 to vector<16xi32>
        %reduce_min3A_114 = arith.xori %get3A_110, %reduce_min3A_113 : vector<16xi32>
        %reduce_min3A_115 = tpu.scan <min>, %reduce_min3A_114 masked %reduce_min3A_111 : vector<16xi32>, vector<16xi1> -> vector<16xi32>
        %reduce_min3A_116 = arith.xori %reduce_min3A_115, %reduce_min3A_113 : vector<16xi32>
        %reduce_min3A_117 = vector.extract %reduce_min3A_116[15] : i32 from vector<16xi32>
        %get3A_118 = arith.constant 8944 : index
        %get3A_119 = tpu.vector_load %arg16[%get3A_118] {strides = array<i32>} : memref<8960xi32, #tpu.memory_space<vmem>>, vector<16xi32>,
        %reduce_max3A = arith.constant true
        %reduce_max3A_120 = vector.broadcast %reduce_max3A : i1 to vector<16xi1>
        %reduce_max3A_121 = arith.constant -2147483648 : i32
        %reduce_max3A_122 = vector.broadcast %reduce_max3A_121 : i32 to vector<16xi32>
        %reduce_max3A_123 = arith.xori %get3A_119, %reduce_max3A_122 : vector<16xi32>
        %reduce_max3A_124 = tpu.scan <max>, %reduce_max3A_123 masked %reduce_max3A_120 : vector<16xi32>, vector<16xi1> -> vector<16xi32>
        %reduce_max3A_125 = arith.xori %reduce_max3A_124, %reduce_max3A_122 : vector<16xi32>
        %reduce_max3A_126 = vector.extract %reduce_max3A_125[15] : i32 from vector<16xi32>
        %iota3A = tpu.iota {dimensions = array<i32: 0>} : vector<16xi32>
        %mul3A_127 = arith.constant 385 : i32
        %mul3A_128 = vector.broadcast %mul3A_127 : i32 to vector<16xi32>
        %mul3A_129 = arith.muli %iota3A, %mul3A_128 : vector<16xi32>
        %sub3A_130 = arith.subi %reduce_max3A_126, %reduce_min3A_117 : i32
        %lt3A_131 = arith.constant 384 : i32
        %lt3A_132 = arith.cmpi slt, %sub3A_130, %lt3A_131 : i32
        %convert_element_type3A_133 = arith.extui %lt3A_132 : i1 to i32
        %cond3A_134 = arith.constant 0 : i32
        %cond3A_135 = arith.cmpi ne, %convert_element_type3A_133, %cond3A_134 : i32
        scf.if %cond3A_135 {
          %parallel_loop3A = arith.constant 0 : i32
          %parallel_loop3A_141 = arith.constant 560 : i32
          %parallel_loop3A_142 = arith.constant 1 : i32
          scf.for %parallel_loop3A_194 = %parallel_loop3A to %parallel_loop3A_141 step %parallel_loop3A_142  : i32 {
            %parallel_loop3A_195 = arith.constant 16 : i32
            %parallel_loop3A_196 = arith.muli %parallel_loop3A_194, %parallel_loop3A_195 : i32
            %parallel_loop3A_197 = arith.index_cast %parallel_loop3A_196 : i32 to index
            %parallel_loop3A_198 = tpu.vector_load %arg14[%parallel_loop3A_197] {strides = array<i32>} : memref<8960xi32, #tpu.memory_space<vmem>>, vector<16xi32>,
            %parallel_loop3A_199 = arith.constant 16 : i32
            %parallel_loop3A_200 = arith.muli %parallel_loop3A_194, %parallel_loop3A_199 : i32
            %parallel_loop3A_201 = arith.index_cast %parallel_loop3A_200 : i32 to index
            %parallel_loop3A_202 = tpu.vector_load %arg12[%parallel_loop3A_201] {strides = array<i32>} : memref<8960xf32, #tpu.memory_space<vmem>>, vector<16xf32>,
            %parallel_loop3A_203 = arith.constant 16 : i32
            %parallel_loop3A_204 = arith.muli %parallel_loop3A_194, %parallel_loop3A_203 : i32
            %parallel_loop3A_205 = arith.index_cast %parallel_loop3A_204 : i32 to index
            %parallel_loop3A_206 = tpu.vector_load %arg16[%parallel_loop3A_205] {strides = array<i32>} : memref<8960xi32, #tpu.memory_space<vmem>>, vector<16xi32>,
            %parallel_loop3A_207 = tpu.vector_load_idx %arg10[%parallel_loop3A_198] : memref<65536xf32, #tpu.memory_space<vmem>>[vector<16xi32>], vector<16xf32>,
            %parallel_loop3A_208 = vector.broadcast %reduce_min3A_117 : i32 to vector<16xi32>
            %parallel_loop3A_209 = arith.subi %parallel_loop3A_206, %parallel_loop3A_208 : vector<16xi32>
            %parallel_loop3A_210 = arith.addi %mul3A_129, %parallel_loop3A_209 : vector<16xi32>
            %parallel_loop3A_211 = arith.mulf %parallel_loop3A_207, %parallel_loop3A_202 : vector<16xf32>
            tpu.vector_store_idx %arg17[%parallel_loop3A_210], %parallel_loop3A_211 {add = true} : memref<6160xf32, #tpu.memory_space<vmem>>[vector<16xi32>], vector<16xf32>,
          } {sc.loop_unroll_factor = 4 : i64, sc.parallel_access}
          %sub3A_143 = arith.subi %reduce_max3A_126, %reduce_min3A_117 : i32
          %add3A_144 = arith.constant 16 : i32
          %add3A_145 = arith.addi %sub3A_143, %add3A_144 : i32
          %jit3A_146 = arith.constant 16 : i32
          %div3A_147 = arith.divsi %add3A_145, %jit3A_146 : i32
          %sign3A_148 = arith.constant 0 : i32
          %sign3A_149 = arith.cmpi sgt, %add3A_145, %sign3A_148 : i32
          %sign3A_150 = arith.extui %sign3A_149 : i1 to i32
          %sign3A_151 = arith.constant 0 : i32
          %sign3A_152 = arith.cmpi slt, %add3A_145, %sign3A_151 : i32
          %sign3A_153 = arith.extui %sign3A_152 : i1 to i32
          %sign3A_154 = arith.subi %sign3A_150, %sign3A_153 : i32
          %sign3A_155 = arith.constant 0 : i32
          %sign3A_156 = arith.cmpi sgt, %jit3A_146, %sign3A_155 : i32
          %sign3A_157 = arith.extui %sign3A_156 : i1 to i32
          %sign3A_158 = arith.constant 0 : i32
          %sign3A_159 = arith.cmpi slt, %jit3A_146, %sign3A_158 : i32
          %sign3A_160 = arith.extui %sign3A_159 : i1 to i32
          %sign3A_161 = arith.subi %sign3A_157, %sign3A_160 : i32
          %ne3A_162 = arith.cmpi ne, %sign3A_154, %sign3A_161 : i32
          %rem3A_163 = arith.remsi %add3A_145, %jit3A_146 : i32
          %ne3A_164 = arith.constant 0 : i32
          %ne3A_165 = arith.cmpi ne, %rem3A_163, %ne3A_164 : i32
          %and3A_166 = arith.andi %ne3A_162, %ne3A_165 : i1
          %sub3A_167 = arith.constant 1 : i32
          %sub3A_168 = arith.subi %div3A_147, %sub3A_167 : i32
          %select_n3A_169 = arith.select %and3A_166, %sub3A_168, %div3A_147 : i32
          %while3A_170 = arith.constant 0 : i32
          %while3A_171 = arith.constant 0 : i32
          %while3A_172 = arith.subi %select_n3A_169, %while3A_170 : i32
          %while3A_173 = arith.addi %while3A_170, %while3A_172 : i32
          %while3A_174 = arith.constant 1 : i32
          %while3A_175 = arith.divsi %while3A_172, %while3A_174 : i32
          %while3A_176 = arith.muli %while3A_175, %while3A_174 : i32
          %while3A_177 = arith.addi %while3A_170, %while3A_176 : i32
          %while3A_178 = arith.constant 1 : i32
          %while3A_179 = scf.for %while3A_194 = %while3A_170 to %while3A_177 step %while3A_178 iter_args(%while3A_195 = %while3A_171) -> (i32)  : i32 {
            %mul3A_196 = arith.constant 16 : i32
            %mul3A_197 = arith.muli %while3A_194, %mul3A_196 : i32
            %add3A_198 = arith.constant 0 : i32
            %add3A_199 = arith.addi %add3A_198, %mul3A_197 : i32
            %get3A_200 = arith.index_cast %add3A_199 : i32 to index
            %get3A_201 = tpu.vector_load %arg17[%get3A_200] {strides = array<i32>} : memref<6160xf32, #tpu.memory_space<vmem>>, vector<16xf32>,
            %add3A_202 = arith.addf %broadcast_in_dim3A_1, %get3A_201 : vector<16xf32>
            %add3A_203 = arith.constant 385 : i32
            %add3A_204 = arith.addi %add3A_203, %mul3A_197 : i32
            %get3A_205 = arith.index_cast %add3A_204 : i32 to index
            %get3A_206 = tpu.vector_load %arg17[%get3A_205] {strides = array<i32>} : memref<6160xf32, #tpu.memory_space<vmem>>, vector<16xf32>,
            %add3A_207 = arith.addf %add3A_202, %get3A_206 : vector<16xf32>
            %add3A_208 = arith.constant 770 : i32
            %add3A_209 = arith.addi %add3A_208, %mul3A_197 : i32
            %get3A_210 = arith.index_cast %add3A_209 : i32 to index
            %get3A_211 = tpu.vector_load %arg17[%get3A_210] {strides = array<i32>} : memref<6160xf32, #tpu.memory_space<vmem>>, vector<16xf32>,
            %add3A_212 = arith.addf %add3A_207, %get3A_211 : vector<16xf32>
            %add3A_213 = arith.constant 1155 : i32
            %add3A_214 = arith.addi %add3A_213, %mul3A_197 : i32
            %get3A_215 = arith.index_cast %add3A_214 : i32 to index
            %get3A_216 = tpu.vector_load %arg17[%get3A_215] {strides = array<i32>} : memref<6160xf32, #tpu.memory_space<vmem>>, vector<16xf32>,
            %add3A_217 = arith.addf %add3A_212, %get3A_216 : vector<16xf32>
            %add3A_218 = arith.constant 1540 : i32
            %add3A_219 = arith.addi %add3A_218, %mul3A_197 : i32
            %get3A_220 = arith.index_cast %add3A_219 : i32 to index
            %get3A_221 = tpu.vector_load %arg17[%get3A_220] {strides = array<i32>} : memref<6160xf32, #tpu.memory_space<vmem>>, vector<16xf32>,
            %add3A_222 = arith.addf %add3A_217, %get3A_221 : vector<16xf32>
            %add3A_223 = arith.constant 1925 : i32
            %add3A_224 = arith.addi %add3A_223, %mul3A_197 : i32
            %get3A_225 = arith.index_cast %add3A_224 : i32 to index
            %get3A_226 = tpu.vector_load %arg17[%get3A_225] {strides = array<i32>} : memref<6160xf32, #tpu.memory_space<vmem>>, vector<16xf32>,
            %add3A_227 = arith.addf %add3A_222, %get3A_226 : vector<16xf32>
            %add3A_228 = arith.constant 2310 : i32
            %add3A_229 = arith.addi %add3A_228, %mul3A_197 : i32
            %get3A_230 = arith.index_cast %add3A_229 : i32 to index
            %get3A_231 = tpu.vector_load %arg17[%get3A_230] {strides = array<i32>} : memref<6160xf32, #tpu.memory_space<vmem>>, vector<16xf32>,
            %add3A_232 = arith.addf %add3A_227, %get3A_231 : vector<16xf32>
            %add3A_233 = arith.constant 2695 : i32
            %add3A_234 = arith.addi %add3A_233, %mul3A_197 : i32
            %get3A_235 = arith.index_cast %add3A_234 : i32 to index
            %get3A_236 = tpu.vector_load %arg17[%get3A_235] {strides = array<i32>} : memref<6160xf32, #tpu.memory_space<vmem>>, vector<16xf32>,
            %add3A_237 = arith.addf %add3A_232, %get3A_236 : vector<16xf32>
            %add3A_238 = arith.constant 3080 : i32
            %add3A_239 = arith.addi %add3A_238, %mul3A_197 : i32
            %get3A_240 = arith.index_cast %add3A_239 : i32 to index
            %get3A_241 = tpu.vector_load %arg17[%get3A_240] {strides = array<i32>} : memref<6160xf32, #tpu.memory_space<vmem>>, vector<16xf32>,
            %add3A_242 = arith.addf %add3A_237, %get3A_241 : vector<16xf32>
            %add3A_243 = arith.constant 3465 : i32
            %add3A_244 = arith.addi %add3A_243, %mul3A_197 : i32
            %get3A_245 = arith.index_cast %add3A_244 : i32 to index
            %get3A_246 = tpu.vector_load %arg17[%get3A_245] {strides = array<i32>} : memref<6160xf32, #tpu.memory_space<vmem>>, vector<16xf32>,
            %add3A_247 = arith.addf %add3A_242, %get3A_246 : vector<16xf32>
            %add3A_248 = arith.constant 3850 : i32
            %add3A_249 = arith.addi %add3A_248, %mul3A_197 : i32
            %get3A_250 = arith.index_cast %add3A_249 : i32 to index
            %get3A_251 = tpu.vector_load %arg17[%get3A_250] {strides = array<i32>} : memref<6160xf32, #tpu.memory_space<vmem>>, vector<16xf32>,
            %add3A_252 = arith.addf %add3A_247, %get3A_251 : vector<16xf32>
            %add3A_253 = arith.constant 4235 : i32
            %add3A_254 = arith.addi %add3A_253, %mul3A_197 : i32
            %get3A_255 = arith.index_cast %add3A_254 : i32 to index
            %get3A_256 = tpu.vector_load %arg17[%get3A_255] {strides = array<i32>} : memref<6160xf32, #tpu.memory_space<vmem>>, vector<16xf32>,
            %add3A_257 = arith.addf %add3A_252, %get3A_256 : vector<16xf32>
            %add3A_258 = arith.constant 4620 : i32
            %add3A_259 = arith.addi %add3A_258, %mul3A_197 : i32
            %get3A_260 = arith.index_cast %add3A_259 : i32 to index
            %get3A_261 = tpu.vector_load %arg17[%get3A_260] {strides = array<i32>} : memref<6160xf32, #tpu.memory_space<vmem>>, vector<16xf32>,
            %add3A_262 = arith.addf %add3A_257, %get3A_261 : vector<16xf32>
            %add3A_263 = arith.constant 5005 : i32
            %add3A_264 = arith.addi %add3A_263, %mul3A_197 : i32
            %get3A_265 = arith.index_cast %add3A_264 : i32 to index
            %get3A_266 = tpu.vector_load %arg17[%get3A_265] {strides = array<i32>} : memref<6160xf32, #tpu.memory_space<vmem>>, vector<16xf32>,
            %add3A_267 = arith.addf %add3A_262, %get3A_266 : vector<16xf32>
            %add3A_268 = arith.constant 5390 : i32
            %add3A_269 = arith.addi %add3A_268, %mul3A_197 : i32
            %get3A_270 = arith.index_cast %add3A_269 : i32 to index
            %get3A_271 = tpu.vector_load %arg17[%get3A_270] {strides = array<i32>} : memref<6160xf32, #tpu.memory_space<vmem>>, vector<16xf32>,
            %add3A_272 = arith.addf %add3A_267, %get3A_271 : vector<16xf32>
            %add3A_273 = arith.constant 5775 : i32
            %add3A_274 = arith.addi %add3A_273, %mul3A_197 : i32
            %get3A_275 = arith.index_cast %add3A_274 : i32 to index
            %get3A_276 = tpu.vector_load %arg17[%get3A_275] {strides = array<i32>} : memref<6160xf32, #tpu.memory_space<vmem>>, vector<16xf32>,
            %add3A_277 = arith.addf %add3A_272, %get3A_276 : vector<16xf32>
            %add3A_278 = arith.constant 0 : i32
            %add3A_279 = arith.addi %add3A_278, %mul3A_197 : i32
            %swap3A = arith.index_cast %add3A_279 : i32 to index
            %swap3A_280 = tpu.vector_load %arg17[%swap3A] {strides = array<i32>} : memref<6160xf32, #tpu.memory_space<vmem>>, vector<16xf32>,
            tpu.vector_store %arg17[%swap3A], %broadcast_in_dim3A_1 {strides = array<i32>} : memref<6160xf32, #tpu.memory_space<vmem>>, vector<16xf32>,
            %add3A_281 = arith.constant 385 : i32
            %add3A_282 = arith.addi %add3A_281, %mul3A_197 : i32
            %swap3A_283 = arith.index_cast %add3A_282 : i32 to index
            %swap3A_284 = tpu.vector_load %arg17[%swap3A_283] {strides = array<i32>} : memref<6160xf32, #tpu.memory_space<vmem>>, vector<16xf32>,
            tpu.vector_store %arg17[%swap3A_283], %broadcast_in_dim3A_1 {strides = array<i32>} : memref<6160xf32, #tpu.memory_space<vmem>>, vector<16xf32>,
            %add3A_285 = arith.constant 770 : i32
            %add3A_286 = arith.addi %add3A_285, %mul3A_197 : i32
            %swap3A_287 = arith.index_cast %add3A_286 : i32 to index
            %swap3A_288 = tpu.vector_load %arg17[%swap3A_287] {strides = array<i32>} : memref<6160xf32, #tpu.memory_space<vmem>>, vector<16xf32>,
            tpu.vector_store %arg17[%swap3A_287], %broadcast_in_dim3A_1 {strides = array<i32>} : memref<6160xf32, #tpu.memory_space<vmem>>, vector<16xf32>,
            %add3A_289 = arith.constant 1155 : i32
            %add3A_290 = arith.addi %add3A_289, %mul3A_197 : i32
            %swap3A_291 = arith.index_cast %add3A_290 : i32 to index
            %swap3A_292 = tpu.vector_load %arg17[%swap3A_291] {strides = array<i32>} : memref<6160xf32, #tpu.memory_space<vmem>>, vector<16xf32>,
            tpu.vector_store %arg17[%swap3A_291], %broadcast_in_dim3A_1 {strides = array<i32>} : memref<6160xf32, #tpu.memory_space<vmem>>, vector<16xf32>,
            %add3A_293 = arith.constant 1540 : i32
            %add3A_294 = arith.addi %add3A_293, %mul3A_197 : i32
            %swap3A_295 = arith.index_cast %add3A_294 : i32 to index
            %swap3A_296 = tpu.vector_load %arg17[%swap3A_295] {strides = array<i32>} : memref<6160xf32, #tpu.memory_space<vmem>>, vector<16xf32>,
            tpu.vector_store %arg17[%swap3A_295], %broadcast_in_dim3A_1 {strides = array<i32>} : memref<6160xf32, #tpu.memory_space<vmem>>, vector<16xf32>,
            %add3A_297 = arith.constant 1925 : i32
            %add3A_298 = arith.addi %add3A_297, %mul3A_197 : i32
            %swap3A_299 = arith.index_cast %add3A_298 : i32 to index
            %swap3A_300 = tpu.vector_load %arg17[%swap3A_299] {strides = array<i32>} : memref<6160xf32, #tpu.memory_space<vmem>>, vector<16xf32>,
            tpu.vector_store %arg17[%swap3A_299], %broadcast_in_dim3A_1 {strides = array<i32>} : memref<6160xf32, #tpu.memory_space<vmem>>, vector<16xf32>,
            %add3A_301 = arith.constant 2310 : i32
            %add3A_302 = arith.addi %add3A_301, %mul3A_197 : i32
            %swap3A_303 = arith.index_cast %add3A_302 : i32 to index
            %swap3A_304 = tpu.vector_load %arg17[%swap3A_303] {strides = array<i32>} : memref<6160xf32, #tpu.memory_space<vmem>>, vector<16xf32>,
            tpu.vector_store %arg17[%swap3A_303], %broadcast_in_dim3A_1 {strides = array<i32>} : memref<6160xf32, #tpu.memory_space<vmem>>, vector<16xf32>,
            %add3A_305 = arith.constant 2695 : i32
            %add3A_306 = arith.addi %add3A_305, %mul3A_197 : i32
            %swap3A_307 = arith.index_cast %add3A_306 : i32 to index
            %swap3A_308 = tpu.vector_load %arg17[%swap3A_307] {strides = array<i32>} : memref<6160xf32, #tpu.memory_space<vmem>>, vector<16xf32>,
            tpu.vector_store %arg17[%swap3A_307], %broadcast_in_dim3A_1 {strides = array<i32>} : memref<6160xf32, #tpu.memory_space<vmem>>, vector<16xf32>,
            %add3A_309 = arith.constant 3080 : i32
            %add3A_310 = arith.addi %add3A_309, %mul3A_197 : i32
            %swap3A_311 = arith.index_cast %add3A_310 : i32 to index
            %swap3A_312 = tpu.vector_load %arg17[%swap3A_311] {strides = array<i32>} : memref<6160xf32, #tpu.memory_space<vmem>>, vector<16xf32>,
            tpu.vector_store %arg17[%swap3A_311], %broadcast_in_dim3A_1 {strides = array<i32>} : memref<6160xf32, #tpu.memory_space<vmem>>, vector<16xf32>,
            %add3A_313 = arith.constant 3465 : i32
            %add3A_314 = arith.addi %add3A_313, %mul3A_197 : i32
            %swap3A_315 = arith.index_cast %add3A_314 : i32 to index
            %swap3A_316 = tpu.vector_load %arg17[%swap3A_315] {strides = array<i32>} : memref<6160xf32, #tpu.memory_space<vmem>>, vector<16xf32>,
            tpu.vector_store %arg17[%swap3A_315], %broadcast_in_dim3A_1 {strides = array<i32>} : memref<6160xf32, #tpu.memory_space<vmem>>, vector<16xf32>,
            %add3A_317 = arith.constant 3850 : i32
            %add3A_318 = arith.addi %add3A_317, %mul3A_197 : i32
            %swap3A_319 = arith.index_cast %add3A_318 : i32 to index
            %swap3A_320 = tpu.vector_load %arg17[%swap3A_319] {strides = array<i32>} : memref<6160xf32, #tpu.memory_space<vmem>>, vector<16xf32>,
            tpu.vector_store %arg17[%swap3A_319], %broadcast_in_dim3A_1 {strides = array<i32>} : memref<6160xf32, #tpu.memory_space<vmem>>, vector<16xf32>,
            %add3A_321 = arith.constant 4235 : i32
            %add3A_322 = arith.addi %add3A_321, %mul3A_197 : i32
            %swap3A_323 = arith.index_cast %add3A_322 : i32 to index
            %swap3A_324 = tpu.vector_load %arg17[%swap3A_323] {strides = array<i32>} : memref<6160xf32, #tpu.memory_space<vmem>>, vector<16xf32>,
            tpu.vector_store %arg17[%swap3A_323], %broadcast_in_dim3A_1 {strides = array<i32>} : memref<6160xf32, #tpu.memory_space<vmem>>, vector<16xf32>,
            %add3A_325 = arith.constant 4620 : i32
            %add3A_326 = arith.addi %add3A_325, %mul3A_197 : i32
            %swap3A_327 = arith.index_cast %add3A_326 : i32 to index
            %swap3A_328 = tpu.vector_load %arg17[%swap3A_327] {strides = array<i32>} : memref<6160xf32, #tpu.memory_space<vmem>>, vector<16xf32>,
            tpu.vector_store %arg17[%swap3A_327], %broadcast_in_dim3A_1 {strides = array<i32>} : memref<6160xf32, #tpu.memory_space<vmem>>, vector<16xf32>,
            %add3A_329 = arith.constant 5005 : i32
            %add3A_330 = arith.addi %add3A_329, %mul3A_197 : i32
            %swap3A_331 = arith.index_cast %add3A_330 : i32 to index
            %swap3A_332 = tpu.vector_load %arg17[%swap3A_331] {strides = array<i32>} : memref<6160xf32, #tpu.memory_space<vmem>>, vector<16xf32>,
            tpu.vector_store %arg17[%swap3A_331], %broadcast_in_dim3A_1 {strides = array<i32>} : memref<6160xf32, #tpu.memory_space<vmem>>, vector<16xf32>,
            %add3A_333 = arith.constant 5390 : i32
            %add3A_334 = arith.addi %add3A_333, %mul3A_197 : i32
            %swap3A_335 = arith.index_cast %add3A_334 : i32 to index
            %swap3A_336 = tpu.vector_load %arg17[%swap3A_335] {strides = array<i32>} : memref<6160xf32, #tpu.memory_space<vmem>>, vector<16xf32>,
            tpu.vector_store %arg17[%swap3A_335], %broadcast_in_dim3A_1 {strides = array<i32>} : memref<6160xf32, #tpu.memory_space<vmem>>, vector<16xf32>,
            %add3A_337 = arith.constant 5775 : i32
            %add3A_338 = arith.addi %add3A_337, %mul3A_197 : i32
            %swap3A_339 = arith.index_cast %add3A_338 : i32 to index
            %swap3A_340 = tpu.vector_load %arg17[%swap3A_339] {strides = array<i32>} : memref<6160xf32, #tpu.memory_space<vmem>>, vector<16xf32>,
            tpu.vector_store %arg17[%swap3A_339], %broadcast_in_dim3A_1 {strides = array<i32>} : memref<6160xf32, #tpu.memory_space<vmem>>, vector<16xf32>,
            %swap3A_341 = arith.index_cast %mul3A_197 : i32 to index
            %swap3A_342 = tpu.vector_load %arg18[%swap3A_341] {strides = array<i32>} : memref<384xf32, #tpu.memory_space<vmem>>, vector<16xf32>,
            tpu.vector_store %arg18[%swap3A_341], %add3A_277 {strides = array<i32>} : memref<384xf32, #tpu.memory_space<vmem>>, vector<16xf32>,
            %get3A_343 = arith.index_cast %mul3A_197 : i32 to index
            %get3A_344 = tpu.vector_load %arg19[%get3A_343] {strides = array<i32>} : memref<384xi32, #tpu.memory_space<vmem>>, vector<16xi32>,
            %add3A_345 = vector.broadcast %reduce_min3A_117 : i32 to vector<16xi32>
            %add3A_346 = arith.addi %get3A_344, %add3A_345 : vector<16xi32>
            %min3A = arith.constant 65535 : i32
            %min3A_347 = vector.broadcast %min3A : i32 to vector<16xi32>
            %min3A_348 = arith.minsi %add3A_346, %min3A_347 : vector<16xi32>
            %swap3A_349 = arith.index_cast %mul3A_197 : i32 to index
            %swap3A_350 = tpu.vector_load %arg20[%swap3A_349] {strides = array<i32>} : memref<384xi32, #tpu.memory_space<vmem>>, vector<16xi32>,
            tpu.vector_store %arg20[%swap3A_349], %min3A_348 {strides = array<i32>} : memref<384xi32, #tpu.memory_space<vmem>>, vector<16xi32>,
            %while3A_351 = arith.constant 0 : i32
            scf.yield %while3A_351 : i32
          }
          %while3A_180 = arith.constant 1 : i32
          %while3A_181 = scf.for %while3A_194 = %while3A_177 to %while3A_173 step %while3A_180 iter_args(%while3A_195 = %while3A_179) -> (i32)  : i32 {
            %mul3A_196 = arith.constant 16 : i32
            %mul3A_197 = arith.muli %while3A_194, %mul3A_196 : i32
            %add3A_198 = arith.constant 0 : i32
            %add3A_199 = arith.addi %add3A_198, %mul3A_197 : i32
            %get3A_200 = arith.index_cast %add3A_199 : i32 to index
            %get3A_201 = tpu.vector_load %arg17[%get3A_200] {strides = array<i32>} : memref<6160xf32, #tpu.memory_space<vmem>>, vector<16xf32>,
            %add3A_202 = arith.addf %broadcast_in_dim3A_1, %get3A_201 : vector<16xf32>
            %add3A_203 = arith.constant 385 : i32
            %add3A_204 = arith.addi %add3A_203, %mul3A_197 : i32
            %get3A_205 = arith.index_cast %add3A_204 : i32 to index
            %get3A_206 = tpu.vector_load %arg17[%get3A_205] {strides = array<i32>} : memref<6160xf32, #tpu.memory_space<vmem>>, vector<16xf32>,
            %add3A_207 = arith.addf %add3A_202, %get3A_206 : vector<16xf32>
            %add3A_208 = arith.constant 770 : i32
            %add3A_209 = arith.addi %add3A_208, %mul3A_197 : i32
            %get3A_210 = arith.index_cast %add3A_209 : i32 to index
            %get3A_211 = tpu.vector_load %arg17[%get3A_210] {strides = array<i32>} : memref<6160xf32, #tpu.memory_space<vmem>>, vector<16xf32>,
            %add3A_212 = arith.addf %add3A_207, %get3A_211 : vector<16xf32>
            %add3A_213 = arith.constant 1155 : i32
            %add3A_214 = arith.addi %add3A_213, %mul3A_197 : i32
            %get3A_215 = arith.index_cast %add3A_214 : i32 to index
            %get3A_216 = tpu.vector_load %arg17[%get3A_215] {strides = array<i32>} : memref<6160xf32, #tpu.memory_space<vmem>>, vector<16xf32>,
            %add3A_217 = arith.addf %add3A_212, %get3A_216 : vector<16xf32>
            %add3A_218 = arith.constant 1540 : i32
            %add3A_219 = arith.addi %add3A_218, %mul3A_197 : i32
            %get3A_220 = arith.index_cast %add3A_219 : i32 to index
            %get3A_221 = tpu.vector_load %arg17[%get3A_220] {strides = array<i32>} : memref<6160xf32, #tpu.memory_space<vmem>>, vector<16xf32>,
            %add3A_222 = arith.addf %add3A_217, %get3A_221 : vector<16xf32>
            %add3A_223 = arith.constant 1925 : i32
            %add3A_224 = arith.addi %add3A_223, %mul3A_197 : i32
            %get3A_225 = arith.index_cast %add3A_224 : i32 to index
            %get3A_226 = tpu.vector_load %arg17[%get3A_225] {strides = array<i32>} : memref<6160xf32, #tpu.memory_space<vmem>>, vector<16xf32>,
            %add3A_227 = arith.addf %add3A_222, %get3A_226 : vector<16xf32>
            %add3A_228 = arith.constant 2310 : i32
            %add3A_229 = arith.addi %add3A_228, %mul3A_197 : i32
            %get3A_230 = arith.index_cast %add3A_229 : i32 to index
            %get3A_231 = tpu.vector_load %arg17[%get3A_230] {strides = array<i32>} : memref<6160xf32, #tpu.memory_space<vmem>>, vector<16xf32>,
            %add3A_232 = arith.addf %add3A_227, %get3A_231 : vector<16xf32>
            %add3A_233 = arith.constant 2695 : i32
            %add3A_234 = arith.addi %add3A_233, %mul3A_197 : i32
            %get3A_235 = arith.index_cast %add3A_234 : i32 to index
            %get3A_236 = tpu.vector_load %arg17[%get3A_235] {strides = array<i32>} : memref<6160xf32, #tpu.memory_space<vmem>>, vector<16xf32>,
            %add3A_237 = arith.addf %add3A_232, %get3A_236 : vector<16xf32>
            %add3A_238 = arith.constant 3080 : i32
            %add3A_239 = arith.addi %add3A_238, %mul3A_197 : i32
            %get3A_240 = arith.index_cast %add3A_239 : i32 to index
            %get3A_241 = tpu.vector_load %arg17[%get3A_240] {strides = array<i32>} : memref<6160xf32, #tpu.memory_space<vmem>>, vector<16xf32>,
            %add3A_242 = arith.addf %add3A_237, %get3A_241 : vector<16xf32>
            %add3A_243 = arith.constant 3465 : i32
            %add3A_244 = arith.addi %add3A_243, %mul3A_197 : i32
            %get3A_245 = arith.index_cast %add3A_244 : i32 to index
            %get3A_246 = tpu.vector_load %arg17[%get3A_245] {strides = array<i32>} : memref<6160xf32, #tpu.memory_space<vmem>>, vector<16xf32>,
            %add3A_247 = arith.addf %add3A_242, %get3A_246 : vector<16xf32>
            %add3A_248 = arith.constant 3850 : i32
            %add3A_249 = arith.addi %add3A_248, %mul3A_197 : i32
            %get3A_250 = arith.index_cast %add3A_249 : i32 to index
            %get3A_251 = tpu.vector_load %arg17[%get3A_250] {strides = array<i32>} : memref<6160xf32, #tpu.memory_space<vmem>>, vector<16xf32>,
            %add3A_252 = arith.addf %add3A_247, %get3A_251 : vector<16xf32>
            %add3A_253 = arith.constant 4235 : i32
            %add3A_254 = arith.addi %add3A_253, %mul3A_197 : i32
            %get3A_255 = arith.index_cast %add3A_254 : i32 to index
            %get3A_256 = tpu.vector_load %arg17[%get3A_255] {strides = array<i32>} : memref<6160xf32, #tpu.memory_space<vmem>>, vector<16xf32>,
            %add3A_257 = arith.addf %add3A_252, %get3A_256 : vector<16xf32>
            %add3A_258 = arith.constant 4620 : i32
            %add3A_259 = arith.addi %add3A_258, %mul3A_197 : i32
            %get3A_260 = arith.index_cast %add3A_259 : i32 to index
            %get3A_261 = tpu.vector_load %arg17[%get3A_260] {strides = array<i32>} : memref<6160xf32, #tpu.memory_space<vmem>>, vector<16xf32>,
            %add3A_262 = arith.addf %add3A_257, %get3A_261 : vector<16xf32>
            %add3A_263 = arith.constant 5005 : i32
            %add3A_264 = arith.addi %add3A_263, %mul3A_197 : i32
            %get3A_265 = arith.index_cast %add3A_264 : i32 to index
            %get3A_266 = tpu.vector_load %arg17[%get3A_265] {strides = array<i32>} : memref<6160xf32, #tpu.memory_space<vmem>>, vector<16xf32>,
            %add3A_267 = arith.addf %add3A_262, %get3A_266 : vector<16xf32>
            %add3A_268 = arith.constant 5390 : i32
            %add3A_269 = arith.addi %add3A_268, %mul3A_197 : i32
            %get3A_270 = arith.index_cast %add3A_269 : i32 to index
            %get3A_271 = tpu.vector_load %arg17[%get3A_270] {strides = array<i32>} : memref<6160xf32, #tpu.memory_space<vmem>>, vector<16xf32>,
            %add3A_272 = arith.addf %add3A_267, %get3A_271 : vector<16xf32>
            %add3A_273 = arith.constant 5775 : i32
            %add3A_274 = arith.addi %add3A_273, %mul3A_197 : i32
            %get3A_275 = arith.index_cast %add3A_274 : i32 to index
            %get3A_276 = tpu.vector_load %arg17[%get3A_275] {strides = array<i32>} : memref<6160xf32, #tpu.memory_space<vmem>>, vector<16xf32>,
            %add3A_277 = arith.addf %add3A_272, %get3A_276 : vector<16xf32>
            %add3A_278 = arith.constant 0 : i32
            %add3A_279 = arith.addi %add3A_278, %mul3A_197 : i32
            %swap3A = arith.index_cast %add3A_279 : i32 to index
            %swap3A_280 = tpu.vector_load %arg17[%swap3A] {strides = array<i32>} : memref<6160xf32, #tpu.memory_space<vmem>>, vector<16xf32>,
            tpu.vector_store %arg17[%swap3A], %broadcast_in_dim3A_1 {strides = array<i32>} : memref<6160xf32, #tpu.memory_space<vmem>>, vector<16xf32>,
            %add3A_281 = arith.constant 385 : i32
            %add3A_282 = arith.addi %add3A_281, %mul3A_197 : i32
            %swap3A_283 = arith.index_cast %add3A_282 : i32 to index
            %swap3A_284 = tpu.vector_load %arg17[%swap3A_283] {strides = array<i32>} : memref<6160xf32, #tpu.memory_space<vmem>>, vector<16xf32>,
            tpu.vector_store %arg17[%swap3A_283], %broadcast_in_dim3A_1 {strides = array<i32>} : memref<6160xf32, #tpu.memory_space<vmem>>, vector<16xf32>,
            %add3A_285 = arith.constant 770 : i32
            %add3A_286 = arith.addi %add3A_285, %mul3A_197 : i32
            %swap3A_287 = arith.index_cast %add3A_286 : i32 to index
            %swap3A_288 = tpu.vector_load %arg17[%swap3A_287] {strides = array<i32>} : memref<6160xf32, #tpu.memory_space<vmem>>, vector<16xf32>,
            tpu.vector_store %arg17[%swap3A_287], %broadcast_in_dim3A_1 {strides = array<i32>} : memref<6160xf32, #tpu.memory_space<vmem>>, vector<16xf32>,
            %add3A_289 = arith.constant 1155 : i32
            %add3A_290 = arith.addi %add3A_289, %mul3A_197 : i32
            %swap3A_291 = arith.index_cast %add3A_290 : i32 to index
            %swap3A_292 = tpu.vector_load %arg17[%swap3A_291] {strides = array<i32>} : memref<6160xf32, #tpu.memory_space<vmem>>, vector<16xf32>,
            tpu.vector_store %arg17[%swap3A_291], %broadcast_in_dim3A_1 {strides = array<i32>} : memref<6160xf32, #tpu.memory_space<vmem>>, vector<16xf32>,
            %add3A_293 = arith.constant 1540 : i32
            %add3A_294 = arith.addi %add3A_293, %mul3A_197 : i32
            %swap3A_295 = arith.index_cast %add3A_294 : i32 to index
            %swap3A_296 = tpu.vector_load %arg17[%swap3A_295] {strides = array<i32>} : memref<6160xf32, #tpu.memory_space<vmem>>, vector<16xf32>,
            tpu.vector_store %arg17[%swap3A_295], %broadcast_in_dim3A_1 {strides = array<i32>} : memref<6160xf32, #tpu.memory_space<vmem>>, vector<16xf32>,
            %add3A_297 = arith.constant 1925 : i32
            %add3A_298 = arith.addi %add3A_297, %mul3A_197 : i32
            %swap3A_299 = arith.index_cast %add3A_298 : i32 to index
            %swap3A_300 = tpu.vector_load %arg17[%swap3A_299] {strides = array<i32>} : memref<6160xf32, #tpu.memory_space<vmem>>, vector<16xf32>,
            tpu.vector_store %arg17[%swap3A_299], %broadcast_in_dim3A_1 {strides = array<i32>} : memref<6160xf32, #tpu.memory_space<vmem>>, vector<16xf32>,
            %add3A_301 = arith.constant 2310 : i32
            %add3A_302 = arith.addi %add3A_301, %mul3A_197 : i32
            %swap3A_303 = arith.index_cast %add3A_302 : i32 to index
            %swap3A_304 = tpu.vector_load %arg17[%swap3A_303] {strides = array<i32>} : memref<6160xf32, #tpu.memory_space<vmem>>, vector<16xf32>,
            tpu.vector_store %arg17[%swap3A_303], %broadcast_in_dim3A_1 {strides = array<i32>} : memref<6160xf32, #tpu.memory_space<vmem>>, vector<16xf32>,
            %add3A_305 = arith.constant 2695 : i32
            %add3A_306 = arith.addi %add3A_305, %mul3A_197 : i32
            %swap3A_307 = arith.index_cast %add3A_306 : i32 to index
            %swap3A_308 = tpu.vector_load %arg17[%swap3A_307] {strides = array<i32>} : memref<6160xf32, #tpu.memory_space<vmem>>, vector<16xf32>,
            tpu.vector_store %arg17[%swap3A_307], %broadcast_in_dim3A_1 {strides = array<i32>} : memref<6160xf32, #tpu.memory_space<vmem>>, vector<16xf32>,
            %add3A_309 = arith.constant 3080 : i32
            %add3A_310 = arith.addi %add3A_309, %mul3A_197 : i32
            %swap3A_311 = arith.index_cast %add3A_310 : i32 to index
            %swap3A_312 = tpu.vector_load %arg17[%swap3A_311] {strides = array<i32>} : memref<6160xf32, #tpu.memory_space<vmem>>, vector<16xf32>,
            tpu.vector_store %arg17[%swap3A_311], %broadcast_in_dim3A_1 {strides = array<i32>} : memref<6160xf32, #tpu.memory_space<vmem>>, vector<16xf32>,
            %add3A_313 = arith.constant 3465 : i32
            %add3A_314 = arith.addi %add3A_313, %mul3A_197 : i32
            %swap3A_315 = arith.index_cast %add3A_314 : i32 to index
            %swap3A_316 = tpu.vector_load %arg17[%swap3A_315] {strides = array<i32>} : memref<6160xf32, #tpu.memory_space<vmem>>, vector<16xf32>,
            tpu.vector_store %arg17[%swap3A_315], %broadcast_in_dim3A_1 {strides = array<i32>} : memref<6160xf32, #tpu.memory_space<vmem>>, vector<16xf32>,
            %add3A_317 = arith.constant 3850 : i32
            %add3A_318 = arith.addi %add3A_317, %mul3A_197 : i32
            %swap3A_319 = arith.index_cast %add3A_318 : i32 to index
            %swap3A_320 = tpu.vector_load %arg17[%swap3A_319] {strides = array<i32>} : memref<6160xf32, #tpu.memory_space<vmem>>, vector<16xf32>,
            tpu.vector_store %arg17[%swap3A_319], %broadcast_in_dim3A_1 {strides = array<i32>} : memref<6160xf32, #tpu.memory_space<vmem>>, vector<16xf32>,
            %add3A_321 = arith.constant 4235 : i32
            %add3A_322 = arith.addi %add3A_321, %mul3A_197 : i32
            %swap3A_323 = arith.index_cast %add3A_322 : i32 to index
            %swap3A_324 = tpu.vector_load %arg17[%swap3A_323] {strides = array<i32>} : memref<6160xf32, #tpu.memory_space<vmem>>, vector<16xf32>,
            tpu.vector_store %arg17[%swap3A_323], %broadcast_in_dim3A_1 {strides = array<i32>} : memref<6160xf32, #tpu.memory_space<vmem>>, vector<16xf32>,
            %add3A_325 = arith.constant 4620 : i32
            %add3A_326 = arith.addi %add3A_325, %mul3A_197 : i32
            %swap3A_327 = arith.index_cast %add3A_326 : i32 to index
            %swap3A_328 = tpu.vector_load %arg17[%swap3A_327] {strides = array<i32>} : memref<6160xf32, #tpu.memory_space<vmem>>, vector<16xf32>,
            tpu.vector_store %arg17[%swap3A_327], %broadcast_in_dim3A_1 {strides = array<i32>} : memref<6160xf32, #tpu.memory_space<vmem>>, vector<16xf32>,
            %add3A_329 = arith.constant 5005 : i32
            %add3A_330 = arith.addi %add3A_329, %mul3A_197 : i32
            %swap3A_331 = arith.index_cast %add3A_330 : i32 to index
            %swap3A_332 = tpu.vector_load %arg17[%swap3A_331] {strides = array<i32>} : memref<6160xf32, #tpu.memory_space<vmem>>, vector<16xf32>,
            tpu.vector_store %arg17[%swap3A_331], %broadcast_in_dim3A_1 {strides = array<i32>} : memref<6160xf32, #tpu.memory_space<vmem>>, vector<16xf32>,
            %add3A_333 = arith.constant 5390 : i32
            %add3A_334 = arith.addi %add3A_333, %mul3A_197 : i32
            %swap3A_335 = arith.index_cast %add3A_334 : i32 to index
            %swap3A_336 = tpu.vector_load %arg17[%swap3A_335] {strides = array<i32>} : memref<6160xf32, #tpu.memory_space<vmem>>, vector<16xf32>,
            tpu.vector_store %arg17[%swap3A_335], %broadcast_in_dim3A_1 {strides = array<i32>} : memref<6160xf32, #tpu.memory_space<vmem>>, vector<16xf32>,
            %add3A_337 = arith.constant 5775 : i32
            %add3A_338 = arith.addi %add3A_337, %mul3A_197 : i32
            %swap3A_339 = arith.index_cast %add3A_338 : i32 to index
            %swap3A_340 = tpu.vector_load %arg17[%swap3A_339] {strides = array<i32>} : memref<6160xf32, #tpu.memory_space<vmem>>, vector<16xf32>,
            tpu.vector_store %arg17[%swap3A_339], %broadcast_in_dim3A_1 {strides = array<i32>} : memref<6160xf32, #tpu.memory_space<vmem>>, vector<16xf32>,
            %swap3A_341 = arith.index_cast %mul3A_197 : i32 to index
            %swap3A_342 = tpu.vector_load %arg18[%swap3A_341] {strides = array<i32>} : memref<384xf32, #tpu.memory_space<vmem>>, vector<16xf32>,
            tpu.vector_store %arg18[%swap3A_341], %add3A_277 {strides = array<i32>} : memref<384xf32, #tpu.memory_space<vmem>>, vector<16xf32>,
            %get3A_343 = arith.index_cast %mul3A_197 : i32 to index
            %get3A_344 = tpu.vector_load %arg19[%get3A_343] {strides = array<i32>} : memref<384xi32, #tpu.memory_space<vmem>>, vector<16xi32>,
            %add3A_345 = vector.broadcast %reduce_min3A_117 : i32 to vector<16xi32>
            %add3A_346 = arith.addi %get3A_344, %add3A_345 : vector<16xi32>
            %min3A = arith.constant 65535 : i32
            %min3A_347 = vector.broadcast %min3A : i32 to vector<16xi32>
            %min3A_348 = arith.minsi %add3A_346, %min3A_347 : vector<16xi32>
            %swap3A_349 = arith.index_cast %mul3A_197 : i32 to index
            %swap3A_350 = tpu.vector_load %arg20[%swap3A_349] {strides = array<i32>} : memref<384xi32, #tpu.memory_space<vmem>>, vector<16xi32>,
            tpu.vector_store %arg20[%swap3A_349], %min3A_348 {strides = array<i32>} : memref<384xi32, #tpu.memory_space<vmem>>, vector<16xi32>,
            %while3A_351 = arith.constant 0 : i32
            scf.yield %while3A_351 : i32
          }
          "tpu.region"() ({
            %run_scoped3A = tpu.sem_alloc : memref<!tpu.dma_semaphore, #tpu.memory_space<semaphore_mem>>
            %dma_start3A = arith.constant 0 : i32
            %dma_start3A_194 = tpu.memref_slice %arg21[%dma_start3A] : memref<65536xf32, #tpu.memory_space<vmem_shared>> -> memref<65536xf32, #tpu.memory_space<vmem_shared>>
            tpu.enqueue_indirect_dma source(%arg18 : memref<384xf32, #tpu.memory_space<vmem>>) target(%dma_start3A_194 : memref<65536xf32, #tpu.memory_space<vmem_shared>>) offsets(%arg20 : memref<384xi32, #tpu.memory_space<vmem>>) semaphore(%run_scoped3A : memref<!tpu.dma_semaphore, #tpu.memory_space<semaphore_mem>>) {add = true}
            %dma_wait3A_195 = arith.constant 0 : i32
            %dma_wait3A_196 = tpu.memref_slice %arg21[%dma_wait3A_195] : memref<65536xf32, #tpu.memory_space<vmem_shared>> -> memref<65536xf32, #tpu.memory_space<vmem_shared>>
            tpu.wait_indirect_dma semaphore(%run_scoped3A : memref<!tpu.dma_semaphore, #tpu.memory_space<semaphore_mem>>) src(%arg18 : memref<384xf32, #tpu.memory_space<vmem>>) dst(%dma_wait3A_196 : memref<65536xf32, #tpu.memory_space<vmem_shared>>)
            tpu.yield
          }) : () -> ()
          %while3A_182 = arith.constant 0 : i32
          %while3A_183 = arith.constant 0 : i32
          %while3A_184 = arith.subi %select_n3A_169, %while3A_182 : i32
          %while3A_185 = arith.addi %while3A_182, %while3A_184 : i32
          %while3A_186 = arith.constant 1 : i32
          %while3A_187 = arith.divsi %while3A_184, %while3A_186 : i32
          %while3A_188 = arith.muli %while3A_187, %while3A_186 : i32
          %while3A_189 = arith.addi %while3A_182, %while3A_188 : i32
          %while3A_190 = arith.constant 1 : i32
          %while3A_191 = scf.for %while3A_194 = %while3A_182 to %while3A_189 step %while3A_190 iter_args(%while3A_195 = %while3A_183) -> (i32)  : i32 {
            %mul3A_196 = arith.constant 16 : i32
            %mul3A_197 = arith.muli %while3A_194, %mul3A_196 : i32
            %swap3A = arith.index_cast %mul3A_197 : i32 to index
            %swap3A_198 = tpu.vector_load %arg18[%swap3A] {strides = array<i32>} : memref<384xf32, #tpu.memory_space<vmem>>, vector<16xf32>,
            tpu.vector_store %arg18[%swap3A], %broadcast_in_dim3A_1 {strides = array<i32>} : memref<384xf32, #tpu.memory_space<vmem>>, vector<16xf32>,
            %while3A_199 = arith.constant 0 : i32
            scf.yield %while3A_199 : i32
          }
          %while3A_192 = arith.constant 1 : i32
          %while3A_193 = scf.for %while3A_194 = %while3A_189 to %while3A_185 step %while3A_192 iter_args(%while3A_195 = %while3A_191) -> (i32)  : i32 {
            %mul3A_196 = arith.constant 16 : i32
            %mul3A_197 = arith.muli %while3A_194, %mul3A_196 : i32
            %swap3A = arith.index_cast %mul3A_197 : i32 to index
            %swap3A_198 = tpu.vector_load %arg18[%swap3A] {strides = array<i32>} : memref<384xf32, #tpu.memory_space<vmem>>, vector<16xf32>,
            tpu.vector_store %arg18[%swap3A], %broadcast_in_dim3A_1 {strides = array<i32>} : memref<384xf32, #tpu.memory_space<vmem>>, vector<16xf32>,
            %while3A_199 = arith.constant 0 : i32
            scf.yield %while3A_199 : i32
          }
        } else {
        }
        %sub3A_136 = arith.subi %reduce_max3A_126, %reduce_min3A_117 : i32
        %ge3A = arith.constant 384 : i32
        %ge3A_137 = arith.cmpi sge, %sub3A_136, %ge3A : i32
        %convert_element_type3A_138 = arith.extui %ge3A_137 : i1 to i32
        %cond3A_139 = arith.constant 0 : i32
        %cond3A_140 = arith.cmpi ne, %convert_element_type3A_138, %cond3A_139 : i32
        scf.if %cond3A_140 {
          %scan3A_141 = arith.constant 0 : i32
          %scan3A_142 = arith.constant 0 : i32
          %scan3A_143 = arith.constant 560 : i32
          %scan3A_144 = arith.addi %scan3A_142, %scan3A_143 : i32
          %scan3A_145 = arith.constant 1 : i32
          %scan3A_146 = scf.for %scan3A_148 = %scan3A_142 to %scan3A_144 step %scan3A_145 iter_args(%scan3A_149 = %scan3A_141) -> (i32)  : i32 {
            %mul3A_150 = arith.constant 16 : i32
            %mul3A_151 = arith.muli %scan3A_148, %mul3A_150 : i32
            %get3A_152 = arith.index_cast %mul3A_151 : i32 to index
            %get3A_153 = tpu.vector_load %arg14[%get3A_152] {strides = array<i32>} : memref<8960xi32, #tpu.memory_space<vmem>>, vector<16xi32>,
            %mul3A_154 = arith.constant 16 : i32
            %mul3A_155 = arith.muli %scan3A_148, %mul3A_154 : i32
            %get3A_156 = arith.index_cast %mul3A_155 : i32 to index
            %get3A_157 = tpu.vector_load %arg12[%get3A_156] {strides = array<i32>} : memref<8960xf32, #tpu.memory_space<vmem>>, vector<16xf32>,
            %gather3A = tpu.vector_load_idx %arg10[%get3A_153] : memref<65536xf32, #tpu.memory_space<vmem>>[vector<16xi32>], vector<16xf32>,
            %mul3A_158 = arith.mulf %gather3A, %get3A_157 : vector<16xf32>
            %mul3A_159 = arith.constant 16 : i32
            %mul3A_160 = arith.muli %scan3A_148, %mul3A_159 : i32
            %swap3A = arith.index_cast %mul3A_160 : i32 to index
            %swap3A_161 = tpu.vector_load %arg12[%swap3A] {strides = array<i32>} : memref<8960xf32, #tpu.memory_space<vmem>>, vector<16xf32>,
            tpu.vector_store %arg12[%swap3A], %mul3A_158 {strides = array<i32>} : memref<8960xf32, #tpu.memory_space<vmem>>, vector<16xf32>,
            %scan3A_162 = arith.constant 0 : i32
            scf.yield %scan3A_162 : i32
          }
          %scan3A_147 = arith.constant 560 : i32
          "tpu.region"() ({
            %run_scoped3A = tpu.sem_alloc : memref<!tpu.dma_semaphore, #tpu.memory_space<semaphore_mem>>
            %dma_start3A = arith.constant 0 : i32
            %dma_start3A_148 = tpu.memref_slice %arg21[%dma_start3A] : memref<65536xf32, #tpu.memory_space<vmem_shared>> -> memref<65536xf32, #tpu.memory_space<vmem_shared>>
            tpu.enqueue_indirect_dma source(%arg12 : memref<8960xf32, #tpu.memory_space<vmem>>) target(%dma_start3A_148 : memref<65536xf32, #tpu.memory_space<vmem_shared>>) offsets(%arg16 : memref<8960xi32, #tpu.memory_space<vmem>>) semaphore(%run_scoped3A : memref<!tpu.dma_semaphore, #tpu.memory_space<semaphore_mem>>) {add = true}
            %dma_wait3A_149 = arith.constant 0 : i32
            %dma_wait3A_150 = tpu.memref_slice %arg21[%dma_wait3A_149] : memref<65536xf32, #tpu.memory_space<vmem_shared>> -> memref<65536xf32, #tpu.memory_space<vmem_shared>>
            tpu.wait_indirect_dma semaphore(%run_scoped3A : memref<!tpu.dma_semaphore, #tpu.memory_space<semaphore_mem>>) src(%arg12 : memref<8960xf32, #tpu.memory_space<vmem>>) dst(%dma_wait3A_150 : memref<65536xf32, #tpu.memory_space<vmem_shared>>)
            tpu.yield
          }) : () -> ()
        } else {
        }
      } else {
      }
    }
    %eq3A = arith.constant 31 : i32
    %eq3A_62 = arith.cmpi eq, %add3A, %eq3A : i32
    %convert_element_type3A_63 = arith.extui %eq3A_62 : i1 to i32
    %cond3A_64 = arith.constant 0 : i32
    %cond3A_65 = arith.cmpi ne, %convert_element_type3A_63, %cond3A_64 : i32
    scf.if %cond3A_65 {
      "tpu.region"() ({
        %run_scoped3A = tpu.sem_alloc : memref<!tpu.dma_semaphore, #tpu.memory_space<semaphore_mem>>
        tpu.enqueue_dma source(%arg6 : memref<8960xf32, #tpu.memory_space<hbm>>) target(%arg11 : memref<8960xf32, #tpu.memory_space<vmem>>) target_semaphore(%run_scoped3A : memref<!tpu.dma_semaphore, #tpu.memory_space<semaphore_mem>>)
        tpu.wait_dma2 semaphore(%run_scoped3A : memref<!tpu.dma_semaphore, #tpu.memory_space<semaphore_mem>>) src(%arg6 : memref<8960xf32, #tpu.memory_space<hbm>>) dst(%arg11 : memref<8960xf32, #tpu.memory_space<vmem>>)
        tpu.yield
      }) : () -> ()
      "tpu.region"() ({
        %run_scoped3A = tpu.sem_alloc : memref<!tpu.dma_semaphore, #tpu.memory_space<semaphore_mem>>
        tpu.enqueue_dma source(%arg8 : memref<8960xi32, #tpu.memory_space<hbm>>) target(%arg13 : memref<8960xi32, #tpu.memory_space<vmem>>) target_semaphore(%run_scoped3A : memref<!tpu.dma_semaphore, #tpu.memory_space<semaphore_mem>>)
        tpu.wait_dma2 semaphore(%run_scoped3A : memref<!tpu.dma_semaphore, #tpu.memory_space<semaphore_mem>>) src(%arg8 : memref<8960xi32, #tpu.memory_space<hbm>>) dst(%arg13 : memref<8960xi32, #tpu.memory_space<vmem>>)
        tpu.yield
      }) : () -> ()
      "tpu.region"() ({
        %run_scoped3A = tpu.sem_alloc : memref<!tpu.dma_semaphore, #tpu.memory_space<semaphore_mem>>
        tpu.enqueue_dma source(%arg7 : memref<8960xi32, #tpu.memory_space<hbm>>) target(%arg15 : memref<8960xi32, #tpu.memory_space<vmem>>) target_semaphore(%run_scoped3A : memref<!tpu.dma_semaphore, #tpu.memory_space<semaphore_mem>>)
        tpu.wait_dma2 semaphore(%run_scoped3A : memref<!tpu.dma_semaphore, #tpu.memory_space<semaphore_mem>>) src(%arg7 : memref<8960xi32, #tpu.memory_space<hbm>>) dst(%arg15 : memref<8960xi32, #tpu.memory_space<vmem>>)
        tpu.yield
      }) : () -> ()
      %get3A = arith.constant 0 : index
      %get3A_71 = tpu.vector_load %arg15[%get3A] {strides = array<i32>} : memref<8960xi32, #tpu.memory_space<vmem>>, vector<16xi32>,
      %reduce_min3A = arith.constant true
      %reduce_min3A_72 = vector.broadcast %reduce_min3A : i1 to vector<16xi1>
      %reduce_min3A_73 = arith.constant -2147483648 : i32
      %reduce_min3A_74 = vector.broadcast %reduce_min3A_73 : i32 to vector<16xi32>
      %reduce_min3A_75 = arith.xori %get3A_71, %reduce_min3A_74 : vector<16xi32>
      %reduce_min3A_76 = tpu.scan <min>, %reduce_min3A_75 masked %reduce_min3A_72 : vector<16xi32>, vector<16xi1> -> vector<16xi32>
      %reduce_min3A_77 = arith.xori %reduce_min3A_76, %reduce_min3A_74 : vector<16xi32>
      %reduce_min3A_78 = vector.extract %reduce_min3A_77[15] : i32 from vector<16xi32>
      %get3A_79 = arith.constant 8944 : index
      %get3A_80 = tpu.vector_load %arg15[%get3A_79] {strides = array<i32>} : memref<8960xi32, #tpu.memory_space<vmem>>, vector<16xi32>,
      %reduce_max3A = arith.constant true
      %reduce_max3A_81 = vector.broadcast %reduce_max3A : i1 to vector<16xi1>
      %reduce_max3A_82 = arith.constant -2147483648 : i32
      %reduce_max3A_83 = vector.broadcast %reduce_max3A_82 : i32 to vector<16xi32>
      %reduce_max3A_84 = arith.xori %get3A_80, %reduce_max3A_83 : vector<16xi32>
      %reduce_max3A_85 = tpu.scan <max>, %reduce_max3A_84 masked %reduce_max3A_81 : vector<16xi32>, vector<16xi1> -> vector<16xi32>
      %reduce_max3A_86 = arith.xori %reduce_max3A_85, %reduce_max3A_83 : vector<16xi32>
      %reduce_max3A_87 = vector.extract %reduce_max3A_86[15] : i32 from vector<16xi32>
      %iota3A = tpu.iota {dimensions = array<i32: 0>} : vector<16xi32>
      %mul3A_88 = arith.constant 385 : i32
      %mul3A_89 = vector.broadcast %mul3A_88 : i32 to vector<16xi32>
      %mul3A_90 = arith.muli %iota3A, %mul3A_89 : vector<16xi32>
      %sub3A_91 = arith.subi %reduce_max3A_87, %reduce_min3A_78 : i32
      %lt3A = arith.constant 384 : i32
      %lt3A_92 = arith.cmpi slt, %sub3A_91, %lt3A : i32
      %convert_element_type3A_93 = arith.extui %lt3A_92 : i1 to i32
      %cond3A_94 = arith.constant 0 : i32
      %cond3A_95 = arith.cmpi ne, %convert_element_type3A_93, %cond3A_94 : i32
      scf.if %cond3A_95 {
        %parallel_loop3A = arith.constant 0 : i32
        %parallel_loop3A_101 = arith.constant 560 : i32
        %parallel_loop3A_102 = arith.constant 1 : i32
        scf.for %parallel_loop3A_154 = %parallel_loop3A to %parallel_loop3A_101 step %parallel_loop3A_102  : i32 {
          %parallel_loop3A_155 = arith.constant 16 : i32
          %parallel_loop3A_156 = arith.muli %parallel_loop3A_154, %parallel_loop3A_155 : i32
          %parallel_loop3A_157 = arith.index_cast %parallel_loop3A_156 : i32 to index
          %parallel_loop3A_158 = tpu.vector_load %arg13[%parallel_loop3A_157] {strides = array<i32>} : memref<8960xi32, #tpu.memory_space<vmem>>, vector<16xi32>,
          %parallel_loop3A_159 = arith.constant 16 : i32
          %parallel_loop3A_160 = arith.muli %parallel_loop3A_154, %parallel_loop3A_159 : i32
          %parallel_loop3A_161 = arith.index_cast %parallel_loop3A_160 : i32 to index
          %parallel_loop3A_162 = tpu.vector_load %arg11[%parallel_loop3A_161] {strides = array<i32>} : memref<8960xf32, #tpu.memory_space<vmem>>, vector<16xf32>,
          %parallel_loop3A_163 = arith.constant 16 : i32
          %parallel_loop3A_164 = arith.muli %parallel_loop3A_154, %parallel_loop3A_163 : i32
          %parallel_loop3A_165 = arith.index_cast %parallel_loop3A_164 : i32 to index
          %parallel_loop3A_166 = tpu.vector_load %arg15[%parallel_loop3A_165] {strides = array<i32>} : memref<8960xi32, #tpu.memory_space<vmem>>, vector<16xi32>,
          %parallel_loop3A_167 = tpu.vector_load_idx %arg10[%parallel_loop3A_158] : memref<65536xf32, #tpu.memory_space<vmem>>[vector<16xi32>], vector<16xf32>,
          %parallel_loop3A_168 = vector.broadcast %reduce_min3A_78 : i32 to vector<16xi32>
          %parallel_loop3A_169 = arith.subi %parallel_loop3A_166, %parallel_loop3A_168 : vector<16xi32>
          %parallel_loop3A_170 = arith.addi %mul3A_90, %parallel_loop3A_169 : vector<16xi32>
          %parallel_loop3A_171 = arith.mulf %parallel_loop3A_167, %parallel_loop3A_162 : vector<16xf32>
          tpu.vector_store_idx %arg17[%parallel_loop3A_170], %parallel_loop3A_171 {add = true} : memref<6160xf32, #tpu.memory_space<vmem>>[vector<16xi32>], vector<16xf32>,
        } {sc.loop_unroll_factor = 4 : i64, sc.parallel_access}
        %sub3A_103 = arith.subi %reduce_max3A_87, %reduce_min3A_78 : i32
        %add3A_104 = arith.constant 16 : i32
        %add3A_105 = arith.addi %sub3A_103, %add3A_104 : i32
        %jit3A_106 = arith.constant 16 : i32
        %div3A_107 = arith.divsi %add3A_105, %jit3A_106 : i32
        %sign3A_108 = arith.constant 0 : i32
        %sign3A_109 = arith.cmpi sgt, %add3A_105, %sign3A_108 : i32
        %sign3A_110 = arith.extui %sign3A_109 : i1 to i32
        %sign3A_111 = arith.constant 0 : i32
        %sign3A_112 = arith.cmpi slt, %add3A_105, %sign3A_111 : i32
        %sign3A_113 = arith.extui %sign3A_112 : i1 to i32
        %sign3A_114 = arith.subi %sign3A_110, %sign3A_113 : i32
        %sign3A_115 = arith.constant 0 : i32
        %sign3A_116 = arith.cmpi sgt, %jit3A_106, %sign3A_115 : i32
        %sign3A_117 = arith.extui %sign3A_116 : i1 to i32
        %sign3A_118 = arith.constant 0 : i32
        %sign3A_119 = arith.cmpi slt, %jit3A_106, %sign3A_118 : i32
        %sign3A_120 = arith.extui %sign3A_119 : i1 to i32
        %sign3A_121 = arith.subi %sign3A_117, %sign3A_120 : i32
        %ne3A_122 = arith.cmpi ne, %sign3A_114, %sign3A_121 : i32
        %rem3A_123 = arith.remsi %add3A_105, %jit3A_106 : i32
        %ne3A_124 = arith.constant 0 : i32
        %ne3A_125 = arith.cmpi ne, %rem3A_123, %ne3A_124 : i32
        %and3A_126 = arith.andi %ne3A_122, %ne3A_125 : i1
        %sub3A_127 = arith.constant 1 : i32
        %sub3A_128 = arith.subi %div3A_107, %sub3A_127 : i32
        %select_n3A_129 = arith.select %and3A_126, %sub3A_128, %div3A_107 : i32
        %while3A_130 = arith.constant 0 : i32
        %while3A_131 = arith.constant 0 : i32
        %while3A_132 = arith.subi %select_n3A_129, %while3A_130 : i32
        %while3A_133 = arith.addi %while3A_130, %while3A_132 : i32
        %while3A_134 = arith.constant 1 : i32
        %while3A_135 = arith.divsi %while3A_132, %while3A_134 : i32
        %while3A_136 = arith.muli %while3A_135, %while3A_134 : i32
        %while3A_137 = arith.addi %while3A_130, %while3A_136 : i32
        %while3A_138 = arith.constant 1 : i32
        %while3A_139 = scf.for %while3A_154 = %while3A_130 to %while3A_137 step %while3A_138 iter_args(%while3A_155 = %while3A_131) -> (i32)  : i32 {
          %mul3A_156 = arith.constant 16 : i32
          %mul3A_157 = arith.muli %while3A_154, %mul3A_156 : i32
          %add3A_158 = arith.constant 0 : i32
          %add3A_159 = arith.addi %add3A_158, %mul3A_157 : i32
          %get3A_160 = arith.index_cast %add3A_159 : i32 to index
          %get3A_161 = tpu.vector_load %arg17[%get3A_160] {strides = array<i32>} : memref<6160xf32, #tpu.memory_space<vmem>>, vector<16xf32>,
          %add3A_162 = arith.addf %broadcast_in_dim3A_1, %get3A_161 : vector<16xf32>
          %add3A_163 = arith.constant 385 : i32
          %add3A_164 = arith.addi %add3A_163, %mul3A_157 : i32
          %get3A_165 = arith.index_cast %add3A_164 : i32 to index
          %get3A_166 = tpu.vector_load %arg17[%get3A_165] {strides = array<i32>} : memref<6160xf32, #tpu.memory_space<vmem>>, vector<16xf32>,
          %add3A_167 = arith.addf %add3A_162, %get3A_166 : vector<16xf32>
          %add3A_168 = arith.constant 770 : i32
          %add3A_169 = arith.addi %add3A_168, %mul3A_157 : i32
          %get3A_170 = arith.index_cast %add3A_169 : i32 to index
          %get3A_171 = tpu.vector_load %arg17[%get3A_170] {strides = array<i32>} : memref<6160xf32, #tpu.memory_space<vmem>>, vector<16xf32>,
          %add3A_172 = arith.addf %add3A_167, %get3A_171 : vector<16xf32>
          %add3A_173 = arith.constant 1155 : i32
          %add3A_174 = arith.addi %add3A_173, %mul3A_157 : i32
          %get3A_175 = arith.index_cast %add3A_174 : i32 to index
          %get3A_176 = tpu.vector_load %arg17[%get3A_175] {strides = array<i32>} : memref<6160xf32, #tpu.memory_space<vmem>>, vector<16xf32>,
          %add3A_177 = arith.addf %add3A_172, %get3A_176 : vector<16xf32>
          %add3A_178 = arith.constant 1540 : i32
          %add3A_179 = arith.addi %add3A_178, %mul3A_157 : i32
          %get3A_180 = arith.index_cast %add3A_179 : i32 to index
          %get3A_181 = tpu.vector_load %arg17[%get3A_180] {strides = array<i32>} : memref<6160xf32, #tpu.memory_space<vmem>>, vector<16xf32>,
          %add3A_182 = arith.addf %add3A_177, %get3A_181 : vector<16xf32>
          %add3A_183 = arith.constant 1925 : i32
          %add3A_184 = arith.addi %add3A_183, %mul3A_157 : i32
          %get3A_185 = arith.index_cast %add3A_184 : i32 to index
          %get3A_186 = tpu.vector_load %arg17[%get3A_185] {strides = array<i32>} : memref<6160xf32, #tpu.memory_space<vmem>>, vector<16xf32>,
          %add3A_187 = arith.addf %add3A_182, %get3A_186 : vector<16xf32>
          %add3A_188 = arith.constant 2310 : i32
          %add3A_189 = arith.addi %add3A_188, %mul3A_157 : i32
          %get3A_190 = arith.index_cast %add3A_189 : i32 to index
          %get3A_191 = tpu.vector_load %arg17[%get3A_190] {strides = array<i32>} : memref<6160xf32, #tpu.memory_space<vmem>>, vector<16xf32>,
          %add3A_192 = arith.addf %add3A_187, %get3A_191 : vector<16xf32>
          %add3A_193 = arith.constant 2695 : i32
          %add3A_194 = arith.addi %add3A_193, %mul3A_157 : i32
          %get3A_195 = arith.index_cast %add3A_194 : i32 to index
          %get3A_196 = tpu.vector_load %arg17[%get3A_195] {strides = array<i32>} : memref<6160xf32, #tpu.memory_space<vmem>>, vector<16xf32>,
          %add3A_197 = arith.addf %add3A_192, %get3A_196 : vector<16xf32>
          %add3A_198 = arith.constant 3080 : i32
          %add3A_199 = arith.addi %add3A_198, %mul3A_157 : i32
          %get3A_200 = arith.index_cast %add3A_199 : i32 to index
          %get3A_201 = tpu.vector_load %arg17[%get3A_200] {strides = array<i32>} : memref<6160xf32, #tpu.memory_space<vmem>>, vector<16xf32>,
          %add3A_202 = arith.addf %add3A_197, %get3A_201 : vector<16xf32>
          %add3A_203 = arith.constant 3465 : i32
          %add3A_204 = arith.addi %add3A_203, %mul3A_157 : i32
          %get3A_205 = arith.index_cast %add3A_204 : i32 to index
          %get3A_206 = tpu.vector_load %arg17[%get3A_205] {strides = array<i32>} : memref<6160xf32, #tpu.memory_space<vmem>>, vector<16xf32>,
          %add3A_207 = arith.addf %add3A_202, %get3A_206 : vector<16xf32>
          %add3A_208 = arith.constant 3850 : i32
          %add3A_209 = arith.addi %add3A_208, %mul3A_157 : i32
          %get3A_210 = arith.index_cast %add3A_209 : i32 to index
          %get3A_211 = tpu.vector_load %arg17[%get3A_210] {strides = array<i32>} : memref<6160xf32, #tpu.memory_space<vmem>>, vector<16xf32>,
          %add3A_212 = arith.addf %add3A_207, %get3A_211 : vector<16xf32>
          %add3A_213 = arith.constant 4235 : i32
          %add3A_214 = arith.addi %add3A_213, %mul3A_157 : i32
          %get3A_215 = arith.index_cast %add3A_214 : i32 to index
          %get3A_216 = tpu.vector_load %arg17[%get3A_215] {strides = array<i32>} : memref<6160xf32, #tpu.memory_space<vmem>>, vector<16xf32>,
          %add3A_217 = arith.addf %add3A_212, %get3A_216 : vector<16xf32>
          %add3A_218 = arith.constant 4620 : i32
          %add3A_219 = arith.addi %add3A_218, %mul3A_157 : i32
          %get3A_220 = arith.index_cast %add3A_219 : i32 to index
          %get3A_221 = tpu.vector_load %arg17[%get3A_220] {strides = array<i32>} : memref<6160xf32, #tpu.memory_space<vmem>>, vector<16xf32>,
          %add3A_222 = arith.addf %add3A_217, %get3A_221 : vector<16xf32>
          %add3A_223 = arith.constant 5005 : i32
          %add3A_224 = arith.addi %add3A_223, %mul3A_157 : i32
          %get3A_225 = arith.index_cast %add3A_224 : i32 to index
          %get3A_226 = tpu.vector_load %arg17[%get3A_225] {strides = array<i32>} : memref<6160xf32, #tpu.memory_space<vmem>>, vector<16xf32>,
          %add3A_227 = arith.addf %add3A_222, %get3A_226 : vector<16xf32>
          %add3A_228 = arith.constant 5390 : i32
          %add3A_229 = arith.addi %add3A_228, %mul3A_157 : i32
          %get3A_230 = arith.index_cast %add3A_229 : i32 to index
          %get3A_231 = tpu.vector_load %arg17[%get3A_230] {strides = array<i32>} : memref<6160xf32, #tpu.memory_space<vmem>>, vector<16xf32>,
          %add3A_232 = arith.addf %add3A_227, %get3A_231 : vector<16xf32>
          %add3A_233 = arith.constant 5775 : i32
          %add3A_234 = arith.addi %add3A_233, %mul3A_157 : i32
          %get3A_235 = arith.index_cast %add3A_234 : i32 to index
          %get3A_236 = tpu.vector_load %arg17[%get3A_235] {strides = array<i32>} : memref<6160xf32, #tpu.memory_space<vmem>>, vector<16xf32>,
          %add3A_237 = arith.addf %add3A_232, %get3A_236 : vector<16xf32>
          %add3A_238 = arith.constant 0 : i32
          %add3A_239 = arith.addi %add3A_238, %mul3A_157 : i32
          %swap3A = arith.index_cast %add3A_239 : i32 to index
          %swap3A_240 = tpu.vector_load %arg17[%swap3A] {strides = array<i32>} : memref<6160xf32, #tpu.memory_space<vmem>>, vector<16xf32>,
          tpu.vector_store %arg17[%swap3A], %broadcast_in_dim3A_1 {strides = array<i32>} : memref<6160xf32, #tpu.memory_space<vmem>>, vector<16xf32>,
          %add3A_241 = arith.constant 385 : i32
          %add3A_242 = arith.addi %add3A_241, %mul3A_157 : i32
          %swap3A_243 = arith.index_cast %add3A_242 : i32 to index
          %swap3A_244 = tpu.vector_load %arg17[%swap3A_243] {strides = array<i32>} : memref<6160xf32, #tpu.memory_space<vmem>>, vector<16xf32>,
          tpu.vector_store %arg17[%swap3A_243], %broadcast_in_dim3A_1 {strides = array<i32>} : memref<6160xf32, #tpu.memory_space<vmem>>, vector<16xf32>,
          %add3A_245 = arith.constant 770 : i32
          %add3A_246 = arith.addi %add3A_245, %mul3A_157 : i32
          %swap3A_247 = arith.index_cast %add3A_246 : i32 to index
          %swap3A_248 = tpu.vector_load %arg17[%swap3A_247] {strides = array<i32>} : memref<6160xf32, #tpu.memory_space<vmem>>, vector<16xf32>,
          tpu.vector_store %arg17[%swap3A_247], %broadcast_in_dim3A_1 {strides = array<i32>} : memref<6160xf32, #tpu.memory_space<vmem>>, vector<16xf32>,
          %add3A_249 = arith.constant 1155 : i32
          %add3A_250 = arith.addi %add3A_249, %mul3A_157 : i32
          %swap3A_251 = arith.index_cast %add3A_250 : i32 to index
          %swap3A_252 = tpu.vector_load %arg17[%swap3A_251] {strides = array<i32>} : memref<6160xf32, #tpu.memory_space<vmem>>, vector<16xf32>,
          tpu.vector_store %arg17[%swap3A_251], %broadcast_in_dim3A_1 {strides = array<i32>} : memref<6160xf32, #tpu.memory_space<vmem>>, vector<16xf32>,
          %add3A_253 = arith.constant 1540 : i32
          %add3A_254 = arith.addi %add3A_253, %mul3A_157 : i32
          %swap3A_255 = arith.index_cast %add3A_254 : i32 to index
          %swap3A_256 = tpu.vector_load %arg17[%swap3A_255] {strides = array<i32>} : memref<6160xf32, #tpu.memory_space<vmem>>, vector<16xf32>,
          tpu.vector_store %arg17[%swap3A_255], %broadcast_in_dim3A_1 {strides = array<i32>} : memref<6160xf32, #tpu.memory_space<vmem>>, vector<16xf32>,
          %add3A_257 = arith.constant 1925 : i32
          %add3A_258 = arith.addi %add3A_257, %mul3A_157 : i32
          %swap3A_259 = arith.index_cast %add3A_258 : i32 to index
          %swap3A_260 = tpu.vector_load %arg17[%swap3A_259] {strides = array<i32>} : memref<6160xf32, #tpu.memory_space<vmem>>, vector<16xf32>,
          tpu.vector_store %arg17[%swap3A_259], %broadcast_in_dim3A_1 {strides = array<i32>} : memref<6160xf32, #tpu.memory_space<vmem>>, vector<16xf32>,
          %add3A_261 = arith.constant 2310 : i32
          %add3A_262 = arith.addi %add3A_261, %mul3A_157 : i32
          %swap3A_263 = arith.index_cast %add3A_262 : i32 to index
          %swap3A_264 = tpu.vector_load %arg17[%swap3A_263] {strides = array<i32>} : memref<6160xf32, #tpu.memory_space<vmem>>, vector<16xf32>,
          tpu.vector_store %arg17[%swap3A_263], %broadcast_in_dim3A_1 {strides = array<i32>} : memref<6160xf32, #tpu.memory_space<vmem>>, vector<16xf32>,
          %add3A_265 = arith.constant 2695 : i32
          %add3A_266 = arith.addi %add3A_265, %mul3A_157 : i32
          %swap3A_267 = arith.index_cast %add3A_266 : i32 to index
          %swap3A_268 = tpu.vector_load %arg17[%swap3A_267] {strides = array<i32>} : memref<6160xf32, #tpu.memory_space<vmem>>, vector<16xf32>,
          tpu.vector_store %arg17[%swap3A_267], %broadcast_in_dim3A_1 {strides = array<i32>} : memref<6160xf32, #tpu.memory_space<vmem>>, vector<16xf32>,
          %add3A_269 = arith.constant 3080 : i32
          %add3A_270 = arith.addi %add3A_269, %mul3A_157 : i32
          %swap3A_271 = arith.index_cast %add3A_270 : i32 to index
          %swap3A_272 = tpu.vector_load %arg17[%swap3A_271] {strides = array<i32>} : memref<6160xf32, #tpu.memory_space<vmem>>, vector<16xf32>,
          tpu.vector_store %arg17[%swap3A_271], %broadcast_in_dim3A_1 {strides = array<i32>} : memref<6160xf32, #tpu.memory_space<vmem>>, vector<16xf32>,
          %add3A_273 = arith.constant 3465 : i32
          %add3A_274 = arith.addi %add3A_273, %mul3A_157 : i32
          %swap3A_275 = arith.index_cast %add3A_274 : i32 to index
          %swap3A_276 = tpu.vector_load %arg17[%swap3A_275] {strides = array<i32>} : memref<6160xf32, #tpu.memory_space<vmem>>, vector<16xf32>,
          tpu.vector_store %arg17[%swap3A_275], %broadcast_in_dim3A_1 {strides = array<i32>} : memref<6160xf32, #tpu.memory_space<vmem>>, vector<16xf32>,
          %add3A_277 = arith.constant 3850 : i32
          %add3A_278 = arith.addi %add3A_277, %mul3A_157 : i32
          %swap3A_279 = arith.index_cast %add3A_278 : i32 to index
          %swap3A_280 = tpu.vector_load %arg17[%swap3A_279] {strides = array<i32>} : memref<6160xf32, #tpu.memory_space<vmem>>, vector<16xf32>,
          tpu.vector_store %arg17[%swap3A_279], %broadcast_in_dim3A_1 {strides = array<i32>} : memref<6160xf32, #tpu.memory_space<vmem>>, vector<16xf32>,
          %add3A_281 = arith.constant 4235 : i32
          %add3A_282 = arith.addi %add3A_281, %mul3A_157 : i32
          %swap3A_283 = arith.index_cast %add3A_282 : i32 to index
          %swap3A_284 = tpu.vector_load %arg17[%swap3A_283] {strides = array<i32>} : memref<6160xf32, #tpu.memory_space<vmem>>, vector<16xf32>,
          tpu.vector_store %arg17[%swap3A_283], %broadcast_in_dim3A_1 {strides = array<i32>} : memref<6160xf32, #tpu.memory_space<vmem>>, vector<16xf32>,
          %add3A_285 = arith.constant 4620 : i32
          %add3A_286 = arith.addi %add3A_285, %mul3A_157 : i32
          %swap3A_287 = arith.index_cast %add3A_286 : i32 to index
          %swap3A_288 = tpu.vector_load %arg17[%swap3A_287] {strides = array<i32>} : memref<6160xf32, #tpu.memory_space<vmem>>, vector<16xf32>,
          tpu.vector_store %arg17[%swap3A_287], %broadcast_in_dim3A_1 {strides = array<i32>} : memref<6160xf32, #tpu.memory_space<vmem>>, vector<16xf32>,
          %add3A_289 = arith.constant 5005 : i32
          %add3A_290 = arith.addi %add3A_289, %mul3A_157 : i32
          %swap3A_291 = arith.index_cast %add3A_290 : i32 to index
          %swap3A_292 = tpu.vector_load %arg17[%swap3A_291] {strides = array<i32>} : memref<6160xf32, #tpu.memory_space<vmem>>, vector<16xf32>,
          tpu.vector_store %arg17[%swap3A_291], %broadcast_in_dim3A_1 {strides = array<i32>} : memref<6160xf32, #tpu.memory_space<vmem>>, vector<16xf32>,
          %add3A_293 = arith.constant 5390 : i32
          %add3A_294 = arith.addi %add3A_293, %mul3A_157 : i32
          %swap3A_295 = arith.index_cast %add3A_294 : i32 to index
          %swap3A_296 = tpu.vector_load %arg17[%swap3A_295] {strides = array<i32>} : memref<6160xf32, #tpu.memory_space<vmem>>, vector<16xf32>,
          tpu.vector_store %arg17[%swap3A_295], %broadcast_in_dim3A_1 {strides = array<i32>} : memref<6160xf32, #tpu.memory_space<vmem>>, vector<16xf32>,
          %add3A_297 = arith.constant 5775 : i32
          %add3A_298 = arith.addi %add3A_297, %mul3A_157 : i32
          %swap3A_299 = arith.index_cast %add3A_298 : i32 to index
          %swap3A_300 = tpu.vector_load %arg17[%swap3A_299] {strides = array<i32>} : memref<6160xf32, #tpu.memory_space<vmem>>, vector<16xf32>,
          tpu.vector_store %arg17[%swap3A_299], %broadcast_in_dim3A_1 {strides = array<i32>} : memref<6160xf32, #tpu.memory_space<vmem>>, vector<16xf32>,
          %swap3A_301 = arith.index_cast %mul3A_157 : i32 to index
          %swap3A_302 = tpu.vector_load %arg18[%swap3A_301] {strides = array<i32>} : memref<384xf32, #tpu.memory_space<vmem>>, vector<16xf32>,
          tpu.vector_store %arg18[%swap3A_301], %add3A_237 {strides = array<i32>} : memref<384xf32, #tpu.memory_space<vmem>>, vector<16xf32>,
          %get3A_303 = arith.index_cast %mul3A_157 : i32 to index
          %get3A_304 = tpu.vector_load %arg19[%get3A_303] {strides = array<i32>} : memref<384xi32, #tpu.memory_space<vmem>>, vector<16xi32>,
          %add3A_305 = vector.broadcast %reduce_min3A_78 : i32 to vector<16xi32>
          %add3A_306 = arith.addi %get3A_304, %add3A_305 : vector<16xi32>
          %min3A = arith.constant 65535 : i32
          %min3A_307 = vector.broadcast %min3A : i32 to vector<16xi32>
          %min3A_308 = arith.minsi %add3A_306, %min3A_307 : vector<16xi32>
          %swap3A_309 = arith.index_cast %mul3A_157 : i32 to index
          %swap3A_310 = tpu.vector_load %arg20[%swap3A_309] {strides = array<i32>} : memref<384xi32, #tpu.memory_space<vmem>>, vector<16xi32>,
          tpu.vector_store %arg20[%swap3A_309], %min3A_308 {strides = array<i32>} : memref<384xi32, #tpu.memory_space<vmem>>, vector<16xi32>,
          %while3A_311 = arith.constant 0 : i32
          scf.yield %while3A_311 : i32
        }
        %while3A_140 = arith.constant 1 : i32
        %while3A_141 = scf.for %while3A_154 = %while3A_137 to %while3A_133 step %while3A_140 iter_args(%while3A_155 = %while3A_139) -> (i32)  : i32 {
          %mul3A_156 = arith.constant 16 : i32
          %mul3A_157 = arith.muli %while3A_154, %mul3A_156 : i32
          %add3A_158 = arith.constant 0 : i32
          %add3A_159 = arith.addi %add3A_158, %mul3A_157 : i32
          %get3A_160 = arith.index_cast %add3A_159 : i32 to index
          %get3A_161 = tpu.vector_load %arg17[%get3A_160] {strides = array<i32>} : memref<6160xf32, #tpu.memory_space<vmem>>, vector<16xf32>,
          %add3A_162 = arith.addf %broadcast_in_dim3A_1, %get3A_161 : vector<16xf32>
          %add3A_163 = arith.constant 385 : i32
          %add3A_164 = arith.addi %add3A_163, %mul3A_157 : i32
          %get3A_165 = arith.index_cast %add3A_164 : i32 to index
          %get3A_166 = tpu.vector_load %arg17[%get3A_165] {strides = array<i32>} : memref<6160xf32, #tpu.memory_space<vmem>>, vector<16xf32>,
          %add3A_167 = arith.addf %add3A_162, %get3A_166 : vector<16xf32>
          %add3A_168 = arith.constant 770 : i32
          %add3A_169 = arith.addi %add3A_168, %mul3A_157 : i32
          %get3A_170 = arith.index_cast %add3A_169 : i32 to index
          %get3A_171 = tpu.vector_load %arg17[%get3A_170] {strides = array<i32>} : memref<6160xf32, #tpu.memory_space<vmem>>, vector<16xf32>,
          %add3A_172 = arith.addf %add3A_167, %get3A_171 : vector<16xf32>
          %add3A_173 = arith.constant 1155 : i32
          %add3A_174 = arith.addi %add3A_173, %mul3A_157 : i32
          %get3A_175 = arith.index_cast %add3A_174 : i32 to index
          %get3A_176 = tpu.vector_load %arg17[%get3A_175] {strides = array<i32>} : memref<6160xf32, #tpu.memory_space<vmem>>, vector<16xf32>,
          %add3A_177 = arith.addf %add3A_172, %get3A_176 : vector<16xf32>
          %add3A_178 = arith.constant 1540 : i32
          %add3A_179 = arith.addi %add3A_178, %mul3A_157 : i32
          %get3A_180 = arith.index_cast %add3A_179 : i32 to index
          %get3A_181 = tpu.vector_load %arg17[%get3A_180] {strides = array<i32>} : memref<6160xf32, #tpu.memory_space<vmem>>, vector<16xf32>,
          %add3A_182 = arith.addf %add3A_177, %get3A_181 : vector<16xf32>
          %add3A_183 = arith.constant 1925 : i32
          %add3A_184 = arith.addi %add3A_183, %mul3A_157 : i32
          %get3A_185 = arith.index_cast %add3A_184 : i32 to index
          %get3A_186 = tpu.vector_load %arg17[%get3A_185] {strides = array<i32>} : memref<6160xf32, #tpu.memory_space<vmem>>, vector<16xf32>,
          %add3A_187 = arith.addf %add3A_182, %get3A_186 : vector<16xf32>
          %add3A_188 = arith.constant 2310 : i32
          %add3A_189 = arith.addi %add3A_188, %mul3A_157 : i32
          %get3A_190 = arith.index_cast %add3A_189 : i32 to index
          %get3A_191 = tpu.vector_load %arg17[%get3A_190] {strides = array<i32>} : memref<6160xf32, #tpu.memory_space<vmem>>, vector<16xf32>,
          %add3A_192 = arith.addf %add3A_187, %get3A_191 : vector<16xf32>
          %add3A_193 = arith.constant 2695 : i32
          %add3A_194 = arith.addi %add3A_193, %mul3A_157 : i32
          %get3A_195 = arith.index_cast %add3A_194 : i32 to index
          %get3A_196 = tpu.vector_load %arg17[%get3A_195] {strides = array<i32>} : memref<6160xf32, #tpu.memory_space<vmem>>, vector<16xf32>,
          %add3A_197 = arith.addf %add3A_192, %get3A_196 : vector<16xf32>
          %add3A_198 = arith.constant 3080 : i32
          %add3A_199 = arith.addi %add3A_198, %mul3A_157 : i32
          %get3A_200 = arith.index_cast %add3A_199 : i32 to index
          %get3A_201 = tpu.vector_load %arg17[%get3A_200] {strides = array<i32>} : memref<6160xf32, #tpu.memory_space<vmem>>, vector<16xf32>,
          %add3A_202 = arith.addf %add3A_197, %get3A_201 : vector<16xf32>
          %add3A_203 = arith.constant 3465 : i32
          %add3A_204 = arith.addi %add3A_203, %mul3A_157 : i32
          %get3A_205 = arith.index_cast %add3A_204 : i32 to index
          %get3A_206 = tpu.vector_load %arg17[%get3A_205] {strides = array<i32>} : memref<6160xf32, #tpu.memory_space<vmem>>, vector<16xf32>,
          %add3A_207 = arith.addf %add3A_202, %get3A_206 : vector<16xf32>
          %add3A_208 = arith.constant 3850 : i32
          %add3A_209 = arith.addi %add3A_208, %mul3A_157 : i32
          %get3A_210 = arith.index_cast %add3A_209 : i32 to index
          %get3A_211 = tpu.vector_load %arg17[%get3A_210] {strides = array<i32>} : memref<6160xf32, #tpu.memory_space<vmem>>, vector<16xf32>,
          %add3A_212 = arith.addf %add3A_207, %get3A_211 : vector<16xf32>
          %add3A_213 = arith.constant 4235 : i32
          %add3A_214 = arith.addi %add3A_213, %mul3A_157 : i32
          %get3A_215 = arith.index_cast %add3A_214 : i32 to index
          %get3A_216 = tpu.vector_load %arg17[%get3A_215] {strides = array<i32>} : memref<6160xf32, #tpu.memory_space<vmem>>, vector<16xf32>,
          %add3A_217 = arith.addf %add3A_212, %get3A_216 : vector<16xf32>
          %add3A_218 = arith.constant 4620 : i32
          %add3A_219 = arith.addi %add3A_218, %mul3A_157 : i32
          %get3A_220 = arith.index_cast %add3A_219 : i32 to index
          %get3A_221 = tpu.vector_load %arg17[%get3A_220] {strides = array<i32>} : memref<6160xf32, #tpu.memory_space<vmem>>, vector<16xf32>,
          %add3A_222 = arith.addf %add3A_217, %get3A_221 : vector<16xf32>
          %add3A_223 = arith.constant 5005 : i32
          %add3A_224 = arith.addi %add3A_223, %mul3A_157 : i32
          %get3A_225 = arith.index_cast %add3A_224 : i32 to index
          %get3A_226 = tpu.vector_load %arg17[%get3A_225] {strides = array<i32>} : memref<6160xf32, #tpu.memory_space<vmem>>, vector<16xf32>,
          %add3A_227 = arith.addf %add3A_222, %get3A_226 : vector<16xf32>
          %add3A_228 = arith.constant 5390 : i32
          %add3A_229 = arith.addi %add3A_228, %mul3A_157 : i32
          %get3A_230 = arith.index_cast %add3A_229 : i32 to index
          %get3A_231 = tpu.vector_load %arg17[%get3A_230] {strides = array<i32>} : memref<6160xf32, #tpu.memory_space<vmem>>, vector<16xf32>,
          %add3A_232 = arith.addf %add3A_227, %get3A_231 : vector<16xf32>
          %add3A_233 = arith.constant 5775 : i32
          %add3A_234 = arith.addi %add3A_233, %mul3A_157 : i32
          %get3A_235 = arith.index_cast %add3A_234 : i32 to index
          %get3A_236 = tpu.vector_load %arg17[%get3A_235] {strides = array<i32>} : memref<6160xf32, #tpu.memory_space<vmem>>, vector<16xf32>,
          %add3A_237 = arith.addf %add3A_232, %get3A_236 : vector<16xf32>
          %add3A_238 = arith.constant 0 : i32
          %add3A_239 = arith.addi %add3A_238, %mul3A_157 : i32
          %swap3A = arith.index_cast %add3A_239 : i32 to index
          %swap3A_240 = tpu.vector_load %arg17[%swap3A] {strides = array<i32>} : memref<6160xf32, #tpu.memory_space<vmem>>, vector<16xf32>,
          tpu.vector_store %arg17[%swap3A], %broadcast_in_dim3A_1 {strides = array<i32>} : memref<6160xf32, #tpu.memory_space<vmem>>, vector<16xf32>,
          %add3A_241 = arith.constant 385 : i32
          %add3A_242 = arith.addi %add3A_241, %mul3A_157 : i32
          %swap3A_243 = arith.index_cast %add3A_242 : i32 to index
          %swap3A_244 = tpu.vector_load %arg17[%swap3A_243] {strides = array<i32>} : memref<6160xf32, #tpu.memory_space<vmem>>, vector<16xf32>,
          tpu.vector_store %arg17[%swap3A_243], %broadcast_in_dim3A_1 {strides = array<i32>} : memref<6160xf32, #tpu.memory_space<vmem>>, vector<16xf32>,
          %add3A_245 = arith.constant 770 : i32
          %add3A_246 = arith.addi %add3A_245, %mul3A_157 : i32
          %swap3A_247 = arith.index_cast %add3A_246 : i32 to index
          %swap3A_248 = tpu.vector_load %arg17[%swap3A_247] {strides = array<i32>} : memref<6160xf32, #tpu.memory_space<vmem>>, vector<16xf32>,
          tpu.vector_store %arg17[%swap3A_247], %broadcast_in_dim3A_1 {strides = array<i32>} : memref<6160xf32, #tpu.memory_space<vmem>>, vector<16xf32>,
          %add3A_249 = arith.constant 1155 : i32
          %add3A_250 = arith.addi %add3A_249, %mul3A_157 : i32
          %swap3A_251 = arith.index_cast %add3A_250 : i32 to index
          %swap3A_252 = tpu.vector_load %arg17[%swap3A_251] {strides = array<i32>} : memref<6160xf32, #tpu.memory_space<vmem>>, vector<16xf32>,
          tpu.vector_store %arg17[%swap3A_251], %broadcast_in_dim3A_1 {strides = array<i32>} : memref<6160xf32, #tpu.memory_space<vmem>>, vector<16xf32>,
          %add3A_253 = arith.constant 1540 : i32
          %add3A_254 = arith.addi %add3A_253, %mul3A_157 : i32
          %swap3A_255 = arith.index_cast %add3A_254 : i32 to index
          %swap3A_256 = tpu.vector_load %arg17[%swap3A_255] {strides = array<i32>} : memref<6160xf32, #tpu.memory_space<vmem>>, vector<16xf32>,
          tpu.vector_store %arg17[%swap3A_255], %broadcast_in_dim3A_1 {strides = array<i32>} : memref<6160xf32, #tpu.memory_space<vmem>>, vector<16xf32>,
          %add3A_257 = arith.constant 1925 : i32
          %add3A_258 = arith.addi %add3A_257, %mul3A_157 : i32
          %swap3A_259 = arith.index_cast %add3A_258 : i32 to index
          %swap3A_260 = tpu.vector_load %arg17[%swap3A_259] {strides = array<i32>} : memref<6160xf32, #tpu.memory_space<vmem>>, vector<16xf32>,
          tpu.vector_store %arg17[%swap3A_259], %broadcast_in_dim3A_1 {strides = array<i32>} : memref<6160xf32, #tpu.memory_space<vmem>>, vector<16xf32>,
          %add3A_261 = arith.constant 2310 : i32
          %add3A_262 = arith.addi %add3A_261, %mul3A_157 : i32
          %swap3A_263 = arith.index_cast %add3A_262 : i32 to index
          %swap3A_264 = tpu.vector_load %arg17[%swap3A_263] {strides = array<i32>} : memref<6160xf32, #tpu.memory_space<vmem>>, vector<16xf32>,
          tpu.vector_store %arg17[%swap3A_263], %broadcast_in_dim3A_1 {strides = array<i32>} : memref<6160xf32, #tpu.memory_space<vmem>>, vector<16xf32>,
          %add3A_265 = arith.constant 2695 : i32
          %add3A_266 = arith.addi %add3A_265, %mul3A_157 : i32
          %swap3A_267 = arith.index_cast %add3A_266 : i32 to index
          %swap3A_268 = tpu.vector_load %arg17[%swap3A_267] {strides = array<i32>} : memref<6160xf32, #tpu.memory_space<vmem>>, vector<16xf32>,
          tpu.vector_store %arg17[%swap3A_267], %broadcast_in_dim3A_1 {strides = array<i32>} : memref<6160xf32, #tpu.memory_space<vmem>>, vector<16xf32>,
          %add3A_269 = arith.constant 3080 : i32
          %add3A_270 = arith.addi %add3A_269, %mul3A_157 : i32
          %swap3A_271 = arith.index_cast %add3A_270 : i32 to index
          %swap3A_272 = tpu.vector_load %arg17[%swap3A_271] {strides = array<i32>} : memref<6160xf32, #tpu.memory_space<vmem>>, vector<16xf32>,
          tpu.vector_store %arg17[%swap3A_271], %broadcast_in_dim3A_1 {strides = array<i32>} : memref<6160xf32, #tpu.memory_space<vmem>>, vector<16xf32>,
          %add3A_273 = arith.constant 3465 : i32
          %add3A_274 = arith.addi %add3A_273, %mul3A_157 : i32
          %swap3A_275 = arith.index_cast %add3A_274 : i32 to index
          %swap3A_276 = tpu.vector_load %arg17[%swap3A_275] {strides = array<i32>} : memref<6160xf32, #tpu.memory_space<vmem>>, vector<16xf32>,
          tpu.vector_store %arg17[%swap3A_275], %broadcast_in_dim3A_1 {strides = array<i32>} : memref<6160xf32, #tpu.memory_space<vmem>>, vector<16xf32>,
          %add3A_277 = arith.constant 3850 : i32
          %add3A_278 = arith.addi %add3A_277, %mul3A_157 : i32
          %swap3A_279 = arith.index_cast %add3A_278 : i32 to index
          %swap3A_280 = tpu.vector_load %arg17[%swap3A_279] {strides = array<i32>} : memref<6160xf32, #tpu.memory_space<vmem>>, vector<16xf32>,
          tpu.vector_store %arg17[%swap3A_279], %broadcast_in_dim3A_1 {strides = array<i32>} : memref<6160xf32, #tpu.memory_space<vmem>>, vector<16xf32>,
          %add3A_281 = arith.constant 4235 : i32
          %add3A_282 = arith.addi %add3A_281, %mul3A_157 : i32
          %swap3A_283 = arith.index_cast %add3A_282 : i32 to index
          %swap3A_284 = tpu.vector_load %arg17[%swap3A_283] {strides = array<i32>} : memref<6160xf32, #tpu.memory_space<vmem>>, vector<16xf32>,
          tpu.vector_store %arg17[%swap3A_283], %broadcast_in_dim3A_1 {strides = array<i32>} : memref<6160xf32, #tpu.memory_space<vmem>>, vector<16xf32>,
          %add3A_285 = arith.constant 4620 : i32
          %add3A_286 = arith.addi %add3A_285, %mul3A_157 : i32
          %swap3A_287 = arith.index_cast %add3A_286 : i32 to index
          %swap3A_288 = tpu.vector_load %arg17[%swap3A_287] {strides = array<i32>} : memref<6160xf32, #tpu.memory_space<vmem>>, vector<16xf32>,
          tpu.vector_store %arg17[%swap3A_287], %broadcast_in_dim3A_1 {strides = array<i32>} : memref<6160xf32, #tpu.memory_space<vmem>>, vector<16xf32>,
          %add3A_289 = arith.constant 5005 : i32
          %add3A_290 = arith.addi %add3A_289, %mul3A_157 : i32
          %swap3A_291 = arith.index_cast %add3A_290 : i32 to index
          %swap3A_292 = tpu.vector_load %arg17[%swap3A_291] {strides = array<i32>} : memref<6160xf32, #tpu.memory_space<vmem>>, vector<16xf32>,
          tpu.vector_store %arg17[%swap3A_291], %broadcast_in_dim3A_1 {strides = array<i32>} : memref<6160xf32, #tpu.memory_space<vmem>>, vector<16xf32>,
          %add3A_293 = arith.constant 5390 : i32
          %add3A_294 = arith.addi %add3A_293, %mul3A_157 : i32
          %swap3A_295 = arith.index_cast %add3A_294 : i32 to index
          %swap3A_296 = tpu.vector_load %arg17[%swap3A_295] {strides = array<i32>} : memref<6160xf32, #tpu.memory_space<vmem>>, vector<16xf32>,
          tpu.vector_store %arg17[%swap3A_295], %broadcast_in_dim3A_1 {strides = array<i32>} : memref<6160xf32, #tpu.memory_space<vmem>>, vector<16xf32>,
          %add3A_297 = arith.constant 5775 : i32
          %add3A_298 = arith.addi %add3A_297, %mul3A_157 : i32
          %swap3A_299 = arith.index_cast %add3A_298 : i32 to index
          %swap3A_300 = tpu.vector_load %arg17[%swap3A_299] {strides = array<i32>} : memref<6160xf32, #tpu.memory_space<vmem>>, vector<16xf32>,
          tpu.vector_store %arg17[%swap3A_299], %broadcast_in_dim3A_1 {strides = array<i32>} : memref<6160xf32, #tpu.memory_space<vmem>>, vector<16xf32>,
          %swap3A_301 = arith.index_cast %mul3A_157 : i32 to index
          %swap3A_302 = tpu.vector_load %arg18[%swap3A_301] {strides = array<i32>} : memref<384xf32, #tpu.memory_space<vmem>>, vector<16xf32>,
          tpu.vector_store %arg18[%swap3A_301], %add3A_237 {strides = array<i32>} : memref<384xf32, #tpu.memory_space<vmem>>, vector<16xf32>,
          %get3A_303 = arith.index_cast %mul3A_157 : i32 to index
          %get3A_304 = tpu.vector_load %arg19[%get3A_303] {strides = array<i32>} : memref<384xi32, #tpu.memory_space<vmem>>, vector<16xi32>,
          %add3A_305 = vector.broadcast %reduce_min3A_78 : i32 to vector<16xi32>
          %add3A_306 = arith.addi %get3A_304, %add3A_305 : vector<16xi32>
          %min3A = arith.constant 65535 : i32
          %min3A_307 = vector.broadcast %min3A : i32 to vector<16xi32>
          %min3A_308 = arith.minsi %add3A_306, %min3A_307 : vector<16xi32>
          %swap3A_309 = arith.index_cast %mul3A_157 : i32 to index
          %swap3A_310 = tpu.vector_load %arg20[%swap3A_309] {strides = array<i32>} : memref<384xi32, #tpu.memory_space<vmem>>, vector<16xi32>,
          tpu.vector_store %arg20[%swap3A_309], %min3A_308 {strides = array<i32>} : memref<384xi32, #tpu.memory_space<vmem>>, vector<16xi32>,
          %while3A_311 = arith.constant 0 : i32
          scf.yield %while3A_311 : i32
        }
        "tpu.region"() ({
          %run_scoped3A = tpu.sem_alloc : memref<!tpu.dma_semaphore, #tpu.memory_space<semaphore_mem>>
          %dma_start3A = arith.constant 0 : i32
          %dma_start3A_154 = tpu.memref_slice %arg21[%dma_start3A] : memref<65536xf32, #tpu.memory_space<vmem_shared>> -> memref<65536xf32, #tpu.memory_space<vmem_shared>>
          tpu.enqueue_indirect_dma source(%arg18 : memref<384xf32, #tpu.memory_space<vmem>>) target(%dma_start3A_154 : memref<65536xf32, #tpu.memory_space<vmem_shared>>) offsets(%arg20 : memref<384xi32, #tpu.memory_space<vmem>>) semaphore(%run_scoped3A : memref<!tpu.dma_semaphore, #tpu.memory_space<semaphore_mem>>) {add = true}
          %dma_wait3A = arith.constant 0 : i32
          %dma_wait3A_155 = tpu.memref_slice %arg21[%dma_wait3A] : memref<65536xf32, #tpu.memory_space<vmem_shared>> -> memref<65536xf32, #tpu.memory_space<vmem_shared>>
          tpu.wait_indirect_dma semaphore(%run_scoped3A : memref<!tpu.dma_semaphore, #tpu.memory_space<semaphore_mem>>) src(%arg18 : memref<384xf32, #tpu.memory_space<vmem>>) dst(%dma_wait3A_155 : memref<65536xf32, #tpu.memory_space<vmem_shared>>)
          tpu.yield
        }) : () -> ()
        %while3A_142 = arith.constant 0 : i32
        %while3A_143 = arith.constant 0 : i32
        %while3A_144 = arith.subi %select_n3A_129, %while3A_142 : i32
        %while3A_145 = arith.addi %while3A_142, %while3A_144 : i32
        %while3A_146 = arith.constant 1 : i32
        %while3A_147 = arith.divsi %while3A_144, %while3A_146 : i32
        %while3A_148 = arith.muli %while3A_147, %while3A_146 : i32
        %while3A_149 = arith.addi %while3A_142, %while3A_148 : i32
        %while3A_150 = arith.constant 1 : i32
        %while3A_151 = scf.for %while3A_154 = %while3A_142 to %while3A_149 step %while3A_150 iter_args(%while3A_155 = %while3A_143) -> (i32)  : i32 {
          %mul3A_156 = arith.constant 16 : i32
          %mul3A_157 = arith.muli %while3A_154, %mul3A_156 : i32
          %swap3A = arith.index_cast %mul3A_157 : i32 to index
          %swap3A_158 = tpu.vector_load %arg18[%swap3A] {strides = array<i32>} : memref<384xf32, #tpu.memory_space<vmem>>, vector<16xf32>,
          tpu.vector_store %arg18[%swap3A], %broadcast_in_dim3A_1 {strides = array<i32>} : memref<384xf32, #tpu.memory_space<vmem>>, vector<16xf32>,
          %while3A_159 = arith.constant 0 : i32
          scf.yield %while3A_159 : i32
        }
        %while3A_152 = arith.constant 1 : i32
        %while3A_153 = scf.for %while3A_154 = %while3A_149 to %while3A_145 step %while3A_152 iter_args(%while3A_155 = %while3A_151) -> (i32)  : i32 {
          %mul3A_156 = arith.constant 16 : i32
          %mul3A_157 = arith.muli %while3A_154, %mul3A_156 : i32
          %swap3A = arith.index_cast %mul3A_157 : i32 to index
          %swap3A_158 = tpu.vector_load %arg18[%swap3A] {strides = array<i32>} : memref<384xf32, #tpu.memory_space<vmem>>, vector<16xf32>,
          tpu.vector_store %arg18[%swap3A], %broadcast_in_dim3A_1 {strides = array<i32>} : memref<384xf32, #tpu.memory_space<vmem>>, vector<16xf32>,
          %while3A_159 = arith.constant 0 : i32
          scf.yield %while3A_159 : i32
        }
      } else {
      }
      %sub3A_96 = arith.subi %reduce_max3A_87, %reduce_min3A_78 : i32
      %ge3A = arith.constant 384 : i32
      %ge3A_97 = arith.cmpi sge, %sub3A_96, %ge3A : i32
      %convert_element_type3A_98 = arith.extui %ge3A_97 : i1 to i32
      %cond3A_99 = arith.constant 0 : i32
      %cond3A_100 = arith.cmpi ne, %convert_element_type3A_98, %cond3A_99 : i32
      scf.if %cond3A_100 {
        %scan3A_101 = arith.constant 0 : i32
        %scan3A_102 = arith.constant 0 : i32
        %scan3A_103 = arith.constant 560 : i32
        %scan3A_104 = arith.addi %scan3A_102, %scan3A_103 : i32
        %scan3A_105 = arith.constant 1 : i32
        %scan3A_106 = scf.for %scan3A_108 = %scan3A_102 to %scan3A_104 step %scan3A_105 iter_args(%scan3A_109 = %scan3A_101) -> (i32)  : i32 {
          %mul3A_110 = arith.constant 16 : i32
          %mul3A_111 = arith.muli %scan3A_108, %mul3A_110 : i32
          %get3A_112 = arith.index_cast %mul3A_111 : i32 to index
          %get3A_113 = tpu.vector_load %arg13[%get3A_112] {strides = array<i32>} : memref<8960xi32, #tpu.memory_space<vmem>>, vector<16xi32>,
          %mul3A_114 = arith.constant 16 : i32
          %mul3A_115 = arith.muli %scan3A_108, %mul3A_114 : i32
          %get3A_116 = arith.index_cast %mul3A_115 : i32 to index
          %get3A_117 = tpu.vector_load %arg11[%get3A_116] {strides = array<i32>} : memref<8960xf32, #tpu.memory_space<vmem>>, vector<16xf32>,
          %gather3A = tpu.vector_load_idx %arg10[%get3A_113] : memref<65536xf32, #tpu.memory_space<vmem>>[vector<16xi32>], vector<16xf32>,
          %mul3A_118 = arith.mulf %gather3A, %get3A_117 : vector<16xf32>
          %mul3A_119 = arith.constant 16 : i32
          %mul3A_120 = arith.muli %scan3A_108, %mul3A_119 : i32
          %swap3A = arith.index_cast %mul3A_120 : i32 to index
          %swap3A_121 = tpu.vector_load %arg11[%swap3A] {strides = array<i32>} : memref<8960xf32, #tpu.memory_space<vmem>>, vector<16xf32>,
          tpu.vector_store %arg11[%swap3A], %mul3A_118 {strides = array<i32>} : memref<8960xf32, #tpu.memory_space<vmem>>, vector<16xf32>,
          %scan3A_122 = arith.constant 0 : i32
          scf.yield %scan3A_122 : i32
        }
        %scan3A_107 = arith.constant 560 : i32
        "tpu.region"() ({
          %run_scoped3A = tpu.sem_alloc : memref<!tpu.dma_semaphore, #tpu.memory_space<semaphore_mem>>
          %dma_start3A = arith.constant 0 : i32
          %dma_start3A_108 = tpu.memref_slice %arg21[%dma_start3A] : memref<65536xf32, #tpu.memory_space<vmem_shared>> -> memref<65536xf32, #tpu.memory_space<vmem_shared>>
          tpu.enqueue_indirect_dma source(%arg11 : memref<8960xf32, #tpu.memory_space<vmem>>) target(%dma_start3A_108 : memref<65536xf32, #tpu.memory_space<vmem_shared>>) offsets(%arg15 : memref<8960xi32, #tpu.memory_space<vmem>>) semaphore(%run_scoped3A : memref<!tpu.dma_semaphore, #tpu.memory_space<semaphore_mem>>) {add = true}
          %dma_wait3A = arith.constant 0 : i32
          %dma_wait3A_109 = tpu.memref_slice %arg21[%dma_wait3A] : memref<65536xf32, #tpu.memory_space<vmem_shared>> -> memref<65536xf32, #tpu.memory_space<vmem_shared>>
          tpu.wait_indirect_dma semaphore(%run_scoped3A : memref<!tpu.dma_semaphore, #tpu.memory_space<semaphore_mem>>) src(%arg11 : memref<8960xf32, #tpu.memory_space<vmem>>) dst(%dma_wait3A_109 : memref<65536xf32, #tpu.memory_space<vmem_shared>>)
          tpu.yield
        }) : () -> ()
      } else {
      }
    } else {
    }
    %barrier3A_66 = arith.constant 0 : index
    tpu.barrier barrier_id(%barrier3A_66)
    %mul3A_67 = arith.constant 4096 : i32
    %mul3A_68 = arith.muli %arg1, %mul3A_67 : i32
    %mul3A_69 = arith.constant 4096 : i32
    %mul3A_70 = arith.muli %arg1, %mul3A_69 : i32
    "tpu.region"() ({
      %run_scoped3A = tpu.sem_alloc : memref<!tpu.dma_semaphore, #tpu.memory_space<semaphore_mem>>
      %dma_start3A = tpu.memref_slice %arg9[%arg0, %mul3A_70] : memref<2x65536xf32, #tpu.memory_space<hbm>> -> memref<1x4096xf32, #tpu.memory_space<hbm>>
      %dma_start3A_71 = tpu.memref_squeeze %dma_start3A : memref<1x4096xf32, #tpu.memory_space<hbm>> -> memref<4096xf32, #tpu.memory_space<hbm>>
      %dma_start3A_72 = tpu.memref_slice %arg21[%mul3A_68] : memref<65536xf32, #tpu.memory_space<vmem_shared>> -> memref<4096xf32, #tpu.memory_space<vmem_shared>>
      tpu.enqueue_dma source(%dma_start3A_72 : memref<4096xf32, #tpu.memory_space<vmem_shared>>) target(%dma_start3A_71 : memref<4096xf32, #tpu.memory_space<hbm>>) target_semaphore(%run_scoped3A : memref<!tpu.dma_semaphore, #tpu.memory_space<semaphore_mem>>)
      %dma_wait3A = tpu.memref_slice %arg9[%arg0, %mul3A_70] : memref<2x65536xf32, #tpu.memory_space<hbm>> -> memref<1x4096xf32, #tpu.memory_space<hbm>>
      %dma_wait3A_73 = tpu.memref_squeeze %dma_wait3A : memref<1x4096xf32, #tpu.memory_space<hbm>> -> memref<4096xf32, #tpu.memory_space<hbm>>
      %dma_wait3A_74 = tpu.memref_slice %arg21[%mul3A_68] : memref<65536xf32, #tpu.memory_space<vmem_shared>> -> memref<4096xf32, #tpu.memory_space<vmem_shared>>
      tpu.wait_dma2 semaphore(%run_scoped3A : memref<!tpu.dma_semaphore, #tpu.memory_space<semaphore_mem>>) src(%dma_wait3A_74 : memref<4096xf32, #tpu.memory_space<vmem_shared>>) dst(%dma_wait3A_73 : memref<4096xf32, #tpu.memory_space<hbm>>)
      tpu.yield
    }) : () -> ()
    return
  }
}

module attributes {stable_mosaic.version = 14 : i64} {
  func.func @_combine_body(%arg0: memref<2x65536xf32, #tpu.memory_space<vmem>>, %arg1: memref<65536xf32, #tpu.memory_space<vmem>>) attributes {dimension_semantics = [], scalar_prefetch = 0 : i64, scratch_operands = 0 : i64, tpu.core_type = #tpu.core_type<tc>} {
    %get3A = arith.constant 0 : index
    %get3A_0 = arith.constant 0 : index
    %get3A_1 = vector.load %arg0[%get3A, %get3A_0] : memref<2x65536xf32, #tpu.memory_space<vmem>>, vector<1x65536xf32>
    %get3A_2 = vector.shape_cast %get3A_1 : vector<1x65536xf32> to vector<65536xf32>
    %get3A_3 = arith.constant 1 : index
    %get3A_4 = arith.constant 0 : index
    %get3A_5 = vector.load %arg0[%get3A_3, %get3A_4] : memref<2x65536xf32, #tpu.memory_space<vmem>>, vector<1x65536xf32>
    %get3A_6 = vector.shape_cast %get3A_5 : vector<1x65536xf32> to vector<65536xf32>
    %add3A = arith.addf %get3A_2, %get3A_6 : vector<65536xf32>
    %swap3A = arith.constant 0 : index
    %swap3A_7 = vector.load %arg1[%swap3A] : memref<65536xf32, #tpu.memory_space<vmem>>, vector<65536xf32>
    tpu.vector_store %arg1[%swap3A], %add3A {strides = array<i32>} : memref<65536xf32, #tpu.memory_space<vmem>>, vector<65536xf32>,
    return
  }
}

</mosaic_0001>

<sc_bundles>
// kernel: kernel.4.cloned.1.call-start
scs
__scs_entry_jumppad:
0x0: {  	(pc) =	sbr.rel $0x88, $3  }
0x1: {  	(tag) =	ssettag $0x0;
	lr =	simm.s32 $0x1  }
0x2: {  	[smem:$0x3F9D] =	sst lr;
	_ =	strace $0xD0000000  }
0x3: {  	_ = 	snop  }
0x4: {  	_ = 	snop  }
0x5: {  	_ = 	snop  }
0x6: {  	_ = 	snop  }
0x7: {  	_ = 	snop  }
__scs_overlays_trampoline_lowered:
0x8: {  	[smem:$0x3FAC] =	sst s0  }
0x9: {  	[smem:$0x3FAD] =	sst s1  }
0xa: {  	[smem:$0x3FAE] =	sst s2  }
0xb: {  	[smem:$0x3FAF] =	sst s3  }
0xc: {  	[smem:$0x3FB0] =	sst s4  }
0xd: {  	[smem:$0x3FB1] =	sst s5  }
0xe: {  	[smem:$0x3FB2] =	sst s6  }
0xf: {  	[smem:$0x3FB3] =	sst s7  }
0x10: {  	[smem:$0x3FB4] =	sst s8  }
0x11: {  	[smem:$0x3FB5] =	sst s9;
	s0 =	simm.s32 @!p0 $0x0  }
0x12: {  	s1 =	sld [smem:$0x3F9B];
	s0 =	simm.s32 @p0 $0x1  }
0x13: {  	[smem:$0x3FB6] =	sst s0;
	s0 =	simm.s32 @!p1 $0x0  }
0x14: {  	s2 =	sld [smem:$0x3F9A];
	s0 =	simm.s32 @p1 $0x1  }
0x15: {  	[smem:$0x3FB7] =	sst s0;
	s0 =	simm.s32 @!p2 $0x0  }
0x16: {  	s3 =	sld [smem:$0x3FDB];
	s0 =	simm.s32 @p2 $0x1  }
0x17: {  	s4 =	simm.s32 $0x1BF5;
	[smem:$0x3FB9] =	sst s0  }
0x18: {  	s0 =	sld [smem:$0x3F9C];
	_ =	swait.ge [sflag:s4], $0x0  }
0x19: {  	s7 =	sld [smem:$0x3F9D]  }
0x1a: {  	s8 =	sadd.s32 $0xFFFFE003, lr  }
0x1b: {  	s9 =	sadd.s32 $0xFFFFFEF7, lr;
	s5 =	simm.s32 $0xFFFFFFFF;
	p2 =	slt.u32 s8, $0xFFFFF086  }
0x1c: {  	p1 =	slt.u32 s9, $0xF7A;
	s5 =	simm.s32 @!p2 $0x0  }
0x1d: {  	s5 =	simm.s32 @p1 $0x1;
	p0 =	seq.s32 s7, s2  }
0x1e: {  	s7 =	smul.u32 @!p0 $0xF7A, s2;
	p2 =	seq.s32 @!p0 s5, $0x0  }
0x1f: {  	s9 =	smul.u32 $0xF7A, s1;
	s8 =	simm.s32 @!p0 $0x1BF5;
	p2 =	por !p2, p0  }
0x20: {  	[sflag:s8] =	ssyncset.s32 @!p0 $0xFFFFF086;
	s6 =	sadd.s32 @!p0 s3, s7;
	s7 =	simm.s32 @!p0 $0x108  }
0x21: {  	s3 =	sadd.s32 s3, s9;
	s6 =	sadd.s32 @!p0 $0x88, s6;
	s7 =	simm.s32 @p2 $0x1082  }
0x22: {  	[simem:s7], [sflag:s8] =	dma.local @!p0 [hbm:s6], $0xF7A  }
0x23: {  	s9 =	sor.u32 $0xD0000000, s2;
	s6 =	simm.s32 $0x108;
	_ =	swait.ge @!p0 [sflag:s8], $0x0  }
0x24: {  	s3 =	sadd.s32 $0x88, s3;
	s6 =	simm.s32 @!p1 $0x1082;
	[sflag:s4] =	ssyncset.s32 $0xFFFFF086  }
0x25: {  	[simem:s6], [sflag:s4] =	dma.local [hbm:s3], $0xF7A  }
0x26: {  	[smem:$0x3F9D] =	sst s1;
	(tag) =	ssettag s2;
	_ =	strace s9  }
0x27: {  	s1 =	sld [smem:$0x3FAD]  }
0x28: {  	s2 =	sld [smem:$0x3FAE]  }
0x29: {  	s4 =	sld [smem:$0x3FB0]  }
0x2a: {  	p0 =	seq.s32 s5, $0x0;
	s5 =	sld [smem:$0x3FB1]  }
0x2b: {  	s6 =	sld [smem:$0x3FB2]  }
0x2c: {  	s7 =	sld [smem:$0x3FB3]  }
0x2d: {  	s3 =	simm.s32 $0x108;
	s8 =	sld [smem:$0x3FB4]  }
0x2e: {  	s3 =	simm.s32 @!p0 $0x1082;
	s9 =	sld [smem:$0x3FB5]  }
0x2f: {  	lr =	sadd.s32 s0, s3;
	s0 =	sld [smem:$0x3FAC]  }
0x30: {  	s3 =	sld [smem:$0x3FAF]  }
0x31: {  	[smem:$0x3FB8] =	sst s10  }
0x32: {  	s10 =	sld [smem:$0x3FB6];
	_ =	sdelay $0x3  }
0x33: {  	p0 =	seq.s32 s10, $0x1;
	s10 =	sld [smem:$0x3FB8];
	_ =	sdelay $0x3  }
0x34: {  	[smem:$0x3FB8] =	sst s10  }
0x35: {  	s10 =	sld [smem:$0x3FB7];
	_ =	sdelay $0x3  }
0x36: {  	p1 =	seq.s32 s10, $0x1;
	s10 =	sld [smem:$0x3FB8];
	_ =	sdelay $0x3  }
0x37: {  	[smem:$0x3FB8] =	sst s10  }
0x38: {  	s10 =	sld [smem:$0x3FB9]  }
0x39: {  	_ = 	snop;
	(pc) =	sbr.ind lr, $3  }
0x3a: {  	_ = 	snop  }
0x3b: {  	_ = 	snop  }
0x3c: {  	p2 =	seq.s32 s10, $0x1;
	s10 =	sld [smem:$0x3FB8]  }
0x3d: {  	_ =	shalt  }
0x3e: {  	_ =	shalt  }
0x3f: {  	_ =	shalt  }
0x40: {  	_ =	shalt  }
0x41: {  	_ =	shalt  }
0x42: {  	_ =	shalt  }
0x43: {  	_ =	shalt  }
0x44: {  	_ =	shalt  }
0x45: {  	_ =	shalt  }
0x46: {  	_ =	shalt  }
0x47: {  	_ =	shalt  }
0x48: {  	_ =	shalt  }
0x49: {  	_ =	shalt  }
0x4a: {  	_ =	shalt  }
0x4b: {  	_ =	shalt  }
0x4c: {  	_ =	shalt  }
0x4d: {  	_ =	shalt  }
0x4e: {  	_ =	shalt  }
0x4f: {  	_ =	shalt  }
0x50: {  	_ =	shalt  }
0x51: {  	_ =	shalt  }
0x52: {  	_ =	shalt  }
0x53: {  	_ =	shalt  }
0x54: {  	_ =	shalt  }
0x55: {  	_ =	shalt  }
0x56: {  	_ =	shalt  }
0x57: {  	_ =	shalt  }
0x58: {  	_ =	shalt  }
0x59: {  	_ =	shalt  }
0x5a: {  	_ =	shalt  }
0x5b: {  	_ =	shalt  }
0x5c: {  	_ =	shalt  }
0x5d: {  	_ =	shalt  }
0x5e: {  	_ =	shalt  }
0x5f: {  	_ =	shalt  }
0x60: {  	_ =	shalt  }
0x61: {  	_ =	shalt  }
0x62: {  	_ =	shalt  }
0x63: {  	_ =	shalt  }
0x64: {  	_ =	shalt  }
0x65: {  	_ =	shalt  }
0x66: {  	_ =	shalt  }
0x67: {  	_ =	shalt  }
0x68: {  	_ =	shalt  }
0x69: {  	_ =	shalt  }
0x6a: {  	_ =	shalt  }
0x6b: {  	_ =	shalt  }
0x6c: {  	_ =	shalt  }
0x6d: {  	_ =	shalt  }
0x6e: {  	_ =	shalt  }
0x6f: {  	_ =	shalt  }
0x70: {  	_ =	shalt  }
0x71: {  	_ =	shalt  }
0x72: {  	_ =	shalt  }
0x73: {  	_ =	shalt  }
0x74: {  	_ =	shalt  }
0x75: {  	_ =	shalt  }
0x76: {  	_ =	shalt  }
0x77: {  	_ =	shalt  }
0x78: {  	_ =	shalt  }
0x79: {  	_ =	shalt  }
0x7a: {  	_ =	shalt  }
0x7b: {  	_ =	shalt  }
0x7c: {  	_ =	shalt  }
0x7d: {  	_ =	shalt  }
0x7e: {  	_ =	shalt  }
0x7f: {  	_ =	shalt  }
0x80: {  	_ =	shalt  }
0x81: {  	_ =	shalt  }
0x82: {  	_ =	shalt  }
0x83: {  	_ =	shalt  }
0x84: {  	_ =	shalt  }
0x85: {  	_ =	shalt  }
0x86: {  	_ =	shalt  }
0x87: {  	_ =	shalt  }
.Lfunc_end0:
.L_simem_size_0:
called_computation_lowered:
.L_overlay_start_0:
0x88: {  	s2 =	sld [smem:$0x3FD9]  }
0x89: {  	s3 =	sld [smem:$0x3FFE];
	_ =	sdelay $0x1  }
0x8a: {  	s1 =	srdreg.scid  }
0x8b: {  	s0 =	sand.u32 $0x1, s1  }
0x8c: {  	s17 =	sshll.u32 s0, $0xA;
	s2 =	sadd.s32 s3, s2  }
0x8d: {  	s2 =	sadd.s32 s2, s17  }
0x8e: {  	[smem:$0x3FC4] =	sst s2  }
0x8f: {  	_ = 	snop  }
0x90: {  	s2 =	sld [smem:$0x3FC9]  }
0x91: {  	s18 =	sld [smem:$0x3FC8]  }
0x92: {  	s4 =	sld [smem:$0x3FC7]  }
0x93: {  	s5 =	sld [smem:$0x3FC6]  }
0x94: {  	s6 =	sld [smem:$0x3FD0];
	(tm) =	ssettm $0x1  }
0x95: {  	s7 =	sld [smem:$0x3FFB];
	_ =	sdelay $0x3  }
0x96: {  	_ =	strace s7  }
0x97: {  	s7 =	sld [smem:$0x3FFC];
	_ =	sdelay $0x3  }
0x98: {  	_ =	strace s7  }
0x99: {  	s7 =	sld [smem:$0x3FFD];
	_ =	sdelay $0x3  }
0x9a: {  	_ =	strace s7  }
0x9b: {  	_ =	strace $0x8FFFFFFF  }
0x9c: {  	s19 =	sld [smem:$0x3FDB];
	_ =	sdelay $0x1  }
0x9d: {  	s8 =	simm.s32 $_scs_section_size  }
0x9e: {  	s9 =	simm.s32 $_size__tile_overlayer_lowered;
	s10 =	simm.s32 $_tile_overlayer_lowered  }
0x9f: {  	s22 =	simm.s32 $0x1BFF;
	s21 =	sshll.u32 s10, $0x1;
	s7 =	sadd.s32 s8, s19  }
0xa0: {  	s11 =	simm.s32 $0x0;
	s20 =	sshll.u32 s9, $0x1;
	s9 =	sadd.s32 s21, s7  }
0xa1: {  	[timem:s11], [sflag:s22] =	dma.local [hbm:s9], s20  }
0xa2: {  	_ =	swait.ge [sflag:s22], s20  }
0xa3: {  	s8 =	ssub.s32 $0x0, s20;
	[sflag:s22] =	ssyncset.done $0x0  }
0xa4: {  	[sflag:s22] =	ssyncadd.s32 s8;
	_ =	sdelay $0x1  }
0xa5: {  	s23 =	simm.s32 $0x1B8B  }
0xa6: {  	_ =	swait.ge [sflag:s23], $0x1  }
0xa7: {  	[sflag:s23] =	ssyncset.done $0x0  }
0xa8: {  	s25 =	simm.s32 $0x1B8E;
	s24 =	sld [smem:$0x3FFE];
	[sflag:s23] =	ssyncadd.s32 $0xFFFFFFFF  }
0xa9: {  	s26 =	simm.s32 $execute0_lowered;
	[smem:$0x3FD2] =	sst s25  }
0xaa: {  	s9 =	sshll.u32 s26, $0x1;
	_ =	strace $0x80000046;
	[dreg:$0x1] =	wrdreg $0xFFFFFFFF  }
0xab: {  	s28 =	simm.s32 $_size_execute0_lowered;
	s7 =	sadd.s32 s7, s9;
	[dreg:$0x0] =	wrdreg $0x0  }
0xac: {  	s9 =	sshll.u32 s28, $0x1;
	[dreg:$0x2] =	wrdreg s7  }
0xad: {  	[dreg:$0x3] =	wrdreg s9  }
0xae: {  	[dreg:$0x4] =	wrdreg $0xC0  }
0xaf: {  	_ =	task [dreg:s11], $0x5FFFF  }
0xb0: {  	[dreg:$0x1] =	wrdreg $0xFFFFFFFF  }
0xb1: {  	[dreg:$0x0] =	wrdreg $0x60  }
0xb2: {  	[dreg:$0x2] =	wrdreg s2  }
0xb3: {  	[dreg:$0x3] =	wrdreg s18  }
0xb4: {  	[dreg:$0x4] =	wrdreg s4  }
0xb5: {  	[dreg:$0x5] =	wrdreg s5  }
0xb6: {  	[dreg:$0x6] =	wrdreg s6  }
0xb7: {  	[dreg:$0x7] =	wrdreg s24  }
0xb8: {  	[dreg:$0x8] =	wrdreg $0x1EF000  }
0xb9: {  	[dreg:$0x9] =	wrdreg $0x9  }
0xba: {  	_ =	task.clear_ibuf [dreg:s11], $0xAFFFF;
	_ =	strace $0x90000046  }
0xbb: {  	s29 =	simm.s32 $0x9;
	_ =	strace $0x80000048  }
0xbc: {  	_ =	swait.ge [sflag:s29], $0x1  }
0xbd: {  	[sflag:s29] =	ssyncadd.s32 $0xFFFFFFFF  }
0xbe: {  	_ =	strace $0x90000048  }
0xbf: {  	_ =	sfence  }
0xc0: {  	s30 =	sld [smem:$0x0];
	_ =	sdelay $0x2  }
0xc1: {  	s31 =	sshll.u32 s1, $0xD;
	s1 =	sshrl.u32 s1, $0x2  }
0xc2: {  	s3 =	sand.u32 $0x4000, s31;
	s1 =	sadd.s32 s1, s30  }
0xc3: {  	s0 =	sor.u32 s3, s0;
	s1 =	sshll.u32 s1, $0x11  }
0xc4: {  	s0 =	sor.u32 s1, s0  }
0xc5: {  	s0 =	sadd.s32 $0x8F2B, s0  }
0xc6: {  	[sflag:s0] =	ssyncadd.remote.s32 $0x1  }
0xc7: {  	_ =	sfence.sel $0xFFFF  }
0xc8: {  	[dreg:$0x0] =	wrdreg $0xFFFFFFFF;
	(pc) =	sbr.abs _section_cstart, $3  }
0xc9: {  	[dreg:$0x1] =	wrdreg $0xFFFFFFFF  }
0xca: {  	_ =	task.clear_ibuf [dreg:s11], $0x2FFFF;
	_ =	strace $0x9FFFFFFF  }
0xcb: {  	(tm) =	ssettm $0x7FFFFFFF  }
tec
execute0_lowered:
.L_overlay_start_1:
0x0: {  	(tag) =	ssettag $0x1  }
0x1: {  	s0 =	rddreg [dreg:$0x0]  }
0x2: {  	s2 =	rddreg [dreg:$0x1]  }
0x3: {  	s3 =	rddreg [dreg:$0x2]  }
0x4: {  	s1 =	rddreg [dreg:$0x5]  }
0x5: {  	s6 =	rddreg [dreg:$0x6];
	s7 =	simm.s32 $0x0;
	s4 =	srdreg.scid  }
0x6: {  	s12 =	stileid.u32;
	s28 =	simm.s32 $0x180;
	s29 =	simm.s32 $0x1ED80  }
0x7: {  	s30 =	simm.s32 $0x4;
	[smem:$0x7FF] =	sst s7;
	s5 =	sadd.s32 $0x600, s1  }
0x8: {  	s4 =	sand.u32 $0x1, s4;
	s17 =	sadd.s32 $0xC00, s1;
	s10 =	sshll.u32 s12, $0x1  }
0x9: {  	s19 =	sshll.u32 s12, $0xC;
	_ =	strace $0x80000047;
	[dreg:$0x8] =	wrdreg s5  }
0xa: {  	s22 =	sshll.u32 s12, $0xA;
	[dreg:$0x9] =	wrdreg s17;
	s18 =	ssub.s32 $0x2, s4  }
0xb: {  	s8 =	sshll.u32 s4, $0x4;
	s11 =	sor.u32 s4, s10;
	s4 =	sadd.s32 s19, s6  }
0xc: {  	s10 =	simm.s32 $0x0;
	s9 =	sshrl.u32 s18, $0x1;
	s1 =	sadd.s32 s8, s1  }
0xd: {  	s20 =	ssub.s32 $0x1FE, s11;
	s21 =	smul.u32 $0x460, s11;
	[dreg:$0xa] =	wrdreg s4  }
0xe: {  	p0 =	sne.s32 s11, $0x1F;
	s5 =	ssub.s32 s18, s9;
	s13 =	sshrl.u32 s20, $0x5  }
0xf: {  	s1 =	sadd.s32 s22, s1;
	s22 =	simm.s32 $0x3;
	s23 =	sadd.s32 s0, s21  }
0x10: {  	s24 =	sadd.s32 s3, s21;
	s25 =	sadd.s32 s2, s21;
	[dreg:$0xb] =	wrdreg s23  }
.Ltmp0:
0x11: {  	s17 =	sadd.s32 $0xFFFFFFFF, s13;
	[dreg:$0xc] =	wrdreg s24;
	(pc) =	sbr.rel .LBB2_1-.Ltmp0, $4  }
0x12: {  	s26 =	sadd.s32 $0x1, s13;
	s1 =	sadd.s32 $0x1200, s1;
	[dreg:$0xd] =	wrdreg s25  }
0x13: {  	s31 =	smax.u32 s5, $0x1;
	s21 =	simm.s32 $0x10000;
	[dreg:$0xe] =	wrdreg s1  }
0x14: {  	v0 =	vlaneseq.u32;
	s5 =	simm.s32 $0x2;
	s19 =	sshrl.u32 s26, $0x1;
	[dreg:$0xf] =	wrdreg s31  }
0x15: {  	v1 =	vimm.f32 $0.0e+00;
	v2 =	vmul.u32 $0x181, v0;
	s25 =	simm.s32 $0x1;
	s26 =	simm.s32 $0x1D200;
	s1 =	simm.s32 $0x2300  }
.LBB2_56:
0x16: {  	s4 =	simm.s32 $0x1EA80  }
0x17: {  	[spmem:s6] =	stream.indirect.scatter.add.f32 [tilespmem:s4], [sflag:$0x3], $0x1, s29, s28, $0xb8;
	[tilespmem:$0x1FF00] =	vst v63  }
0x18: {  	_ =	swait.ge [sflag:s22], $0x180  }
0x19: {  	[sflag:s22] =	ssyncset.done $0x0  }
0x1a: {  	[sflag:s22] =	ssyncadd.s32 $0xFFFFFE80  }
.LBB2_57:
0x1b: {  	s4 =	stileid.u32;
	[bflag:$0x0] =	sbarrier.arrive $0xFFFF;
	s12 =	simm.s32 $0x20  }
0x1c: {  	s14 =	simm.s32 $0x10;
	s4 =	sshll.u32 s4, $0x6;
	s8 =	rddreg [dreg:$0xa]  }
0x1d: {  	s9 =	rddreg [dreg:$0xe];
	s4 =	sor.u32 $0x1C03, s4;
	s8 =	sshrl.u32 s8, $0x3  }
0x1e: {  	[hbm:s9@s12], [sflag:s4] =	dma.strided [spmem:s8@s14], $0x200, s25, $0x10   }
0x1f: {  	_ =	swait.ge [sflag:s22], $0x200  }
0x20: {  	s10 =	sadd.s32 $0x1, s10;
	s31 =	rddreg [dreg:$0xf]  }
0x21: {  	p1 =	sne.s32 s10, s31  }
.Ltmp1:
0x22: {  	_ = 	snop;
	(pc) =	sbr.rel @!p1 .LBB2_58-.Ltmp1, $3  }
0x23: {  	_ =	sdelay $0x1  }
0x24: {  	[sflag:s22] =	ssyncset.done $0x0  }
0x25: {  	[sflag:s22] =	ssyncadd.s32 $0xFFFFFE00  }
.LBB2_1:
0x26: {  	s4 =	simm.s32 $0x1EC00;
	v3 =	vor.u32 s7, v0  }
0x27: {  	[tilespmem:s4+$0x0] =	vst v3  }
0x28: {  	s9 =	simm.s32 $0x1EA80;
	[tilespmem:s29+$0x0] =	vst v3  }
0x29: {  	s8 =	simm.s32 $0x10;
	s12 =	simm.s32 $0x1EA80;
	[tilespmem:s9+$0x0] =	vst v1;
	s9 =	simm.s32 $0x1ED80  }
.LBB2_2:
0x2a: {  	p1 =	sne.s32 s8, $0x170  }
.Ltmp2:
0x2b: {  	_ = 	snop;
	(pc) =	sbr.rel @p1 .LBB2_2-.Ltmp2, $4  }
0x2c: {  	v3 =	vor.u32 s8, v0;
	s4 =	sadd.s32 $0x10, s4  }
0x2d: {  	s9 =	sadd.s32 $0x10, s9;
	[tilespmem:s4+$0x0] =	vst v3  }
0x2e: {  	s12 =	sadd.s32 $0x10, s12;
	[tilespmem:s9+$0x0] =	vst v3  }
0x2f: {  	s8 =	sadd.s32 $0x10, s8;
	[tilespmem:s12+$0x0] =	vst v1  }
0x30: {  	s4 =	simm.s32 $0x40;
	s8 =	simm.s32 $0x0  }
.LBB2_4:
0x31: {  	p1 =	sne.s32 s4, $0x6000;
	[tilespmem:s8+$0x1D200] =	vst v1;
	s8 =	smov.u32 s4;
	s4 =	sadd.s32 $0x40, s4  }
.Ltmp3:
0x32: {  	(pc) =	sbr.rel @p1 .LBB2_4-.Ltmp3, $2  }
0x33: {  	_ =	sdelay $0x2  }
0x34: {  	s8 =	sshra.s32 s8, $0x2  }
0x35: {  	[tilespmem:s8+$0x1D200] =	vst v1;
	s4 =	simm.s32 $0x40;
	s8 =	simm.s32 $0x0  }
.LBB2_6:
0x36: {  	p1 =	sne.s32 s4, $0x3FC0;
	[tilespmem:s8+$0x10000] =	vst v1;
	s8 =	smov.u32 s4;
	s4 =	sadd.s32 $0x40, s4  }
.Ltmp4:
0x37: {  	(pc) =	sbr.rel @p1 .LBB2_6-.Ltmp4, $2  }
0x38: {  	_ =	sdelay $0x2  }
0x39: {  	s8 =	sshra.s32 s8, $0x2  }
0x3a: {  	[tilespmem:s8+$0x10000] =	vst v1;
	s4 =	rddreg [dreg:$0xa]  }
0x3b: {  	[spmem:s4] =	stream.linear.scatter [tilespmem:s21], [sflag:$0x3], $0x1000, $0x38;
	[tilespmem:$0x1FF00] =	vst v63  }
0x3c: {  	_ =	swait.ge [sflag:s22], $0x1000  }
0x3d: {  	[sflag:s22] =	ssyncset.done $0x0  }
0x3e: {  	[sflag:s22] =	ssyncadd.s32 $0xFFFFF000  }
0x3f: {  	s8 =	simm.s32 $0x0;
	s18 =	rddreg [dreg:$0x3]  }
0x40: {  	[tilespmem:s8], [sflag:$0x3] =	stream.linear.gather [hbm4b:s18+s8], $0x10000, $0x38;
	[tilespmem:$0x1FF00] =	vst v63  }
0x41: {  	_ =	swait.ge [sflag:s22], $0x10000  }
0x42: {  	[sflag:s22] =	ssyncset.done $0x0  }
0x43: {  	[sflag:s22] =	ssyncadd.s32 $0xFFFF0000  }
0x44: {  	[bflag:$0x0] =	sbarrier.arrive $0xFFFF  }
0x45: {  	s20 =	rddreg [dreg:$0xb]  }
0x46: {  	[tilespmem:s21], [sflag:$0x1] =	stream.linear.gather [hbm4b:s20+s8], $0x2300, $0x38;
	[tilespmem:$0x1FF00] =	vst v63  }
.Ltmp5:
0x47: {  	_ = 	snop;
	(pc) =	sbr.rel .LBB2_8-.Ltmp5, $4  }
0x48: {  	s9 =	simm.s32 $0x14600;
	s23 =	rddreg [dreg:$0xc]  }
0x49: {  	[tilespmem:s9], [sflag:$0x1] =	stream.linear.gather [hbm4b:s23+s8], $0x2300, $0x38;
	[tilespmem:$0x1FF00] =	vst v63  }
0x4a: {  	s31 =	simm.s32 $0x18C00;
	s24 =	rddreg [dreg:$0xd]  }
0x4b: {  	[tilespmem:s31], [sflag:$0x1] =	stream.linear.gather [hbm4b:s24+s8], $0x2300, $0x38;
	[tilespmem:$0x1FF00] =	vst v63  }
.LBB2_39:
0x4c: {  	s4 =	simm.s32 $0x1EA80  }
0x4d: {  	[spmem:s6] =	stream.indirect.scatter.add.f32 [tilespmem:s4], [sflag:$0x4], $0x1, s29, s28, $0xb8;
	[tilespmem:$0x1FF00] =	vst v63  }
0x4e: {  	_ =	swait.ge [sflag:s30], $0x180  }
0x4f: {  	[sflag:s30] =	ssyncset.done $0x0  }
0x50: {  	[sflag:s30] =	ssyncadd.s32 $0xFFFFFE80  }
.LBB2_40:
0x51: {  	s8 =	sadd.s32 $0x1, s8  }
0x52: {  	p1 =	sne.s32 s8, s19  }
.Ltmp6:
0x53: {  	_ = 	snop;
	(pc) =	sbr.rel @!p1 .LBB2_41-.Ltmp6, $1  }
0x54: {  	_ =	sdelay $0x3  }
.LBB2_8:
0x55: {  	s23 =	sshll.u32 s8, $0x1  }
0x56: {  	p1 =	sge.u32 s23, s13  }
.Ltmp7:
0x57: {  	_ = 	snop;
	(pc) =	sbr.rel @p1 .LBB2_24-.Ltmp7, $1  }
0x58: {  	_ =	sdelay $0x3  }
0x59: {  	_ =	swait.ge [sflag:s25], $0x2300  }
0x5a: {  	[sflag:s25] =	ssyncset.done $0x0  }
0x5b: {  	s4 =	sor.u32 $0x1, s23;
	[sflag:s25] =	ssyncadd.s32 $0xFFFFDD00  }
0x5c: {  	p1 =	sge.u32 s4, s13;
	_ =	swait.ge [sflag:s25], $0x2300  }
0x5d: {  	s4 =	sshll.u32 @!p1 s4, $0x5;
	[sflag:s25] =	ssyncset.done $0x0  }
0x5e: {  	s4 =	sor.u32 @!p1 s11, s4;
	[sflag:s25] =	ssyncadd.s32 $0xFFFFDD00  }
0x5f: {  	s4 =	smul.u32 @!p1 $0x460, s4;
	_ =	swait.ge [sflag:s25], $0x2300  }
0x60: {  	s12 =	simm.s32 @!p1 $0x0;
	[sflag:s25] =	ssyncset.done $0x0  }
0x61: {  	s14 =	simm.s32 @!p1 $0x12300;
	s9 =	sadd.s32 @!p1 s0, s4;
	[sflag:s25] =	ssyncadd.s32 $0xFFFFDD00  }
0x62: {  	[tilespmem:s14], [sflag:$0x2] =	stream.linear.gather @!p1 [hbm4b:s9+s12], $0x2300, $0x38;
	[tilespmem:$0x1FF00] =	vst v63  }
0x63: {  	s9 =	sadd.s32 @!p1 s3, s4;
	s14 =	simm.s32 @!p1 $0x16900  }
0x64: {  	[tilespmem:s14], [sflag:$0x2] =	stream.linear.gather @!p1 [hbm4b:s9+s12], $0x2300, $0x38;
	[tilespmem:$0x1FF00] =	vst v63  }
0x65: {  	s4 =	sadd.s32 @!p1 s2, s4;
	s9 =	simm.s32 @!p1 $0x1AF00  }
0x66: {  	[tilespmem:s9], [sflag:$0x2] =	stream.linear.gather @!p1 [hbm4b:s4+s12], $0x2300, $0x38;
	[tilespmem:$0x1FF00] =	vst v63  }
0x67: {  	v3 =	vld [tilespmem:$0x18C00]  }
0x68: {  	v4 =	vld [tilespmem:$0x1AEF0];
	_ =	sdelay $0x3  }
0x69: {  	v3 =	vxor.u32 $0x80000000, v3  }
0x6a: {  	(xrf0) =	vmin.scan.msk.u32 $0xffff, v3;
	v3 =	vxor.u32 $0x80000000, v4  }
0x6b: {  	(xrf0) =	vmax.scan.msk.u32 $0xffff, v3;
	_ =	sdelay $0x4  }
0x6c: {  	v3, _, _ =	vpop (xrf0)  }
0x6d: {  	(v2sf) =	vpush v3, $0xF;
	v3, _, _ =	vpop (xrf0)  }
0x6e: {  	(v2sf) =	vpush v3, $0xF;
	_ =	sdelay $0xd  }
0x6f: {  	s20 =	spop (v2sf)  }
0x70: {  	s24 =	spop (v2sf)  }
0x71: {  	s9 =	sxor.u32 $0x80000000, s20;
	s31 =	sxor.u32 $0x80000000, s24  }
0x72: {  	s4 =	ssub.s32 s31, s9  }
0x73: {  	p1 =	sgt.s32 s4, $0x17F  }
.Ltmp8:
0x74: {  	_ = 	snop;
	(pc) =	sbr.rel @p1 .LBB2_20-.Ltmp8, $1  }
0x75: {  	_ =	sdelay $0x3  }
0x76: {  	s12 =	simm.s32 $0x14620  }
0x77: {  	v4 =	vld [tilespmem:s12+$0x10]  }
0x78: {  	v5 =	vld [tilespmem:s12+$0xFFFFFFF0]  }
0x79: {  	v6 =	vld [tilespmem:s12+$0xFFFFFFE0]  }
0x7a: {  	s14 =	simm.s32 $0x18C20;
	v7 =	vld [tilespmem:s12+$0x0]  }
0x7b: {  	v8 =	vld [tilespmem:s14+$0x10]  }
0x7c: {  	s24 =	simm.s32 $0x10020;
	v9 =	vld [tilespmem:s14+$0xFFFFFFE0]  }
0x7d: {  	v12 =	vld [tilespmem:s24+$0xFFFFFFE0]  }
0x7e: {  	v13 =	vld [tilespmem:s24+$0xFFFFFFF0]  }
0x7f: {  	v3 =	vmov s9;
	v14 =	vld [tilespmem:s24+$0x0]  }
0x80: {  	v10 =	vsub.s32 $0x0, v3;
	v11 =	vld.idx.msk [tilespmem:v4+s7+$0x0], $0xffff  }
0x81: {  	s31 =	simm.s32 $0x14660;
	v4 =	vbroadcast v10, $0x0;
	v10 =	vld [tilespmem:s24+$0x10]  }
0x82: {  	s9 =	simm.s32 $0x18C60;
	v15 =	vld [tilespmem:s31+$0xFFFFFFE0]  }
0x83: {  	v16 =	vld [tilespmem:s9+$0x10]  }
0x84: {  	v17 =	vld [tilespmem:s31+$0x0];
	v4 =	vadd.s32 v2, v4  }
0x85: {  	v62 =	vld [tilespmem:s9+$0xFFFFFFE0];
	v8 =	vadd.s32 v8, v4  }
0x86: {  	s12 =	simm.s32 $0x10060;
	v10 =	vmul.f32 v11, v10;
	v11 =	vld [tilespmem:s31+$0x10]  }
0x87: {  	v20 =	vld [tilespmem:s12+$0xFFFFFFF0]  }
0x88: {  	v6 =	vld.idx.msk [tilespmem:v6+s7+$0x0], $0xffff  }
0x89: {  	v5 =	vld.idx.msk [tilespmem:v5+s7+$0x0], $0xffff  }
0x8a: {  	[tilespmem:v8+s26+$0x0] =	vst.idx.add.f32.msk $0xffff, v10  }
0x8b: {  	v9 =	vadd.s32 v9, v4;
	v10 =	vld [tilespmem:s31+$0xFFFFFFF0]  }
0x8c: {  	v7 =	vld.idx.msk [tilespmem:v7+s7+$0x0], $0xffff  }
0x8d: {  	v6 =	vmul.f32 v6, v12;
	v12 =	vld [tilespmem:s12+$0x10]  }
0x8e: {  	v11 =	vld.idx.msk [tilespmem:v11+s7+$0x0], $0xffff  }
0x8f: {  	v15 =	vld.idx.msk [tilespmem:v15+s7+$0x0], $0xffff  }
0x90: {  	[tilespmem:v9+s26+$0x0] =	vst.idx.add.f32.msk $0xffff, v6;
	v9 =	vadd.s32 v16, v4  }
0x91: {  	v8 =	vld [tilespmem:s14+$0xFFFFFFF0]  }
0x92: {  	v6 =	vld [tilespmem:s14+$0x0]  }
0x93: {  	v18 =	vld.idx.msk [tilespmem:v10+s7+$0x0], $0xffff;
	v10 =	vmul.f32 v11, v12  }
0x94: {  	v11 =	vld [tilespmem:s12+$0xFFFFFFE0]  }
0x95: {  	[tilespmem:v9+s26+$0x0] =	vst.idx.add.f32.msk $0xffff, v10  }
0x96: {  	v19 =	vadd.s32 v8, v4;
	v9 =	vld.idx.msk [tilespmem:v17+s7+$0x0], $0xffff  }
0x97: {  	v10 =	vld [tilespmem:s12+$0x0];
	_ =	sdelay $0x1  }
0x98: {  	v63 =	vmul.f32 v5, v13;
	v12 =	vld [tilespmem:s9+$0xFFFFFFF0]  }
0x99: {  	v5 =	vmul.f32 v7, v14;
	v13 =	vld [tilespmem:s9+$0x0];
	v6 =	vadd.s32 v6, v4;
	v8 =	vadd.s32 v62, v4  }
0x9a: {  	s15 =	simm.s32 $0x146A0;
	s14 =	simm.s32 $0x4;
	[tilespmem:v19+s26+$0x0] =	vst.idx.add.f32.msk $0xffff, v63;
	v7 =	vmul.f32 v18, v20;
	v11 =	vmul.f32 v15, v11  }
.LBB2_11:
0x9b: {  	v14 =	vld [tilespmem:s15+$0x10];
	s14 =	sadd.s32 $0x4, s14;
	v9 =	vmul.f32 v9, v10  }
0x9c: {  	v10 =	vld [tilespmem:s15+$0xFFFFFFF0];
	p1 =	slt.u32 s14, $0x22C  }
0x9d: {  	v15 =	vld [tilespmem:s15+$0x0];
	v16 =	vadd.s32 v12, v4  }
0x9e: {  	v12 =	vld [tilespmem:s15+$0xFFFFFFE0];
	v13 =	vadd.s32 v13, v4  }
0x9f: {  	[tilespmem:v8+s26+$0x0] =	vst.idx.add.f32.msk $0xffff, v11  }
0xa0: {  	s9 =	sadd.s32 $0x40, s9;
	[tilespmem:v6+s26+$0x0] =	vst.idx.add.f32.msk $0xffff, v5;
	v5 =	vmov v9;
	v6 =	vmov v13  }
0xa1: {  	v8 =	vld [tilespmem:s9+$0x10]  }
0xa2: {  	v9 =	vld [tilespmem:s9+$0xFFFFFFE0]  }
0xa3: {  	s12 =	sadd.s32 $0x40, s12;
	v11 =	vld.idx.msk [tilespmem:v14+s7+$0x0], $0xffff  }
0xa4: {  	v13 =	vld [tilespmem:s12+$0x10]  }
0xa5: {  	v14 =	vld.idx.msk [tilespmem:v10+s7+$0x0], $0xffff  }
0xa6: {  	v17 =	vld.idx.msk [tilespmem:v12+s7+$0x0], $0xffff;
	v12 =	vadd.s32 v8, v4  }
0xa7: {  	v8 =	vadd.s32 v9, v4;
	v9 =	vld.idx.msk [tilespmem:v15+s7+$0x0], $0xffff  }
0xa8: {  	v15 =	vld [tilespmem:s12+$0xFFFFFFE0]  }
0xa9: {  	v18 =	vld [tilespmem:s12+$0xFFFFFFF0];
	v11 =	vmul.f32 v11, v13  }
.Ltmp9:
0xaa: {  	v10 =	vld [tilespmem:s12+$0x0];
	(pc) =	sbr.rel @p1 .LBB2_11-.Ltmp9, $4  }
0xab: {  	[tilespmem:v12+s26+$0x0] =	vst.idx.add.f32.msk $0xffff, v11  }
0xac: {  	v12 =	vld [tilespmem:s9+$0xFFFFFFF0]  }
0xad: {  	v11 =	vmul.f32 v17, v15;
	v13 =	vld [tilespmem:s9+$0x0]  }
0xae: {  	s15 =	sadd.s32 $0x40, s15;
	[tilespmem:v16+s26+$0x0] =	vst.idx.add.f32.msk $0xffff, v7;
	v7 =	vmul.f32 v14, v18  }
0xaf: {  	s9 =	sadd.s32 $0x10, s4;
	s12 =	sand.u32 $0xF, s4  }
0xb0: {  	p1 =	slt.s32 s4, $0xFFFFFFF1;
	s31 =	sshra.s32 s9, $0x1F;
	p2 =	sne.s32 s12, $0x0  }
0xb1: {  	s4 =	sshrl.u32 s31, $0x1C;
	p1 =	por !p1, !p2  }
0xb2: {  	s4 =	sadd.s32 s4, s9;
	p1 =	por !p1, !p1;
	s9 =	simm.s32 $0x1  }
0xb3: {  	s4 =	sshra.s32 s4, $0x4;
	s9 =	simm.s32 @!p1 $0x0  }
0xb4: {  	v12 =	vadd.s32 v12, v4;
	s14 =	ssub.s32 s4, s9  }
0xb5: {  	v4 =	vadd.s32 v13, v4;
	p1 =	slt.s32 s14, $0x1  }
.Ltmp10:
0xb6: {  	_ = 	snop;
	(pc) =	sbr.rel @p1 .LBB2_23-.Ltmp10, $4  }
0xb7: {  	[tilespmem:v8+s26+$0x0] =	vst.idx.add.f32.msk $0xffff, v11  }
0xb8: {  	v63 =	vmul.f32 v9, v10;
	[tilespmem:v6+s26+$0x0] =	vst.idx.add.f32.msk $0xffff, v5  }
0xb9: {  	[tilespmem:v12+s26+$0x0] =	vst.idx.add.f32.msk $0xffff, v7  }
0xba: {  	[tilespmem:v4+s26+$0x0] =	vst.idx.add.f32.msk $0xffff, v63  }
0xbb: {  	p2 =	sne.s32 s14, $0x1  }
.Ltmp11:
0xbc: {  	_ = 	snop;
	(pc) =	sbr.rel @!p2 .LBB2_14-.Ltmp11, $3  }
0xbd: {  	_ =	sdelay $0x1  }
0xbe: {  	s12 =	simm.s32 $0x1DE08;
	s18 =	simm.s32 $0x1ED80;
	s20 =	simm.s32 $0x1EC00  }
0xbf: {  	v3 =	vbroadcast v3, $0x0;
	s15 =	simm.s32 $0x1EA80;
	s16 =	sadd.s32 $0xFFFFFFFF, s14;
	p1 =	por $0x0, $0x0;
	v4 =	vld [tilespmem:s12+$0xFFFFF3F8];
	[tilespmem:s12+$0xFFFFF3F8] =	vst v1  }
0xc0: {  	_ = 	snop  }
0xc1: {  	v5 =	vld [tilespmem:s12+$0xFFFFF579];
	_ =	sdelay $0x1  }
0xc2: {  	v6 =	vld [tilespmem:s12+$0xFFFFF6FA]  }
0xc3: {  	v4 =	vadd.f32 $0.0e+00, v4  }
0xc4: {  	v7 =	vld [tilespmem:s12+$0xFFFFF87B]  }
0xc5: {  	v4 =	vadd.f32 v5, v4  }
0xc6: {  	v5 =	vld [tilespmem:s12+$0xFFFFF9FC]  }
0xc7: {  	v4 =	vadd.f32 v6, v4  }
0xc8: {  	v6 =	vld [tilespmem:s12+$0xFFFFFB7D]  }
0xc9: {  	v4 =	vadd.f32 v7, v4  }
0xca: {  	v7 =	vld [tilespmem:s12+$0xFFFFFCFE]  }
0xcb: {  	v4 =	vadd.f32 v5, v4  }
0xcc: {  	v5 =	vld [tilespmem:s12+$0xFFFFFE7F]  }
0xcd: {  	v4 =	vadd.f32 v6, v4  }
0xce: {  	v6 =	vld [tilespmem:s12+$0x0]  }
0xcf: {  	v4 =	vadd.f32 v7, v4  }
0xd0: {  	v7 =	vld [tilespmem:s12+$0x181]  }
0xd1: {  	v4 =	vadd.f32 v5, v4  }
0xd2: {  	v5 =	vld [tilespmem:s12+$0x302]  }
0xd3: {  	v4 =	vadd.f32 v6, v4  }
0xd4: {  	[tilespmem:s12+$0xFFFFF579] =	vst v1;
	v6 =	vld [tilespmem:s12+$0x483]  }
0xd5: {  	[tilespmem:s12+$0xFFFFF6FA] =	vst v1;
	v4 =	vadd.f32 v7, v4  }
0xd6: {  	[tilespmem:s12+$0xFFFFF87B] =	vst v1;
	v7 =	vld [tilespmem:s12+$0x604]  }
0xd7: {  	[tilespmem:s12+$0xFFFFF9FC] =	vst v1;
	v4 =	vadd.f32 v5, v4  }
0xd8: {  	[tilespmem:s12+$0xFFFFFB7D] =	vst v1;
	v5 =	vld [tilespmem:s12+$0x785]  }
0xd9: {  	[tilespmem:s12+$0xFFFFFCFE] =	vst v1;
	v4 =	vadd.f32 v6, v4  }
0xda: {  	[tilespmem:s12+$0xFFFFFE7F] =	vst v1;
	v6 =	vld [tilespmem:s12+$0x906]  }
0xdb: {  	[tilespmem:s12+$0x0] =	vst v1;
	v4 =	vadd.f32 v7, v4  }
0xdc: {  	[tilespmem:s12+$0x181] =	vst v1;
	v7 =	vld [tilespmem:s12+$0xA87]  }
0xdd: {  	[tilespmem:s12+$0x302] =	vst v1;
	v4 =	vadd.f32 v5, v4  }
0xde: {  	[tilespmem:s12+$0x483] =	vst v1  }
0xdf: {  	[tilespmem:s12+$0x604] =	vst v1;
	v4 =	vadd.f32 v6, v4  }
0xe0: {  	[tilespmem:s12+$0x785] =	vst v1  }
0xe1: {  	[tilespmem:s12+$0x906] =	vst v1;
	v4 =	vadd.f32 v7, v4  }
0xe2: {  	[tilespmem:s12+$0xA87] =	vst v1  }
0xe3: {  	[tilespmem:s15+$0x0] =	vst v4  }
0xe4: {  	v4 =	vld [tilespmem:s20+$0x0];
	_ =	sdelay $0x3  }
0xe5: {  	p2 =	sne.s32 s16, $0x1  }
.Ltmp12:
0xe6: {  	v4 =	vadd.s32 v3, v4;
	(pc) =	sbr.rel @!p2 .LBB2_16-.Ltmp12, $4  }
0xe7: {  	vm0 =	vlt.s32 v4, $0xFFFF  }
0xe8: {  	v4 =	vnsel vm0, $0xFFFF, v4  }
0xe9: {  	s24 =	sadd.s32 $0xFFFFFFFF, s16;
	p1 =	por $0x1, $0x1;
	s12 =	simm.s32 $0x1DE18;
	[tilespmem:s18+$0x0] =	vst v4  }
0xea: {  	s9 =	simm.s32 $0x1EA80;
	s4 =	simm.s32 $0x1EC00;
	s31 =	simm.s32 $0x1ED80;
	v4 =	vld [tilespmem:s12+$0xFFFFF3F8];
	[tilespmem:s12+$0xFFFFF3F8] =	vst v1  }
.LBB2_17:
0xeb: {  	p2 =	sne.s32 s24, $0x1;
	v5 =	vld [tilespmem:s12+$0xA87]  }
0xec: {  	v6 =	vld [tilespmem:s12+$0xFFFFF579];
	[tilespmem:s12+$0xFFFFF579] =	vst v1;
	_ =	sdelay $0x1  }
0xed: {  	v7 =	vld [tilespmem:s12+$0xFFFFF6FA];
	[tilespmem:s12+$0xFFFFF6FA] =	vst v1  }
0xee: {  	v4 =	vadd.f32 $0.0e+00, v4  }
0xef: {  	v8 =	vld [tilespmem:s12+$0xFFFFF87B];
	[tilespmem:s12+$0xFFFFF87B] =	vst v1  }
0xf0: {  	v4 =	vadd.f32 v6, v4  }
0xf1: {  	v6 =	vld [tilespmem:s12+$0xFFFFF9FC];
	[tilespmem:s12+$0xFFFFF9FC] =	vst v1  }
0xf2: {  	v4 =	vadd.f32 v7, v4  }
0xf3: {  	v7 =	vld [tilespmem:s12+$0xFFFFFB7D];
	[tilespmem:s12+$0xFFFFFB7D] =	vst v1  }
0xf4: {  	v4 =	vadd.f32 v8, v4  }
0xf5: {  	v8 =	vld [tilespmem:s12+$0xFFFFFCFE];
	[tilespmem:s12+$0xFFFFFCFE] =	vst v1  }
0xf6: {  	v4 =	vadd.f32 v6, v4  }
0xf7: {  	v6 =	vld [tilespmem:s12+$0xFFFFFE7F];
	[tilespmem:s12+$0xFFFFFE7F] =	vst v1  }
0xf8: {  	v4 =	vadd.f32 v7, v4  }
0xf9: {  	v7 =	vld [tilespmem:s12+$0x0];
	[tilespmem:s12+$0x0] =	vst v1  }
0xfa: {  	v4 =	vadd.f32 v8, v4  }
0xfb: {  	v8 =	vld [tilespmem:s12+$0x181];
	[tilespmem:s12+$0x181] =	vst v1  }
0xfc: {  	v4 =	vadd.f32 v6, v4  }
0xfd: {  	v6 =	vld [tilespmem:s12+$0x302];
	[tilespmem:s12+$0x302] =	vst v1  }
0xfe: {  	v4 =	vadd.f32 v7, v4  }
0xff: {  	v7 =	vld [tilespmem:s12+$0x483];
	[tilespmem:s12+$0x483] =	vst v1  }
0x100: {  	v4 =	vadd.f32 v8, v4  }
0x101: {  	v8 =	vld [tilespmem:s12+$0x604];
	[tilespmem:s12+$0x604] =	vst v1  }
0x102: {  	v4 =	vadd.f32 v6, v4  }
0x103: {  	v6 =	vld [tilespmem:s12+$0x785];
	[tilespmem:s12+$0x785] =	vst v1  }
0x104: {  	v4 =	vadd.f32 v7, v4  }
0x105: {  	v7 =	vld [tilespmem:s12+$0x906];
	[tilespmem:s12+$0x906] =	vst v1  }
0x106: {  	v4 =	vadd.f32 v8, v4;
	_ =	sdelay $0x1  }
0x107: {  	v4 =	vadd.f32 v6, v4;
	_ =	sdelay $0x1  }
0x108: {  	v4 =	vadd.f32 v7, v4;
	_ =	sdelay $0x1  }
0x109: {  	v4 =	vadd.f32 v5, v4  }
0x10a: {  	s9 =	sadd.s32 $0x10, s9;
	[tilespmem:s12+$0xA87] =	vst v1  }
0x10b: {  	s4 =	sadd.s32 $0x10, s4;
	[tilespmem:s9+$0x0] =	vst v4  }
0x10c: {  	v4 =	vld [tilespmem:s4+$0x0];
	_ =	sdelay $0x4  }
.Ltmp13:
0x10d: {  	v4 =	vadd.s32 v3, v4;
	(pc) =	sbr.rel @p2 .LBB2_17-.Ltmp13, $4  }
0x10e: {  	vm0 =	vlt.s32 v4, $0xFFFF  }
0x10f: {  	s31 =	sadd.s32 $0x10, s31;
	v4 =	vnsel vm0, $0xFFFF, v4  }
0x110: {  	s12 =	sadd.s32 $0x10, s12;
	[tilespmem:s31+$0x0] =	vst v4  }
0x111: {  	s24 =	sadd.s32 $0xFFFFFFFF, s24;
	v4 =	vld [tilespmem:s12+$0xFFFFF3F8];
	[tilespmem:s12+$0xFFFFF3F8] =	vst v1  }
.LBB2_18:
0x112: {  	_ = 	snop  }
0x113: {  	v5 =	vld [tilespmem:s12+$0xFFFFF579];
	_ =	sdelay $0x1  }
0x114: {  	v6 =	vld [tilespmem:s12+$0xFFFFF6FA]  }
0x115: {  	v4 =	vadd.f32 $0.0e+00, v4  }
0x116: {  	v7 =	vld [tilespmem:s12+$0xFFFFF87B]  }
0x117: {  	v4 =	vadd.f32 v5, v4  }
0x118: {  	v52 =	vld [tilespmem:s12+$0xFFFFF9FC]  }
0x119: {  	v4 =	vadd.f32 v6, v4  }
0x11a: {  	v53 =	vld [tilespmem:s12+$0xFFFFFB7D]  }
0x11b: {  	v4 =	vadd.f32 v7, v4  }
0x11c: {  	v54 =	vld [tilespmem:s12+$0xFFFFFCFE]  }
0x11d: {  	v4 =	vadd.f32 v52, v4  }
0x11e: {  	v55 =	vld [tilespmem:s12+$0xFFFFFE7F]  }
0x11f: {  	v4 =	vadd.f32 v53, v4  }
0x120: {  	v56 =	vld [tilespmem:s12+$0x0]  }
0x121: {  	v4 =	vadd.f32 v54, v4  }
0x122: {  	v57 =	vld [tilespmem:s12+$0x181]  }
0x123: {  	v4 =	vadd.f32 v55, v4  }
0x124: {  	v58 =	vld [tilespmem:s12+$0x302]  }
0x125: {  	v4 =	vadd.f32 v56, v4  }
0x126: {  	[tilespmem:s12+$0xFFFFF579] =	vst v1;
	v59 =	vld [tilespmem:s12+$0x483]  }
0x127: {  	[tilespmem:s12+$0xFFFFF6FA] =	vst v1;
	v4 =	vadd.f32 v57, v4  }
0x128: {  	[tilespmem:s12+$0xFFFFF87B] =	vst v1;
	v60 =	vld [tilespmem:s12+$0x604]  }
0x129: {  	[tilespmem:s12+$0xFFFFF9FC] =	vst v1;
	v4 =	vadd.f32 v58, v4  }
0x12a: {  	[tilespmem:s12+$0xFFFFFB7D] =	vst v1;
	v61 =	vld [tilespmem:s12+$0x785]  }
0x12b: {  	[tilespmem:s12+$0xFFFFFCFE] =	vst v1;
	v4 =	vadd.f32 v59, v4  }
0x12c: {  	[tilespmem:s12+$0xFFFFFE7F] =	vst v1;
	v62 =	vld [tilespmem:s12+$0x906]  }
0x12d: {  	[tilespmem:s12+$0x0] =	vst v1;
	v4 =	vadd.f32 v60, v4  }
0x12e: {  	v63 =	vld [tilespmem:s12+$0xA87];
	[tilespmem:s12+$0x181] =	vst v1  }
0x12f: {  	[tilespmem:s12+$0x302] =	vst v1;
	v4 =	vadd.f32 v61, v4  }
0x130: {  	[tilespmem:s12+$0x483] =	vst v1  }
0x131: {  	[tilespmem:s12+$0x604] =	vst v1;
	v4 =	vadd.f32 v62, v4  }
0x132: {  	[tilespmem:s12+$0x785] =	vst v1  }
0x133: {  	[tilespmem:s12+$0x906] =	vst v1;
	s9 =	sadd.s32 @p1 $0x10, s9;
	s24 =	simm.s32 $0x1EA80;
	v4 =	vadd.f32 v63, v4  }
0x134: {  	[tilespmem:s12+$0xA87] =	vst v1;
	s4 =	sadd.s32 @p1 $0x10, s4;
	s24 =	smov.u32 @p1 s9  }
0x135: {  	s20 =	smov.u32 @p1 s4;
	[tilespmem:s24+$0x0] =	vst v4  }
0x136: {  	v4 =	vld [tilespmem:s20+$0x0];
	_ =	sdelay $0x4  }
0x137: {  	v3 =	vadd.s32 v3, v4  }
0x138: {  	s4 =	sadd.s32 @p1 $0x10, s31;
	vm0 =	vlt.s32 v3, $0xFFFF  }
0x139: {  	s18 =	smov.u32 @p1 s4;
	v3 =	vnsel vm0, $0xFFFF, v3  }
0x13a: {  	p1 =	seq.s32 s14, $0x1;
	[tilespmem:s18+$0x0] =	vst v3  }
0x13b: {  	[spmem:s6] =	stream.indirect.scatter.add.f32 [tilespmem:s15], [sflag:$0x4], $0x1, s29, s28, $0xb8;
	[tilespmem:$0x1FF00] =	vst v63  }
.Ltmp14:
0x13c: {  	_ = 	snop;
	(pc) =	sbr.rel @p1 .LBB2_24-.Ltmp14, $4  }
0x13d: {  	_ =	swait.ge [sflag:s30], $0x180  }
0x13e: {  	[sflag:s30] =	ssyncset.done $0x0  }
0x13f: {  	[sflag:s30] =	ssyncadd.s32 $0xFFFFFE80  }
0x140: {  	[tilespmem:s15+$0x0] =	vst v1  }
.LBB2_19:
0x141: {  	p1 =	seq.s32 s16, $0x1  }
.Ltmp15:
0x142: {  	_ = 	snop;
	(pc) =	sbr.rel @!p1 .LBB2_19-.Ltmp15, $3  }
0x143: {  	_ =	sdelay $0x1  }
0x144: {  	s16 =	sadd.s32 $0xFFFFFFFF, s16;
	s15 =	sadd.s32 $0x10, s15  }
0x145: {  	[tilespmem:s15+$0x0] =	vst v1  }
.Ltmp16:
0x146: {  	_ = 	snop;
	(pc) =	sbr.rel .LBB2_24-.Ltmp16, $1  }
0x147: {  	_ =	sdelay $0x3  }
.LBB2_20:
0x148: {  	s9 =	simm.s32 $0x0  }
0x149: {  	v4 =	vld [tilespmem:s9+$0x14600];
	_ =	sdelay $0x5  }
0x14a: {  	s4 =	simm.s32 $0x10  }
0x14b: {  	v3 =	vld [tilespmem:s4+$0x14600]  }
0x14c: {  	s12 =	simm.s32 $0x80;
	v4 =	vld.idx.msk [tilespmem:v4+s7+$0x0], $0xffff  }
.LBB2_21:
0x14d: {  	p1 =	sne.s32 s12, $0x8BC0;
	v5 =	vld [tilespmem:s9+$0x10000];
	_ =	sdelay $0x2  }
0x14e: {  	v6 =	vmov v3  }
.Ltmp17:
0x14f: {  	(pc) =	sbr.rel @p1 .LBB2_21-.Ltmp17, $4  }
0x150: {  	v4 =	vmul.f32 v4, v5  }
0x151: {  	s14 =	sshra.s32 s12, $0x2  }
0x152: {  	v3 =	vld [tilespmem:s14+$0x14600];
	[tilespmem:s9+$0x10000] =	vst v4;
	s9 =	smov.u32 s4;
	s4 =	smov.u32 s14  }
0x153: {  	s12 =	sadd.s32 $0x40, s12;
	v4 =	vld.idx.msk [tilespmem:v6+s7+$0x0], $0xffff  }
0x154: {  	v5 =	vld [tilespmem:s9+$0x10000];
	_ =	sdelay $0x4  }
0x155: {  	v4 =	vmul.f32 v4, v5;
	_ =	sdelay $0x1  }
0x156: {  	[tilespmem:s9+$0x10000] =	vst v4  }
0x157: {  	v3 =	vld.idx.msk [tilespmem:v3+s7+$0x0], $0xffff  }
0x158: {  	v4 =	vld [tilespmem:s4+$0x10000];
	_ =	sdelay $0x4  }
0x159: {  	v3 =	vmul.f32 v3, v4;
	_ =	sdelay $0x1  }
.Ltmp18:
0x15a: {  	s31 =	simm.s32 $0x18C00;
	[tilespmem:s4+$0x10000] =	vst v3;
	(pc) =	sbr.rel .LBB2_24-.Ltmp18, $4  }
0x15b: {  	[spmem:s6] =	stream.indirect.scatter.add.f32 [tilespmem:s21], [sflag:$0x4], $0x1, s31, s1, $0xb8;
	[tilespmem:$0x1FF00] =	vst v63  }
0x15c: {  	_ =	swait.ge [sflag:s30], $0x2300  }
0x15d: {  	[sflag:s30] =	ssyncset.done $0x0  }
0x15e: {  	[sflag:s30] =	ssyncadd.s32 $0xFFFFDD00  }
.LBB2_23:
0x15f: {  	s4 =	simm.s32 $0x1EA80  }
0x160: {  	[spmem:s6] =	stream.indirect.scatter.add.f32 [tilespmem:s4], [sflag:$0x4], $0x1, s29, s28, $0xb8;
	[tilespmem:$0x1FF00] =	vst v63  }
0x161: {  	_ =	swait.ge [sflag:s30], $0x180  }
0x162: {  	[sflag:s30] =	ssyncset.done $0x0  }
0x163: {  	[sflag:s30] =	ssyncadd.s32 $0xFFFFFE80  }
.LBB2_24:
0x164: {  	p1 =	sge.u32 s23, s17  }
.Ltmp19:
0x165: {  	_ = 	snop;
	(pc) =	sbr.rel @p1 .LBB2_40-.Ltmp19, $1  }
0x166: {  	_ =	sdelay $0x3  }
0x167: {  	_ =	swait.ge [sflag:s5], $0x2300  }
0x168: {  	[sflag:s5] =	ssyncset.done $0x0  }
0x169: {  	s4 =	sadd.s32 $0x2, s23;
	[sflag:s5] =	ssyncadd.s32 $0xFFFFDD00  }
0x16a: {  	p1 =	sge.u32 s4, s13;
	_ =	swait.ge [sflag:s5], $0x2300  }
0x16b: {  	s4 =	sshll.u32 @!p1 s4, $0x5;
	[sflag:s5] =	ssyncset.done $0x0  }
0x16c: {  	s4 =	sor.u32 @!p1 s11, s4;
	[sflag:s5] =	ssyncadd.s32 $0xFFFFDD00  }
0x16d: {  	s4 =	smul.u32 @!p1 $0x460, s4;
	_ =	swait.ge [sflag:s5], $0x2300  }
0x16e: {  	s12 =	simm.s32 @!p1 $0x0;
	[sflag:s5] =	ssyncset.done $0x0  }
0x16f: {  	s14 =	simm.s32 @!p1 $0x10000;
	s9 =	sadd.s32 @!p1 s0, s4;
	[sflag:s5] =	ssyncadd.s32 $0xFFFFDD00  }
0x170: {  	[tilespmem:s14], [sflag:$0x1] =	stream.linear.gather @!p1 [hbm4b:s9+s12], $0x2300, $0x38;
	[tilespmem:$0x1FF00] =	vst v63  }
0x171: {  	s9 =	sadd.s32 @!p1 s3, s4;
	s14 =	simm.s32 @!p1 $0x14600  }
0x172: {  	[tilespmem:s14], [sflag:$0x1] =	stream.linear.gather @!p1 [hbm4b:s9+s12], $0x2300, $0x38;
	[tilespmem:$0x1FF00] =	vst v63  }
0x173: {  	s4 =	sadd.s32 @!p1 s2, s4;
	s9 =	simm.s32 @!p1 $0x18C00  }
0x174: {  	[tilespmem:s9], [sflag:$0x1] =	stream.linear.gather @!p1 [hbm4b:s4+s12], $0x2300, $0x38;
	[tilespmem:$0x1FF00] =	vst v63  }
0x175: {  	v3 =	vld [tilespmem:$0x1AF00]  }
0x176: {  	v4 =	vld [tilespmem:$0x1D1F0];
	_ =	sdelay $0x3  }
0x177: {  	v3 =	vxor.u32 $0x80000000, v3  }
0x178: {  	(xrf0) =	vmin.scan.msk.u32 $0xffff, v3;
	v3 =	vxor.u32 $0x80000000, v4  }
0x179: {  	(xrf0) =	vmax.scan.msk.u32 $0xffff, v3;
	_ =	sdelay $0x4  }
0x17a: {  	v3, _, _ =	vpop (xrf0)  }
0x17b: {  	(v2sf) =	vpush v3, $0xF;
	v3, _, _ =	vpop (xrf0)  }
0x17c: {  	(v2sf) =	vpush v3, $0xF;
	_ =	sdelay $0xd  }
0x17d: {  	s23 =	spop (v2sf)  }
0x17e: {  	s24 =	spop (v2sf)  }
0x17f: {  	s9 =	sxor.u32 $0x80000000, s23;
	s31 =	sxor.u32 $0x80000000, s24  }
0x180: {  	s4 =	ssub.s32 s31, s9  }
0x181: {  	p1 =	sgt.s32 s4, $0x17F  }
.Ltmp20:
0x182: {  	_ = 	snop;
	(pc) =	sbr.rel @p1 .LBB2_36-.Ltmp20, $1  }
0x183: {  	_ =	sdelay $0x3  }
0x184: {  	s12 =	simm.s32 $0x16920  }
0x185: {  	v4 =	vld [tilespmem:s12+$0x10]  }
0x186: {  	v5 =	vld [tilespmem:s12+$0xFFFFFFF0]  }
0x187: {  	v6 =	vld [tilespmem:s12+$0xFFFFFFE0]  }
0x188: {  	s14 =	simm.s32 $0x1AF20;
	v7 =	vld [tilespmem:s12+$0x0]  }
0x189: {  	v8 =	vld [tilespmem:s14+$0x10]  }
0x18a: {  	s24 =	simm.s32 $0x12320;
	v9 =	vld [tilespmem:s14+$0xFFFFFFE0]  }
0x18b: {  	v12 =	vld [tilespmem:s24+$0xFFFFFFE0]  }
0x18c: {  	v13 =	vld [tilespmem:s24+$0xFFFFFFF0]  }
0x18d: {  	v3 =	vmov s9;
	v14 =	vld [tilespmem:s24+$0x0]  }
0x18e: {  	v10 =	vsub.s32 $0x0, v3;
	v11 =	vld.idx.msk [tilespmem:v4+s7+$0x0], $0xffff  }
0x18f: {  	s31 =	simm.s32 $0x16960;
	v4 =	vbroadcast v10, $0x0;
	v10 =	vld [tilespmem:s24+$0x10]  }
0x190: {  	s9 =	simm.s32 $0x1AF60;
	v15 =	vld [tilespmem:s31+$0xFFFFFFE0]  }
0x191: {  	v16 =	vld [tilespmem:s9+$0x10]  }
0x192: {  	v17 =	vld [tilespmem:s31+$0x0];
	v4 =	vadd.s32 v2, v4  }
0x193: {  	v62 =	vld [tilespmem:s9+$0xFFFFFFE0];
	v8 =	vadd.s32 v8, v4  }
0x194: {  	s12 =	simm.s32 $0x12360;
	v10 =	vmul.f32 v11, v10;
	v11 =	vld [tilespmem:s31+$0x10]  }
0x195: {  	v20 =	vld [tilespmem:s12+$0xFFFFFFF0]  }
0x196: {  	v6 =	vld.idx.msk [tilespmem:v6+s7+$0x0], $0xffff  }
0x197: {  	v5 =	vld.idx.msk [tilespmem:v5+s7+$0x0], $0xffff  }
0x198: {  	[tilespmem:v8+s26+$0x0] =	vst.idx.add.f32.msk $0xffff, v10  }
0x199: {  	v9 =	vadd.s32 v9, v4;
	v10 =	vld [tilespmem:s31+$0xFFFFFFF0]  }
0x19a: {  	v7 =	vld.idx.msk [tilespmem:v7+s7+$0x0], $0xffff  }
0x19b: {  	v6 =	vmul.f32 v6, v12;
	v12 =	vld [tilespmem:s12+$0x10]  }
0x19c: {  	v11 =	vld.idx.msk [tilespmem:v11+s7+$0x0], $0xffff  }
0x19d: {  	v15 =	vld.idx.msk [tilespmem:v15+s7+$0x0], $0xffff  }
0x19e: {  	[tilespmem:v9+s26+$0x0] =	vst.idx.add.f32.msk $0xffff, v6;
	v9 =	vadd.s32 v16, v4  }
0x19f: {  	v8 =	vld [tilespmem:s14+$0xFFFFFFF0]  }
0x1a0: {  	v6 =	vld [tilespmem:s14+$0x0]  }
0x1a1: {  	v18 =	vld.idx.msk [tilespmem:v10+s7+$0x0], $0xffff;
	v10 =	vmul.f32 v11, v12  }
0x1a2: {  	v11 =	vld [tilespmem:s12+$0xFFFFFFE0]  }
0x1a3: {  	[tilespmem:v9+s26+$0x0] =	vst.idx.add.f32.msk $0xffff, v10  }
0x1a4: {  	v19 =	vadd.s32 v8, v4;
	v9 =	vld.idx.msk [tilespmem:v17+s7+$0x0], $0xffff  }
0x1a5: {  	v10 =	vld [tilespmem:s12+$0x0];
	_ =	sdelay $0x1  }
0x1a6: {  	v63 =	vmul.f32 v5, v13;
	v12 =	vld [tilespmem:s9+$0xFFFFFFF0]  }
0x1a7: {  	v5 =	vmul.f32 v7, v14;
	v13 =	vld [tilespmem:s9+$0x0];
	v6 =	vadd.s32 v6, v4;
	v8 =	vadd.s32 v62, v4  }
0x1a8: {  	s15 =	simm.s32 $0x169A0;
	s14 =	simm.s32 $0x4;
	[tilespmem:v19+s26+$0x0] =	vst.idx.add.f32.msk $0xffff, v63;
	v7 =	vmul.f32 v18, v20;
	v11 =	vmul.f32 v15, v11  }
.LBB2_27:
0x1a9: {  	v14 =	vld [tilespmem:s15+$0x10];
	s14 =	sadd.s32 $0x4, s14;
	v9 =	vmul.f32 v9, v10  }
0x1aa: {  	v10 =	vld [tilespmem:s15+$0xFFFFFFF0];
	p1 =	slt.u32 s14, $0x22C  }
0x1ab: {  	v15 =	vld [tilespmem:s15+$0x0];
	v16 =	vadd.s32 v12, v4  }
0x1ac: {  	v12 =	vld [tilespmem:s15+$0xFFFFFFE0];
	v13 =	vadd.s32 v13, v4  }
0x1ad: {  	[tilespmem:v8+s26+$0x0] =	vst.idx.add.f32.msk $0xffff, v11  }
0x1ae: {  	s9 =	sadd.s32 $0x40, s9;
	[tilespmem:v6+s26+$0x0] =	vst.idx.add.f32.msk $0xffff, v5;
	v5 =	vmov v9;
	v6 =	vmov v13  }
0x1af: {  	v8 =	vld [tilespmem:s9+$0x10]  }
0x1b0: {  	v9 =	vld [tilespmem:s9+$0xFFFFFFE0]  }
0x1b1: {  	s12 =	sadd.s32 $0x40, s12;
	v11 =	vld.idx.msk [tilespmem:v14+s7+$0x0], $0xffff  }
0x1b2: {  	v13 =	vld [tilespmem:s12+$0x10]  }
0x1b3: {  	v14 =	vld.idx.msk [tilespmem:v10+s7+$0x0], $0xffff  }
0x1b4: {  	v17 =	vld.idx.msk [tilespmem:v12+s7+$0x0], $0xffff;
	v12 =	vadd.s32 v8, v4  }
0x1b5: {  	v8 =	vadd.s32 v9, v4;
	v9 =	vld.idx.msk [tilespmem:v15+s7+$0x0], $0xffff  }
0x1b6: {  	v15 =	vld [tilespmem:s12+$0xFFFFFFE0]  }
0x1b7: {  	v18 =	vld [tilespmem:s12+$0xFFFFFFF0];
	v11 =	vmul.f32 v11, v13  }
.Ltmp21:
0x1b8: {  	v10 =	vld [tilespmem:s12+$0x0];
	(pc) =	sbr.rel @p1 .LBB2_27-.Ltmp21, $4  }
0x1b9: {  	[tilespmem:v12+s26+$0x0] =	vst.idx.add.f32.msk $0xffff, v11  }
0x1ba: {  	v12 =	vld [tilespmem:s9+$0xFFFFFFF0]  }
0x1bb: {  	v11 =	vmul.f32 v17, v15;
	v13 =	vld [tilespmem:s9+$0x0]  }
0x1bc: {  	s15 =	sadd.s32 $0x40, s15;
	[tilespmem:v16+s26+$0x0] =	vst.idx.add.f32.msk $0xffff, v7;
	v7 =	vmul.f32 v14, v18  }
0x1bd: {  	s9 =	sadd.s32 $0x10, s4;
	s12 =	sand.u32 $0xF, s4  }
0x1be: {  	p1 =	slt.s32 s4, $0xFFFFFFF1;
	s31 =	sshra.s32 s9, $0x1F;
	p2 =	sne.s32 s12, $0x0  }
0x1bf: {  	s4 =	sshrl.u32 s31, $0x1C;
	p1 =	por !p1, !p2  }
0x1c0: {  	s4 =	sadd.s32 s4, s9;
	p1 =	por !p1, !p1;
	s9 =	simm.s32 $0x1  }
0x1c1: {  	s4 =	sshra.s32 s4, $0x4;
	s9 =	simm.s32 @!p1 $0x0  }
0x1c2: {  	v12 =	vadd.s32 v12, v4;
	s14 =	ssub.s32 s4, s9  }
0x1c3: {  	v4 =	vadd.s32 v13, v4;
	p1 =	slt.s32 s14, $0x1  }
.Ltmp22:
0x1c4: {  	_ = 	snop;
	(pc) =	sbr.rel @p1 .LBB2_39-.Ltmp22, $4  }
0x1c5: {  	[tilespmem:v8+s26+$0x0] =	vst.idx.add.f32.msk $0xffff, v11  }
0x1c6: {  	v63 =	vmul.f32 v9, v10;
	[tilespmem:v6+s26+$0x0] =	vst.idx.add.f32.msk $0xffff, v5  }
0x1c7: {  	[tilespmem:v12+s26+$0x0] =	vst.idx.add.f32.msk $0xffff, v7  }
0x1c8: {  	[tilespmem:v4+s26+$0x0] =	vst.idx.add.f32.msk $0xffff, v63  }
0x1c9: {  	p2 =	sne.s32 s14, $0x1  }
.Ltmp23:
0x1ca: {  	_ = 	snop;
	(pc) =	sbr.rel @!p2 .LBB2_30-.Ltmp23, $3  }
0x1cb: {  	_ =	sdelay $0x1  }
0x1cc: {  	s12 =	simm.s32 $0x1DE08;
	s18 =	simm.s32 $0x1ED80;
	s20 =	simm.s32 $0x1EC00  }
0x1cd: {  	v3 =	vbroadcast v3, $0x0;
	s15 =	simm.s32 $0x1EA80;
	s16 =	sadd.s32 $0xFFFFFFFF, s14;
	p1 =	por $0x0, $0x0;
	v4 =	vld [tilespmem:s12+$0xFFFFF3F8];
	[tilespmem:s12+$0xFFFFF3F8] =	vst v1  }
0x1ce: {  	_ = 	snop  }
0x1cf: {  	v5 =	vld [tilespmem:s12+$0xFFFFF579];
	_ =	sdelay $0x1  }
0x1d0: {  	v6 =	vld [tilespmem:s12+$0xFFFFF6FA]  }
0x1d1: {  	v4 =	vadd.f32 $0.0e+00, v4  }
0x1d2: {  	v7 =	vld [tilespmem:s12+$0xFFFFF87B]  }
0x1d3: {  	v4 =	vadd.f32 v5, v4  }
0x1d4: {  	v5 =	vld [tilespmem:s12+$0xFFFFF9FC]  }
0x1d5: {  	v4 =	vadd.f32 v6, v4  }
0x1d6: {  	v6 =	vld [tilespmem:s12+$0xFFFFFB7D]  }
0x1d7: {  	v4 =	vadd.f32 v7, v4  }
0x1d8: {  	v7 =	vld [tilespmem:s12+$0xFFFFFCFE]  }
0x1d9: {  	v4 =	vadd.f32 v5, v4  }
0x1da: {  	v5 =	vld [tilespmem:s12+$0xFFFFFE7F]  }
0x1db: {  	v4 =	vadd.f32 v6, v4  }
0x1dc: {  	v6 =	vld [tilespmem:s12+$0x0]  }
0x1dd: {  	v4 =	vadd.f32 v7, v4  }
0x1de: {  	v7 =	vld [tilespmem:s12+$0x181]  }
0x1df: {  	v4 =	vadd.f32 v5, v4  }
0x1e0: {  	v5 =	vld [tilespmem:s12+$0x302]  }
0x1e1: {  	v4 =	vadd.f32 v6, v4  }
0x1e2: {  	[tilespmem:s12+$0xFFFFF579] =	vst v1;
	v6 =	vld [tilespmem:s12+$0x483]  }
0x1e3: {  	[tilespmem:s12+$0xFFFFF6FA] =	vst v1;
	v4 =	vadd.f32 v7, v4  }
0x1e4: {  	[tilespmem:s12+$0xFFFFF87B] =	vst v1;
	v7 =	vld [tilespmem:s12+$0x604]  }
0x1e5: {  	[tilespmem:s12+$0xFFFFF9FC] =	vst v1;
	v4 =	vadd.f32 v5, v4  }
0x1e6: {  	[tilespmem:s12+$0xFFFFFB7D] =	vst v1;
	v5 =	vld [tilespmem:s12+$0x785]  }
0x1e7: {  	[tilespmem:s12+$0xFFFFFCFE] =	vst v1;
	v4 =	vadd.f32 v6, v4  }
0x1e8: {  	[tilespmem:s12+$0xFFFFFE7F] =	vst v1;
	v6 =	vld [tilespmem:s12+$0x906]  }
0x1e9: {  	[tilespmem:s12+$0x0] =	vst v1;
	v4 =	vadd.f32 v7, v4  }
0x1ea: {  	[tilespmem:s12+$0x181] =	vst v1;
	v7 =	vld [tilespmem:s12+$0xA87]  }
0x1eb: {  	[tilespmem:s12+$0x302] =	vst v1;
	v4 =	vadd.f32 v5, v4  }
0x1ec: {  	[tilespmem:s12+$0x483] =	vst v1  }
0x1ed: {  	[tilespmem:s12+$0x604] =	vst v1;
	v4 =	vadd.f32 v6, v4  }
0x1ee: {  	[tilespmem:s12+$0x785] =	vst v1  }
0x1ef: {  	[tilespmem:s12+$0x906] =	vst v1;
	v4 =	vadd.f32 v7, v4  }
0x1f0: {  	[tilespmem:s12+$0xA87] =	vst v1  }
0x1f1: {  	[tilespmem:s15+$0x0] =	vst v4  }
0x1f2: {  	v4 =	vld [tilespmem:s20+$0x0];
	_ =	sdelay $0x3  }
0x1f3: {  	p2 =	sne.s32 s16, $0x1  }
.Ltmp24:
0x1f4: {  	v4 =	vadd.s32 v3, v4;
	(pc) =	sbr.rel @!p2 .LBB2_32-.Ltmp24, $4  }
0x1f5: {  	vm0 =	vlt.s32 v4, $0xFFFF  }
0x1f6: {  	v4 =	vnsel vm0, $0xFFFF, v4  }
0x1f7: {  	s24 =	sadd.s32 $0xFFFFFFFF, s16;
	p1 =	por $0x1, $0x1;
	s12 =	simm.s32 $0x1DE18;
	[tilespmem:s18+$0x0] =	vst v4  }
0x1f8: {  	s9 =	simm.s32 $0x1EA80;
	s4 =	simm.s32 $0x1EC00;
	s23 =	simm.s32 $0x1ED80;
	v4 =	vld [tilespmem:s12+$0xFFFFF3F8];
	[tilespmem:s12+$0xFFFFF3F8] =	vst v1  }
.LBB2_33:
0x1f9: {  	p2 =	sne.s32 s24, $0x1;
	v5 =	vld [tilespmem:s12+$0xA87]  }
0x1fa: {  	v6 =	vld [tilespmem:s12+$0xFFFFF579];
	[tilespmem:s12+$0xFFFFF579] =	vst v1;
	_ =	sdelay $0x1  }
0x1fb: {  	v7 =	vld [tilespmem:s12+$0xFFFFF6FA];
	[tilespmem:s12+$0xFFFFF6FA] =	vst v1  }
0x1fc: {  	v4 =	vadd.f32 $0.0e+00, v4  }
0x1fd: {  	v8 =	vld [tilespmem:s12+$0xFFFFF87B];
	[tilespmem:s12+$0xFFFFF87B] =	vst v1  }
0x1fe: {  	v4 =	vadd.f32 v6, v4  }
0x1ff: {  	v6 =	vld [tilespmem:s12+$0xFFFFF9FC];
	[tilespmem:s12+$0xFFFFF9FC] =	vst v1  }
0x200: {  	v4 =	vadd.f32 v7, v4  }
0x201: {  	v7 =	vld [tilespmem:s12+$0xFFFFFB7D];
	[tilespmem:s12+$0xFFFFFB7D] =	vst v1  }
0x202: {  	v4 =	vadd.f32 v8, v4  }
0x203: {  	v8 =	vld [tilespmem:s12+$0xFFFFFCFE];
	[tilespmem:s12+$0xFFFFFCFE] =	vst v1  }
0x204: {  	v4 =	vadd.f32 v6, v4  }
0x205: {  	v6 =	vld [tilespmem:s12+$0xFFFFFE7F];
	[tilespmem:s12+$0xFFFFFE7F] =	vst v1  }
0x206: {  	v4 =	vadd.f32 v7, v4  }
0x207: {  	v7 =	vld [tilespmem:s12+$0x0];
	[tilespmem:s12+$0x0] =	vst v1  }
0x208: {  	v4 =	vadd.f32 v8, v4  }
0x209: {  	v8 =	vld [tilespmem:s12+$0x181];
	[tilespmem:s12+$0x181] =	vst v1  }
0x20a: {  	v4 =	vadd.f32 v6, v4  }
0x20b: {  	v6 =	vld [tilespmem:s12+$0x302];
	[tilespmem:s12+$0x302] =	vst v1  }
0x20c: {  	v4 =	vadd.f32 v7, v4  }
0x20d: {  	v7 =	vld [tilespmem:s12+$0x483];
	[tilespmem:s12+$0x483] =	vst v1  }
0x20e: {  	v4 =	vadd.f32 v8, v4  }
0x20f: {  	v8 =	vld [tilespmem:s12+$0x604];
	[tilespmem:s12+$0x604] =	vst v1  }
0x210: {  	v4 =	vadd.f32 v6, v4  }
0x211: {  	v6 =	vld [tilespmem:s12+$0x785];
	[tilespmem:s12+$0x785] =	vst v1  }
0x212: {  	v4 =	vadd.f32 v7, v4  }
0x213: {  	v7 =	vld [tilespmem:s12+$0x906];
	[tilespmem:s12+$0x906] =	vst v1  }
0x214: {  	v4 =	vadd.f32 v8, v4;
	_ =	sdelay $0x1  }
0x215: {  	v4 =	vadd.f32 v6, v4;
	_ =	sdelay $0x1  }
0x216: {  	v4 =	vadd.f32 v7, v4;
	_ =	sdelay $0x1  }
0x217: {  	v4 =	vadd.f32 v5, v4  }
0x218: {  	s9 =	sadd.s32 $0x10, s9;
	[tilespmem:s12+$0xA87] =	vst v1  }
0x219: {  	s4 =	sadd.s32 $0x10, s4;
	[tilespmem:s9+$0x0] =	vst v4  }
0x21a: {  	v4 =	vld [tilespmem:s4+$0x0];
	_ =	sdelay $0x4  }
.Ltmp25:
0x21b: {  	v4 =	vadd.s32 v3, v4;
	(pc) =	sbr.rel @p2 .LBB2_33-.Ltmp25, $4  }
0x21c: {  	vm0 =	vlt.s32 v4, $0xFFFF  }
0x21d: {  	s23 =	sadd.s32 $0x10, s23;
	v4 =	vnsel vm0, $0xFFFF, v4  }
0x21e: {  	s12 =	sadd.s32 $0x10, s12;
	[tilespmem:s23+$0x0] =	vst v4  }
0x21f: {  	s24 =	sadd.s32 $0xFFFFFFFF, s24;
	v4 =	vld [tilespmem:s12+$0xFFFFF3F8];
	[tilespmem:s12+$0xFFFFF3F8] =	vst v1  }
.LBB2_34:
0x220: {  	_ = 	snop  }
0x221: {  	v5 =	vld [tilespmem:s12+$0xFFFFF579];
	_ =	sdelay $0x1  }
0x222: {  	v6 =	vld [tilespmem:s12+$0xFFFFF6FA]  }
0x223: {  	v4 =	vadd.f32 $0.0e+00, v4  }
0x224: {  	v7 =	vld [tilespmem:s12+$0xFFFFF87B]  }
0x225: {  	v4 =	vadd.f32 v5, v4  }
0x226: {  	v52 =	vld [tilespmem:s12+$0xFFFFF9FC]  }
0x227: {  	v4 =	vadd.f32 v6, v4  }
0x228: {  	v53 =	vld [tilespmem:s12+$0xFFFFFB7D]  }
0x229: {  	v4 =	vadd.f32 v7, v4  }
0x22a: {  	v54 =	vld [tilespmem:s12+$0xFFFFFCFE]  }
0x22b: {  	v4 =	vadd.f32 v52, v4  }
0x22c: {  	v55 =	vld [tilespmem:s12+$0xFFFFFE7F]  }
0x22d: {  	v4 =	vadd.f32 v53, v4  }
0x22e: {  	v56 =	vld [tilespmem:s12+$0x0]  }
0x22f: {  	v4 =	vadd.f32 v54, v4  }
0x230: {  	v57 =	vld [tilespmem:s12+$0x181]  }
0x231: {  	v4 =	vadd.f32 v55, v4  }
0x232: {  	v58 =	vld [tilespmem:s12+$0x302]  }
0x233: {  	v4 =	vadd.f32 v56, v4  }
0x234: {  	[tilespmem:s12+$0xFFFFF579] =	vst v1;
	v59 =	vld [tilespmem:s12+$0x483]  }
0x235: {  	[tilespmem:s12+$0xFFFFF6FA] =	vst v1;
	v4 =	vadd.f32 v57, v4  }
0x236: {  	[tilespmem:s12+$0xFFFFF87B] =	vst v1;
	v60 =	vld [tilespmem:s12+$0x604]  }
0x237: {  	[tilespmem:s12+$0xFFFFF9FC] =	vst v1;
	v4 =	vadd.f32 v58, v4  }
0x238: {  	[tilespmem:s12+$0xFFFFFB7D] =	vst v1;
	v61 =	vld [tilespmem:s12+$0x785]  }
0x239: {  	[tilespmem:s12+$0xFFFFFCFE] =	vst v1;
	v4 =	vadd.f32 v59, v4  }
0x23a: {  	[tilespmem:s12+$0xFFFFFE7F] =	vst v1;
	v62 =	vld [tilespmem:s12+$0x906]  }
0x23b: {  	[tilespmem:s12+$0x0] =	vst v1;
	v4 =	vadd.f32 v60, v4  }
0x23c: {  	v63 =	vld [tilespmem:s12+$0xA87];
	[tilespmem:s12+$0x181] =	vst v1  }
0x23d: {  	[tilespmem:s12+$0x302] =	vst v1;
	v4 =	vadd.f32 v61, v4  }
0x23e: {  	[tilespmem:s12+$0x483] =	vst v1  }
0x23f: {  	[tilespmem:s12+$0x604] =	vst v1;
	v4 =	vadd.f32 v62, v4  }
0x240: {  	[tilespmem:s12+$0x785] =	vst v1  }
0x241: {  	[tilespmem:s12+$0x906] =	vst v1;
	s9 =	sadd.s32 @p1 $0x10, s9;
	s24 =	simm.s32 $0x1EA80;
	v4 =	vadd.f32 v63, v4  }
0x242: {  	[tilespmem:s12+$0xA87] =	vst v1;
	s4 =	sadd.s32 @p1 $0x10, s4;
	s24 =	smov.u32 @p1 s9  }
0x243: {  	s20 =	smov.u32 @p1 s4;
	[tilespmem:s24+$0x0] =	vst v4  }
0x244: {  	v4 =	vld [tilespmem:s20+$0x0];
	_ =	sdelay $0x4  }
0x245: {  	v3 =	vadd.s32 v3, v4  }
0x246: {  	s4 =	sadd.s32 @p1 $0x10, s23;
	vm0 =	vlt.s32 v3, $0xFFFF  }
0x247: {  	s18 =	smov.u32 @p1 s4;
	v3 =	vnsel vm0, $0xFFFF, v3  }
0x248: {  	p1 =	seq.s32 s14, $0x1;
	[tilespmem:s18+$0x0] =	vst v3  }
0x249: {  	[spmem:s6] =	stream.indirect.scatter.add.f32 [tilespmem:s15], [sflag:$0x4], $0x1, s29, s28, $0xb8;
	[tilespmem:$0x1FF00] =	vst v63  }
.Ltmp26:
0x24a: {  	_ = 	snop;
	(pc) =	sbr.rel @p1 .LBB2_40-.Ltmp26, $4  }
0x24b: {  	_ =	swait.ge [sflag:s30], $0x180  }
0x24c: {  	[sflag:s30] =	ssyncset.done $0x0  }
0x24d: {  	[sflag:s30] =	ssyncadd.s32 $0xFFFFFE80  }
0x24e: {  	[tilespmem:s15+$0x0] =	vst v1  }
.LBB2_35:
0x24f: {  	p1 =	seq.s32 s16, $0x1  }
.Ltmp27:
0x250: {  	_ = 	snop;
	(pc) =	sbr.rel @!p1 .LBB2_35-.Ltmp27, $3  }
0x251: {  	_ =	sdelay $0x1  }
0x252: {  	s16 =	sadd.s32 $0xFFFFFFFF, s16;
	s15 =	sadd.s32 $0x10, s15  }
0x253: {  	[tilespmem:s15+$0x0] =	vst v1  }
.Ltmp28:
0x254: {  	_ = 	snop;
	(pc) =	sbr.rel .LBB2_40-.Ltmp28, $1  }
0x255: {  	_ =	sdelay $0x3  }
.LBB2_36:
0x256: {  	s9 =	simm.s32 $0x0  }
0x257: {  	v4 =	vld [tilespmem:s9+$0x16900];
	_ =	sdelay $0x5  }
0x258: {  	s4 =	simm.s32 $0x10  }
0x259: {  	v3 =	vld [tilespmem:s4+$0x16900]  }
0x25a: {  	s12 =	simm.s32 $0x80;
	v4 =	vld.idx.msk [tilespmem:v4+s7+$0x0], $0xffff  }
.LBB2_37:
0x25b: {  	p1 =	sne.s32 s12, $0x8BC0;
	v5 =	vld [tilespmem:s9+$0x12300];
	_ =	sdelay $0x2  }
0x25c: {  	v6 =	vmov v3  }
.Ltmp29:
0x25d: {  	(pc) =	sbr.rel @p1 .LBB2_37-.Ltmp29, $4  }
0x25e: {  	v4 =	vmul.f32 v4, v5  }
0x25f: {  	s14 =	sshra.s32 s12, $0x2  }
0x260: {  	v3 =	vld [tilespmem:s14+$0x16900];
	[tilespmem:s9+$0x12300] =	vst v4;
	s9 =	smov.u32 s4;
	s4 =	smov.u32 s14  }
0x261: {  	s12 =	sadd.s32 $0x40, s12;
	v4 =	vld.idx.msk [tilespmem:v6+s7+$0x0], $0xffff  }
0x262: {  	v5 =	vld [tilespmem:s9+$0x12300];
	_ =	sdelay $0x4  }
0x263: {  	v4 =	vmul.f32 v4, v5;
	_ =	sdelay $0x1  }
0x264: {  	[tilespmem:s9+$0x12300] =	vst v4  }
0x265: {  	v3 =	vld.idx.msk [tilespmem:v3+s7+$0x0], $0xffff  }
0x266: {  	v4 =	vld [tilespmem:s4+$0x12300];
	_ =	sdelay $0x4  }
0x267: {  	v3 =	vmul.f32 v3, v4;
	_ =	sdelay $0x1  }
.Ltmp30:
0x268: {  	s24 =	simm.s32 $0x1AF00;
	s31 =	simm.s32 $0x12300;
	[tilespmem:s4+$0x12300] =	vst v3;
	(pc) =	sbr.rel .LBB2_40-.Ltmp30, $4  }
0x269: {  	[spmem:s6] =	stream.indirect.scatter.add.f32 [tilespmem:s31], [sflag:$0x3], $0x1, s24, s1, $0xb8;
	[tilespmem:$0x1FF00] =	vst v63  }
0x26a: {  	_ =	swait.ge [sflag:s22], $0x2300  }
0x26b: {  	[sflag:s22] =	ssyncset.done $0x0  }
0x26c: {  	[sflag:s22] =	ssyncadd.s32 $0xFFFFDD00  }
.LBB2_14:
.Ltmp31:
0x26d: {  	(pc) =	sbr.rel .LBB2_18-.Ltmp31, $2  }
0x26e: {  	_ =	sdelay $0x2  }
0x26f: {  	s9 =	simm.s32 $0x1EA80;
	s4 =	simm.s32 $0x1EC00;
	s31 =	simm.s32 $0x1ED80  }
.LBB2_30:
.Ltmp32:
0x270: {  	(pc) =	sbr.rel .LBB2_34-.Ltmp32, $2  }
0x271: {  	_ =	sdelay $0x2  }
0x272: {  	s9 =	simm.s32 $0x1EA80;
	s4 =	simm.s32 $0x1EC00;
	s23 =	simm.s32 $0x1ED80  }
.LBB2_16:
.Ltmp33:
0x273: {  	(pc) =	sbr.rel .LBB2_18-.Ltmp33, $2  }
0x274: {  	_ =	sdelay $0x2  }
0x275: {  	s9 =	simm.s32 $0x1EA80;
	s4 =	simm.s32 $0x1EC00;
	s31 =	simm.s32 $0x1ED80  }
.LBB2_32:
.Ltmp34:
0x276: {  	(pc) =	sbr.rel .LBB2_34-.Ltmp34, $2  }
0x277: {  	_ =	sdelay $0x2  }
0x278: {  	s9 =	simm.s32 $0x1EA80;
	s4 =	simm.s32 $0x1EC00;
	s23 =	simm.s32 $0x1ED80  }
.LBB2_41:
.Ltmp35:
0x279: {  	(pc) =	sbr.rel @p0 .LBB2_57-.Ltmp35, $1  }
0x27a: {  	_ =	sdelay $0x3  }
0x27b: {  	s4 =	simm.s32 $0x0;
	s8 =	rddreg [dreg:$0x4]  }
0x27c: {  	[tilespmem:s21], [sflag:$0x3] =	stream.linear.gather [hbm4b:s8+s4], $0x2300, $0x38;
	[tilespmem:$0x1FF00] =	vst v63  }
0x27d: {  	_ =	swait.ge [sflag:s22], $0x2300  }
0x27e: {  	[sflag:s22] =	ssyncset.done $0x0  }
0x27f: {  	s9 =	simm.s32 $0x14600;
	s16 =	rddreg [dreg:$0x9];
	[sflag:s22] =	ssyncadd.s32 $0xFFFFDD00  }
0x280: {  	[tilespmem:s9], [sflag:$0x3] =	stream.linear.gather [hbm4b:s16+s4], $0x2300, $0x38;
	[tilespmem:$0x1FF00] =	vst v63  }
0x281: {  	_ =	swait.ge [sflag:s22], $0x2300  }
0x282: {  	[sflag:s22] =	ssyncset.done $0x0  }
0x283: {  	s20 =	simm.s32 $0x18C00;
	s18 =	rddreg [dreg:$0x8];
	[sflag:s22] =	ssyncadd.s32 $0xFFFFDD00  }
0x284: {  	[tilespmem:s20], [sflag:$0x3] =	stream.linear.gather [hbm4b:s18+s4], $0x2300, $0x38;
	[tilespmem:$0x1FF00] =	vst v63  }
0x285: {  	_ =	swait.ge [sflag:s22], $0x2300  }
0x286: {  	[sflag:s22] =	ssyncset.done $0x0  }
0x287: {  	[sflag:s22] =	ssyncadd.s32 $0xFFFFDD00  }
0x288: {  	v3 =	vld [tilespmem:$0x18C00]  }
0x289: {  	v4 =	vld [tilespmem:$0x1AEF0];
	_ =	sdelay $0x3  }
0x28a: {  	v3 =	vxor.u32 $0x80000000, v3  }
0x28b: {  	(xrf0) =	vmin.scan.msk.u32 $0xffff, v3;
	v3 =	vxor.u32 $0x80000000, v4  }
0x28c: {  	(xrf0) =	vmax.scan.msk.u32 $0xffff, v3;
	_ =	sdelay $0x4  }
0x28d: {  	v3, _, _ =	vpop (xrf0)  }
0x28e: {  	(v2sf) =	vpush v3, $0xF;
	v3, _, _ =	vpop (xrf0)  }
0x28f: {  	(v2sf) =	vpush v3, $0xF;
	_ =	sdelay $0xd  }
0x290: {  	s23 =	spop (v2sf)  }
0x291: {  	s24 =	spop (v2sf)  }
0x292: {  	s8 =	sxor.u32 $0x80000000, s23;
	s31 =	sxor.u32 $0x80000000, s24  }
0x293: {  	s4 =	ssub.s32 s31, s8  }
0x294: {  	p1 =	sgt.s32 s4, $0x17F  }
.Ltmp36:
0x295: {  	_ = 	snop;
	(pc) =	sbr.rel @p1 .LBB2_53-.Ltmp36, $1  }
0x296: {  	_ =	sdelay $0x3  }
0x297: {  	s9 =	simm.s32 $0x14620  }
0x298: {  	v4 =	vld [tilespmem:s9+$0x10]  }
0x299: {  	v5 =	vld [tilespmem:s9+$0xFFFFFFF0]  }
0x29a: {  	v6 =	vld [tilespmem:s9+$0xFFFFFFE0]  }
0x29b: {  	s12 =	simm.s32 $0x18C20;
	v7 =	vld [tilespmem:s9+$0x0]  }
0x29c: {  	v8 =	vld [tilespmem:s12+$0x10]  }
0x29d: {  	s24 =	simm.s32 $0x10020;
	v9 =	vld [tilespmem:s12+$0xFFFFFFE0]  }
0x29e: {  	v12 =	vld [tilespmem:s24+$0xFFFFFFE0]  }
0x29f: {  	v13 =	vld [tilespmem:s24+$0xFFFFFFF0]  }
0x2a0: {  	v3 =	vmov s8;
	v14 =	vld [tilespmem:s24+$0x0]  }
0x2a1: {  	v10 =	vsub.s32 $0x0, v3;
	v11 =	vld.idx.msk [tilespmem:v4+s7+$0x0], $0xffff  }
0x2a2: {  	s31 =	simm.s32 $0x14660;
	v4 =	vbroadcast v10, $0x0;
	v10 =	vld [tilespmem:s24+$0x10]  }
0x2a3: {  	s8 =	simm.s32 $0x18C60;
	v15 =	vld [tilespmem:s31+$0xFFFFFFE0]  }
0x2a4: {  	v16 =	vld [tilespmem:s8+$0x10]  }
0x2a5: {  	v17 =	vld [tilespmem:s31+$0x0];
	v4 =	vadd.s32 v2, v4  }
0x2a6: {  	v62 =	vld [tilespmem:s8+$0xFFFFFFE0];
	v8 =	vadd.s32 v8, v4  }
0x2a7: {  	s9 =	simm.s32 $0x10060;
	v10 =	vmul.f32 v11, v10;
	v11 =	vld [tilespmem:s31+$0x10]  }
0x2a8: {  	v20 =	vld [tilespmem:s9+$0xFFFFFFF0]  }
0x2a9: {  	v6 =	vld.idx.msk [tilespmem:v6+s7+$0x0], $0xffff  }
0x2aa: {  	v5 =	vld.idx.msk [tilespmem:v5+s7+$0x0], $0xffff  }
0x2ab: {  	[tilespmem:v8+s26+$0x0] =	vst.idx.add.f32.msk $0xffff, v10  }
0x2ac: {  	v9 =	vadd.s32 v9, v4;
	v10 =	vld [tilespmem:s31+$0xFFFFFFF0]  }
0x2ad: {  	v7 =	vld.idx.msk [tilespmem:v7+s7+$0x0], $0xffff  }
0x2ae: {  	v6 =	vmul.f32 v6, v12;
	v12 =	vld [tilespmem:s9+$0x10]  }
0x2af: {  	v11 =	vld.idx.msk [tilespmem:v11+s7+$0x0], $0xffff  }
0x2b0: {  	v15 =	vld.idx.msk [tilespmem:v15+s7+$0x0], $0xffff  }
0x2b1: {  	[tilespmem:v9+s26+$0x0] =	vst.idx.add.f32.msk $0xffff, v6;
	v9 =	vadd.s32 v16, v4  }
0x2b2: {  	v8 =	vld [tilespmem:s12+$0xFFFFFFF0]  }
0x2b3: {  	v6 =	vld [tilespmem:s12+$0x0]  }
0x2b4: {  	v18 =	vld.idx.msk [tilespmem:v10+s7+$0x0], $0xffff;
	v10 =	vmul.f32 v11, v12  }
0x2b5: {  	v11 =	vld [tilespmem:s9+$0xFFFFFFE0]  }
0x2b6: {  	[tilespmem:v9+s26+$0x0] =	vst.idx.add.f32.msk $0xffff, v10  }
0x2b7: {  	v19 =	vadd.s32 v8, v4;
	v9 =	vld.idx.msk [tilespmem:v17+s7+$0x0], $0xffff  }
0x2b8: {  	v10 =	vld [tilespmem:s9+$0x0];
	_ =	sdelay $0x1  }
0x2b9: {  	v63 =	vmul.f32 v5, v13;
	v12 =	vld [tilespmem:s8+$0xFFFFFFF0]  }
0x2ba: {  	v5 =	vmul.f32 v7, v14;
	v13 =	vld [tilespmem:s8+$0x0];
	v6 =	vadd.s32 v6, v4;
	v8 =	vadd.s32 v62, v4  }
0x2bb: {  	s14 =	simm.s32 $0x146A0;
	s12 =	simm.s32 $0x4;
	[tilespmem:v19+s26+$0x0] =	vst.idx.add.f32.msk $0xffff, v63;
	v7 =	vmul.f32 v18, v20;
	v11 =	vmul.f32 v15, v11  }
.LBB2_44:
0x2bc: {  	v14 =	vld [tilespmem:s14+$0x10];
	s12 =	sadd.s32 $0x4, s12;
	v9 =	vmul.f32 v9, v10  }
0x2bd: {  	v10 =	vld [tilespmem:s14+$0xFFFFFFF0];
	p1 =	slt.u32 s12, $0x22C  }
0x2be: {  	v15 =	vld [tilespmem:s14+$0x0];
	v16 =	vadd.s32 v12, v4  }
0x2bf: {  	v12 =	vld [tilespmem:s14+$0xFFFFFFE0];
	v13 =	vadd.s32 v13, v4  }
0x2c0: {  	[tilespmem:v8+s26+$0x0] =	vst.idx.add.f32.msk $0xffff, v11  }
0x2c1: {  	s8 =	sadd.s32 $0x40, s8;
	[tilespmem:v6+s26+$0x0] =	vst.idx.add.f32.msk $0xffff, v5;
	v5 =	vmov v9;
	v6 =	vmov v13  }
0x2c2: {  	v8 =	vld [tilespmem:s8+$0x10]  }
0x2c3: {  	v9 =	vld [tilespmem:s8+$0xFFFFFFE0]  }
0x2c4: {  	s9 =	sadd.s32 $0x40, s9;
	v11 =	vld.idx.msk [tilespmem:v14+s7+$0x0], $0xffff  }
0x2c5: {  	v13 =	vld [tilespmem:s9+$0x10]  }
0x2c6: {  	v14 =	vld.idx.msk [tilespmem:v10+s7+$0x0], $0xffff  }
0x2c7: {  	v17 =	vld.idx.msk [tilespmem:v12+s7+$0x0], $0xffff;
	v12 =	vadd.s32 v8, v4  }
0x2c8: {  	v8 =	vadd.s32 v9, v4;
	v9 =	vld.idx.msk [tilespmem:v15+s7+$0x0], $0xffff  }
0x2c9: {  	v15 =	vld [tilespmem:s9+$0xFFFFFFE0]  }
0x2ca: {  	v18 =	vld [tilespmem:s9+$0xFFFFFFF0];
	v11 =	vmul.f32 v11, v13  }
.Ltmp37:
0x2cb: {  	v10 =	vld [tilespmem:s9+$0x0];
	(pc) =	sbr.rel @p1 .LBB2_44-.Ltmp37, $4  }
0x2cc: {  	[tilespmem:v12+s26+$0x0] =	vst.idx.add.f32.msk $0xffff, v11  }
0x2cd: {  	v12 =	vld [tilespmem:s8+$0xFFFFFFF0]  }
0x2ce: {  	v11 =	vmul.f32 v17, v15;
	v13 =	vld [tilespmem:s8+$0x0]  }
0x2cf: {  	s14 =	sadd.s32 $0x40, s14;
	[tilespmem:v16+s26+$0x0] =	vst.idx.add.f32.msk $0xffff, v7;
	v7 =	vmul.f32 v14, v18  }
0x2d0: {  	s8 =	sadd.s32 $0x10, s4;
	s9 =	sand.u32 $0xF, s4  }
0x2d1: {  	p1 =	slt.s32 s4, $0xFFFFFFF1;
	s31 =	sshra.s32 s8, $0x1F;
	p2 =	sne.s32 s9, $0x0  }
0x2d2: {  	s4 =	sshrl.u32 s31, $0x1C;
	p1 =	por !p1, !p2  }
0x2d3: {  	s4 =	sadd.s32 s4, s8;
	p1 =	por !p1, !p1;
	s8 =	simm.s32 $0x1  }
0x2d4: {  	s4 =	sshra.s32 s4, $0x4;
	s8 =	simm.s32 @!p1 $0x0  }
0x2d5: {  	v12 =	vadd.s32 v12, v4;
	s8 =	ssub.s32 s4, s8  }
0x2d6: {  	v4 =	vadd.s32 v13, v4;
	p1 =	slt.s32 s8, $0x1  }
.Ltmp38:
0x2d7: {  	_ = 	snop;
	(pc) =	sbr.rel @p1 .LBB2_56-.Ltmp38, $4  }
0x2d8: {  	[tilespmem:v8+s26+$0x0] =	vst.idx.add.f32.msk $0xffff, v11  }
0x2d9: {  	v63 =	vmul.f32 v9, v10;
	[tilespmem:v6+s26+$0x0] =	vst.idx.add.f32.msk $0xffff, v5  }
0x2da: {  	[tilespmem:v12+s26+$0x0] =	vst.idx.add.f32.msk $0xffff, v7  }
0x2db: {  	[tilespmem:v4+s26+$0x0] =	vst.idx.add.f32.msk $0xffff, v63  }
0x2dc: {  	p2 =	sne.s32 s8, $0x1  }
.Ltmp39:
0x2dd: {  	_ = 	snop;
	(pc) =	sbr.rel @!p2 .LBB2_47-.Ltmp39, $3  }
0x2de: {  	_ =	sdelay $0x1  }
0x2df: {  	s12 =	simm.s32 $0x1DE08;
	s16 =	simm.s32 $0x1ED80;
	s18 =	simm.s32 $0x1EC00  }
0x2e0: {  	v3 =	vbroadcast v3, $0x0;
	s14 =	simm.s32 $0x1EA80;
	s15 =	sadd.s32 $0xFFFFFFFF, s8;
	p1 =	por $0x0, $0x0;
	v4 =	vld [tilespmem:s12+$0xFFFFF3F8];
	[tilespmem:s12+$0xFFFFF3F8] =	vst v1  }
0x2e1: {  	_ = 	snop  }
0x2e2: {  	v5 =	vld [tilespmem:s12+$0xFFFFF579];
	_ =	sdelay $0x1  }
0x2e3: {  	v6 =	vld [tilespmem:s12+$0xFFFFF6FA]  }
0x2e4: {  	v4 =	vadd.f32 $0.0e+00, v4  }
0x2e5: {  	v7 =	vld [tilespmem:s12+$0xFFFFF87B]  }
0x2e6: {  	v4 =	vadd.f32 v5, v4  }
0x2e7: {  	v5 =	vld [tilespmem:s12+$0xFFFFF9FC]  }
0x2e8: {  	v4 =	vadd.f32 v6, v4  }
0x2e9: {  	v6 =	vld [tilespmem:s12+$0xFFFFFB7D]  }
0x2ea: {  	v4 =	vadd.f32 v7, v4  }
0x2eb: {  	v7 =	vld [tilespmem:s12+$0xFFFFFCFE]  }
0x2ec: {  	v4 =	vadd.f32 v5, v4  }
0x2ed: {  	v5 =	vld [tilespmem:s12+$0xFFFFFE7F]  }
0x2ee: {  	v4 =	vadd.f32 v6, v4  }
0x2ef: {  	v6 =	vld [tilespmem:s12+$0x0]  }
0x2f0: {  	v4 =	vadd.f32 v7, v4  }
0x2f1: {  	v7 =	vld [tilespmem:s12+$0x181]  }
0x2f2: {  	v4 =	vadd.f32 v5, v4  }
0x2f3: {  	v5 =	vld [tilespmem:s12+$0x302]  }
0x2f4: {  	v4 =	vadd.f32 v6, v4  }
0x2f5: {  	[tilespmem:s12+$0xFFFFF579] =	vst v1;
	v6 =	vld [tilespmem:s12+$0x483]  }
0x2f6: {  	[tilespmem:s12+$0xFFFFF6FA] =	vst v1;
	v4 =	vadd.f32 v7, v4  }
0x2f7: {  	[tilespmem:s12+$0xFFFFF87B] =	vst v1;
	v7 =	vld [tilespmem:s12+$0x604]  }
0x2f8: {  	[tilespmem:s12+$0xFFFFF9FC] =	vst v1;
	v4 =	vadd.f32 v5, v4  }
0x2f9: {  	[tilespmem:s12+$0xFFFFFB7D] =	vst v1;
	v5 =	vld [tilespmem:s12+$0x785]  }
0x2fa: {  	[tilespmem:s12+$0xFFFFFCFE] =	vst v1;
	v4 =	vadd.f32 v6, v4  }
0x2fb: {  	[tilespmem:s12+$0xFFFFFE7F] =	vst v1;
	v6 =	vld [tilespmem:s12+$0x906]  }
0x2fc: {  	[tilespmem:s12+$0x0] =	vst v1;
	v4 =	vadd.f32 v7, v4  }
0x2fd: {  	[tilespmem:s12+$0x181] =	vst v1;
	v7 =	vld [tilespmem:s12+$0xA87]  }
0x2fe: {  	[tilespmem:s12+$0x302] =	vst v1;
	v4 =	vadd.f32 v5, v4  }
0x2ff: {  	[tilespmem:s12+$0x483] =	vst v1  }
0x300: {  	[tilespmem:s12+$0x604] =	vst v1;
	v4 =	vadd.f32 v6, v4  }
0x301: {  	[tilespmem:s12+$0x785] =	vst v1  }
0x302: {  	[tilespmem:s12+$0x906] =	vst v1;
	v4 =	vadd.f32 v7, v4  }
0x303: {  	[tilespmem:s12+$0xA87] =	vst v1  }
0x304: {  	[tilespmem:s14+$0x0] =	vst v4  }
0x305: {  	v4 =	vld [tilespmem:s18+$0x0];
	_ =	sdelay $0x3  }
0x306: {  	p2 =	sne.s32 s15, $0x1  }
.Ltmp40:
0x307: {  	v4 =	vadd.s32 v3, v4;
	(pc) =	sbr.rel @!p2 .LBB2_49-.Ltmp40, $4  }
0x308: {  	vm0 =	vlt.s32 v4, $0xFFFF  }
0x309: {  	v4 =	vnsel vm0, $0xFFFF, v4  }
0x30a: {  	s23 =	sadd.s32 $0xFFFFFFFF, s15;
	p1 =	por $0x1, $0x1;
	s12 =	simm.s32 $0x1DE18;
	[tilespmem:s16+$0x0] =	vst v4  }
0x30b: {  	s9 =	simm.s32 $0x1EA80;
	s4 =	simm.s32 $0x1EC00;
	s20 =	simm.s32 $0x1ED80;
	v4 =	vld [tilespmem:s12+$0xFFFFF3F8];
	[tilespmem:s12+$0xFFFFF3F8] =	vst v1  }
.LBB2_50:
0x30c: {  	p2 =	sne.s32 s23, $0x1;
	v5 =	vld [tilespmem:s12+$0xA87]  }
0x30d: {  	v6 =	vld [tilespmem:s12+$0xFFFFF579];
	[tilespmem:s12+$0xFFFFF579] =	vst v1;
	_ =	sdelay $0x1  }
0x30e: {  	v7 =	vld [tilespmem:s12+$0xFFFFF6FA];
	[tilespmem:s12+$0xFFFFF6FA] =	vst v1  }
0x30f: {  	v4 =	vadd.f32 $0.0e+00, v4  }
0x310: {  	v8 =	vld [tilespmem:s12+$0xFFFFF87B];
	[tilespmem:s12+$0xFFFFF87B] =	vst v1  }
0x311: {  	v4 =	vadd.f32 v6, v4  }
0x312: {  	v6 =	vld [tilespmem:s12+$0xFFFFF9FC];
	[tilespmem:s12+$0xFFFFF9FC] =	vst v1  }
0x313: {  	v4 =	vadd.f32 v7, v4  }
0x314: {  	v7 =	vld [tilespmem:s12+$0xFFFFFB7D];
	[tilespmem:s12+$0xFFFFFB7D] =	vst v1  }
0x315: {  	v4 =	vadd.f32 v8, v4  }
0x316: {  	v8 =	vld [tilespmem:s12+$0xFFFFFCFE];
	[tilespmem:s12+$0xFFFFFCFE] =	vst v1  }
0x317: {  	v4 =	vadd.f32 v6, v4  }
0x318: {  	v6 =	vld [tilespmem:s12+$0xFFFFFE7F];
	[tilespmem:s12+$0xFFFFFE7F] =	vst v1  }
0x319: {  	v4 =	vadd.f32 v7, v4  }
0x31a: {  	v7 =	vld [tilespmem:s12+$0x0];
	[tilespmem:s12+$0x0] =	vst v1  }
0x31b: {  	v4 =	vadd.f32 v8, v4  }
0x31c: {  	v8 =	vld [tilespmem:s12+$0x181];
	[tilespmem:s12+$0x181] =	vst v1  }
0x31d: {  	v4 =	vadd.f32 v6, v4  }
0x31e: {  	v6 =	vld [tilespmem:s12+$0x302];
	[tilespmem:s12+$0x302] =	vst v1  }
0x31f: {  	v4 =	vadd.f32 v7, v4  }
0x320: {  	v7 =	vld [tilespmem:s12+$0x483];
	[tilespmem:s12+$0x483] =	vst v1  }
0x321: {  	v4 =	vadd.f32 v8, v4  }
0x322: {  	v8 =	vld [tilespmem:s12+$0x604];
	[tilespmem:s12+$0x604] =	vst v1  }
0x323: {  	v4 =	vadd.f32 v6, v4  }
0x324: {  	v6 =	vld [tilespmem:s12+$0x785];
	[tilespmem:s12+$0x785] =	vst v1  }
0x325: {  	v4 =	vadd.f32 v7, v4  }
0x326: {  	v7 =	vld [tilespmem:s12+$0x906];
	[tilespmem:s12+$0x906] =	vst v1  }
0x327: {  	v4 =	vadd.f32 v8, v4;
	_ =	sdelay $0x1  }
0x328: {  	v4 =	vadd.f32 v6, v4;
	_ =	sdelay $0x1  }
0x329: {  	v4 =	vadd.f32 v7, v4;
	_ =	sdelay $0x1  }
0x32a: {  	v4 =	vadd.f32 v5, v4  }
0x32b: {  	s9 =	sadd.s32 $0x10, s9;
	[tilespmem:s12+$0xA87] =	vst v1  }
0x32c: {  	s4 =	sadd.s32 $0x10, s4;
	[tilespmem:s9+$0x0] =	vst v4  }
0x32d: {  	v4 =	vld [tilespmem:s4+$0x0];
	_ =	sdelay $0x4  }
.Ltmp41:
0x32e: {  	v4 =	vadd.s32 v3, v4;
	(pc) =	sbr.rel @p2 .LBB2_50-.Ltmp41, $4  }
0x32f: {  	vm0 =	vlt.s32 v4, $0xFFFF  }
0x330: {  	s20 =	sadd.s32 $0x10, s20;
	v4 =	vnsel vm0, $0xFFFF, v4  }
0x331: {  	s12 =	sadd.s32 $0x10, s12;
	[tilespmem:s20+$0x0] =	vst v4  }
0x332: {  	s23 =	sadd.s32 $0xFFFFFFFF, s23;
	v4 =	vld [tilespmem:s12+$0xFFFFF3F8];
	[tilespmem:s12+$0xFFFFF3F8] =	vst v1  }
.LBB2_51:
0x333: {  	_ = 	snop  }
0x334: {  	v5 =	vld [tilespmem:s12+$0xFFFFF579];
	_ =	sdelay $0x1  }
0x335: {  	v6 =	vld [tilespmem:s12+$0xFFFFF6FA]  }
0x336: {  	v4 =	vadd.f32 $0.0e+00, v4  }
0x337: {  	v7 =	vld [tilespmem:s12+$0xFFFFF87B]  }
0x338: {  	v4 =	vadd.f32 v5, v4  }
0x339: {  	v52 =	vld [tilespmem:s12+$0xFFFFF9FC]  }
0x33a: {  	v4 =	vadd.f32 v6, v4  }
0x33b: {  	v53 =	vld [tilespmem:s12+$0xFFFFFB7D]  }
0x33c: {  	v4 =	vadd.f32 v7, v4  }
0x33d: {  	v54 =	vld [tilespmem:s12+$0xFFFFFCFE]  }
0x33e: {  	v4 =	vadd.f32 v52, v4  }
0x33f: {  	v55 =	vld [tilespmem:s12+$0xFFFFFE7F]  }
0x340: {  	v4 =	vadd.f32 v53, v4  }
0x341: {  	v56 =	vld [tilespmem:s12+$0x0]  }
0x342: {  	v4 =	vadd.f32 v54, v4  }
0x343: {  	v57 =	vld [tilespmem:s12+$0x181]  }
0x344: {  	v4 =	vadd.f32 v55, v4  }
0x345: {  	v58 =	vld [tilespmem:s12+$0x302]  }
0x346: {  	v4 =	vadd.f32 v56, v4  }
0x347: {  	[tilespmem:s12+$0xFFFFF579] =	vst v1;
	v59 =	vld [tilespmem:s12+$0x483]  }
0x348: {  	[tilespmem:s12+$0xFFFFF6FA] =	vst v1;
	v4 =	vadd.f32 v57, v4  }
0x349: {  	[tilespmem:s12+$0xFFFFF87B] =	vst v1;
	v60 =	vld [tilespmem:s12+$0x604]  }
0x34a: {  	[tilespmem:s12+$0xFFFFF9FC] =	vst v1;
	v4 =	vadd.f32 v58, v4  }
0x34b: {  	[tilespmem:s12+$0xFFFFFB7D] =	vst v1;
	v61 =	vld [tilespmem:s12+$0x785]  }
0x34c: {  	[tilespmem:s12+$0xFFFFFCFE] =	vst v1;
	v4 =	vadd.f32 v59, v4  }
0x34d: {  	[tilespmem:s12+$0xFFFFFE7F] =	vst v1;
	v62 =	vld [tilespmem:s12+$0x906]  }
0x34e: {  	[tilespmem:s12+$0x0] =	vst v1;
	v4 =	vadd.f32 v60, v4  }
0x34f: {  	v63 =	vld [tilespmem:s12+$0xA87];
	[tilespmem:s12+$0x181] =	vst v1  }
0x350: {  	[tilespmem:s12+$0x302] =	vst v1;
	v4 =	vadd.f32 v61, v4  }
0x351: {  	[tilespmem:s12+$0x483] =	vst v1  }
0x352: {  	[tilespmem:s12+$0x604] =	vst v1;
	v4 =	vadd.f32 v62, v4  }
0x353: {  	[tilespmem:s12+$0x785] =	vst v1  }
0x354: {  	[tilespmem:s12+$0x906] =	vst v1;
	s9 =	sadd.s32 @p1 $0x10, s9;
	s23 =	simm.s32 $0x1EA80;
	v4 =	vadd.f32 v63, v4  }
0x355: {  	[tilespmem:s12+$0xA87] =	vst v1;
	s4 =	sadd.s32 @p1 $0x10, s4;
	s23 =	smov.u32 @p1 s9  }
0x356: {  	s18 =	smov.u32 @p1 s4;
	[tilespmem:s23+$0x0] =	vst v4  }
0x357: {  	v4 =	vld [tilespmem:s18+$0x0];
	_ =	sdelay $0x4  }
0x358: {  	v3 =	vadd.s32 v3, v4  }
0x359: {  	s4 =	sadd.s32 @p1 $0x10, s20;
	vm0 =	vlt.s32 v3, $0xFFFF  }
0x35a: {  	s16 =	smov.u32 @p1 s4;
	v3 =	vnsel vm0, $0xFFFF, v3  }
0x35b: {  	p1 =	seq.s32 s8, $0x1;
	[tilespmem:s16+$0x0] =	vst v3  }
0x35c: {  	[spmem:s6] =	stream.indirect.scatter.add.f32 [tilespmem:s14], [sflag:$0x3], $0x1, s29, s28, $0xb8;
	[tilespmem:$0x1FF00] =	vst v63  }
.Ltmp42:
0x35d: {  	_ = 	snop;
	(pc) =	sbr.rel @p1 .LBB2_57-.Ltmp42, $4  }
0x35e: {  	_ =	swait.ge [sflag:s22], $0x180  }
0x35f: {  	[sflag:s22] =	ssyncset.done $0x0  }
0x360: {  	[sflag:s22] =	ssyncadd.s32 $0xFFFFFE80  }
0x361: {  	[tilespmem:s14+$0x0] =	vst v1  }
.LBB2_52:
0x362: {  	p1 =	seq.s32 s15, $0x1  }
.Ltmp43:
0x363: {  	_ = 	snop;
	(pc) =	sbr.rel @!p1 .LBB2_52-.Ltmp43, $3  }
0x364: {  	_ =	sdelay $0x1  }
0x365: {  	s15 =	sadd.s32 $0xFFFFFFFF, s15;
	s14 =	sadd.s32 $0x10, s14  }
0x366: {  	[tilespmem:s14+$0x0] =	vst v1  }
.Ltmp44:
0x367: {  	_ = 	snop;
	(pc) =	sbr.rel .LBB2_57-.Ltmp44, $1  }
0x368: {  	_ =	sdelay $0x3  }
.LBB2_53:
0x369: {  	s8 =	simm.s32 $0x0  }
0x36a: {  	v4 =	vld [tilespmem:s8+$0x14600];
	_ =	sdelay $0x5  }
0x36b: {  	s4 =	simm.s32 $0x10  }
0x36c: {  	v3 =	vld [tilespmem:s4+$0x14600]  }
0x36d: {  	s9 =	simm.s32 $0x80;
	v4 =	vld.idx.msk [tilespmem:v4+s7+$0x0], $0xffff  }
.LBB2_54:
0x36e: {  	p1 =	sne.s32 s9, $0x8BC0;
	v5 =	vld [tilespmem:s8+$0x10000];
	_ =	sdelay $0x2  }
0x36f: {  	v6 =	vmov v3  }
.Ltmp45:
0x370: {  	(pc) =	sbr.rel @p1 .LBB2_54-.Ltmp45, $4  }
0x371: {  	v4 =	vmul.f32 v4, v5  }
0x372: {  	s12 =	sshra.s32 s9, $0x2  }
0x373: {  	v3 =	vld [tilespmem:s12+$0x14600];
	[tilespmem:s8+$0x10000] =	vst v4;
	s8 =	smov.u32 s4;
	s4 =	smov.u32 s12  }
0x374: {  	s9 =	sadd.s32 $0x40, s9;
	v4 =	vld.idx.msk [tilespmem:v6+s7+$0x0], $0xffff  }
0x375: {  	v5 =	vld [tilespmem:s8+$0x10000];
	_ =	sdelay $0x4  }
0x376: {  	v4 =	vmul.f32 v4, v5;
	_ =	sdelay $0x1  }
0x377: {  	[tilespmem:s8+$0x10000] =	vst v4  }
0x378: {  	v3 =	vld.idx.msk [tilespmem:v3+s7+$0x0], $0xffff  }
0x379: {  	v4 =	vld [tilespmem:s4+$0x10000];
	_ =	sdelay $0x4  }
0x37a: {  	v3 =	vmul.f32 v3, v4;
	_ =	sdelay $0x1  }
.Ltmp46:
0x37b: {  	s31 =	simm.s32 $0x18C00;
	[tilespmem:s4+$0x10000] =	vst v3;
	(pc) =	sbr.rel .LBB2_57-.Ltmp46, $4  }
0x37c: {  	[spmem:s6] =	stream.indirect.scatter.add.f32 [tilespmem:s21], [sflag:$0x3], $0x1, s31, s1, $0xb8;
	[tilespmem:$0x1FF00] =	vst v63  }
0x37d: {  	_ =	swait.ge [sflag:s22], $0x2300  }
0x37e: {  	[sflag:s22] =	ssyncset.done $0x0  }
0x37f: {  	[sflag:s22] =	ssyncadd.s32 $0xFFFFDD00  }
.LBB2_47:
.Ltmp47:
0x380: {  	(pc) =	sbr.rel .LBB2_51-.Ltmp47, $2  }
0x381: {  	_ =	sdelay $0x2  }
0x382: {  	s9 =	simm.s32 $0x1EA80;
	s4 =	simm.s32 $0x1EC00;
	s20 =	simm.s32 $0x1ED80  }
.LBB2_49:
.Ltmp48:
0x383: {  	(pc) =	sbr.rel .LBB2_51-.Ltmp48, $2  }
0x384: {  	_ =	sdelay $0x2  }
0x385: {  	s9 =	simm.s32 $0x1EA80;
	s4 =	simm.s32 $0x1EC00;
	s20 =	simm.s32 $0x1ED80  }
.LBB2_58:
0x386: {  	_ =	sfence.sel $0x180000  }
0x387: {  	[bflag:$0x0] =	sbarrier.arrive $0xFFFF  }
0x388: {  	_ =	strace $0x90000047  }
0x389: {  	s0 =	stileid.u32;
	[bflag:$0x2] =	sbarrier.arrive $0xFFFF  }
0x38a: {  	p0 =	sne.s32 s0, $0x0;
	s0 =	rddreg [dreg:$0x7]  }
0x38b: {  	s0 =	sadd.s32 @!p0 $0x100000, s0  }
0x38c: {  	[sflag:s0] =	ssyncadd.tile.s32 @!p0 $0x1;
	_ =	shalt  }
.Lfunc_end2:
_tile_overlayer_lowered:
.L_overlay_start_2:
0x38d: {  	(tag) =	ssettag $0x2  }
0x38e: {  	s0 =	rddreg [dreg:$0x0];
	s2 =	stileid.u32  }
0x38f: {  	s1 =	rddreg [dreg:$0x1];
	p0 =	sne.s32 s2, $0x0  }
0x390: {  	s3 =	rddreg [dreg:$0x2];
	[bflag:$0x3] =	sbarrier.arrive $0xFFFF;
	s2 =	simm.s32 @!p0 $0x1C03  }
0x391: {  	[timem:s3], [sflag:s2] =	dma.local @!p0 [hbm:s0], s1  }
0x392: {  	s0 =	simm.s32 @!p0 $0x3  }
0x393: {  	_ =	swait.ge @!p0 [sflag:s0], s1  }
0x394: {  	s1 =	ssub.s32 @!p0 $0x0, s1;
	[sflag:s0] =	ssyncset.done @!p0 $0x0  }
0x395: {  	[sflag:s0] =	ssyncadd.s32 @!p0 s1  }
0x396: {  	[bflag:$0x3] =	sbarrier.arrive $0xFFFF  }
0x397: {  	_ =	shalt  }

</sc_bundles>
